<compile_context>
chip_gen: v7x
topology: tpu7x:2x2x1
jax: 0.10.2.dev20260603
libtpu: 0.0.44.dev20260713+nightly
codegen_flags: <defaults>
</compile_context>

<pallas_src>
import functools

import jax
import jax.numpy as jnp
from jax import lax
from jax.experimental import pallas as pl
from jax.experimental.pallas import tpu as pltpu
from jax.experimental.pallas import tpu_sc as plsc

N = 10000
D = 128
E = 320000

NPAD = 10240
CHUNK = 128
CH_TOTAL = 2560
EPAD = CH_TOTAL * CHUNK
ROWS_PER_TILE = NPAD // 16

STAGES = ((128, 1), (256, 1), (512, 1), (768, 1), (896, 1))

BLK = 2048
EBLK = 4096



A_SC, B_SC = 120, 40


@functools.lru_cache(maxsize=None)
def _scatter_kernel():
    mesh = plsc.VectorSubcoreMesh(core_axis_name="c", subcore_axis_name="s",
                                  num_cores=2)

    @functools.partial(
        pl.kernel,
        out_type=jax.ShapeDtypeStruct((2, NPAD, D), jnp.float32),
        mesh=mesh,
        scratch_types=[
            pltpu.VMEM((CHUNK,), jnp.int32),
            pltpu.VMEM((CHUNK,), jnp.int32),
            pltpu.VMEM((CHUNK,), jnp.int32),
            pltpu.VMEM((CHUNK,), jnp.int32),
            pltpu.VMEM((CHUNK, D), jnp.float32),
            pltpu.VMEM((CHUNK, D), jnp.float32),
            pltpu.VMEM_SHARED((NPAD, D), jnp.float32),
            pltpu.SemaphoreType.DMA,
            pltpu.SemaphoreType.DMA,
            pltpu.SemaphoreType.DMA,
            pltpu.SemaphoreType.DMA,
            pltpu.SemaphoreType.DMA,
            pltpu.SemaphoreType.DMA,
        ],
    )
    def k(m_hbm, srcw_hbm, dstw_hbm, zeros_hbm, parts_hbm,
          idx_s0, idx_s1, idx_d0, idx_d1, rows0, rows1, agg,
          ss0, ss1, sd0, sd1, sg0, sg1):
        c = lax.axis_index("c")
        s = lax.axis_index("s")
        nc = A_SC - c * (A_SC - B_SC)
        base = c * 16 * A_SC + s * nc
        nt = nc // 2
        pltpu.sync_copy(zeros_hbm,
                        agg.at[pl.ds(s * ROWS_PER_TILE, ROWS_PER_TILE)])
        plsc.subcore_barrier()

        def start_idx(j, idx_s, idx_d, sem_s, sem_d):
            off = (base + j) * CHUNK
            pltpu.async_copy(srcw_hbm.at[pl.ds(off, CHUNK)], idx_s, sem_s)
            pltpu.async_copy(dstw_hbm.at[pl.ds(off, CHUNK)], idx_d, sem_d)

        def wait_idx(idx, sem):
            pltpu.make_async_copy(srcw_hbm.at[pl.ds(0, CHUNK)], idx, sem).wait()

        def start(idx, rows, sem):
            pltpu.async_copy(m_hbm.at[idx], rows, sem)

        def wait_gather(rows, sem):
            pltpu.make_async_copy(m_hbm.at[pl.ds(0, CHUNK)], rows, sem).wait()

        start_idx(0, idx_s0, idx_d0, ss0, sd0)
        wait_idx(idx_s0, ss0)
        start(idx_s0, rows0, sg0)
        start_idx(1, idx_s1, idx_d1, ss1, sd1)

        def body(t, carry):
            j0 = 2 * t
            wait_idx(idx_s1, ss1)
            start(idx_s1, rows1, sg1)
            wait_gather(rows0, sg0)
            wait_idx(idx_d0, sd0)
            pltpu.sync_copy(rows0, agg.at[idx_d0], add=True)

            @pl.when(t < nt - 1)
            def _():
                start_idx(j0 + 2, idx_s0, idx_d0, ss0, sd0)

            wait_gather(rows1, sg1)
            wait_idx(idx_d1, sd1)
            pltpu.sync_copy(rows1, agg.at[idx_d1], add=True)

            @pl.when(t < nt - 1)
            def _():
                wait_idx(idx_s0, ss0)
                start(idx_s0, rows0, sg0)
                start_idx(j0 + 3, idx_s1, idx_d1, ss1, sd1)

            return carry

        lax.fori_loop(0, nt, body, 0)
        plsc.subcore_barrier()
        pltpu.sync_copy(agg.at[pl.ds(s * ROWS_PER_TILE, ROWS_PER_TILE)],
                        parts_hbm.at[c, pl.ds(s * ROWS_PER_TILE, ROWS_PER_TILE)])

    return k


@functools.lru_cache(maxsize=None)
def _pair_kernel(nch, ncores):
    mesh = plsc.VectorSubcoreMesh(core_axis_name="c", subcore_axis_name="s",
                                  num_cores=ncores)
    nc = nch // (16 * ncores)
    nt = nc // 2
    nedge = nch * CHUNK

    @functools.partial(
        pl.kernel,
        out_type=(jax.ShapeDtypeStruct((nedge, D), jnp.float32),
                  jax.ShapeDtypeStruct((nedge, D), jnp.float32)),
        mesh=mesh,
        scratch_types=[
            pltpu.VMEM((nc * CHUNK,), jnp.int32),
            pltpu.VMEM((nc * CHUNK,), jnp.int32),
            pltpu.VMEM((CHUNK, D), jnp.float32),
            pltpu.VMEM((CHUNK, D), jnp.float32),
            pltpu.VMEM((CHUNK, D), jnp.float32),
            pltpu.VMEM((CHUNK, D), jnp.float32),
            pltpu.SemaphoreType.DMA,
            pltpu.SemaphoreType.DMA,
            pltpu.SemaphoreType.DMA,
            pltpu.SemaphoreType.DMA,
            pltpu.SemaphoreType.DMA,
            pltpu.SemaphoreType.DMA,
            pltpu.SemaphoreType.DMA,
            pltpu.SemaphoreType.DMA,
        ],
    )
    def k(h_hbm, srcw_hbm, dstw_hbm, hu_hbm, hv_hbm,
          idx_u, idx_v, ru0, ru1, rv0, rv1,
          gu0, gu1, gv0, gv1, wu0, wu1, wv0, wv1):
        c = lax.axis_index("c")
        s = lax.axis_index("s")
        wid = c * 16 + s
        base = wid * nc
        pltpu.sync_copy(srcw_hbm.at[pl.ds(base * CHUNK, nc * CHUNK)], idx_u)
        pltpu.sync_copy(dstw_hbm.at[pl.ds(base * CHUNK, nc * CHUNK)], idx_v)

        def start(j, ru, rv, sgu, sgv):
            pltpu.async_copy(h_hbm.at[idx_u.at[pl.ds(j * CHUNK, CHUNK)]], ru, sgu)
            pltpu.async_copy(h_hbm.at[idx_v.at[pl.ds(j * CHUNK, CHUNK)]], rv, sgv)

        def wait_gather(rows, sem):
            pltpu.make_async_copy(h_hbm.at[pl.ds(0, CHUNK)], rows, sem).wait()

        def start_write(j, ru, rv, swu, swv):
            off = (base + j) * CHUNK
            pltpu.async_copy(ru, hu_hbm.at[pl.ds(off, CHUNK)], swu)
            pltpu.async_copy(rv, hv_hbm.at[pl.ds(off, CHUNK)], swv)

        def wait_write(rows, sem):
            pltpu.make_async_copy(rows, hu_hbm.at[pl.ds(0, CHUNK)], sem).wait()

        start(0, ru0, rv0, gu0, gv0)

        def body(t, carry):
            j0 = 2 * t

            @pl.when(t > 0)
            def _():
                wait_write(ru1, wu1)
                wait_write(rv1, wv1)

            start(j0 + 1, ru1, rv1, gu1, gv1)
            wait_gather(ru0, gu0)
            wait_gather(rv0, gv0)
            start_write(j0, ru0, rv0, wu0, wv0)

            @pl.when(t < nt - 1)
            def _():
                wait_write(ru0, wu0)
                wait_write(rv0, wv0)
                start(j0 + 2, ru0, rv0, gu0, gv0)

            wait_gather(ru1, gu1)
            wait_gather(rv1, gv1)
            start_write(j0 + 1, ru1, rv1, wu1, wv1)
            return carry

        lax.fori_loop(0, nt, body, 0)
        wait_write(ru0, wu0)
        wait_write(rv0, wv0)
        wait_write(ru1, wu1)
        wait_write(rv1, wv1)

    return k



def _msg_body(h_ref, wt_ref, b_ref, o_ref):
    i = pl.program_id(0)
    y = jnp.dot(h_ref[...], wt_ref[...], preferred_element_type=jnp.float32)
    y = jnp.maximum(y + b_ref[...], 0.0)
    rows = lax.broadcasted_iota(jnp.int32, y.shape, 0) + i * BLK
    o_ref[...] = jnp.where(rows < N, y, 0.0)


def _msg(h_pad, WmT, bm):
    return pl.pallas_call(
        _msg_body,
        grid=(NPAD // BLK,),
        in_specs=[pl.BlockSpec((BLK, D), lambda i: (i, 0)),
                  pl.BlockSpec((D, D), lambda i: (0, 0)),
                  pl.BlockSpec((1, D), lambda i: (0, 0))],
        out_specs=pl.BlockSpec((BLK, D), lambda i: (i, 0)),
        out_shape=jax.ShapeDtypeStruct((NPAD, D), jnp.float32),
    )(h_pad, WmT, bm)


def _gru_math(agg, hb, WuT, bu, WihT, bih, WhhT, bhh):
    msg = jnp.dot(agg, WuT, preferred_element_type=jnp.float32) + bu
    msg = jnp.maximum(msg, 0.0)
    gi = jnp.dot(msg, WihT, preferred_element_type=jnp.float32) + bih
    gh = jnp.dot(hb, WhhT, preferred_element_type=jnp.float32) + bhh
    r = jax.nn.sigmoid(gi[:, :D] + gh[:, :D])
    z = jax.nn.sigmoid(gi[:, D:2 * D] + gh[:, D:2 * D])
    n = jnp.tanh(gi[:, 2 * D:] + r * gh[:, 2 * D:])
    return (1.0 - z) * n + z * hb


def _upd_m_body(parts_ref, h_ref, WuT, bu, WihT, bih, WhhT, bhh, WmT, bm,
                h_out, m_out):
    i = pl.program_id(0)
    hn = _gru_math(parts_ref[0] + parts_ref[1], h_ref[...], WuT[...], bu[...],
                   WihT[...], bih[...], WhhT[...], bhh[...])
    h_out[...] = hn
    y = jnp.dot(hn, WmT[...], preferred_element_type=jnp.float32)
    y = jnp.maximum(y + bm[...], 0.0)
    rows = lax.broadcasted_iota(jnp.int32, y.shape, 0) + i * BLK
    m_out[...] = jnp.where(rows < N, y, 0.0)


def _upd_m(parts, h_pad, WuT, bu, WihT, bih, WhhT, bhh, WmT, bm):
    full = lambda shape: pl.BlockSpec(shape, lambda i: tuple(0 for _ in shape))
    return pl.pallas_call(
        _upd_m_body,
        grid=(NPAD // BLK,),
        in_specs=[pl.BlockSpec((2, BLK, D), lambda i: (0, i, 0)),
                  pl.BlockSpec((BLK, D), lambda i: (i, 0)),
                  full((D, D)), full((1, D)),
                  full((D, 3 * D)), full((1, 3 * D)),
                  full((D, 3 * D)), full((1, 3 * D)),
                  full((D, D)), full((1, D))],
        out_specs=(pl.BlockSpec((BLK, D), lambda i: (i, 0)),
                   pl.BlockSpec((BLK, D), lambda i: (i, 0))),
        out_shape=(jax.ShapeDtypeStruct((NPAD, D), jnp.float32),
                   jax.ShapeDtypeStruct((NPAD, D), jnp.float32)),
    )(parts, h_pad, WuT, bu, WihT, bih, WhhT, bhh, WmT, bm)


def _upd_body(parts_ref, h_ref, WuT, bu, WihT, bih, WhhT, bhh, h_out):
    h_out[...] = _gru_math(parts_ref[0] + parts_ref[1], h_ref[...], WuT[...],
                           bu[...], WihT[...], bih[...], WhhT[...], bhh[...])


def _upd(parts, h_pad, WuT, bu, WihT, bih, WhhT, bhh):
    full = lambda shape: pl.BlockSpec(shape, lambda i: tuple(0 for _ in shape))
    return pl.pallas_call(
        _upd_body,
        grid=(NPAD // BLK,),
        in_specs=[pl.BlockSpec((2, BLK, D), lambda i: (0, i, 0)),
                  pl.BlockSpec((BLK, D), lambda i: (i, 0)),
                  full((D, D)), full((1, D)),
                  full((D, 3 * D)), full((1, 3 * D)),
                  full((D, 3 * D)), full((1, 3 * D))],
        out_specs=pl.BlockSpec((BLK, D), lambda i: (i, 0)),
        out_shape=jax.ShapeDtypeStruct((NPAD, D), jnp.float32),
    )(parts, h_pad, WuT, bu, WihT, bih, WhhT, bhh)


def _score_body(hu_ref, hv_ref, W1T_ref, b1_ref, w2_ref, b2_ref, o_ref):
    u = hu_ref[...]
    v = hv_ref[...]
    phi = jnp.concatenate([
        u.astype(jnp.bfloat16),
        v.astype(jnp.bfloat16),
        jnp.abs(u - v).astype(jnp.bfloat16),
        (u * v).astype(jnp.bfloat16),
    ], axis=1)
    hid = jnp.dot(phi, W1T_ref[...], preferred_element_type=jnp.float32)
    hid = jnp.maximum(hid + b1_ref[...], 0.0)
    o_ref[...] = jnp.sum(hid * w2_ref[...] + b2_ref[...], axis=1)


@functools.lru_cache(maxsize=None)
def _score_call(nedge):
    full = lambda shape: pl.BlockSpec(shape, lambda i: tuple(0 for _ in shape))
    return pl.pallas_call(
        _score_body,
        grid=(nedge // EBLK,),
        in_specs=[pl.BlockSpec((EBLK, D), lambda i: (i, 0)),
                  pl.BlockSpec((EBLK, D), lambda i: (i, 0)),
                  full((4 * D, D)), full((1, D)), full((1, D)), full((1, D))],
        out_specs=pl.BlockSpec((EBLK,), lambda i: (i,)),
        out_shape=jax.ShapeDtypeStruct((nedge,), jnp.float32),
    )



def kernel(h, edge_index, Wm0, bm0, Wm1, bm1, Wu0, bu0, Wu1, bu1,
           W_ih, b_ih, W_hh, b_hh, We1, be1, We2, be2):
    src = edge_index[0]
    dst = edge_index[1]
    padi = jnp.full((EPAD - E,), N, jnp.int32)
    srcf = jnp.concatenate([src, padi])
    dstf = jnp.concatenate([dst, padi])
    h0 = jnp.pad(h, ((0, NPAD - N), (0, 0)))
    zrows = jnp.zeros((ROWS_PER_TILE, D), jnp.float32)

    scatter = _scatter_kernel()

    m0 = _msg(h0, Wm0.T, bm0[None])
    parts0 = scatter(m0, srcf, dstf, zrows)
    h1, m1 = _upd_m(parts0, h0, Wu0.T, bu0[None], W_ih.T, b_ih[None],
                    W_hh.T, b_hh[None], Wm1.T, bm1[None])
    parts1 = scatter(m1, srcf, dstf, zrows)
    h2 = _upd(parts1, h1, Wu1.T, bu1[None], W_ih.T, b_ih[None],
              W_hh.T, b_hh[None])
    b2row = jnp.full((1, D), be2[0] / D, jnp.float32)
    W1T = We1.T.astype(jnp.bfloat16)
    b1 = be1[None]
    scs = []
    off = 0
    for nch, ncores in STAGES:
        o = off * CHUNK
        n_ = nch * CHUNK
        hu, hv = _pair_kernel(nch, ncores)(h2, srcf[o:o + n_], dstf[o:o + n_])
        scs.append(_score_call(n_)(hu, hv, W1T, b1, We2, b2row))
        off += nch
    return jnp.concatenate(scs)[:E]

# --- scband reference (transcript-rebuilt; emitter-appended) ---
"""Pipeline reference for scband-edge-decoder-mp-56092272885987 (READ-ONLY COPY).

The authoritative reference and input builder live on the scoring server;
editing this copy changes nothing except your own understanding.
"""

import jax, jax.numpy as jnp
import numpy as np

N = 10000
E = 320000
D = 128


def _w(k, shape, scale=0.05):
    return jax.random.normal(k, shape, dtype=jnp.float32) * scale


def setup_inputs(seed: int = 0) -> dict:
    key = jax.random.key(seed)
    ks = jax.random.split(key, 16)
    inp = {}
    inp["h"] = jax.random.normal(ks[0], (N, D), dtype=jnp.float32)
    inp["edge_index"] = jax.random.randint(ks[1], (2, E), 0, N, dtype=jnp.int32)
    # message_net / update_net linears (rounds=2), stored as torch-style (out, in)
    inp["Wm0"] = _w(ks[2], (D, D)); inp["bm0"] = jnp.zeros((D,), jnp.float32)
    inp["Wm1"] = _w(ks[3], (D, D)); inp["bm1"] = jnp.zeros((D,), jnp.float32)
    inp["Wu0"] = _w(ks[4], (D, D)); inp["bu0"] = jnp.zeros((D,), jnp.float32)
    inp["Wu1"] = _w(ks[5], (D, D)); inp["bu1"] = jnp.zeros((D,), jnp.float32)
    # GRUCell params (torch layout: weight_ih [3D, D], weight_hh [3D, D])
    inp["W_ih"] = _w(ks[6], (3 * D, D)); inp["b_ih"] = jnp.zeros((3 * D,), jnp.float32)
    inp["W_hh"] = _w(ks[7], (3 * D, D)); inp["b_hh"] = jnp.zeros((3 * D,), jnp.float32)
    # edge_mlp: Linear(4D -> D), ReLU, Linear(D -> 1)
    inp["We1"] = _w(ks[8], (D, 4 * D)); inp["be1"] = jnp.zeros((D,), jnp.float32)
    inp["We2"] = _w(ks[9], (1, D)); inp["be2"] = jnp.zeros((1,), jnp.float32)
    return inp


def _gru_cell(x, h, W_ih, b_ih, W_hh, b_hh):
    gi = x @ W_ih.T + b_ih
    gh = h @ W_hh.T + b_hh
    i_r, i_z, i_n = jnp.split(gi, 3, axis=-1)
    h_r, h_z, h_n = jnp.split(gh, 3, axis=-1)
    r = jax.nn.sigmoid(i_r + h_r)
    z = jax.nn.sigmoid(i_z + h_z)
    n = jnp.tanh(i_n + r * h_n)
    return (1.0 - z) * n + z * h


def reference(h, edge_index, Wm0, bm0, Wm1, bm1, Wu0, bu0, Wu1, bu1,
              W_ih, b_ih, W_hh, b_hh, We1, be1, We2, be2):
    src = edge_index[0]
    dst = edge_index[1]
    msg_params = [(Wm0, bm0), (Wm1, bm1)]
    upd_params = [(Wu0, bu0), (Wu1, bu1)]
    # message_pass (dropout inactive in eval mode)
    for (Wm, bm), (Wu, bu) in zip(msg_params, upd_params):
        m = jax.nn.relu(h @ Wm.T + bm)
        agg = jnp.zeros_like(h).at[dst].add(m[src])
        msg = jax.nn.relu(agg @ Wu.T + bu)
        h = _gru_cell(msg, h, W_ih, b_ih, W_hh, b_hh)
    # score_pairs on the same edge set
    h_u = h[src]
    h_v = h[dst]
    phi = jnp.concatenate([h_u, h_v, jnp.abs(h_u - h_v), h_u * h_v], axis=-1)
    hid = jax.nn.relu(phi @ We1.T + be1)
    return (hid @ We2.T + be2)[:, 0]

if __name__ == "__main__":
    import jax
    _d = setup_inputs()
    print(jax.jit(kernel)(*tuple(_d.values())))

</pallas_src>

<mosaic_0001>
#map = affine_map<(d0, d1) -> (0, 0)>
#map1 = affine_map<(d0, d1) -> (0)>
module attributes {stable_mosaic.version = 14 : i64} {
  func.func @k(%arg0: i32, %arg1: i32, %arg2: memref<10240x128xf32, #tpu.memory_space<hbm>>, %arg3: memref<32768xi32, #tpu.memory_space<hbm>>, %arg4: memref<32768xi32, #tpu.memory_space<hbm>>, %arg5: memref<32768x128xf32, #tpu.memory_space<hbm>>, %arg6: memref<32768x128xf32, #tpu.memory_space<hbm>>, %arg7: memref<2048xi32, #tpu.memory_space<vmem>>, %arg8: memref<2048xi32, #tpu.memory_space<vmem>>, %arg9: memref<128x128xf32, #tpu.memory_space<vmem>>, %arg10: memref<128x128xf32, #tpu.memory_space<vmem>>, %arg11: memref<128x128xf32, #tpu.memory_space<vmem>>, %arg12: memref<128x128xf32, #tpu.memory_space<vmem>>, %arg13: memref<!tpu.dma_semaphore, #tpu.memory_space<semaphore_mem>>, %arg14: memref<!tpu.dma_semaphore, #tpu.memory_space<semaphore_mem>>, %arg15: memref<!tpu.dma_semaphore, #tpu.memory_space<semaphore_mem>>, %arg16: memref<!tpu.dma_semaphore, #tpu.memory_space<semaphore_mem>>, %arg17: memref<!tpu.dma_semaphore, #tpu.memory_space<semaphore_mem>>, %arg18: memref<!tpu.dma_semaphore, #tpu.memory_space<semaphore_mem>>, %arg19: memref<!tpu.dma_semaphore, #tpu.memory_space<semaphore_mem>>, %arg20: memref<!tpu.dma_semaphore, #tpu.memory_space<semaphore_mem>>) attributes {dimension_semantics = [#tpu.dimension_semantics<core_parallel>, #tpu.dimension_semantics<subcore_parallel>], iteration_bounds = array<i64: 1, 16>, scalar_prefetch = 0 : i64, scratch_operands = 14 : i64, tpu.core_type = #tpu.core_type<sc_vector_subcore>, window_params = [{transform_indices = #map}, {transform_indices = #map1}, {transform_indices = #map1}, {transform_indices = #map}, {transform_indices = #map}]} {
    %mul3A = arith.constant 16 : i32
    %mul3A_0 = arith.muli %arg0, %mul3A : i32
    %add3A = arith.addi %mul3A_0, %arg1 : i32
    %mul3A_1 = arith.constant 16 : i32
    %mul3A_2 = arith.muli %add3A, %mul3A_1 : i32
    %mul3A_3 = arith.constant 128 : i32
    %mul3A_4 = arith.muli %mul3A_2, %mul3A_3 : i32
    "tpu.region"() ({
      %run_scoped3A = tpu.sem_alloc : memref<!tpu.dma_semaphore, #tpu.memory_space<semaphore_mem>>
      %dma_start3A_44 = tpu.memref_slice %arg3[%mul3A_4] : memref<32768xi32, #tpu.memory_space<hbm>> -> memref<2048xi32, #tpu.memory_space<hbm>>
      %dma_start3A_45 = tpu.memref_slice %arg3[%mul3A_4] : memref<32768xi32, #tpu.memory_space<hbm>> -> memref<2048xi32, #tpu.memory_space<hbm>>
      tpu.enqueue_dma source(%dma_start3A_45 : memref<2048xi32, #tpu.memory_space<hbm>>) target(%arg7 : memref<2048xi32, #tpu.memory_space<vmem>>) target_semaphore(%run_scoped3A : memref<!tpu.dma_semaphore, #tpu.memory_space<semaphore_mem>>)
      %dma_wait3A_46 = tpu.memref_slice %arg3[%mul3A_4] : memref<32768xi32, #tpu.memory_space<hbm>> -> memref<2048xi32, #tpu.memory_space<hbm>>
      %dma_wait3A_47 = tpu.memref_slice %arg3[%mul3A_4] : memref<32768xi32, #tpu.memory_space<hbm>> -> memref<2048xi32, #tpu.memory_space<hbm>>
      tpu.wait_dma2 semaphore(%run_scoped3A : memref<!tpu.dma_semaphore, #tpu.memory_space<semaphore_mem>>) src(%dma_wait3A_47 : memref<2048xi32, #tpu.memory_space<hbm>>) dst(%arg7 : memref<2048xi32, #tpu.memory_space<vmem>>)
      tpu.yield
    }) : () -> ()
    %mul3A_5 = arith.constant 128 : i32
    %mul3A_6 = arith.muli %mul3A_2, %mul3A_5 : i32
    "tpu.region"() ({
      %run_scoped3A = tpu.sem_alloc : memref<!tpu.dma_semaphore, #tpu.memory_space<semaphore_mem>>
      %dma_start3A_44 = tpu.memref_slice %arg4[%mul3A_6] : memref<32768xi32, #tpu.memory_space<hbm>> -> memref<2048xi32, #tpu.memory_space<hbm>>
      %dma_start3A_45 = tpu.memref_slice %arg4[%mul3A_6] : memref<32768xi32, #tpu.memory_space<hbm>> -> memref<2048xi32, #tpu.memory_space<hbm>>
      tpu.enqueue_dma source(%dma_start3A_45 : memref<2048xi32, #tpu.memory_space<hbm>>) target(%arg8 : memref<2048xi32, #tpu.memory_space<vmem>>) target_semaphore(%run_scoped3A : memref<!tpu.dma_semaphore, #tpu.memory_space<semaphore_mem>>)
      %dma_wait3A_46 = tpu.memref_slice %arg4[%mul3A_6] : memref<32768xi32, #tpu.memory_space<hbm>> -> memref<2048xi32, #tpu.memory_space<hbm>>
      %dma_wait3A_47 = tpu.memref_slice %arg4[%mul3A_6] : memref<32768xi32, #tpu.memory_space<hbm>> -> memref<2048xi32, #tpu.memory_space<hbm>>
      tpu.wait_dma2 semaphore(%run_scoped3A : memref<!tpu.dma_semaphore, #tpu.memory_space<semaphore_mem>>) src(%dma_wait3A_47 : memref<2048xi32, #tpu.memory_space<hbm>>) dst(%arg8 : memref<2048xi32, #tpu.memory_space<vmem>>)
      tpu.yield
    }) : () -> ()
    %dma_start3A = arith.constant 0 : i32
    %dma_start3A_7 = tpu.memref_slice %arg7[%dma_start3A] : memref<2048xi32, #tpu.memory_space<vmem>> -> memref<128xi32, #tpu.memory_space<vmem>>
    %dma_start3A_8 = arith.constant 0 : i32
    %dma_start3A_9 = arith.constant 0 : i32
    %dma_start3A_10 = tpu.memref_slice %arg2[%dma_start3A_8, %dma_start3A_9] : memref<10240x128xf32, #tpu.memory_space<hbm>> -> memref<10240x128xf32, #tpu.memory_space<hbm>>
    tpu.enqueue_indirect_dma source(%dma_start3A_10 : memref<10240x128xf32, #tpu.memory_space<hbm>>) target(%arg9 : memref<128x128xf32, #tpu.memory_space<vmem>>) offsets(%dma_start3A_7 : memref<128xi32, #tpu.memory_space<vmem>>) semaphore(%arg13 : memref<!tpu.dma_semaphore, #tpu.memory_space<semaphore_mem>>)
    %dma_start3A_11 = arith.constant 0 : i32
    %dma_start3A_12 = tpu.memref_slice %arg8[%dma_start3A_11] : memref<2048xi32, #tpu.memory_space<vmem>> -> memref<128xi32, #tpu.memory_space<vmem>>
    %dma_start3A_13 = arith.constant 0 : i32
    %dma_start3A_14 = arith.constant 0 : i32
    %dma_start3A_15 = tpu.memref_slice %arg2[%dma_start3A_13, %dma_start3A_14] : memref<10240x128xf32, #tpu.memory_space<hbm>> -> memref<10240x128xf32, #tpu.memory_space<hbm>>
    tpu.enqueue_indirect_dma source(%dma_start3A_15 : memref<10240x128xf32, #tpu.memory_space<hbm>>) target(%arg11 : memref<128x128xf32, #tpu.memory_space<vmem>>) offsets(%dma_start3A_12 : memref<128xi32, #tpu.memory_space<vmem>>) semaphore(%arg15 : memref<!tpu.dma_semaphore, #tpu.memory_space<semaphore_mem>>)
    %scan3A = arith.constant 0 : i32
    %scan3A_16 = arith.constant 0 : i32
    %scan3A_17 = arith.constant 8 : i32
    %scan3A_18 = arith.addi %scan3A_16, %scan3A_17 : i32
    %scan3A_19 = arith.constant 1 : i32
    scf.for %scan3A_44 = %scan3A_16 to %scan3A_18 step %scan3A_19  : i32 {
      %mul3A_45 = arith.constant 2 : i32
      %mul3A_46 = arith.muli %mul3A_45, %scan3A_44 : i32
      %gt3A = arith.constant 0 : i32
      %gt3A_47 = arith.cmpi sgt, %scan3A_44, %gt3A : i32
      %convert_element_type3A = arith.extui %gt3A_47 : i1 to i32
      %cond3A = arith.constant 0 : i32
      %cond3A_48 = arith.cmpi ne, %convert_element_type3A, %cond3A : i32
      scf.if %cond3A_48 {
        %dma_wait3A_115 = arith.constant 0 : i32
        %dma_wait3A_116 = arith.constant 0 : i32
        %dma_wait3A_117 = tpu.memref_slice %arg5[%dma_wait3A_115, %dma_wait3A_116] : memref<32768x128xf32, #tpu.memory_space<hbm>> -> memref<128x128xf32, #tpu.memory_space<hbm>>
        %dma_wait3A_118 = arith.constant 0 : i32
        %dma_wait3A_119 = arith.constant 0 : i32
        %dma_wait3A_120 = tpu.memref_slice %arg5[%dma_wait3A_118, %dma_wait3A_119] : memref<32768x128xf32, #tpu.memory_space<hbm>> -> memref<128x128xf32, #tpu.memory_space<hbm>>
        tpu.wait_dma2 semaphore(%arg18 : memref<!tpu.dma_semaphore, #tpu.memory_space<semaphore_mem>>) src(%arg10 : memref<128x128xf32, #tpu.memory_space<vmem>>) dst(%dma_wait3A_120 : memref<128x128xf32, #tpu.memory_space<hbm>>)
        %dma_wait3A_121 = arith.constant 0 : i32
        %dma_wait3A_122 = arith.constant 0 : i32
        %dma_wait3A_123 = tpu.memref_slice %arg5[%dma_wait3A_121, %dma_wait3A_122] : memref<32768x128xf32, #tpu.memory_space<hbm>> -> memref<128x128xf32, #tpu.memory_space<hbm>>
        %dma_wait3A_124 = arith.constant 0 : i32
        %dma_wait3A_125 = arith.constant 0 : i32
        %dma_wait3A_126 = tpu.memref_slice %arg5[%dma_wait3A_124, %dma_wait3A_125] : memref<32768x128xf32, #tpu.memory_space<hbm>> -> memref<128x128xf32, #tpu.memory_space<hbm>>
        tpu.wait_dma2 semaphore(%arg20 : memref<!tpu.dma_semaphore, #tpu.memory_space<semaphore_mem>>) src(%arg12 : memref<128x128xf32, #tpu.memory_space<vmem>>) dst(%dma_wait3A_126 : memref<128x128xf32, #tpu.memory_space<hbm>>)
      } else {
      }
      %add3A_49 = arith.constant 1 : i32
      %add3A_50 = arith.addi %mul3A_46, %add3A_49 : i32
      %mul3A_51 = arith.constant 128 : i32
      %mul3A_52 = arith.muli %add3A_50, %mul3A_51 : i32
      %dma_start3A_53 = tpu.memref_slice %arg7[%mul3A_52] : memref<2048xi32, #tpu.memory_space<vmem>> -> memref<128xi32, #tpu.memory_space<vmem>>
      %dma_start3A_54 = arith.constant 0 : i32
      %dma_start3A_55 = arith.constant 0 : i32
      %dma_start3A_56 = tpu.memref_slice %arg2[%dma_start3A_54, %dma_start3A_55] : memref<10240x128xf32, #tpu.memory_space<hbm>> -> memref<10240x128xf32, #tpu.memory_space<hbm>>
      tpu.enqueue_indirect_dma source(%dma_start3A_56 : memref<10240x128xf32, #tpu.memory_space<hbm>>) target(%arg10 : memref<128x128xf32, #tpu.memory_space<vmem>>) offsets(%dma_start3A_53 : memref<128xi32, #tpu.memory_space<vmem>>) semaphore(%arg14 : memref<!tpu.dma_semaphore, #tpu.memory_space<semaphore_mem>>)
      %mul3A_57 = arith.constant 128 : i32
      %mul3A_58 = arith.muli %add3A_50, %mul3A_57 : i32
      %dma_start3A_59 = tpu.memref_slice %arg8[%mul3A_58] : memref<2048xi32, #tpu.memory_space<vmem>> -> memref<128xi32, #tpu.memory_space<vmem>>
      %dma_start3A_60 = arith.constant 0 : i32
      %dma_start3A_61 = arith.constant 0 : i32
      %dma_start3A_62 = tpu.memref_slice %arg2[%dma_start3A_60, %dma_start3A_61] : memref<10240x128xf32, #tpu.memory_space<hbm>> -> memref<10240x128xf32, #tpu.memory_space<hbm>>
      tpu.enqueue_indirect_dma source(%dma_start3A_62 : memref<10240x128xf32, #tpu.memory_space<hbm>>) target(%arg12 : memref<128x128xf32, #tpu.memory_space<vmem>>) offsets(%dma_start3A_59 : memref<128xi32, #tpu.memory_space<vmem>>) semaphore(%arg16 : memref<!tpu.dma_semaphore, #tpu.memory_space<semaphore_mem>>)
      %dma_wait3A_63 = arith.constant 0 : i32
      %dma_wait3A_64 = arith.constant 0 : i32
      %dma_wait3A_65 = tpu.memref_slice %arg2[%dma_wait3A_63, %dma_wait3A_64] : memref<10240x128xf32, #tpu.memory_space<hbm>> -> memref<128x128xf32, #tpu.memory_space<hbm>>
      %dma_wait3A_66 = arith.constant 0 : i32
      %dma_wait3A_67 = arith.constant 0 : i32
      %dma_wait3A_68 = tpu.memref_slice %arg2[%dma_wait3A_66, %dma_wait3A_67] : memref<10240x128xf32, #tpu.memory_space<hbm>> -> memref<128x128xf32, #tpu.memory_space<hbm>>
      tpu.wait_dma2 semaphore(%arg13 : memref<!tpu.dma_semaphore, #tpu.memory_space<semaphore_mem>>) src(%dma_wait3A_68 : memref<128x128xf32, #tpu.memory_space<hbm>>) dst(%arg9 : memref<128x128xf32, #tpu.memory_space<vmem>>)
      %dma_wait3A_69 = arith.constant 0 : i32
      %dma_wait3A_70 = arith.constant 0 : i32
      %dma_wait3A_71 = tpu.memref_slice %arg2[%dma_wait3A_69, %dma_wait3A_70] : memref<10240x128xf32, #tpu.memory_space<hbm>> -> memref<128x128xf32, #tpu.memory_space<hbm>>
      %dma_wait3A_72 = arith.constant 0 : i32
      %dma_wait3A_73 = arith.constant 0 : i32
      %dma_wait3A_74 = tpu.memref_slice %arg2[%dma_wait3A_72, %dma_wait3A_73] : memref<10240x128xf32, #tpu.memory_space<hbm>> -> memref<128x128xf32, #tpu.memory_space<hbm>>
      tpu.wait_dma2 semaphore(%arg15 : memref<!tpu.dma_semaphore, #tpu.memory_space<semaphore_mem>>) src(%dma_wait3A_74 : memref<128x128xf32, #tpu.memory_space<hbm>>) dst(%arg11 : memref<128x128xf32, #tpu.memory_space<vmem>>)
      %add3A_75 = arith.addi %mul3A_2, %mul3A_46 : i32
      %mul3A_76 = arith.constant 128 : i32
      %mul3A_77 = arith.muli %add3A_75, %mul3A_76 : i32
      %dma_start3A_78 = arith.constant 0 : i32
      %dma_start3A_79 = tpu.memref_slice %arg5[%mul3A_77, %dma_start3A_78] : memref<32768x128xf32, #tpu.memory_space<hbm>> -> memref<128x128xf32, #tpu.memory_space<hbm>>
      %dma_start3A_80 = arith.constant 0 : i32
      %dma_start3A_81 = tpu.memref_slice %arg5[%mul3A_77, %dma_start3A_80] : memref<32768x128xf32, #tpu.memory_space<hbm>> -> memref<128x128xf32, #tpu.memory_space<hbm>>
      tpu.enqueue_dma source(%arg9 : memref<128x128xf32, #tpu.memory_space<vmem>>) target(%dma_start3A_81 : memref<128x128xf32, #tpu.memory_space<hbm>>) target_semaphore(%arg17 : memref<!tpu.dma_semaphore, #tpu.memory_space<semaphore_mem>>)
      %dma_start3A_82 = arith.constant 0 : i32
      %dma_start3A_83 = tpu.memref_slice %arg6[%mul3A_77, %dma_start3A_82] : memref<32768x128xf32, #tpu.memory_space<hbm>> -> memref<128x128xf32, #tpu.memory_space<hbm>>
      %dma_start3A_84 = arith.constant 0 : i32
      %dma_start3A_85 = tpu.memref_slice %arg6[%mul3A_77, %dma_start3A_84] : memref<32768x128xf32, #tpu.memory_space<hbm>> -> memref<128x128xf32, #tpu.memory_space<hbm>>
      tpu.enqueue_dma source(%arg11 : memref<128x128xf32, #tpu.memory_space<vmem>>) target(%dma_start3A_85 : memref<128x128xf32, #tpu.memory_space<hbm>>) target_semaphore(%arg19 : memref<!tpu.dma_semaphore, #tpu.memory_space<semaphore_mem>>)
      %lt3A = arith.constant 7 : i32
      %lt3A_86 = arith.cmpi slt, %scan3A_44, %lt3A : i32
      %convert_element_type3A_87 = arith.extui %lt3A_86 : i1 to i32
      %cond3A_88 = arith.constant 0 : i32
      %cond3A_89 = arith.cmpi ne, %convert_element_type3A_87, %cond3A_88 : i32
      scf.if %cond3A_89 {
        %dma_wait3A_115 = arith.constant 0 : i32
        %dma_wait3A_116 = arith.constant 0 : i32
        %dma_wait3A_117 = tpu.memref_slice %arg5[%dma_wait3A_115, %dma_wait3A_116] : memref<32768x128xf32, #tpu.memory_space<hbm>> -> memref<128x128xf32, #tpu.memory_space<hbm>>
        %dma_wait3A_118 = arith.constant 0 : i32
        %dma_wait3A_119 = arith.constant 0 : i32
        %dma_wait3A_120 = tpu.memref_slice %arg5[%dma_wait3A_118, %dma_wait3A_119] : memref<32768x128xf32, #tpu.memory_space<hbm>> -> memref<128x128xf32, #tpu.memory_space<hbm>>
        tpu.wait_dma2 semaphore(%arg17 : memref<!tpu.dma_semaphore, #tpu.memory_space<semaphore_mem>>) src(%arg9 : memref<128x128xf32, #tpu.memory_space<vmem>>) dst(%dma_wait3A_120 : memref<128x128xf32, #tpu.memory_space<hbm>>)
        %dma_wait3A_121 = arith.constant 0 : i32
        %dma_wait3A_122 = arith.constant 0 : i32
        %dma_wait3A_123 = tpu.memref_slice %arg5[%dma_wait3A_121, %dma_wait3A_122] : memref<32768x128xf32, #tpu.memory_space<hbm>> -> memref<128x128xf32, #tpu.memory_space<hbm>>
        %dma_wait3A_124 = arith.constant 0 : i32
        %dma_wait3A_125 = arith.constant 0 : i32
        %dma_wait3A_126 = tpu.memref_slice %arg5[%dma_wait3A_124, %dma_wait3A_125] : memref<32768x128xf32, #tpu.memory_space<hbm>> -> memref<128x128xf32, #tpu.memory_space<hbm>>
        tpu.wait_dma2 semaphore(%arg19 : memref<!tpu.dma_semaphore, #tpu.memory_space<semaphore_mem>>) src(%arg11 : memref<128x128xf32, #tpu.memory_space<vmem>>) dst(%dma_wait3A_126 : memref<128x128xf32, #tpu.memory_space<hbm>>)
        %add3A_127 = arith.constant 2 : i32
        %add3A_128 = arith.addi %mul3A_46, %add3A_127 : i32
        %mul3A_129 = arith.constant 128 : i32
        %mul3A_130 = arith.muli %add3A_128, %mul3A_129 : i32
        %dma_start3A_131 = tpu.memref_slice %arg7[%mul3A_130] : memref<2048xi32, #tpu.memory_space<vmem>> -> memref<128xi32, #tpu.memory_space<vmem>>
        %dma_start3A_132 = arith.constant 0 : i32
        %dma_start3A_133 = arith.constant 0 : i32
        %dma_start3A_134 = tpu.memref_slice %arg2[%dma_start3A_132, %dma_start3A_133] : memref<10240x128xf32, #tpu.memory_space<hbm>> -> memref<10240x128xf32, #tpu.memory_space<hbm>>
        tpu.enqueue_indirect_dma source(%dma_start3A_134 : memref<10240x128xf32, #tpu.memory_space<hbm>>) target(%arg9 : memref<128x128xf32, #tpu.memory_space<vmem>>) offsets(%dma_start3A_131 : memref<128xi32, #tpu.memory_space<vmem>>) semaphore(%arg13 : memref<!tpu.dma_semaphore, #tpu.memory_space<semaphore_mem>>)
        %mul3A_135 = arith.constant 128 : i32
        %mul3A_136 = arith.muli %add3A_128, %mul3A_135 : i32
        %dma_start3A_137 = tpu.memref_slice %arg8[%mul3A_136] : memref<2048xi32, #tpu.memory_space<vmem>> -> memref<128xi32, #tpu.memory_space<vmem>>
        %dma_start3A_138 = arith.constant 0 : i32
        %dma_start3A_139 = arith.constant 0 : i32
        %dma_start3A_140 = tpu.memref_slice %arg2[%dma_start3A_138, %dma_start3A_139] : memref<10240x128xf32, #tpu.memory_space<hbm>> -> memref<10240x128xf32, #tpu.memory_space<hbm>>
        tpu.enqueue_indirect_dma source(%dma_start3A_140 : memref<10240x128xf32, #tpu.memory_space<hbm>>) target(%arg11 : memref<128x128xf32, #tpu.memory_space<vmem>>) offsets(%dma_start3A_137 : memref<128xi32, #tpu.memory_space<vmem>>) semaphore(%arg15 : memref<!tpu.dma_semaphore, #tpu.memory_space<semaphore_mem>>)
      } else {
      }
      %dma_wait3A_90 = arith.constant 0 : i32
      %dma_wait3A_91 = arith.constant 0 : i32
      %dma_wait3A_92 = tpu.memref_slice %arg2[%dma_wait3A_90, %dma_wait3A_91] : memref<10240x128xf32, #tpu.memory_space<hbm>> -> memref<128x128xf32, #tpu.memory_space<hbm>>
      %dma_wait3A_93 = arith.constant 0 : i32
      %dma_wait3A_94 = arith.constant 0 : i32
      %dma_wait3A_95 = tpu.memref_slice %arg2[%dma_wait3A_93, %dma_wait3A_94] : memref<10240x128xf32, #tpu.memory_space<hbm>> -> memref<128x128xf32, #tpu.memory_space<hbm>>
      tpu.wait_dma2 semaphore(%arg14 : memref<!tpu.dma_semaphore, #tpu.memory_space<semaphore_mem>>) src(%dma_wait3A_95 : memref<128x128xf32, #tpu.memory_space<hbm>>) dst(%arg10 : memref<128x128xf32, #tpu.memory_space<vmem>>)
      %dma_wait3A_96 = arith.constant 0 : i32
      %dma_wait3A_97 = arith.constant 0 : i32
      %dma_wait3A_98 = tpu.memref_slice %arg2[%dma_wait3A_96, %dma_wait3A_97] : memref<10240x128xf32, #tpu.memory_space<hbm>> -> memref<128x128xf32, #tpu.memory_space<hbm>>
      %dma_wait3A_99 = arith.constant 0 : i32
      %dma_wait3A_100 = arith.constant 0 : i32
      %dma_wait3A_101 = tpu.memref_slice %arg2[%dma_wait3A_99, %dma_wait3A_100] : memref<10240x128xf32, #tpu.memory_space<hbm>> -> memref<128x128xf32, #tpu.memory_space<hbm>>
      tpu.wait_dma2 semaphore(%arg16 : memref<!tpu.dma_semaphore, #tpu.memory_space<semaphore_mem>>) src(%dma_wait3A_101 : memref<128x128xf32, #tpu.memory_space<hbm>>) dst(%arg12 : memref<128x128xf32, #tpu.memory_space<vmem>>)
      %add3A_102 = arith.constant 1 : i32
      %add3A_103 = arith.addi %mul3A_46, %add3A_102 : i32
      %add3A_104 = arith.addi %mul3A_2, %add3A_103 : i32
      %mul3A_105 = arith.constant 128 : i32
      %mul3A_106 = arith.muli %add3A_104, %mul3A_105 : i32
      %dma_start3A_107 = arith.constant 0 : i32
      %dma_start3A_108 = tpu.memref_slice %arg5[%mul3A_106, %dma_start3A_107] : memref<32768x128xf32, #tpu.memory_space<hbm>> -> memref<128x128xf32, #tpu.memory_space<hbm>>
      %dma_start3A_109 = arith.constant 0 : i32
      %dma_start3A_110 = tpu.memref_slice %arg5[%mul3A_106, %dma_start3A_109] : memref<32768x128xf32, #tpu.memory_space<hbm>> -> memref<128x128xf32, #tpu.memory_space<hbm>>
      tpu.enqueue_dma source(%arg10 : memref<128x128xf32, #tpu.memory_space<vmem>>) target(%dma_start3A_110 : memref<128x128xf32, #tpu.memory_space<hbm>>) target_semaphore(%arg18 : memref<!tpu.dma_semaphore, #tpu.memory_space<semaphore_mem>>)
      %dma_start3A_111 = arith.constant 0 : i32
      %dma_start3A_112 = tpu.memref_slice %arg6[%mul3A_106, %dma_start3A_111] : memref<32768x128xf32, #tpu.memory_space<hbm>> -> memref<128x128xf32, #tpu.memory_space<hbm>>
      %dma_start3A_113 = arith.constant 0 : i32
      %dma_start3A_114 = tpu.memref_slice %arg6[%mul3A_106, %dma_start3A_113] : memref<32768x128xf32, #tpu.memory_space<hbm>> -> memref<128x128xf32, #tpu.memory_space<hbm>>
      tpu.enqueue_dma source(%arg12 : memref<128x128xf32, #tpu.memory_space<vmem>>) target(%dma_start3A_114 : memref<128x128xf32, #tpu.memory_space<hbm>>) target_semaphore(%arg20 : memref<!tpu.dma_semaphore, #tpu.memory_space<semaphore_mem>>)
    }
    %scan3A_20 = arith.constant 8 : i32
    %dma_wait3A = arith.constant 0 : i32
    %dma_wait3A_21 = arith.constant 0 : i32
    %dma_wait3A_22 = tpu.memref_slice %arg5[%dma_wait3A, %dma_wait3A_21] : memref<32768x128xf32, #tpu.memory_space<hbm>> -> memref<128x128xf32, #tpu.memory_space<hbm>>
    %dma_wait3A_23 = arith.constant 0 : i32
    %dma_wait3A_24 = arith.constant 0 : i32
    %dma_wait3A_25 = tpu.memref_slice %arg5[%dma_wait3A_23, %dma_wait3A_24] : memref<32768x128xf32, #tpu.memory_space<hbm>> -> memref<128x128xf32, #tpu.memory_space<hbm>>
    tpu.wait_dma2 semaphore(%arg17 : memref<!tpu.dma_semaphore, #tpu.memory_space<semaphore_mem>>) src(%arg9 : memref<128x128xf32, #tpu.memory_space<vmem>>) dst(%dma_wait3A_25 : memref<128x128xf32, #tpu.memory_space<hbm>>)
    %dma_wait3A_26 = arith.constant 0 : i32
    %dma_wait3A_27 = arith.constant 0 : i32
    %dma_wait3A_28 = tpu.memref_slice %arg5[%dma_wait3A_26, %dma_wait3A_27] : memref<32768x128xf32, #tpu.memory_space<hbm>> -> memref<128x128xf32, #tpu.memory_space<hbm>>
    %dma_wait3A_29 = arith.constant 0 : i32
    %dma_wait3A_30 = arith.constant 0 : i32
    %dma_wait3A_31 = tpu.memref_slice %arg5[%dma_wait3A_29, %dma_wait3A_30] : memref<32768x128xf32, #tpu.memory_space<hbm>> -> memref<128x128xf32, #tpu.memory_space<hbm>>
    tpu.wait_dma2 semaphore(%arg19 : memref<!tpu.dma_semaphore, #tpu.memory_space<semaphore_mem>>) src(%arg11 : memref<128x128xf32, #tpu.memory_space<vmem>>) dst(%dma_wait3A_31 : memref<128x128xf32, #tpu.memory_space<hbm>>)
    %dma_wait3A_32 = arith.constant 0 : i32
    %dma_wait3A_33 = arith.constant 0 : i32
    %dma_wait3A_34 = tpu.memref_slice %arg5[%dma_wait3A_32, %dma_wait3A_33] : memref<32768x128xf32, #tpu.memory_space<hbm>> -> memref<128x128xf32, #tpu.memory_space<hbm>>
    %dma_wait3A_35 = arith.constant 0 : i32
    %dma_wait3A_36 = arith.constant 0 : i32
    %dma_wait3A_37 = tpu.memref_slice %arg5[%dma_wait3A_35, %dma_wait3A_36] : memref<32768x128xf32, #tpu.memory_space<hbm>> -> memref<128x128xf32, #tpu.memory_space<hbm>>
    tpu.wait_dma2 semaphore(%arg18 : memref<!tpu.dma_semaphore, #tpu.memory_space<semaphore_mem>>) src(%arg10 : memref<128x128xf32, #tpu.memory_space<vmem>>) dst(%dma_wait3A_37 : memref<128x128xf32, #tpu.memory_space<hbm>>)
    %dma_wait3A_38 = arith.constant 0 : i32
    %dma_wait3A_39 = arith.constant 0 : i32
    %dma_wait3A_40 = tpu.memref_slice %arg5[%dma_wait3A_38, %dma_wait3A_39] : memref<32768x128xf32, #tpu.memory_space<hbm>> -> memref<128x128xf32, #tpu.memory_space<hbm>>
    %dma_wait3A_41 = arith.constant 0 : i32
    %dma_wait3A_42 = arith.constant 0 : i32
    %dma_wait3A_43 = tpu.memref_slice %arg5[%dma_wait3A_41, %dma_wait3A_42] : memref<32768x128xf32, #tpu.memory_space<hbm>> -> memref<128x128xf32, #tpu.memory_space<hbm>>
    tpu.wait_dma2 semaphore(%arg20 : memref<!tpu.dma_semaphore, #tpu.memory_space<semaphore_mem>>) src(%arg12 : memref<128x128xf32, #tpu.memory_space<vmem>>) dst(%dma_wait3A_43 : memref<128x128xf32, #tpu.memory_space<hbm>>)
    return
  }
}

#map = affine_map<(d0, d1) -> (0, 0)>
#map1 = affine_map<(d0, d1) -> (0)>
#map2 = affine_map<(d0, d1) -> (0, 0, 0)>
module attributes {stable_mosaic.version = 14 : i64} {
  func.func @k(%arg0: i32, %arg1: i32, %arg2: memref<10240x128xf32, #tpu.memory_space<hbm>>, %arg3: memref<327680xi32, #tpu.memory_space<hbm>>, %arg4: memref<327680xi32, #tpu.memory_space<hbm>>, %arg5: memref<640x128xf32, #tpu.memory_space<hbm>>, %arg6: memref<2x10240x128xf32, #tpu.memory_space<hbm>>, %arg7: memref<128xi32, #tpu.memory_space<vmem>>, %arg8: memref<128xi32, #tpu.memory_space<vmem>>, %arg9: memref<128xi32, #tpu.memory_space<vmem>>, %arg10: memref<128xi32, #tpu.memory_space<vmem>>, %arg11: memref<128x128xf32, #tpu.memory_space<vmem>>, %arg12: memref<128x128xf32, #tpu.memory_space<vmem>>, %arg13: memref<10240x128xf32, #tpu.memory_space<vmem_shared>>, %arg14: memref<!tpu.dma_semaphore, #tpu.memory_space<semaphore_mem>>, %arg15: memref<!tpu.dma_semaphore, #tpu.memory_space<semaphore_mem>>, %arg16: memref<!tpu.dma_semaphore, #tpu.memory_space<semaphore_mem>>, %arg17: memref<!tpu.dma_semaphore, #tpu.memory_space<semaphore_mem>>, %arg18: memref<!tpu.dma_semaphore, #tpu.memory_space<semaphore_mem>>, %arg19: memref<!tpu.dma_semaphore, #tpu.memory_space<semaphore_mem>>) attributes {dimension_semantics = [#tpu.dimension_semantics<core_parallel>, #tpu.dimension_semantics<subcore_parallel>], iteration_bounds = array<i64: 2, 16>, scalar_prefetch = 0 : i64, scratch_operands = 13 : i64, tpu.core_type = #tpu.core_type<sc_vector_subcore>, window_params = [{transform_indices = #map}, {transform_indices = #map1}, {transform_indices = #map1}, {transform_indices = #map}, {transform_indices = #map2}]} {
    %mul3A = arith.constant 80 : i32
    %mul3A_0 = arith.muli %arg0, %mul3A : i32
    %sub3A = arith.constant 120 : i32
    %sub3A_1 = arith.subi %sub3A, %mul3A_0 : i32
    %mul3A_2 = arith.constant 16 : i32
    %mul3A_3 = arith.muli %arg0, %mul3A_2 : i32
    %mul3A_4 = arith.constant 120 : i32
    %mul3A_5 = arith.muli %mul3A_3, %mul3A_4 : i32
    %mul3A_6 = arith.muli %arg1, %sub3A_1 : i32
    %add3A = arith.addi %mul3A_5, %mul3A_6 : i32
    %jit3A = arith.constant 2 : i32
    %div3A = arith.divsi %sub3A_1, %jit3A : i32
    %sign3A = arith.constant 0 : i32
    %sign3A_7 = arith.cmpi sgt, %sub3A_1, %sign3A : i32
    %sign3A_8 = arith.extui %sign3A_7 : i1 to i32
    %sign3A_9 = arith.constant 0 : i32
    %sign3A_10 = arith.cmpi slt, %sub3A_1, %sign3A_9 : i32
    %sign3A_11 = arith.extui %sign3A_10 : i1 to i32
    %sign3A_12 = arith.subi %sign3A_8, %sign3A_11 : i32
    %sign3A_13 = arith.constant 0 : i32
    %sign3A_14 = arith.cmpi sgt, %jit3A, %sign3A_13 : i32
    %sign3A_15 = arith.extui %sign3A_14 : i1 to i32
    %sign3A_16 = arith.constant 0 : i32
    %sign3A_17 = arith.cmpi slt, %jit3A, %sign3A_16 : i32
    %sign3A_18 = arith.extui %sign3A_17 : i1 to i32
    %sign3A_19 = arith.subi %sign3A_15, %sign3A_18 : i32
    %ne3A = arith.cmpi ne, %sign3A_12, %sign3A_19 : i32
    %rem3A = arith.remsi %sub3A_1, %jit3A : i32
    %ne3A_20 = arith.constant 0 : i32
    %ne3A_21 = arith.cmpi ne, %rem3A, %ne3A_20 : i32
    %and3A = arith.andi %ne3A, %ne3A_21 : i1
    %sub3A_22 = arith.constant 1 : i32
    %sub3A_23 = arith.subi %div3A, %sub3A_22 : i32
    %select_n3A = arith.select %and3A, %sub3A_23, %div3A : i32
    %mul3A_24 = arith.constant 640 : i32
    %mul3A_25 = arith.muli %arg1, %mul3A_24 : i32
    "tpu.region"() ({
      %run_scoped3A = tpu.sem_alloc : memref<!tpu.dma_semaphore, #tpu.memory_space<semaphore_mem>>
      %dma_start3A_61 = arith.constant 0 : i32
      %dma_start3A_62 = tpu.memref_slice %arg13[%mul3A_25, %dma_start3A_61] : memref<10240x128xf32, #tpu.memory_space<vmem_shared>> -> memref<640x128xf32, #tpu.memory_space<vmem_shared>>
      tpu.enqueue_dma source(%arg5 : memref<640x128xf32, #tpu.memory_space<hbm>>) target(%dma_start3A_62 : memref<640x128xf32, #tpu.memory_space<vmem_shared>>) target_semaphore(%run_scoped3A : memref<!tpu.dma_semaphore, #tpu.memory_space<semaphore_mem>>)
      %dma_wait3A_63 = arith.constant 0 : i32
      %dma_wait3A_64 = tpu.memref_slice %arg13[%mul3A_25, %dma_wait3A_63] : memref<10240x128xf32, #tpu.memory_space<vmem_shared>> -> memref<640x128xf32, #tpu.memory_space<vmem_shared>>
      tpu.wait_dma2 semaphore(%run_scoped3A : memref<!tpu.dma_semaphore, #tpu.memory_space<semaphore_mem>>) src(%arg5 : memref<640x128xf32, #tpu.memory_space<hbm>>) dst(%dma_wait3A_64 : memref<640x128xf32, #tpu.memory_space<vmem_shared>>)
      tpu.yield
    }) : () -> ()
    %barrier3A = arith.constant 0 : index
    tpu.barrier barrier_id(%barrier3A)
    %add3A_26 = arith.constant 0 : i32
    %add3A_27 = arith.addi %add3A, %add3A_26 : i32
    %mul3A_28 = arith.constant 128 : i32
    %mul3A_29 = arith.muli %add3A_27, %mul3A_28 : i32
    %dma_start3A = tpu.memref_slice %arg3[%mul3A_29] : memref<327680xi32, #tpu.memory_space<hbm>> -> memref<128xi32, #tpu.memory_space<hbm>>
    %dma_start3A_30 = tpu.memref_slice %arg3[%mul3A_29] : memref<327680xi32, #tpu.memory_space<hbm>> -> memref<128xi32, #tpu.memory_space<hbm>>
    tpu.enqueue_dma source(%dma_start3A_30 : memref<128xi32, #tpu.memory_space<hbm>>) target(%arg7 : memref<128xi32, #tpu.memory_space<vmem>>) target_semaphore(%arg14 : memref<!tpu.dma_semaphore, #tpu.memory_space<semaphore_mem>>)
    %dma_start3A_31 = tpu.memref_slice %arg4[%mul3A_29] : memref<327680xi32, #tpu.memory_space<hbm>> -> memref<128xi32, #tpu.memory_space<hbm>>
    %dma_start3A_32 = tpu.memref_slice %arg4[%mul3A_29] : memref<327680xi32, #tpu.memory_space<hbm>> -> memref<128xi32, #tpu.memory_space<hbm>>
    tpu.enqueue_dma source(%dma_start3A_32 : memref<128xi32, #tpu.memory_space<hbm>>) target(%arg9 : memref<128xi32, #tpu.memory_space<vmem>>) target_semaphore(%arg16 : memref<!tpu.dma_semaphore, #tpu.memory_space<semaphore_mem>>)
    %dma_wait3A = arith.constant 0 : i32
    %dma_wait3A_33 = tpu.memref_slice %arg3[%dma_wait3A] : memref<327680xi32, #tpu.memory_space<hbm>> -> memref<128xi32, #tpu.memory_space<hbm>>
    %dma_wait3A_34 = arith.constant 0 : i32
    %dma_wait3A_35 = tpu.memref_slice %arg3[%dma_wait3A_34] : memref<327680xi32, #tpu.memory_space<hbm>> -> memref<128xi32, #tpu.memory_space<hbm>>
    tpu.wait_dma2 semaphore(%arg14 : memref<!tpu.dma_semaphore, #tpu.memory_space<semaphore_mem>>) src(%dma_wait3A_35 : memref<128xi32, #tpu.memory_space<hbm>>) dst(%arg7 : memref<128xi32, #tpu.memory_space<vmem>>)
    %dma_start3A_36 = arith.constant 0 : i32
    %dma_start3A_37 = arith.constant 0 : i32
    %dma_start3A_38 = tpu.memref_slice %arg2[%dma_start3A_36, %dma_start3A_37] : memref<10240x128xf32, #tpu.memory_space<hbm>> -> memref<10240x128xf32, #tpu.memory_space<hbm>>
    tpu.enqueue_indirect_dma source(%dma_start3A_38 : memref<10240x128xf32, #tpu.memory_space<hbm>>) target(%arg11 : memref<128x128xf32, #tpu.memory_space<vmem>>) offsets(%arg7 : memref<128xi32, #tpu.memory_space<vmem>>) semaphore(%arg18 : memref<!tpu.dma_semaphore, #tpu.memory_space<semaphore_mem>>)
    %add3A_39 = arith.constant 1 : i32
    %add3A_40 = arith.addi %add3A, %add3A_39 : i32
    %mul3A_41 = arith.constant 128 : i32
    %mul3A_42 = arith.muli %add3A_40, %mul3A_41 : i32
    %dma_start3A_43 = tpu.memref_slice %arg3[%mul3A_42] : memref<327680xi32, #tpu.memory_space<hbm>> -> memref<128xi32, #tpu.memory_space<hbm>>
    %dma_start3A_44 = tpu.memref_slice %arg3[%mul3A_42] : memref<327680xi32, #tpu.memory_space<hbm>> -> memref<128xi32, #tpu.memory_space<hbm>>
    tpu.enqueue_dma source(%dma_start3A_44 : memref<128xi32, #tpu.memory_space<hbm>>) target(%arg8 : memref<128xi32, #tpu.memory_space<vmem>>) target_semaphore(%arg15 : memref<!tpu.dma_semaphore, #tpu.memory_space<semaphore_mem>>)
    %dma_start3A_45 = tpu.memref_slice %arg4[%mul3A_42] : memref<327680xi32, #tpu.memory_space<hbm>> -> memref<128xi32, #tpu.memory_space<hbm>>
    %dma_start3A_46 = tpu.memref_slice %arg4[%mul3A_42] : memref<327680xi32, #tpu.memory_space<hbm>> -> memref<128xi32, #tpu.memory_space<hbm>>
    tpu.enqueue_dma source(%dma_start3A_46 : memref<128xi32, #tpu.memory_space<hbm>>) target(%arg10 : memref<128xi32, #tpu.memory_space<vmem>>) target_semaphore(%arg17 : memref<!tpu.dma_semaphore, #tpu.memory_space<semaphore_mem>>)
    %while3A = arith.constant 0 : i32
    %while3A_47 = arith.constant 0 : i32
    %while3A_48 = arith.subi %select_n3A, %while3A_47 : i32
    %while3A_49 = arith.addi %while3A_47, %while3A_48 : i32
    %while3A_50 = arith.constant 1 : i32
    %while3A_51 = arith.divsi %while3A_48, %while3A_50 : i32
    %while3A_52 = arith.muli %while3A_51, %while3A_50 : i32
    %while3A_53 = arith.addi %while3A_47, %while3A_52 : i32
    %while3A_54 = arith.constant 1 : i32
    scf.for %while3A_61 = %while3A_47 to %while3A_53 step %while3A_54  : i32 {
      %mul3A_62 = arith.constant 2 : i32
      %mul3A_63 = arith.muli %mul3A_62, %while3A_61 : i32
      %dma_wait3A_64 = arith.constant 0 : i32
      %dma_wait3A_65 = tpu.memref_slice %arg3[%dma_wait3A_64] : memref<327680xi32, #tpu.memory_space<hbm>> -> memref<128xi32, #tpu.memory_space<hbm>>
      %dma_wait3A_66 = arith.constant 0 : i32
      %dma_wait3A_67 = tpu.memref_slice %arg3[%dma_wait3A_66] : memref<327680xi32, #tpu.memory_space<hbm>> -> memref<128xi32, #tpu.memory_space<hbm>>
      tpu.wait_dma2 semaphore(%arg15 : memref<!tpu.dma_semaphore, #tpu.memory_space<semaphore_mem>>) src(%dma_wait3A_67 : memref<128xi32, #tpu.memory_space<hbm>>) dst(%arg8 : memref<128xi32, #tpu.memory_space<vmem>>)
      %dma_start3A_68 = arith.constant 0 : i32
      %dma_start3A_69 = arith.constant 0 : i32
      %dma_start3A_70 = tpu.memref_slice %arg2[%dma_start3A_68, %dma_start3A_69] : memref<10240x128xf32, #tpu.memory_space<hbm>> -> memref<10240x128xf32, #tpu.memory_space<hbm>>
      tpu.enqueue_indirect_dma source(%dma_start3A_70 : memref<10240x128xf32, #tpu.memory_space<hbm>>) target(%arg12 : memref<128x128xf32, #tpu.memory_space<vmem>>) offsets(%arg8 : memref<128xi32, #tpu.memory_space<vmem>>) semaphore(%arg19 : memref<!tpu.dma_semaphore, #tpu.memory_space<semaphore_mem>>)
      %dma_wait3A_71 = arith.constant 0 : i32
      %dma_wait3A_72 = arith.constant 0 : i32
      %dma_wait3A_73 = tpu.memref_slice %arg2[%dma_wait3A_71, %dma_wait3A_72] : memref<10240x128xf32, #tpu.memory_space<hbm>> -> memref<128x128xf32, #tpu.memory_space<hbm>>
      %dma_wait3A_74 = arith.constant 0 : i32
      %dma_wait3A_75 = arith.constant 0 : i32
      %dma_wait3A_76 = tpu.memref_slice %arg2[%dma_wait3A_74, %dma_wait3A_75] : memref<10240x128xf32, #tpu.memory_space<hbm>> -> memref<128x128xf32, #tpu.memory_space<hbm>>
      tpu.wait_dma2 semaphore(%arg18 : memref<!tpu.dma_semaphore, #tpu.memory_space<semaphore_mem>>) src(%dma_wait3A_76 : memref<128x128xf32, #tpu.memory_space<hbm>>) dst(%arg11 : memref<128x128xf32, #tpu.memory_space<vmem>>)
      %dma_wait3A_77 = arith.constant 0 : i32
      %dma_wait3A_78 = tpu.memref_slice %arg3[%dma_wait3A_77] : memref<327680xi32, #tpu.memory_space<hbm>> -> memref<128xi32, #tpu.memory_space<hbm>>
      %dma_wait3A_79 = arith.constant 0 : i32
      %dma_wait3A_80 = tpu.memref_slice %arg3[%dma_wait3A_79] : memref<327680xi32, #tpu.memory_space<hbm>> -> memref<128xi32, #tpu.memory_space<hbm>>
      tpu.wait_dma2 semaphore(%arg16 : memref<!tpu.dma_semaphore, #tpu.memory_space<semaphore_mem>>) src(%dma_wait3A_80 : memref<128xi32, #tpu.memory_space<hbm>>) dst(%arg9 : memref<128xi32, #tpu.memory_space<vmem>>)
      "tpu.region"() ({
        %run_scoped3A = tpu.sem_alloc : memref<!tpu.dma_semaphore, #tpu.memory_space<semaphore_mem>>
        %dma_start3A_100 = arith.constant 0 : i32
        %dma_start3A_101 = arith.constant 0 : i32
        %dma_start3A_102 = tpu.memref_slice %arg13[%dma_start3A_100, %dma_start3A_101] : memref<10240x128xf32, #tpu.memory_space<vmem_shared>> -> memref<10240x128xf32, #tpu.memory_space<vmem_shared>>
        tpu.enqueue_indirect_dma source(%arg11 : memref<128x128xf32, #tpu.memory_space<vmem>>) target(%dma_start3A_102 : memref<10240x128xf32, #tpu.memory_space<vmem_shared>>) offsets(%arg9 : memref<128xi32, #tpu.memory_space<vmem>>) semaphore(%run_scoped3A : memref<!tpu.dma_semaphore, #tpu.memory_space<semaphore_mem>>) {add = true}
        %dma_wait3A_103 = arith.constant 0 : i32
        %dma_wait3A_104 = arith.constant 0 : i32
        %dma_wait3A_105 = tpu.memref_slice %arg13[%dma_wait3A_103, %dma_wait3A_104] : memref<10240x128xf32, #tpu.memory_space<vmem_shared>> -> memref<10240x128xf32, #tpu.memory_space<vmem_shared>>
        tpu.wait_indirect_dma semaphore(%run_scoped3A : memref<!tpu.dma_semaphore, #tpu.memory_space<semaphore_mem>>) src(%arg11 : memref<128x128xf32, #tpu.memory_space<vmem>>) dst(%dma_wait3A_105 : memref<10240x128xf32, #tpu.memory_space<vmem_shared>>)
        tpu.yield
      }) : () -> ()
      %sub3A_81 = arith.constant 1 : i32
      %sub3A_82 = arith.subi %select_n3A, %sub3A_81 : i32
      %lt3A = arith.cmpi slt, %while3A_61, %sub3A_82 : i32
      %convert_element_type3A = arith.extui %lt3A : i1 to i32
      %cond3A = arith.constant 0 : i32
      %cond3A_83 = arith.cmpi ne, %convert_element_type3A, %cond3A : i32
      scf.if %cond3A_83 {
        %add3A_100 = arith.constant 2 : i32
        %add3A_101 = arith.addi %mul3A_63, %add3A_100 : i32
        %add3A_102 = arith.addi %add3A, %add3A_101 : i32
        %mul3A_103 = arith.constant 128 : i32
        %mul3A_104 = arith.muli %add3A_102, %mul3A_103 : i32
        %dma_start3A_105 = tpu.memref_slice %arg3[%mul3A_104] : memref<327680xi32, #tpu.memory_space<hbm>> -> memref<128xi32, #tpu.memory_space<hbm>>
        %dma_start3A_106 = tpu.memref_slice %arg3[%mul3A_104] : memref<327680xi32, #tpu.memory_space<hbm>> -> memref<128xi32, #tpu.memory_space<hbm>>
        tpu.enqueue_dma source(%dma_start3A_106 : memref<128xi32, #tpu.memory_space<hbm>>) target(%arg7 : memref<128xi32, #tpu.memory_space<vmem>>) target_semaphore(%arg14 : memref<!tpu.dma_semaphore, #tpu.memory_space<semaphore_mem>>)
        %dma_start3A_107 = tpu.memref_slice %arg4[%mul3A_104] : memref<327680xi32, #tpu.memory_space<hbm>> -> memref<128xi32, #tpu.memory_space<hbm>>
        %dma_start3A_108 = tpu.memref_slice %arg4[%mul3A_104] : memref<327680xi32, #tpu.memory_space<hbm>> -> memref<128xi32, #tpu.memory_space<hbm>>
        tpu.enqueue_dma source(%dma_start3A_108 : memref<128xi32, #tpu.memory_space<hbm>>) target(%arg9 : memref<128xi32, #tpu.memory_space<vmem>>) target_semaphore(%arg16 : memref<!tpu.dma_semaphore, #tpu.memory_space<semaphore_mem>>)
      } else {
      }
      %dma_wait3A_84 = arith.constant 0 : i32
      %dma_wait3A_85 = arith.constant 0 : i32
      %dma_wait3A_86 = tpu.memref_slice %arg2[%dma_wait3A_84, %dma_wait3A_85] : memref<10240x128xf32, #tpu.memory_space<hbm>> -> memref<128x128xf32, #tpu.memory_space<hbm>>
      %dma_wait3A_87 = arith.constant 0 : i32
      %dma_wait3A_88 = arith.constant 0 : i32
      %dma_wait3A_89 = tpu.memref_slice %arg2[%dma_wait3A_87, %dma_wait3A_88] : memref<10240x128xf32, #tpu.memory_space<hbm>> -> memref<128x128xf32, #tpu.memory_space<hbm>>
      tpu.wait_dma2 semaphore(%arg19 : memref<!tpu.dma_semaphore, #tpu.memory_space<semaphore_mem>>) src(%dma_wait3A_89 : memref<128x128xf32, #tpu.memory_space<hbm>>) dst(%arg12 : memref<128x128xf32, #tpu.memory_space<vmem>>)
      %dma_wait3A_90 = arith.constant 0 : i32
      %dma_wait3A_91 = tpu.memref_slice %arg3[%dma_wait3A_90] : memref<327680xi32, #tpu.memory_space<hbm>> -> memref<128xi32, #tpu.memory_space<hbm>>
      %dma_wait3A_92 = arith.constant 0 : i32
      %dma_wait3A_93 = tpu.memref_slice %arg3[%dma_wait3A_92] : memref<327680xi32, #tpu.memory_space<hbm>> -> memref<128xi32, #tpu.memory_space<hbm>>
      tpu.wait_dma2 semaphore(%arg17 : memref<!tpu.dma_semaphore, #tpu.memory_space<semaphore_mem>>) src(%dma_wait3A_93 : memref<128xi32, #tpu.memory_space<hbm>>) dst(%arg10 : memref<128xi32, #tpu.memory_space<vmem>>)
      "tpu.region"() ({
        %run_scoped3A = tpu.sem_alloc : memref<!tpu.dma_semaphore, #tpu.memory_space<semaphore_mem>>
        %dma_start3A_100 = arith.constant 0 : i32
        %dma_start3A_101 = arith.constant 0 : i32
        %dma_start3A_102 = tpu.memref_slice %arg13[%dma_start3A_100, %dma_start3A_101] : memref<10240x128xf32, #tpu.memory_space<vmem_shared>> -> memref<10240x128xf32, #tpu.memory_space<vmem_shared>>
        tpu.enqueue_indirect_dma source(%arg12 : memref<128x128xf32, #tpu.memory_space<vmem>>) target(%dma_start3A_102 : memref<10240x128xf32, #tpu.memory_space<vmem_shared>>) offsets(%arg10 : memref<128xi32, #tpu.memory_space<vmem>>) semaphore(%run_scoped3A : memref<!tpu.dma_semaphore, #tpu.memory_space<semaphore_mem>>) {add = true}
        %dma_wait3A_103 = arith.constant 0 : i32
        %dma_wait3A_104 = arith.constant 0 : i32
        %dma_wait3A_105 = tpu.memref_slice %arg13[%dma_wait3A_103, %dma_wait3A_104] : memref<10240x128xf32, #tpu.memory_space<vmem_shared>> -> memref<10240x128xf32, #tpu.memory_space<vmem_shared>>
        tpu.wait_indirect_dma semaphore(%run_scoped3A : memref<!tpu.dma_semaphore, #tpu.memory_space<semaphore_mem>>) src(%arg12 : memref<128x128xf32, #tpu.memory_space<vmem>>) dst(%dma_wait3A_105 : memref<10240x128xf32, #tpu.memory_space<vmem_shared>>)
        tpu.yield
      }) : () -> ()
      %sub3A_94 = arith.constant 1 : i32
      %sub3A_95 = arith.subi %select_n3A, %sub3A_94 : i32
      %lt3A_96 = arith.cmpi slt, %while3A_61, %sub3A_95 : i32
      %convert_element_type3A_97 = arith.extui %lt3A_96 : i1 to i32
      %cond3A_98 = arith.constant 0 : i32
      %cond3A_99 = arith.cmpi ne, %convert_element_type3A_97, %cond3A_98 : i32
      scf.if %cond3A_99 {
        %dma_wait3A_100 = arith.constant 0 : i32
        %dma_wait3A_101 = tpu.memref_slice %arg3[%dma_wait3A_100] : memref<327680xi32, #tpu.memory_space<hbm>> -> memref<128xi32, #tpu.memory_space<hbm>>
        %dma_wait3A_102 = arith.constant 0 : i32
        %dma_wait3A_103 = tpu.memref_slice %arg3[%dma_wait3A_102] : memref<327680xi32, #tpu.memory_space<hbm>> -> memref<128xi32, #tpu.memory_space<hbm>>
        tpu.wait_dma2 semaphore(%arg14 : memref<!tpu.dma_semaphore, #tpu.memory_space<semaphore_mem>>) src(%dma_wait3A_103 : memref<128xi32, #tpu.memory_space<hbm>>) dst(%arg7 : memref<128xi32, #tpu.memory_space<vmem>>)
        %dma_start3A_104 = arith.constant 0 : i32
        %dma_start3A_105 = arith.constant 0 : i32
        %dma_start3A_106 = tpu.memref_slice %arg2[%dma_start3A_104, %dma_start3A_105] : memref<10240x128xf32, #tpu.memory_space<hbm>> -> memref<10240x128xf32, #tpu.memory_space<hbm>>
        tpu.enqueue_indirect_dma source(%dma_start3A_106 : memref<10240x128xf32, #tpu.memory_space<hbm>>) target(%arg11 : memref<128x128xf32, #tpu.memory_space<vmem>>) offsets(%arg7 : memref<128xi32, #tpu.memory_space<vmem>>) semaphore(%arg18 : memref<!tpu.dma_semaphore, #tpu.memory_space<semaphore_mem>>)
        %add3A_107 = arith.constant 3 : i32
        %add3A_108 = arith.addi %mul3A_63, %add3A_107 : i32
        %add3A_109 = arith.addi %add3A, %add3A_108 : i32
        %mul3A_110 = arith.constant 128 : i32
        %mul3A_111 = arith.muli %add3A_109, %mul3A_110 : i32
        %dma_start3A_112 = tpu.memref_slice %arg3[%mul3A_111] : memref<327680xi32, #tpu.memory_space<hbm>> -> memref<128xi32, #tpu.memory_space<hbm>>
        %dma_start3A_113 = tpu.memref_slice %arg3[%mul3A_111] : memref<327680xi32, #tpu.memory_space<hbm>> -> memref<128xi32, #tpu.memory_space<hbm>>
        tpu.enqueue_dma source(%dma_start3A_113 : memref<128xi32, #tpu.memory_space<hbm>>) target(%arg8 : memref<128xi32, #tpu.memory_space<vmem>>) target_semaphore(%arg15 : memref<!tpu.dma_semaphore, #tpu.memory_space<semaphore_mem>>)
        %dma_start3A_114 = tpu.memref_slice %arg4[%mul3A_111] : memref<327680xi32, #tpu.memory_space<hbm>> -> memref<128xi32, #tpu.memory_space<hbm>>
        %dma_start3A_115 = tpu.memref_slice %arg4[%mul3A_111] : memref<327680xi32, #tpu.memory_space<hbm>> -> memref<128xi32, #tpu.memory_space<hbm>>
        tpu.enqueue_dma source(%dma_start3A_115 : memref<128xi32, #tpu.memory_space<hbm>>) target(%arg10 : memref<128xi32, #tpu.memory_space<vmem>>) target_semaphore(%arg17 : memref<!tpu.dma_semaphore, #tpu.memory_space<semaphore_mem>>)
      } else {
      }
    }
    %while3A_55 = arith.constant 1 : i32
    scf.for %while3A_61 = %while3A_53 to %while3A_49 step %while3A_55  : i32 {
      %mul3A_62 = arith.constant 2 : i32
      %mul3A_63 = arith.muli %mul3A_62, %while3A_61 : i32
      %dma_wait3A_64 = arith.constant 0 : i32
      %dma_wait3A_65 = tpu.memref_slice %arg3[%dma_wait3A_64] : memref<327680xi32, #tpu.memory_space<hbm>> -> memref<128xi32, #tpu.memory_space<hbm>>
      %dma_wait3A_66 = arith.constant 0 : i32
      %dma_wait3A_67 = tpu.memref_slice %arg3[%dma_wait3A_66] : memref<327680xi32, #tpu.memory_space<hbm>> -> memref<128xi32, #tpu.memory_space<hbm>>
      tpu.wait_dma2 semaphore(%arg15 : memref<!tpu.dma_semaphore, #tpu.memory_space<semaphore_mem>>) src(%dma_wait3A_67 : memref<128xi32, #tpu.memory_space<hbm>>) dst(%arg8 : memref<128xi32, #tpu.memory_space<vmem>>)
      %dma_start3A_68 = arith.constant 0 : i32
      %dma_start3A_69 = arith.constant 0 : i32
      %dma_start3A_70 = tpu.memref_slice %arg2[%dma_start3A_68, %dma_start3A_69] : memref<10240x128xf32, #tpu.memory_space<hbm>> -> memref<10240x128xf32, #tpu.memory_space<hbm>>
      tpu.enqueue_indirect_dma source(%dma_start3A_70 : memref<10240x128xf32, #tpu.memory_space<hbm>>) target(%arg12 : memref<128x128xf32, #tpu.memory_space<vmem>>) offsets(%arg8 : memref<128xi32, #tpu.memory_space<vmem>>) semaphore(%arg19 : memref<!tpu.dma_semaphore, #tpu.memory_space<semaphore_mem>>)
      %dma_wait3A_71 = arith.constant 0 : i32
      %dma_wait3A_72 = arith.constant 0 : i32
      %dma_wait3A_73 = tpu.memref_slice %arg2[%dma_wait3A_71, %dma_wait3A_72] : memref<10240x128xf32, #tpu.memory_space<hbm>> -> memref<128x128xf32, #tpu.memory_space<hbm>>
      %dma_wait3A_74 = arith.constant 0 : i32
      %dma_wait3A_75 = arith.constant 0 : i32
      %dma_wait3A_76 = tpu.memref_slice %arg2[%dma_wait3A_74, %dma_wait3A_75] : memref<10240x128xf32, #tpu.memory_space<hbm>> -> memref<128x128xf32, #tpu.memory_space<hbm>>
      tpu.wait_dma2 semaphore(%arg18 : memref<!tpu.dma_semaphore, #tpu.memory_space<semaphore_mem>>) src(%dma_wait3A_76 : memref<128x128xf32, #tpu.memory_space<hbm>>) dst(%arg11 : memref<128x128xf32, #tpu.memory_space<vmem>>)
      %dma_wait3A_77 = arith.constant 0 : i32
      %dma_wait3A_78 = tpu.memref_slice %arg3[%dma_wait3A_77] : memref<327680xi32, #tpu.memory_space<hbm>> -> memref<128xi32, #tpu.memory_space<hbm>>
      %dma_wait3A_79 = arith.constant 0 : i32
      %dma_wait3A_80 = tpu.memref_slice %arg3[%dma_wait3A_79] : memref<327680xi32, #tpu.memory_space<hbm>> -> memref<128xi32, #tpu.memory_space<hbm>>
      tpu.wait_dma2 semaphore(%arg16 : memref<!tpu.dma_semaphore, #tpu.memory_space<semaphore_mem>>) src(%dma_wait3A_80 : memref<128xi32, #tpu.memory_space<hbm>>) dst(%arg9 : memref<128xi32, #tpu.memory_space<vmem>>)
      "tpu.region"() ({
        %run_scoped3A = tpu.sem_alloc : memref<!tpu.dma_semaphore, #tpu.memory_space<semaphore_mem>>
        %dma_start3A_100 = arith.constant 0 : i32
        %dma_start3A_101 = arith.constant 0 : i32
        %dma_start3A_102 = tpu.memref_slice %arg13[%dma_start3A_100, %dma_start3A_101] : memref<10240x128xf32, #tpu.memory_space<vmem_shared>> -> memref<10240x128xf32, #tpu.memory_space<vmem_shared>>
        tpu.enqueue_indirect_dma source(%arg11 : memref<128x128xf32, #tpu.memory_space<vmem>>) target(%dma_start3A_102 : memref<10240x128xf32, #tpu.memory_space<vmem_shared>>) offsets(%arg9 : memref<128xi32, #tpu.memory_space<vmem>>) semaphore(%run_scoped3A : memref<!tpu.dma_semaphore, #tpu.memory_space<semaphore_mem>>) {add = true}
        %dma_wait3A_103 = arith.constant 0 : i32
        %dma_wait3A_104 = arith.constant 0 : i32
        %dma_wait3A_105 = tpu.memref_slice %arg13[%dma_wait3A_103, %dma_wait3A_104] : memref<10240x128xf32, #tpu.memory_space<vmem_shared>> -> memref<10240x128xf32, #tpu.memory_space<vmem_shared>>
        tpu.wait_indirect_dma semaphore(%run_scoped3A : memref<!tpu.dma_semaphore, #tpu.memory_space<semaphore_mem>>) src(%arg11 : memref<128x128xf32, #tpu.memory_space<vmem>>) dst(%dma_wait3A_105 : memref<10240x128xf32, #tpu.memory_space<vmem_shared>>)
        tpu.yield
      }) : () -> ()
      %sub3A_81 = arith.constant 1 : i32
      %sub3A_82 = arith.subi %select_n3A, %sub3A_81 : i32
      %lt3A = arith.cmpi slt, %while3A_61, %sub3A_82 : i32
      %convert_element_type3A = arith.extui %lt3A : i1 to i32
      %cond3A = arith.constant 0 : i32
      %cond3A_83 = arith.cmpi ne, %convert_element_type3A, %cond3A : i32
      scf.if %cond3A_83 {
        %add3A_100 = arith.constant 2 : i32
        %add3A_101 = arith.addi %mul3A_63, %add3A_100 : i32
        %add3A_102 = arith.addi %add3A, %add3A_101 : i32
        %mul3A_103 = arith.constant 128 : i32
        %mul3A_104 = arith.muli %add3A_102, %mul3A_103 : i32
        %dma_start3A_105 = tpu.memref_slice %arg3[%mul3A_104] : memref<327680xi32, #tpu.memory_space<hbm>> -> memref<128xi32, #tpu.memory_space<hbm>>
        %dma_start3A_106 = tpu.memref_slice %arg3[%mul3A_104] : memref<327680xi32, #tpu.memory_space<hbm>> -> memref<128xi32, #tpu.memory_space<hbm>>
        tpu.enqueue_dma source(%dma_start3A_106 : memref<128xi32, #tpu.memory_space<hbm>>) target(%arg7 : memref<128xi32, #tpu.memory_space<vmem>>) target_semaphore(%arg14 : memref<!tpu.dma_semaphore, #tpu.memory_space<semaphore_mem>>)
        %dma_start3A_107 = tpu.memref_slice %arg4[%mul3A_104] : memref<327680xi32, #tpu.memory_space<hbm>> -> memref<128xi32, #tpu.memory_space<hbm>>
        %dma_start3A_108 = tpu.memref_slice %arg4[%mul3A_104] : memref<327680xi32, #tpu.memory_space<hbm>> -> memref<128xi32, #tpu.memory_space<hbm>>
        tpu.enqueue_dma source(%dma_start3A_108 : memref<128xi32, #tpu.memory_space<hbm>>) target(%arg9 : memref<128xi32, #tpu.memory_space<vmem>>) target_semaphore(%arg16 : memref<!tpu.dma_semaphore, #tpu.memory_space<semaphore_mem>>)
      } else {
      }
      %dma_wait3A_84 = arith.constant 0 : i32
      %dma_wait3A_85 = arith.constant 0 : i32
      %dma_wait3A_86 = tpu.memref_slice %arg2[%dma_wait3A_84, %dma_wait3A_85] : memref<10240x128xf32, #tpu.memory_space<hbm>> -> memref<128x128xf32, #tpu.memory_space<hbm>>
      %dma_wait3A_87 = arith.constant 0 : i32
      %dma_wait3A_88 = arith.constant 0 : i32
      %dma_wait3A_89 = tpu.memref_slice %arg2[%dma_wait3A_87, %dma_wait3A_88] : memref<10240x128xf32, #tpu.memory_space<hbm>> -> memref<128x128xf32, #tpu.memory_space<hbm>>
      tpu.wait_dma2 semaphore(%arg19 : memref<!tpu.dma_semaphore, #tpu.memory_space<semaphore_mem>>) src(%dma_wait3A_89 : memref<128x128xf32, #tpu.memory_space<hbm>>) dst(%arg12 : memref<128x128xf32, #tpu.memory_space<vmem>>)
      %dma_wait3A_90 = arith.constant 0 : i32
      %dma_wait3A_91 = tpu.memref_slice %arg3[%dma_wait3A_90] : memref<327680xi32, #tpu.memory_space<hbm>> -> memref<128xi32, #tpu.memory_space<hbm>>
      %dma_wait3A_92 = arith.constant 0 : i32
      %dma_wait3A_93 = tpu.memref_slice %arg3[%dma_wait3A_92] : memref<327680xi32, #tpu.memory_space<hbm>> -> memref<128xi32, #tpu.memory_space<hbm>>
      tpu.wait_dma2 semaphore(%arg17 : memref<!tpu.dma_semaphore, #tpu.memory_space<semaphore_mem>>) src(%dma_wait3A_93 : memref<128xi32, #tpu.memory_space<hbm>>) dst(%arg10 : memref<128xi32, #tpu.memory_space<vmem>>)
      "tpu.region"() ({
        %run_scoped3A = tpu.sem_alloc : memref<!tpu.dma_semaphore, #tpu.memory_space<semaphore_mem>>
        %dma_start3A_100 = arith.constant 0 : i32
        %dma_start3A_101 = arith.constant 0 : i32
        %dma_start3A_102 = tpu.memref_slice %arg13[%dma_start3A_100, %dma_start3A_101] : memref<10240x128xf32, #tpu.memory_space<vmem_shared>> -> memref<10240x128xf32, #tpu.memory_space<vmem_shared>>
        tpu.enqueue_indirect_dma source(%arg12 : memref<128x128xf32, #tpu.memory_space<vmem>>) target(%dma_start3A_102 : memref<10240x128xf32, #tpu.memory_space<vmem_shared>>) offsets(%arg10 : memref<128xi32, #tpu.memory_space<vmem>>) semaphore(%run_scoped3A : memref<!tpu.dma_semaphore, #tpu.memory_space<semaphore_mem>>) {add = true}
        %dma_wait3A_103 = arith.constant 0 : i32
        %dma_wait3A_104 = arith.constant 0 : i32
        %dma_wait3A_105 = tpu.memref_slice %arg13[%dma_wait3A_103, %dma_wait3A_104] : memref<10240x128xf32, #tpu.memory_space<vmem_shared>> -> memref<10240x128xf32, #tpu.memory_space<vmem_shared>>
        tpu.wait_indirect_dma semaphore(%run_scoped3A : memref<!tpu.dma_semaphore, #tpu.memory_space<semaphore_mem>>) src(%arg12 : memref<128x128xf32, #tpu.memory_space<vmem>>) dst(%dma_wait3A_105 : memref<10240x128xf32, #tpu.memory_space<vmem_shared>>)
        tpu.yield
      }) : () -> ()
      %sub3A_94 = arith.constant 1 : i32
      %sub3A_95 = arith.subi %select_n3A, %sub3A_94 : i32
      %lt3A_96 = arith.cmpi slt, %while3A_61, %sub3A_95 : i32
      %convert_element_type3A_97 = arith.extui %lt3A_96 : i1 to i32
      %cond3A_98 = arith.constant 0 : i32
      %cond3A_99 = arith.cmpi ne, %convert_element_type3A_97, %cond3A_98 : i32
      scf.if %cond3A_99 {
        %dma_wait3A_100 = arith.constant 0 : i32
        %dma_wait3A_101 = tpu.memref_slice %arg3[%dma_wait3A_100] : memref<327680xi32, #tpu.memory_space<hbm>> -> memref<128xi32, #tpu.memory_space<hbm>>
        %dma_wait3A_102 = arith.constant 0 : i32
        %dma_wait3A_103 = tpu.memref_slice %arg3[%dma_wait3A_102] : memref<327680xi32, #tpu.memory_space<hbm>> -> memref<128xi32, #tpu.memory_space<hbm>>
        tpu.wait_dma2 semaphore(%arg14 : memref<!tpu.dma_semaphore, #tpu.memory_space<semaphore_mem>>) src(%dma_wait3A_103 : memref<128xi32, #tpu.memory_space<hbm>>) dst(%arg7 : memref<128xi32, #tpu.memory_space<vmem>>)
        %dma_start3A_104 = arith.constant 0 : i32
        %dma_start3A_105 = arith.constant 0 : i32
        %dma_start3A_106 = tpu.memref_slice %arg2[%dma_start3A_104, %dma_start3A_105] : memref<10240x128xf32, #tpu.memory_space<hbm>> -> memref<10240x128xf32, #tpu.memory_space<hbm>>
        tpu.enqueue_indirect_dma source(%dma_start3A_106 : memref<10240x128xf32, #tpu.memory_space<hbm>>) target(%arg11 : memref<128x128xf32, #tpu.memory_space<vmem>>) offsets(%arg7 : memref<128xi32, #tpu.memory_space<vmem>>) semaphore(%arg18 : memref<!tpu.dma_semaphore, #tpu.memory_space<semaphore_mem>>)
        %add3A_107 = arith.constant 3 : i32
        %add3A_108 = arith.addi %mul3A_63, %add3A_107 : i32
        %add3A_109 = arith.addi %add3A, %add3A_108 : i32
        %mul3A_110 = arith.constant 128 : i32
        %mul3A_111 = arith.muli %add3A_109, %mul3A_110 : i32
        %dma_start3A_112 = tpu.memref_slice %arg3[%mul3A_111] : memref<327680xi32, #tpu.memory_space<hbm>> -> memref<128xi32, #tpu.memory_space<hbm>>
        %dma_start3A_113 = tpu.memref_slice %arg3[%mul3A_111] : memref<327680xi32, #tpu.memory_space<hbm>> -> memref<128xi32, #tpu.memory_space<hbm>>
        tpu.enqueue_dma source(%dma_start3A_113 : memref<128xi32, #tpu.memory_space<hbm>>) target(%arg8 : memref<128xi32, #tpu.memory_space<vmem>>) target_semaphore(%arg15 : memref<!tpu.dma_semaphore, #tpu.memory_space<semaphore_mem>>)
        %dma_start3A_114 = tpu.memref_slice %arg4[%mul3A_111] : memref<327680xi32, #tpu.memory_space<hbm>> -> memref<128xi32, #tpu.memory_space<hbm>>
        %dma_start3A_115 = tpu.memref_slice %arg4[%mul3A_111] : memref<327680xi32, #tpu.memory_space<hbm>> -> memref<128xi32, #tpu.memory_space<hbm>>
        tpu.enqueue_dma source(%dma_start3A_115 : memref<128xi32, #tpu.memory_space<hbm>>) target(%arg10 : memref<128xi32, #tpu.memory_space<vmem>>) target_semaphore(%arg17 : memref<!tpu.dma_semaphore, #tpu.memory_space<semaphore_mem>>)
      } else {
      }
    }
    %barrier3A_56 = arith.constant 0 : index
    tpu.barrier barrier_id(%barrier3A_56)
    %mul3A_57 = arith.constant 640 : i32
    %mul3A_58 = arith.muli %arg1, %mul3A_57 : i32
    %mul3A_59 = arith.constant 640 : i32
    %mul3A_60 = arith.muli %arg1, %mul3A_59 : i32
    "tpu.region"() ({
      %run_scoped3A = tpu.sem_alloc : memref<!tpu.dma_semaphore, #tpu.memory_space<semaphore_mem>>
      %dma_start3A_61 = arith.constant 0 : i32
      %dma_start3A_62 = tpu.memref_slice %arg6[%arg0, %mul3A_60, %dma_start3A_61] : memref<2x10240x128xf32, #tpu.memory_space<hbm>> -> memref<1x640x128xf32, #tpu.memory_space<hbm>>
      %dma_start3A_63 = tpu.memref_squeeze %dma_start3A_62 : memref<1x640x128xf32, #tpu.memory_space<hbm>> -> memref<640x128xf32, #tpu.memory_space<hbm>>
      %dma_start3A_64 = arith.constant 0 : i32
      %dma_start3A_65 = tpu.memref_slice %arg13[%mul3A_58, %dma_start3A_64] : memref<10240x128xf32, #tpu.memory_space<vmem_shared>> -> memref<640x128xf32, #tpu.memory_space<vmem_shared>>
      tpu.enqueue_dma source(%dma_start3A_65 : memref<640x128xf32, #tpu.memory_space<vmem_shared>>) target(%dma_start3A_63 : memref<640x128xf32, #tpu.memory_space<hbm>>) target_semaphore(%run_scoped3A : memref<!tpu.dma_semaphore, #tpu.memory_space<semaphore_mem>>)
      %dma_wait3A_66 = arith.constant 0 : i32
      %dma_wait3A_67 = tpu.memref_slice %arg6[%arg0, %mul3A_60, %dma_wait3A_66] : memref<2x10240x128xf32, #tpu.memory_space<hbm>> -> memref<1x640x128xf32, #tpu.memory_space<hbm>>
      %dma_wait3A_68 = tpu.memref_squeeze %dma_wait3A_67 : memref<1x640x128xf32, #tpu.memory_space<hbm>> -> memref<640x128xf32, #tpu.memory_space<hbm>>
      %dma_wait3A_69 = arith.constant 0 : i32
      %dma_wait3A_70 = tpu.memref_slice %arg13[%mul3A_58, %dma_wait3A_69] : memref<10240x128xf32, #tpu.memory_space<vmem_shared>> -> memref<640x128xf32, #tpu.memory_space<vmem_shared>>
      tpu.wait_dma2 semaphore(%run_scoped3A : memref<!tpu.dma_semaphore, #tpu.memory_space<semaphore_mem>>) src(%dma_wait3A_70 : memref<640x128xf32, #tpu.memory_space<vmem_shared>>) dst(%dma_wait3A_68 : memref<640x128xf32, #tpu.memory_space<hbm>>)
      tpu.yield
    }) : () -> ()
    return
  }
}

#map = affine_map<(d0, d1) -> (0, 0)>
#map1 = affine_map<(d0, d1) -> (0)>
module attributes {stable_mosaic.version = 14 : i64} {
  func.func @k(%arg0: i32, %arg1: i32, %arg2: memref<10240x128xf32, #tpu.memory_space<hbm>>, %arg3: memref<16384xi32, #tpu.memory_space<hbm>>, %arg4: memref<16384xi32, #tpu.memory_space<hbm>>, %arg5: memref<16384x128xf32, #tpu.memory_space<hbm>>, %arg6: memref<16384x128xf32, #tpu.memory_space<hbm>>, %arg7: memref<1024xi32, #tpu.memory_space<vmem>>, %arg8: memref<1024xi32, #tpu.memory_space<vmem>>, %arg9: memref<128x128xf32, #tpu.memory_space<vmem>>, %arg10: memref<128x128xf32, #tpu.memory_space<vmem>>, %arg11: memref<128x128xf32, #tpu.memory_space<vmem>>, %arg12: memref<128x128xf32, #tpu.memory_space<vmem>>, %arg13: memref<!tpu.dma_semaphore, #tpu.memory_space<semaphore_mem>>, %arg14: memref<!tpu.dma_semaphore, #tpu.memory_space<semaphore_mem>>, %arg15: memref<!tpu.dma_semaphore, #tpu.memory_space<semaphore_mem>>, %arg16: memref<!tpu.dma_semaphore, #tpu.memory_space<semaphore_mem>>, %arg17: memref<!tpu.dma_semaphore, #tpu.memory_space<semaphore_mem>>, %arg18: memref<!tpu.dma_semaphore, #tpu.memory_space<semaphore_mem>>, %arg19: memref<!tpu.dma_semaphore, #tpu.memory_space<semaphore_mem>>, %arg20: memref<!tpu.dma_semaphore, #tpu.memory_space<semaphore_mem>>) attributes {dimension_semantics = [#tpu.dimension_semantics<core_parallel>, #tpu.dimension_semantics<subcore_parallel>], iteration_bounds = array<i64: 1, 16>, scalar_prefetch = 0 : i64, scratch_operands = 14 : i64, tpu.core_type = #tpu.core_type<sc_vector_subcore>, window_params = [{transform_indices = #map}, {transform_indices = #map1}, {transform_indices = #map1}, {transform_indices = #map}, {transform_indices = #map}]} {
    %mul3A = arith.constant 16 : i32
    %mul3A_0 = arith.muli %arg0, %mul3A : i32
    %add3A = arith.addi %mul3A_0, %arg1 : i32
    %mul3A_1 = arith.constant 8 : i32
    %mul3A_2 = arith.muli %add3A, %mul3A_1 : i32
    %mul3A_3 = arith.constant 128 : i32
    %mul3A_4 = arith.muli %mul3A_2, %mul3A_3 : i32
    "tpu.region"() ({
      %run_scoped3A = tpu.sem_alloc : memref<!tpu.dma_semaphore, #tpu.memory_space<semaphore_mem>>
      %dma_start3A_44 = tpu.memref_slice %arg3[%mul3A_4] : memref<16384xi32, #tpu.memory_space<hbm>> -> memref<1024xi32, #tpu.memory_space<hbm>>
      %dma_start3A_45 = tpu.memref_slice %arg3[%mul3A_4] : memref<16384xi32, #tpu.memory_space<hbm>> -> memref<1024xi32, #tpu.memory_space<hbm>>
      tpu.enqueue_dma source(%dma_start3A_45 : memref<1024xi32, #tpu.memory_space<hbm>>) target(%arg7 : memref<1024xi32, #tpu.memory_space<vmem>>) target_semaphore(%run_scoped3A : memref<!tpu.dma_semaphore, #tpu.memory_space<semaphore_mem>>)
      %dma_wait3A_46 = tpu.memref_slice %arg3[%mul3A_4] : memref<16384xi32, #tpu.memory_space<hbm>> -> memref<1024xi32, #tpu.memory_space<hbm>>
      %dma_wait3A_47 = tpu.memref_slice %arg3[%mul3A_4] : memref<16384xi32, #tpu.memory_space<hbm>> -> memref<1024xi32, #tpu.memory_space<hbm>>
      tpu.wait_dma2 semaphore(%run_scoped3A : memref<!tpu.dma_semaphore, #tpu.memory_space<semaphore_mem>>) src(%dma_wait3A_47 : memref<1024xi32, #tpu.memory_space<hbm>>) dst(%arg7 : memref<1024xi32, #tpu.memory_space<vmem>>)
      tpu.yield
    }) : () -> ()
    %mul3A_5 = arith.constant 128 : i32
    %mul3A_6 = arith.muli %mul3A_2, %mul3A_5 : i32
    "tpu.region"() ({
      %run_scoped3A = tpu.sem_alloc : memref<!tpu.dma_semaphore, #tpu.memory_space<semaphore_mem>>
      %dma_start3A_44 = tpu.memref_slice %arg4[%mul3A_6] : memref<16384xi32, #tpu.memory_space<hbm>> -> memref<1024xi32, #tpu.memory_space<hbm>>
      %dma_start3A_45 = tpu.memref_slice %arg4[%mul3A_6] : memref<16384xi32, #tpu.memory_space<hbm>> -> memref<1024xi32, #tpu.memory_space<hbm>>
      tpu.enqueue_dma source(%dma_start3A_45 : memref<1024xi32, #tpu.memory_space<hbm>>) target(%arg8 : memref<1024xi32, #tpu.memory_space<vmem>>) target_semaphore(%run_scoped3A : memref<!tpu.dma_semaphore, #tpu.memory_space<semaphore_mem>>)
      %dma_wait3A_46 = tpu.memref_slice %arg4[%mul3A_6] : memref<16384xi32, #tpu.memory_space<hbm>> -> memref<1024xi32, #tpu.memory_space<hbm>>
      %dma_wait3A_47 = tpu.memref_slice %arg4[%mul3A_6] : memref<16384xi32, #tpu.memory_space<hbm>> -> memref<1024xi32, #tpu.memory_space<hbm>>
      tpu.wait_dma2 semaphore(%run_scoped3A : memref<!tpu.dma_semaphore, #tpu.memory_space<semaphore_mem>>) src(%dma_wait3A_47 : memref<1024xi32, #tpu.memory_space<hbm>>) dst(%arg8 : memref<1024xi32, #tpu.memory_space<vmem>>)
      tpu.yield
    }) : () -> ()
    %dma_start3A = arith.constant 0 : i32
    %dma_start3A_7 = tpu.memref_slice %arg7[%dma_start3A] : memref<1024xi32, #tpu.memory_space<vmem>> -> memref<128xi32, #tpu.memory_space<vmem>>
    %dma_start3A_8 = arith.constant 0 : i32
    %dma_start3A_9 = arith.constant 0 : i32
    %dma_start3A_10 = tpu.memref_slice %arg2[%dma_start3A_8, %dma_start3A_9] : memref<10240x128xf32, #tpu.memory_space<hbm>> -> memref<10240x128xf32, #tpu.memory_space<hbm>>
    tpu.enqueue_indirect_dma source(%dma_start3A_10 : memref<10240x128xf32, #tpu.memory_space<hbm>>) target(%arg9 : memref<128x128xf32, #tpu.memory_space<vmem>>) offsets(%dma_start3A_7 : memref<128xi32, #tpu.memory_space<vmem>>) semaphore(%arg13 : memref<!tpu.dma_semaphore, #tpu.memory_space<semaphore_mem>>)
    %dma_start3A_11 = arith.constant 0 : i32
    %dma_start3A_12 = tpu.memref_slice %arg8[%dma_start3A_11] : memref<1024xi32, #tpu.memory_space<vmem>> -> memref<128xi32, #tpu.memory_space<vmem>>
    %dma_start3A_13 = arith.constant 0 : i32
    %dma_start3A_14 = arith.constant 0 : i32
    %dma_start3A_15 = tpu.memref_slice %arg2[%dma_start3A_13, %dma_start3A_14] : memref<10240x128xf32, #tpu.memory_space<hbm>> -> memref<10240x128xf32, #tpu.memory_space<hbm>>
    tpu.enqueue_indirect_dma source(%dma_start3A_15 : memref<10240x128xf32, #tpu.memory_space<hbm>>) target(%arg11 : memref<128x128xf32, #tpu.memory_space<vmem>>) offsets(%dma_start3A_12 : memref<128xi32, #tpu.memory_space<vmem>>) semaphore(%arg15 : memref<!tpu.dma_semaphore, #tpu.memory_space<semaphore_mem>>)
    %scan3A = arith.constant 0 : i32
    %scan3A_16 = arith.constant 0 : i32
    %scan3A_17 = arith.constant 4 : i32
    %scan3A_18 = arith.addi %scan3A_16, %scan3A_17 : i32
    %scan3A_19 = arith.constant 1 : i32
    scf.for %scan3A_44 = %scan3A_16 to %scan3A_18 step %scan3A_19  : i32 {
      %mul3A_45 = arith.constant 2 : i32
      %mul3A_46 = arith.muli %mul3A_45, %scan3A_44 : i32
      %gt3A = arith.constant 0 : i32
      %gt3A_47 = arith.cmpi sgt, %scan3A_44, %gt3A : i32
      %convert_element_type3A = arith.extui %gt3A_47 : i1 to i32
      %cond3A = arith.constant 0 : i32
      %cond3A_48 = arith.cmpi ne, %convert_element_type3A, %cond3A : i32
      scf.if %cond3A_48 {
        %dma_wait3A_115 = arith.constant 0 : i32
        %dma_wait3A_116 = arith.constant 0 : i32
        %dma_wait3A_117 = tpu.memref_slice %arg5[%dma_wait3A_115, %dma_wait3A_116] : memref<16384x128xf32, #tpu.memory_space<hbm>> -> memref<128x128xf32, #tpu.memory_space<hbm>>
        %dma_wait3A_118 = arith.constant 0 : i32
        %dma_wait3A_119 = arith.constant 0 : i32
        %dma_wait3A_120 = tpu.memref_slice %arg5[%dma_wait3A_118, %dma_wait3A_119] : memref<16384x128xf32, #tpu.memory_space<hbm>> -> memref<128x128xf32, #tpu.memory_space<hbm>>
        tpu.wait_dma2 semaphore(%arg18 : memref<!tpu.dma_semaphore, #tpu.memory_space<semaphore_mem>>) src(%arg10 : memref<128x128xf32, #tpu.memory_space<vmem>>) dst(%dma_wait3A_120 : memref<128x128xf32, #tpu.memory_space<hbm>>)
        %dma_wait3A_121 = arith.constant 0 : i32
        %dma_wait3A_122 = arith.constant 0 : i32
        %dma_wait3A_123 = tpu.memref_slice %arg5[%dma_wait3A_121, %dma_wait3A_122] : memref<16384x128xf32, #tpu.memory_space<hbm>> -> memref<128x128xf32, #tpu.memory_space<hbm>>
        %dma_wait3A_124 = arith.constant 0 : i32
        %dma_wait3A_125 = arith.constant 0 : i32
        %dma_wait3A_126 = tpu.memref_slice %arg5[%dma_wait3A_124, %dma_wait3A_125] : memref<16384x128xf32, #tpu.memory_space<hbm>> -> memref<128x128xf32, #tpu.memory_space<hbm>>
        tpu.wait_dma2 semaphore(%arg20 : memref<!tpu.dma_semaphore, #tpu.memory_space<semaphore_mem>>) src(%arg12 : memref<128x128xf32, #tpu.memory_space<vmem>>) dst(%dma_wait3A_126 : memref<128x128xf32, #tpu.memory_space<hbm>>)
      } else {
      }
      %add3A_49 = arith.constant 1 : i32
      %add3A_50 = arith.addi %mul3A_46, %add3A_49 : i32
      %mul3A_51 = arith.constant 128 : i32
      %mul3A_52 = arith.muli %add3A_50, %mul3A_51 : i32
      %dma_start3A_53 = tpu.memref_slice %arg7[%mul3A_52] : memref<1024xi32, #tpu.memory_space<vmem>> -> memref<128xi32, #tpu.memory_space<vmem>>
      %dma_start3A_54 = arith.constant 0 : i32
      %dma_start3A_55 = arith.constant 0 : i32
      %dma_start3A_56 = tpu.memref_slice %arg2[%dma_start3A_54, %dma_start3A_55] : memref<10240x128xf32, #tpu.memory_space<hbm>> -> memref<10240x128xf32, #tpu.memory_space<hbm>>
      tpu.enqueue_indirect_dma source(%dma_start3A_56 : memref<10240x128xf32, #tpu.memory_space<hbm>>) target(%arg10 : memref<128x128xf32, #tpu.memory_space<vmem>>) offsets(%dma_start3A_53 : memref<128xi32, #tpu.memory_space<vmem>>) semaphore(%arg14 : memref<!tpu.dma_semaphore, #tpu.memory_space<semaphore_mem>>)
      %mul3A_57 = arith.constant 128 : i32
      %mul3A_58 = arith.muli %add3A_50, %mul3A_57 : i32
      %dma_start3A_59 = tpu.memref_slice %arg8[%mul3A_58] : memref<1024xi32, #tpu.memory_space<vmem>> -> memref<128xi32, #tpu.memory_space<vmem>>
      %dma_start3A_60 = arith.constant 0 : i32
      %dma_start3A_61 = arith.constant 0 : i32
      %dma_start3A_62 = tpu.memref_slice %arg2[%dma_start3A_60, %dma_start3A_61] : memref<10240x128xf32, #tpu.memory_space<hbm>> -> memref<10240x128xf32, #tpu.memory_space<hbm>>
      tpu.enqueue_indirect_dma source(%dma_start3A_62 : memref<10240x128xf32, #tpu.memory_space<hbm>>) target(%arg12 : memref<128x128xf32, #tpu.memory_space<vmem>>) offsets(%dma_start3A_59 : memref<128xi32, #tpu.memory_space<vmem>>) semaphore(%arg16 : memref<!tpu.dma_semaphore, #tpu.memory_space<semaphore_mem>>)
      %dma_wait3A_63 = arith.constant 0 : i32
      %dma_wait3A_64 = arith.constant 0 : i32
      %dma_wait3A_65 = tpu.memref_slice %arg2[%dma_wait3A_63, %dma_wait3A_64] : memref<10240x128xf32, #tpu.memory_space<hbm>> -> memref<128x128xf32, #tpu.memory_space<hbm>>
      %dma_wait3A_66 = arith.constant 0 : i32
      %dma_wait3A_67 = arith.constant 0 : i32
      %dma_wait3A_68 = tpu.memref_slice %arg2[%dma_wait3A_66, %dma_wait3A_67] : memref<10240x128xf32, #tpu.memory_space<hbm>> -> memref<128x128xf32, #tpu.memory_space<hbm>>
      tpu.wait_dma2 semaphore(%arg13 : memref<!tpu.dma_semaphore, #tpu.memory_space<semaphore_mem>>) src(%dma_wait3A_68 : memref<128x128xf32, #tpu.memory_space<hbm>>) dst(%arg9 : memref<128x128xf32, #tpu.memory_space<vmem>>)
      %dma_wait3A_69 = arith.constant 0 : i32
      %dma_wait3A_70 = arith.constant 0 : i32
      %dma_wait3A_71 = tpu.memref_slice %arg2[%dma_wait3A_69, %dma_wait3A_70] : memref<10240x128xf32, #tpu.memory_space<hbm>> -> memref<128x128xf32, #tpu.memory_space<hbm>>
      %dma_wait3A_72 = arith.constant 0 : i32
      %dma_wait3A_73 = arith.constant 0 : i32
      %dma_wait3A_74 = tpu.memref_slice %arg2[%dma_wait3A_72, %dma_wait3A_73] : memref<10240x128xf32, #tpu.memory_space<hbm>> -> memref<128x128xf32, #tpu.memory_space<hbm>>
      tpu.wait_dma2 semaphore(%arg15 : memref<!tpu.dma_semaphore, #tpu.memory_space<semaphore_mem>>) src(%dma_wait3A_74 : memref<128x128xf32, #tpu.memory_space<hbm>>) dst(%arg11 : memref<128x128xf32, #tpu.memory_space<vmem>>)
      %add3A_75 = arith.addi %mul3A_2, %mul3A_46 : i32
      %mul3A_76 = arith.constant 128 : i32
      %mul3A_77 = arith.muli %add3A_75, %mul3A_76 : i32
      %dma_start3A_78 = arith.constant 0 : i32
      %dma_start3A_79 = tpu.memref_slice %arg5[%mul3A_77, %dma_start3A_78] : memref<16384x128xf32, #tpu.memory_space<hbm>> -> memref<128x128xf32, #tpu.memory_space<hbm>>
      %dma_start3A_80 = arith.constant 0 : i32
      %dma_start3A_81 = tpu.memref_slice %arg5[%mul3A_77, %dma_start3A_80] : memref<16384x128xf32, #tpu.memory_space<hbm>> -> memref<128x128xf32, #tpu.memory_space<hbm>>
      tpu.enqueue_dma source(%arg9 : memref<128x128xf32, #tpu.memory_space<vmem>>) target(%dma_start3A_81 : memref<128x128xf32, #tpu.memory_space<hbm>>) target_semaphore(%arg17 : memref<!tpu.dma_semaphore, #tpu.memory_space<semaphore_mem>>)
      %dma_start3A_82 = arith.constant 0 : i32
      %dma_start3A_83 = tpu.memref_slice %arg6[%mul3A_77, %dma_start3A_82] : memref<16384x128xf32, #tpu.memory_space<hbm>> -> memref<128x128xf32, #tpu.memory_space<hbm>>
      %dma_start3A_84 = arith.constant 0 : i32
      %dma_start3A_85 = tpu.memref_slice %arg6[%mul3A_77, %dma_start3A_84] : memref<16384x128xf32, #tpu.memory_space<hbm>> -> memref<128x128xf32, #tpu.memory_space<hbm>>
      tpu.enqueue_dma source(%arg11 : memref<128x128xf32, #tpu.memory_space<vmem>>) target(%dma_start3A_85 : memref<128x128xf32, #tpu.memory_space<hbm>>) target_semaphore(%arg19 : memref<!tpu.dma_semaphore, #tpu.memory_space<semaphore_mem>>)
      %lt3A = arith.constant 3 : i32
      %lt3A_86 = arith.cmpi slt, %scan3A_44, %lt3A : i32
      %convert_element_type3A_87 = arith.extui %lt3A_86 : i1 to i32
      %cond3A_88 = arith.constant 0 : i32
      %cond3A_89 = arith.cmpi ne, %convert_element_type3A_87, %cond3A_88 : i32
      scf.if %cond3A_89 {
        %dma_wait3A_115 = arith.constant 0 : i32
        %dma_wait3A_116 = arith.constant 0 : i32
        %dma_wait3A_117 = tpu.memref_slice %arg5[%dma_wait3A_115, %dma_wait3A_116] : memref<16384x128xf32, #tpu.memory_space<hbm>> -> memref<128x128xf32, #tpu.memory_space<hbm>>
        %dma_wait3A_118 = arith.constant 0 : i32
        %dma_wait3A_119 = arith.constant 0 : i32
        %dma_wait3A_120 = tpu.memref_slice %arg5[%dma_wait3A_118, %dma_wait3A_119] : memref<16384x128xf32, #tpu.memory_space<hbm>> -> memref<128x128xf32, #tpu.memory_space<hbm>>
        tpu.wait_dma2 semaphore(%arg17 : memref<!tpu.dma_semaphore, #tpu.memory_space<semaphore_mem>>) src(%arg9 : memref<128x128xf32, #tpu.memory_space<vmem>>) dst(%dma_wait3A_120 : memref<128x128xf32, #tpu.memory_space<hbm>>)
        %dma_wait3A_121 = arith.constant 0 : i32
        %dma_wait3A_122 = arith.constant 0 : i32
        %dma_wait3A_123 = tpu.memref_slice %arg5[%dma_wait3A_121, %dma_wait3A_122] : memref<16384x128xf32, #tpu.memory_space<hbm>> -> memref<128x128xf32, #tpu.memory_space<hbm>>
        %dma_wait3A_124 = arith.constant 0 : i32
        %dma_wait3A_125 = arith.constant 0 : i32
        %dma_wait3A_126 = tpu.memref_slice %arg5[%dma_wait3A_124, %dma_wait3A_125] : memref<16384x128xf32, #tpu.memory_space<hbm>> -> memref<128x128xf32, #tpu.memory_space<hbm>>
        tpu.wait_dma2 semaphore(%arg19 : memref<!tpu.dma_semaphore, #tpu.memory_space<semaphore_mem>>) src(%arg11 : memref<128x128xf32, #tpu.memory_space<vmem>>) dst(%dma_wait3A_126 : memref<128x128xf32, #tpu.memory_space<hbm>>)
        %add3A_127 = arith.constant 2 : i32
        %add3A_128 = arith.addi %mul3A_46, %add3A_127 : i32
        %mul3A_129 = arith.constant 128 : i32
        %mul3A_130 = arith.muli %add3A_128, %mul3A_129 : i32
        %dma_start3A_131 = tpu.memref_slice %arg7[%mul3A_130] : memref<1024xi32, #tpu.memory_space<vmem>> -> memref<128xi32, #tpu.memory_space<vmem>>
        %dma_start3A_132 = arith.constant 0 : i32
        %dma_start3A_133 = arith.constant 0 : i32
        %dma_start3A_134 = tpu.memref_slice %arg2[%dma_start3A_132, %dma_start3A_133] : memref<10240x128xf32, #tpu.memory_space<hbm>> -> memref<10240x128xf32, #tpu.memory_space<hbm>>
        tpu.enqueue_indirect_dma source(%dma_start3A_134 : memref<10240x128xf32, #tpu.memory_space<hbm>>) target(%arg9 : memref<128x128xf32, #tpu.memory_space<vmem>>) offsets(%dma_start3A_131 : memref<128xi32, #tpu.memory_space<vmem>>) semaphore(%arg13 : memref<!tpu.dma_semaphore, #tpu.memory_space<semaphore_mem>>)
        %mul3A_135 = arith.constant 128 : i32
        %mul3A_136 = arith.muli %add3A_128, %mul3A_135 : i32
        %dma_start3A_137 = tpu.memref_slice %arg8[%mul3A_136] : memref<1024xi32, #tpu.memory_space<vmem>> -> memref<128xi32, #tpu.memory_space<vmem>>
        %dma_start3A_138 = arith.constant 0 : i32
        %dma_start3A_139 = arith.constant 0 : i32
        %dma_start3A_140 = tpu.memref_slice %arg2[%dma_start3A_138, %dma_start3A_139] : memref<10240x128xf32, #tpu.memory_space<hbm>> -> memref<10240x128xf32, #tpu.memory_space<hbm>>
        tpu.enqueue_indirect_dma source(%dma_start3A_140 : memref<10240x128xf32, #tpu.memory_space<hbm>>) target(%arg11 : memref<128x128xf32, #tpu.memory_space<vmem>>) offsets(%dma_start3A_137 : memref<128xi32, #tpu.memory_space<vmem>>) semaphore(%arg15 : memref<!tpu.dma_semaphore, #tpu.memory_space<semaphore_mem>>)
      } else {
      }
      %dma_wait3A_90 = arith.constant 0 : i32
      %dma_wait3A_91 = arith.constant 0 : i32
      %dma_wait3A_92 = tpu.memref_slice %arg2[%dma_wait3A_90, %dma_wait3A_91] : memref<10240x128xf32, #tpu.memory_space<hbm>> -> memref<128x128xf32, #tpu.memory_space<hbm>>
      %dma_wait3A_93 = arith.constant 0 : i32
      %dma_wait3A_94 = arith.constant 0 : i32
      %dma_wait3A_95 = tpu.memref_slice %arg2[%dma_wait3A_93, %dma_wait3A_94] : memref<10240x128xf32, #tpu.memory_space<hbm>> -> memref<128x128xf32, #tpu.memory_space<hbm>>
      tpu.wait_dma2 semaphore(%arg14 : memref<!tpu.dma_semaphore, #tpu.memory_space<semaphore_mem>>) src(%dma_wait3A_95 : memref<128x128xf32, #tpu.memory_space<hbm>>) dst(%arg10 : memref<128x128xf32, #tpu.memory_space<vmem>>)
      %dma_wait3A_96 = arith.constant 0 : i32
      %dma_wait3A_97 = arith.constant 0 : i32
      %dma_wait3A_98 = tpu.memref_slice %arg2[%dma_wait3A_96, %dma_wait3A_97] : memref<10240x128xf32, #tpu.memory_space<hbm>> -> memref<128x128xf32, #tpu.memory_space<hbm>>
      %dma_wait3A_99 = arith.constant 0 : i32
      %dma_wait3A_100 = arith.constant 0 : i32
      %dma_wait3A_101 = tpu.memref_slice %arg2[%dma_wait3A_99, %dma_wait3A_100] : memref<10240x128xf32, #tpu.memory_space<hbm>> -> memref<128x128xf32, #tpu.memory_space<hbm>>
      tpu.wait_dma2 semaphore(%arg16 : memref<!tpu.dma_semaphore, #tpu.memory_space<semaphore_mem>>) src(%dma_wait3A_101 : memref<128x128xf32, #tpu.memory_space<hbm>>) dst(%arg12 : memref<128x128xf32, #tpu.memory_space<vmem>>)
      %add3A_102 = arith.constant 1 : i32
      %add3A_103 = arith.addi %mul3A_46, %add3A_102 : i32
      %add3A_104 = arith.addi %mul3A_2, %add3A_103 : i32
      %mul3A_105 = arith.constant 128 : i32
      %mul3A_106 = arith.muli %add3A_104, %mul3A_105 : i32
      %dma_start3A_107 = arith.constant 0 : i32
      %dma_start3A_108 = tpu.memref_slice %arg5[%mul3A_106, %dma_start3A_107] : memref<16384x128xf32, #tpu.memory_space<hbm>> -> memref<128x128xf32, #tpu.memory_space<hbm>>
      %dma_start3A_109 = arith.constant 0 : i32
      %dma_start3A_110 = tpu.memref_slice %arg5[%mul3A_106, %dma_start3A_109] : memref<16384x128xf32, #tpu.memory_space<hbm>> -> memref<128x128xf32, #tpu.memory_space<hbm>>
      tpu.enqueue_dma source(%arg10 : memref<128x128xf32, #tpu.memory_space<vmem>>) target(%dma_start3A_110 : memref<128x128xf32, #tpu.memory_space<hbm>>) target_semaphore(%arg18 : memref<!tpu.dma_semaphore, #tpu.memory_space<semaphore_mem>>)
      %dma_start3A_111 = arith.constant 0 : i32
      %dma_start3A_112 = tpu.memref_slice %arg6[%mul3A_106, %dma_start3A_111] : memref<16384x128xf32, #tpu.memory_space<hbm>> -> memref<128x128xf32, #tpu.memory_space<hbm>>
      %dma_start3A_113 = arith.constant 0 : i32
      %dma_start3A_114 = tpu.memref_slice %arg6[%mul3A_106, %dma_start3A_113] : memref<16384x128xf32, #tpu.memory_space<hbm>> -> memref<128x128xf32, #tpu.memory_space<hbm>>
      tpu.enqueue_dma source(%arg12 : memref<128x128xf32, #tpu.memory_space<vmem>>) target(%dma_start3A_114 : memref<128x128xf32, #tpu.memory_space<hbm>>) target_semaphore(%arg20 : memref<!tpu.dma_semaphore, #tpu.memory_space<semaphore_mem>>)
    }
    %scan3A_20 = arith.constant 4 : i32
    %dma_wait3A = arith.constant 0 : i32
    %dma_wait3A_21 = arith.constant 0 : i32
    %dma_wait3A_22 = tpu.memref_slice %arg5[%dma_wait3A, %dma_wait3A_21] : memref<16384x128xf32, #tpu.memory_space<hbm>> -> memref<128x128xf32, #tpu.memory_space<hbm>>
    %dma_wait3A_23 = arith.constant 0 : i32
    %dma_wait3A_24 = arith.constant 0 : i32
    %dma_wait3A_25 = tpu.memref_slice %arg5[%dma_wait3A_23, %dma_wait3A_24] : memref<16384x128xf32, #tpu.memory_space<hbm>> -> memref<128x128xf32, #tpu.memory_space<hbm>>
    tpu.wait_dma2 semaphore(%arg17 : memref<!tpu.dma_semaphore, #tpu.memory_space<semaphore_mem>>) src(%arg9 : memref<128x128xf32, #tpu.memory_space<vmem>>) dst(%dma_wait3A_25 : memref<128x128xf32, #tpu.memory_space<hbm>>)
    %dma_wait3A_26 = arith.constant 0 : i32
    %dma_wait3A_27 = arith.constant 0 : i32
    %dma_wait3A_28 = tpu.memref_slice %arg5[%dma_wait3A_26, %dma_wait3A_27] : memref<16384x128xf32, #tpu.memory_space<hbm>> -> memref<128x128xf32, #tpu.memory_space<hbm>>
    %dma_wait3A_29 = arith.constant 0 : i32
    %dma_wait3A_30 = arith.constant 0 : i32
    %dma_wait3A_31 = tpu.memref_slice %arg5[%dma_wait3A_29, %dma_wait3A_30] : memref<16384x128xf32, #tpu.memory_space<hbm>> -> memref<128x128xf32, #tpu.memory_space<hbm>>
    tpu.wait_dma2 semaphore(%arg19 : memref<!tpu.dma_semaphore, #tpu.memory_space<semaphore_mem>>) src(%arg11 : memref<128x128xf32, #tpu.memory_space<vmem>>) dst(%dma_wait3A_31 : memref<128x128xf32, #tpu.memory_space<hbm>>)
    %dma_wait3A_32 = arith.constant 0 : i32
    %dma_wait3A_33 = arith.constant 0 : i32
    %dma_wait3A_34 = tpu.memref_slice %arg5[%dma_wait3A_32, %dma_wait3A_33] : memref<16384x128xf32, #tpu.memory_space<hbm>> -> memref<128x128xf32, #tpu.memory_space<hbm>>
    %dma_wait3A_35 = arith.constant 0 : i32
    %dma_wait3A_36 = arith.constant 0 : i32
    %dma_wait3A_37 = tpu.memref_slice %arg5[%dma_wait3A_35, %dma_wait3A_36] : memref<16384x128xf32, #tpu.memory_space<hbm>> -> memref<128x128xf32, #tpu.memory_space<hbm>>
    tpu.wait_dma2 semaphore(%arg18 : memref<!tpu.dma_semaphore, #tpu.memory_space<semaphore_mem>>) src(%arg10 : memref<128x128xf32, #tpu.memory_space<vmem>>) dst(%dma_wait3A_37 : memref<128x128xf32, #tpu.memory_space<hbm>>)
    %dma_wait3A_38 = arith.constant 0 : i32
    %dma_wait3A_39 = arith.constant 0 : i32
    %dma_wait3A_40 = tpu.memref_slice %arg5[%dma_wait3A_38, %dma_wait3A_39] : memref<16384x128xf32, #tpu.memory_space<hbm>> -> memref<128x128xf32, #tpu.memory_space<hbm>>
    %dma_wait3A_41 = arith.constant 0 : i32
    %dma_wait3A_42 = arith.constant 0 : i32
    %dma_wait3A_43 = tpu.memref_slice %arg5[%dma_wait3A_41, %dma_wait3A_42] : memref<16384x128xf32, #tpu.memory_space<hbm>> -> memref<128x128xf32, #tpu.memory_space<hbm>>
    tpu.wait_dma2 semaphore(%arg20 : memref<!tpu.dma_semaphore, #tpu.memory_space<semaphore_mem>>) src(%arg12 : memref<128x128xf32, #tpu.memory_space<vmem>>) dst(%dma_wait3A_43 : memref<128x128xf32, #tpu.memory_space<hbm>>)
    return
  }
}

#map = affine_map<(d0, d1) -> (0, 0)>
#map1 = affine_map<(d0, d1) -> (0)>
#map2 = affine_map<(d0, d1) -> (0, 0, 0)>
module attributes {stable_mosaic.version = 14 : i64} {
  func.func @k(%arg0: i32, %arg1: i32, %arg2: memref<10240x128xf32, #tpu.memory_space<hbm>>, %arg3: memref<327680xi32, #tpu.memory_space<hbm>>, %arg4: memref<327680xi32, #tpu.memory_space<hbm>>, %arg5: memref<640x128xf32, #tpu.memory_space<hbm>>, %arg6: memref<2x10240x128xf32, #tpu.memory_space<hbm>>, %arg7: memref<128xi32, #tpu.memory_space<vmem>>, %arg8: memref<128xi32, #tpu.memory_space<vmem>>, %arg9: memref<128xi32, #tpu.memory_space<vmem>>, %arg10: memref<128xi32, #tpu.memory_space<vmem>>, %arg11: memref<128x128xf32, #tpu.memory_space<vmem>>, %arg12: memref<128x128xf32, #tpu.memory_space<vmem>>, %arg13: memref<10240x128xf32, #tpu.memory_space<vmem_shared>>, %arg14: memref<!tpu.dma_semaphore, #tpu.memory_space<semaphore_mem>>, %arg15: memref<!tpu.dma_semaphore, #tpu.memory_space<semaphore_mem>>, %arg16: memref<!tpu.dma_semaphore, #tpu.memory_space<semaphore_mem>>, %arg17: memref<!tpu.dma_semaphore, #tpu.memory_space<semaphore_mem>>, %arg18: memref<!tpu.dma_semaphore, #tpu.memory_space<semaphore_mem>>, %arg19: memref<!tpu.dma_semaphore, #tpu.memory_space<semaphore_mem>>) attributes {dimension_semantics = [#tpu.dimension_semantics<core_parallel>, #tpu.dimension_semantics<subcore_parallel>], iteration_bounds = array<i64: 2, 16>, scalar_prefetch = 0 : i64, scratch_operands = 13 : i64, tpu.core_type = #tpu.core_type<sc_vector_subcore>, window_params = [{transform_indices = #map}, {transform_indices = #map1}, {transform_indices = #map1}, {transform_indices = #map}, {transform_indices = #map2}]} {
    %mul3A = arith.constant 80 : i32
    %mul3A_0 = arith.muli %arg0, %mul3A : i32
    %sub3A = arith.constant 120 : i32
    %sub3A_1 = arith.subi %sub3A, %mul3A_0 : i32
    %mul3A_2 = arith.constant 16 : i32
    %mul3A_3 = arith.muli %arg0, %mul3A_2 : i32
    %mul3A_4 = arith.constant 120 : i32
    %mul3A_5 = arith.muli %mul3A_3, %mul3A_4 : i32
    %mul3A_6 = arith.muli %arg1, %sub3A_1 : i32
    %add3A = arith.addi %mul3A_5, %mul3A_6 : i32
    %jit3A = arith.constant 2 : i32
    %div3A = arith.divsi %sub3A_1, %jit3A : i32
    %sign3A = arith.constant 0 : i32
    %sign3A_7 = arith.cmpi sgt, %sub3A_1, %sign3A : i32
    %sign3A_8 = arith.extui %sign3A_7 : i1 to i32
    %sign3A_9 = arith.constant 0 : i32
    %sign3A_10 = arith.cmpi slt, %sub3A_1, %sign3A_9 : i32
    %sign3A_11 = arith.extui %sign3A_10 : i1 to i32
    %sign3A_12 = arith.subi %sign3A_8, %sign3A_11 : i32
    %sign3A_13 = arith.constant 0 : i32
    %sign3A_14 = arith.cmpi sgt, %jit3A, %sign3A_13 : i32
    %sign3A_15 = arith.extui %sign3A_14 : i1 to i32
    %sign3A_16 = arith.constant 0 : i32
    %sign3A_17 = arith.cmpi slt, %jit3A, %sign3A_16 : i32
    %sign3A_18 = arith.extui %sign3A_17 : i1 to i32
    %sign3A_19 = arith.subi %sign3A_15, %sign3A_18 : i32
    %ne3A = arith.cmpi ne, %sign3A_12, %sign3A_19 : i32
    %rem3A = arith.remsi %sub3A_1, %jit3A : i32
    %ne3A_20 = arith.constant 0 : i32
    %ne3A_21 = arith.cmpi ne, %rem3A, %ne3A_20 : i32
    %and3A = arith.andi %ne3A, %ne3A_21 : i1
    %sub3A_22 = arith.constant 1 : i32
    %sub3A_23 = arith.subi %div3A, %sub3A_22 : i32
    %select_n3A = arith.select %and3A, %sub3A_23, %div3A : i32
    %mul3A_24 = arith.constant 640 : i32
    %mul3A_25 = arith.muli %arg1, %mul3A_24 : i32
    "tpu.region"() ({
      %run_scoped3A = tpu.sem_alloc : memref<!tpu.dma_semaphore, #tpu.memory_space<semaphore_mem>>
      %dma_start3A_61 = arith.constant 0 : i32
      %dma_start3A_62 = tpu.memref_slice %arg13[%mul3A_25, %dma_start3A_61] : memref<10240x128xf32, #tpu.memory_space<vmem_shared>> -> memref<640x128xf32, #tpu.memory_space<vmem_shared>>
      tpu.enqueue_dma source(%arg5 : memref<640x128xf32, #tpu.memory_space<hbm>>) target(%dma_start3A_62 : memref<640x128xf32, #tpu.memory_space<vmem_shared>>) target_semaphore(%run_scoped3A : memref<!tpu.dma_semaphore, #tpu.memory_space<semaphore_mem>>)
      %dma_wait3A_63 = arith.constant 0 : i32
      %dma_wait3A_64 = tpu.memref_slice %arg13[%mul3A_25, %dma_wait3A_63] : memref<10240x128xf32, #tpu.memory_space<vmem_shared>> -> memref<640x128xf32, #tpu.memory_space<vmem_shared>>
      tpu.wait_dma2 semaphore(%run_scoped3A : memref<!tpu.dma_semaphore, #tpu.memory_space<semaphore_mem>>) src(%arg5 : memref<640x128xf32, #tpu.memory_space<hbm>>) dst(%dma_wait3A_64 : memref<640x128xf32, #tpu.memory_space<vmem_shared>>)
      tpu.yield
    }) : () -> ()
    %barrier3A = arith.constant 0 : index
    tpu.barrier barrier_id(%barrier3A)
    %add3A_26 = arith.constant 0 : i32
    %add3A_27 = arith.addi %add3A, %add3A_26 : i32
    %mul3A_28 = arith.constant 128 : i32
    %mul3A_29 = arith.muli %add3A_27, %mul3A_28 : i32
    %dma_start3A = tpu.memref_slice %arg3[%mul3A_29] : memref<327680xi32, #tpu.memory_space<hbm>> -> memref<128xi32, #tpu.memory_space<hbm>>
    %dma_start3A_30 = tpu.memref_slice %arg3[%mul3A_29] : memref<327680xi32, #tpu.memory_space<hbm>> -> memref<128xi32, #tpu.memory_space<hbm>>
    tpu.enqueue_dma source(%dma_start3A_30 : memref<128xi32, #tpu.memory_space<hbm>>) target(%arg7 : memref<128xi32, #tpu.memory_space<vmem>>) target_semaphore(%arg14 : memref<!tpu.dma_semaphore, #tpu.memory_space<semaphore_mem>>)
    %dma_start3A_31 = tpu.memref_slice %arg4[%mul3A_29] : memref<327680xi32, #tpu.memory_space<hbm>> -> memref<128xi32, #tpu.memory_space<hbm>>
    %dma_start3A_32 = tpu.memref_slice %arg4[%mul3A_29] : memref<327680xi32, #tpu.memory_space<hbm>> -> memref<128xi32, #tpu.memory_space<hbm>>
    tpu.enqueue_dma source(%dma_start3A_32 : memref<128xi32, #tpu.memory_space<hbm>>) target(%arg9 : memref<128xi32, #tpu.memory_space<vmem>>) target_semaphore(%arg16 : memref<!tpu.dma_semaphore, #tpu.memory_space<semaphore_mem>>)
    %dma_wait3A = arith.constant 0 : i32
    %dma_wait3A_33 = tpu.memref_slice %arg3[%dma_wait3A] : memref<327680xi32, #tpu.memory_space<hbm>> -> memref<128xi32, #tpu.memory_space<hbm>>
    %dma_wait3A_34 = arith.constant 0 : i32
    %dma_wait3A_35 = tpu.memref_slice %arg3[%dma_wait3A_34] : memref<327680xi32, #tpu.memory_space<hbm>> -> memref<128xi32, #tpu.memory_space<hbm>>
    tpu.wait_dma2 semaphore(%arg14 : memref<!tpu.dma_semaphore, #tpu.memory_space<semaphore_mem>>) src(%dma_wait3A_35 : memref<128xi32, #tpu.memory_space<hbm>>) dst(%arg7 : memref<128xi32, #tpu.memory_space<vmem>>)
    %dma_start3A_36 = arith.constant 0 : i32
    %dma_start3A_37 = arith.constant 0 : i32
    %dma_start3A_38 = tpu.memref_slice %arg2[%dma_start3A_36, %dma_start3A_37] : memref<10240x128xf32, #tpu.memory_space<hbm>> -> memref<10240x128xf32, #tpu.memory_space<hbm>>
    tpu.enqueue_indirect_dma source(%dma_start3A_38 : memref<10240x128xf32, #tpu.memory_space<hbm>>) target(%arg11 : memref<128x128xf32, #tpu.memory_space<vmem>>) offsets(%arg7 : memref<128xi32, #tpu.memory_space<vmem>>) semaphore(%arg18 : memref<!tpu.dma_semaphore, #tpu.memory_space<semaphore_mem>>)
    %add3A_39 = arith.constant 1 : i32
    %add3A_40 = arith.addi %add3A, %add3A_39 : i32
    %mul3A_41 = arith.constant 128 : i32
    %mul3A_42 = arith.muli %add3A_40, %mul3A_41 : i32
    %dma_start3A_43 = tpu.memref_slice %arg3[%mul3A_42] : memref<327680xi32, #tpu.memory_space<hbm>> -> memref<128xi32, #tpu.memory_space<hbm>>
    %dma_start3A_44 = tpu.memref_slice %arg3[%mul3A_42] : memref<327680xi32, #tpu.memory_space<hbm>> -> memref<128xi32, #tpu.memory_space<hbm>>
    tpu.enqueue_dma source(%dma_start3A_44 : memref<128xi32, #tpu.memory_space<hbm>>) target(%arg8 : memref<128xi32, #tpu.memory_space<vmem>>) target_semaphore(%arg15 : memref<!tpu.dma_semaphore, #tpu.memory_space<semaphore_mem>>)
    %dma_start3A_45 = tpu.memref_slice %arg4[%mul3A_42] : memref<327680xi32, #tpu.memory_space<hbm>> -> memref<128xi32, #tpu.memory_space<hbm>>
    %dma_start3A_46 = tpu.memref_slice %arg4[%mul3A_42] : memref<327680xi32, #tpu.memory_space<hbm>> -> memref<128xi32, #tpu.memory_space<hbm>>
    tpu.enqueue_dma source(%dma_start3A_46 : memref<128xi32, #tpu.memory_space<hbm>>) target(%arg10 : memref<128xi32, #tpu.memory_space<vmem>>) target_semaphore(%arg17 : memref<!tpu.dma_semaphore, #tpu.memory_space<semaphore_mem>>)
    %while3A = arith.constant 0 : i32
    %while3A_47 = arith.constant 0 : i32
    %while3A_48 = arith.subi %select_n3A, %while3A_47 : i32
    %while3A_49 = arith.addi %while3A_47, %while3A_48 : i32
    %while3A_50 = arith.constant 1 : i32
    %while3A_51 = arith.divsi %while3A_48, %while3A_50 : i32
    %while3A_52 = arith.muli %while3A_51, %while3A_50 : i32
    %while3A_53 = arith.addi %while3A_47, %while3A_52 : i32
    %while3A_54 = arith.constant 1 : i32
    scf.for %while3A_61 = %while3A_47 to %while3A_53 step %while3A_54  : i32 {
      %mul3A_62 = arith.constant 2 : i32
      %mul3A_63 = arith.muli %mul3A_62, %while3A_61 : i32
      %dma_wait3A_64 = arith.constant 0 : i32
      %dma_wait3A_65 = tpu.memref_slice %arg3[%dma_wait3A_64] : memref<327680xi32, #tpu.memory_space<hbm>> -> memref<128xi32, #tpu.memory_space<hbm>>
      %dma_wait3A_66 = arith.constant 0 : i32
      %dma_wait3A_67 = tpu.memref_slice %arg3[%dma_wait3A_66] : memref<327680xi32, #tpu.memory_space<hbm>> -> memref<128xi32, #tpu.memory_space<hbm>>
      tpu.wait_dma2 semaphore(%arg15 : memref<!tpu.dma_semaphore, #tpu.memory_space<semaphore_mem>>) src(%dma_wait3A_67 : memref<128xi32, #tpu.memory_space<hbm>>) dst(%arg8 : memref<128xi32, #tpu.memory_space<vmem>>)
      %dma_start3A_68 = arith.constant 0 : i32
      %dma_start3A_69 = arith.constant 0 : i32
      %dma_start3A_70 = tpu.memref_slice %arg2[%dma_start3A_68, %dma_start3A_69] : memref<10240x128xf32, #tpu.memory_space<hbm>> -> memref<10240x128xf32, #tpu.memory_space<hbm>>
      tpu.enqueue_indirect_dma source(%dma_start3A_70 : memref<10240x128xf32, #tpu.memory_space<hbm>>) target(%arg12 : memref<128x128xf32, #tpu.memory_space<vmem>>) offsets(%arg8 : memref<128xi32, #tpu.memory_space<vmem>>) semaphore(%arg19 : memref<!tpu.dma_semaphore, #tpu.memory_space<semaphore_mem>>)
      %dma_wait3A_71 = arith.constant 0 : i32
      %dma_wait3A_72 = arith.constant 0 : i32
      %dma_wait3A_73 = tpu.memref_slice %arg2[%dma_wait3A_71, %dma_wait3A_72] : memref<10240x128xf32, #tpu.memory_space<hbm>> -> memref<128x128xf32, #tpu.memory_space<hbm>>
      %dma_wait3A_74 = arith.constant 0 : i32
      %dma_wait3A_75 = arith.constant 0 : i32
      %dma_wait3A_76 = tpu.memref_slice %arg2[%dma_wait3A_74, %dma_wait3A_75] : memref<10240x128xf32, #tpu.memory_space<hbm>> -> memref<128x128xf32, #tpu.memory_space<hbm>>
      tpu.wait_dma2 semaphore(%arg18 : memref<!tpu.dma_semaphore, #tpu.memory_space<semaphore_mem>>) src(%dma_wait3A_76 : memref<128x128xf32, #tpu.memory_space<hbm>>) dst(%arg11 : memref<128x128xf32, #tpu.memory_space<vmem>>)
      %dma_wait3A_77 = arith.constant 0 : i32
      %dma_wait3A_78 = tpu.memref_slice %arg3[%dma_wait3A_77] : memref<327680xi32, #tpu.memory_space<hbm>> -> memref<128xi32, #tpu.memory_space<hbm>>
      %dma_wait3A_79 = arith.constant 0 : i32
      %dma_wait3A_80 = tpu.memref_slice %arg3[%dma_wait3A_79] : memref<327680xi32, #tpu.memory_space<hbm>> -> memref<128xi32, #tpu.memory_space<hbm>>
      tpu.wait_dma2 semaphore(%arg16 : memref<!tpu.dma_semaphore, #tpu.memory_space<semaphore_mem>>) src(%dma_wait3A_80 : memref<128xi32, #tpu.memory_space<hbm>>) dst(%arg9 : memref<128xi32, #tpu.memory_space<vmem>>)
      "tpu.region"() ({
        %run_scoped3A = tpu.sem_alloc : memref<!tpu.dma_semaphore, #tpu.memory_space<semaphore_mem>>
        %dma_start3A_100 = arith.constant 0 : i32
        %dma_start3A_101 = arith.constant 0 : i32
        %dma_start3A_102 = tpu.memref_slice %arg13[%dma_start3A_100, %dma_start3A_101] : memref<10240x128xf32, #tpu.memory_space<vmem_shared>> -> memref<10240x128xf32, #tpu.memory_space<vmem_shared>>
        tpu.enqueue_indirect_dma source(%arg11 : memref<128x128xf32, #tpu.memory_space<vmem>>) target(%dma_start3A_102 : memref<10240x128xf32, #tpu.memory_space<vmem_shared>>) offsets(%arg9 : memref<128xi32, #tpu.memory_space<vmem>>) semaphore(%run_scoped3A : memref<!tpu.dma_semaphore, #tpu.memory_space<semaphore_mem>>) {add = true}
        %dma_wait3A_103 = arith.constant 0 : i32
        %dma_wait3A_104 = arith.constant 0 : i32
        %dma_wait3A_105 = tpu.memref_slice %arg13[%dma_wait3A_103, %dma_wait3A_104] : memref<10240x128xf32, #tpu.memory_space<vmem_shared>> -> memref<10240x128xf32, #tpu.memory_space<vmem_shared>>
        tpu.wait_indirect_dma semaphore(%run_scoped3A : memref<!tpu.dma_semaphore, #tpu.memory_space<semaphore_mem>>) src(%arg11 : memref<128x128xf32, #tpu.memory_space<vmem>>) dst(%dma_wait3A_105 : memref<10240x128xf32, #tpu.memory_space<vmem_shared>>)
        tpu.yield
      }) : () -> ()
      %sub3A_81 = arith.constant 1 : i32
      %sub3A_82 = arith.subi %select_n3A, %sub3A_81 : i32
      %lt3A = arith.cmpi slt, %while3A_61, %sub3A_82 : i32
      %convert_element_type3A = arith.extui %lt3A : i1 to i32
      %cond3A = arith.constant 0 : i32
      %cond3A_83 = arith.cmpi ne, %convert_element_type3A, %cond3A : i32
      scf.if %cond3A_83 {
        %add3A_100 = arith.constant 2 : i32
        %add3A_101 = arith.addi %mul3A_63, %add3A_100 : i32
        %add3A_102 = arith.addi %add3A, %add3A_101 : i32
        %mul3A_103 = arith.constant 128 : i32
        %mul3A_104 = arith.muli %add3A_102, %mul3A_103 : i32
        %dma_start3A_105 = tpu.memref_slice %arg3[%mul3A_104] : memref<327680xi32, #tpu.memory_space<hbm>> -> memref<128xi32, #tpu.memory_space<hbm>>
        %dma_start3A_106 = tpu.memref_slice %arg3[%mul3A_104] : memref<327680xi32, #tpu.memory_space<hbm>> -> memref<128xi32, #tpu.memory_space<hbm>>
        tpu.enqueue_dma source(%dma_start3A_106 : memref<128xi32, #tpu.memory_space<hbm>>) target(%arg7 : memref<128xi32, #tpu.memory_space<vmem>>) target_semaphore(%arg14 : memref<!tpu.dma_semaphore, #tpu.memory_space<semaphore_mem>>)
        %dma_start3A_107 = tpu.memref_slice %arg4[%mul3A_104] : memref<327680xi32, #tpu.memory_space<hbm>> -> memref<128xi32, #tpu.memory_space<hbm>>
        %dma_start3A_108 = tpu.memref_slice %arg4[%mul3A_104] : memref<327680xi32, #tpu.memory_space<hbm>> -> memref<128xi32, #tpu.memory_space<hbm>>
        tpu.enqueue_dma source(%dma_start3A_108 : memref<128xi32, #tpu.memory_space<hbm>>) target(%arg9 : memref<128xi32, #tpu.memory_space<vmem>>) target_semaphore(%arg16 : memref<!tpu.dma_semaphore, #tpu.memory_space<semaphore_mem>>)
      } else {
      }
      %dma_wait3A_84 = arith.constant 0 : i32
      %dma_wait3A_85 = arith.constant 0 : i32
      %dma_wait3A_86 = tpu.memref_slice %arg2[%dma_wait3A_84, %dma_wait3A_85] : memref<10240x128xf32, #tpu.memory_space<hbm>> -> memref<128x128xf32, #tpu.memory_space<hbm>>
      %dma_wait3A_87 = arith.constant 0 : i32
      %dma_wait3A_88 = arith.constant 0 : i32
      %dma_wait3A_89 = tpu.memref_slice %arg2[%dma_wait3A_87, %dma_wait3A_88] : memref<10240x128xf32, #tpu.memory_space<hbm>> -> memref<128x128xf32, #tpu.memory_space<hbm>>
      tpu.wait_dma2 semaphore(%arg19 : memref<!tpu.dma_semaphore, #tpu.memory_space<semaphore_mem>>) src(%dma_wait3A_89 : memref<128x128xf32, #tpu.memory_space<hbm>>) dst(%arg12 : memref<128x128xf32, #tpu.memory_space<vmem>>)
      %dma_wait3A_90 = arith.constant 0 : i32
      %dma_wait3A_91 = tpu.memref_slice %arg3[%dma_wait3A_90] : memref<327680xi32, #tpu.memory_space<hbm>> -> memref<128xi32, #tpu.memory_space<hbm>>
      %dma_wait3A_92 = arith.constant 0 : i32
      %dma_wait3A_93 = tpu.memref_slice %arg3[%dma_wait3A_92] : memref<327680xi32, #tpu.memory_space<hbm>> -> memref<128xi32, #tpu.memory_space<hbm>>
      tpu.wait_dma2 semaphore(%arg17 : memref<!tpu.dma_semaphore, #tpu.memory_space<semaphore_mem>>) src(%dma_wait3A_93 : memref<128xi32, #tpu.memory_space<hbm>>) dst(%arg10 : memref<128xi32, #tpu.memory_space<vmem>>)
      "tpu.region"() ({
        %run_scoped3A = tpu.sem_alloc : memref<!tpu.dma_semaphore, #tpu.memory_space<semaphore_mem>>
        %dma_start3A_100 = arith.constant 0 : i32
        %dma_start3A_101 = arith.constant 0 : i32
        %dma_start3A_102 = tpu.memref_slice %arg13[%dma_start3A_100, %dma_start3A_101] : memref<10240x128xf32, #tpu.memory_space<vmem_shared>> -> memref<10240x128xf32, #tpu.memory_space<vmem_shared>>
        tpu.enqueue_indirect_dma source(%arg12 : memref<128x128xf32, #tpu.memory_space<vmem>>) target(%dma_start3A_102 : memref<10240x128xf32, #tpu.memory_space<vmem_shared>>) offsets(%arg10 : memref<128xi32, #tpu.memory_space<vmem>>) semaphore(%run_scoped3A : memref<!tpu.dma_semaphore, #tpu.memory_space<semaphore_mem>>) {add = true}
        %dma_wait3A_103 = arith.constant 0 : i32
        %dma_wait3A_104 = arith.constant 0 : i32
        %dma_wait3A_105 = tpu.memref_slice %arg13[%dma_wait3A_103, %dma_wait3A_104] : memref<10240x128xf32, #tpu.memory_space<vmem_shared>> -> memref<10240x128xf32, #tpu.memory_space<vmem_shared>>
        tpu.wait_indirect_dma semaphore(%run_scoped3A : memref<!tpu.dma_semaphore, #tpu.memory_space<semaphore_mem>>) src(%arg12 : memref<128x128xf32, #tpu.memory_space<vmem>>) dst(%dma_wait3A_105 : memref<10240x128xf32, #tpu.memory_space<vmem_shared>>)
        tpu.yield
      }) : () -> ()
      %sub3A_94 = arith.constant 1 : i32
      %sub3A_95 = arith.subi %select_n3A, %sub3A_94 : i32
      %lt3A_96 = arith.cmpi slt, %while3A_61, %sub3A_95 : i32
      %convert_element_type3A_97 = arith.extui %lt3A_96 : i1 to i32
      %cond3A_98 = arith.constant 0 : i32
      %cond3A_99 = arith.cmpi ne, %convert_element_type3A_97, %cond3A_98 : i32
      scf.if %cond3A_99 {
        %dma_wait3A_100 = arith.constant 0 : i32
        %dma_wait3A_101 = tpu.memref_slice %arg3[%dma_wait3A_100] : memref<327680xi32, #tpu.memory_space<hbm>> -> memref<128xi32, #tpu.memory_space<hbm>>
        %dma_wait3A_102 = arith.constant 0 : i32
        %dma_wait3A_103 = tpu.memref_slice %arg3[%dma_wait3A_102] : memref<327680xi32, #tpu.memory_space<hbm>> -> memref<128xi32, #tpu.memory_space<hbm>>
        tpu.wait_dma2 semaphore(%arg14 : memref<!tpu.dma_semaphore, #tpu.memory_space<semaphore_mem>>) src(%dma_wait3A_103 : memref<128xi32, #tpu.memory_space<hbm>>) dst(%arg7 : memref<128xi32, #tpu.memory_space<vmem>>)
        %dma_start3A_104 = arith.constant 0 : i32
        %dma_start3A_105 = arith.constant 0 : i32
        %dma_start3A_106 = tpu.memref_slice %arg2[%dma_start3A_104, %dma_start3A_105] : memref<10240x128xf32, #tpu.memory_space<hbm>> -> memref<10240x128xf32, #tpu.memory_space<hbm>>
        tpu.enqueue_indirect_dma source(%dma_start3A_106 : memref<10240x128xf32, #tpu.memory_space<hbm>>) target(%arg11 : memref<128x128xf32, #tpu.memory_space<vmem>>) offsets(%arg7 : memref<128xi32, #tpu.memory_space<vmem>>) semaphore(%arg18 : memref<!tpu.dma_semaphore, #tpu.memory_space<semaphore_mem>>)
        %add3A_107 = arith.constant 3 : i32
        %add3A_108 = arith.addi %mul3A_63, %add3A_107 : i32
        %add3A_109 = arith.addi %add3A, %add3A_108 : i32
        %mul3A_110 = arith.constant 128 : i32
        %mul3A_111 = arith.muli %add3A_109, %mul3A_110 : i32
        %dma_start3A_112 = tpu.memref_slice %arg3[%mul3A_111] : memref<327680xi32, #tpu.memory_space<hbm>> -> memref<128xi32, #tpu.memory_space<hbm>>
        %dma_start3A_113 = tpu.memref_slice %arg3[%mul3A_111] : memref<327680xi32, #tpu.memory_space<hbm>> -> memref<128xi32, #tpu.memory_space<hbm>>
        tpu.enqueue_dma source(%dma_start3A_113 : memref<128xi32, #tpu.memory_space<hbm>>) target(%arg8 : memref<128xi32, #tpu.memory_space<vmem>>) target_semaphore(%arg15 : memref<!tpu.dma_semaphore, #tpu.memory_space<semaphore_mem>>)
        %dma_start3A_114 = tpu.memref_slice %arg4[%mul3A_111] : memref<327680xi32, #tpu.memory_space<hbm>> -> memref<128xi32, #tpu.memory_space<hbm>>
        %dma_start3A_115 = tpu.memref_slice %arg4[%mul3A_111] : memref<327680xi32, #tpu.memory_space<hbm>> -> memref<128xi32, #tpu.memory_space<hbm>>
        tpu.enqueue_dma source(%dma_start3A_115 : memref<128xi32, #tpu.memory_space<hbm>>) target(%arg10 : memref<128xi32, #tpu.memory_space<vmem>>) target_semaphore(%arg17 : memref<!tpu.dma_semaphore, #tpu.memory_space<semaphore_mem>>)
      } else {
      }
    }
    %while3A_55 = arith.constant 1 : i32
    scf.for %while3A_61 = %while3A_53 to %while3A_49 step %while3A_55  : i32 {
      %mul3A_62 = arith.constant 2 : i32
      %mul3A_63 = arith.muli %mul3A_62, %while3A_61 : i32
      %dma_wait3A_64 = arith.constant 0 : i32
      %dma_wait3A_65 = tpu.memref_slice %arg3[%dma_wait3A_64] : memref<327680xi32, #tpu.memory_space<hbm>> -> memref<128xi32, #tpu.memory_space<hbm>>
      %dma_wait3A_66 = arith.constant 0 : i32
      %dma_wait3A_67 = tpu.memref_slice %arg3[%dma_wait3A_66] : memref<327680xi32, #tpu.memory_space<hbm>> -> memref<128xi32, #tpu.memory_space<hbm>>
      tpu.wait_dma2 semaphore(%arg15 : memref<!tpu.dma_semaphore, #tpu.memory_space<semaphore_mem>>) src(%dma_wait3A_67 : memref<128xi32, #tpu.memory_space<hbm>>) dst(%arg8 : memref<128xi32, #tpu.memory_space<vmem>>)
      %dma_start3A_68 = arith.constant 0 : i32
      %dma_start3A_69 = arith.constant 0 : i32
      %dma_start3A_70 = tpu.memref_slice %arg2[%dma_start3A_68, %dma_start3A_69] : memref<10240x128xf32, #tpu.memory_space<hbm>> -> memref<10240x128xf32, #tpu.memory_space<hbm>>
      tpu.enqueue_indirect_dma source(%dma_start3A_70 : memref<10240x128xf32, #tpu.memory_space<hbm>>) target(%arg12 : memref<128x128xf32, #tpu.memory_space<vmem>>) offsets(%arg8 : memref<128xi32, #tpu.memory_space<vmem>>) semaphore(%arg19 : memref<!tpu.dma_semaphore, #tpu.memory_space<semaphore_mem>>)
      %dma_wait3A_71 = arith.constant 0 : i32
      %dma_wait3A_72 = arith.constant 0 : i32
      %dma_wait3A_73 = tpu.memref_slice %arg2[%dma_wait3A_71, %dma_wait3A_72] : memref<10240x128xf32, #tpu.memory_space<hbm>> -> memref<128x128xf32, #tpu.memory_space<hbm>>
      %dma_wait3A_74 = arith.constant 0 : i32
      %dma_wait3A_75 = arith.constant 0 : i32
      %dma_wait3A_76 = tpu.memref_slice %arg2[%dma_wait3A_74, %dma_wait3A_75] : memref<10240x128xf32, #tpu.memory_space<hbm>> -> memref<128x128xf32, #tpu.memory_space<hbm>>
      tpu.wait_dma2 semaphore(%arg18 : memref<!tpu.dma_semaphore, #tpu.memory_space<semaphore_mem>>) src(%dma_wait3A_76 : memref<128x128xf32, #tpu.memory_space<hbm>>) dst(%arg11 : memref<128x128xf32, #tpu.memory_space<vmem>>)
      %dma_wait3A_77 = arith.constant 0 : i32
      %dma_wait3A_78 = tpu.memref_slice %arg3[%dma_wait3A_77] : memref<327680xi32, #tpu.memory_space<hbm>> -> memref<128xi32, #tpu.memory_space<hbm>>
      %dma_wait3A_79 = arith.constant 0 : i32
      %dma_wait3A_80 = tpu.memref_slice %arg3[%dma_wait3A_79] : memref<327680xi32, #tpu.memory_space<hbm>> -> memref<128xi32, #tpu.memory_space<hbm>>
      tpu.wait_dma2 semaphore(%arg16 : memref<!tpu.dma_semaphore, #tpu.memory_space<semaphore_mem>>) src(%dma_wait3A_80 : memref<128xi32, #tpu.memory_space<hbm>>) dst(%arg9 : memref<128xi32, #tpu.memory_space<vmem>>)
      "tpu.region"() ({
        %run_scoped3A = tpu.sem_alloc : memref<!tpu.dma_semaphore, #tpu.memory_space<semaphore_mem>>
        %dma_start3A_100 = arith.constant 0 : i32
        %dma_start3A_101 = arith.constant 0 : i32
        %dma_start3A_102 = tpu.memref_slice %arg13[%dma_start3A_100, %dma_start3A_101] : memref<10240x128xf32, #tpu.memory_space<vmem_shared>> -> memref<10240x128xf32, #tpu.memory_space<vmem_shared>>
        tpu.enqueue_indirect_dma source(%arg11 : memref<128x128xf32, #tpu.memory_space<vmem>>) target(%dma_start3A_102 : memref<10240x128xf32, #tpu.memory_space<vmem_shared>>) offsets(%arg9 : memref<128xi32, #tpu.memory_space<vmem>>) semaphore(%run_scoped3A : memref<!tpu.dma_semaphore, #tpu.memory_space<semaphore_mem>>) {add = true}
        %dma_wait3A_103 = arith.constant 0 : i32
        %dma_wait3A_104 = arith.constant 0 : i32
        %dma_wait3A_105 = tpu.memref_slice %arg13[%dma_wait3A_103, %dma_wait3A_104] : memref<10240x128xf32, #tpu.memory_space<vmem_shared>> -> memref<10240x128xf32, #tpu.memory_space<vmem_shared>>
        tpu.wait_indirect_dma semaphore(%run_scoped3A : memref<!tpu.dma_semaphore, #tpu.memory_space<semaphore_mem>>) src(%arg11 : memref<128x128xf32, #tpu.memory_space<vmem>>) dst(%dma_wait3A_105 : memref<10240x128xf32, #tpu.memory_space<vmem_shared>>)
        tpu.yield
      }) : () -> ()
      %sub3A_81 = arith.constant 1 : i32
      %sub3A_82 = arith.subi %select_n3A, %sub3A_81 : i32
      %lt3A = arith.cmpi slt, %while3A_61, %sub3A_82 : i32
      %convert_element_type3A = arith.extui %lt3A : i1 to i32
      %cond3A = arith.constant 0 : i32
      %cond3A_83 = arith.cmpi ne, %convert_element_type3A, %cond3A : i32
      scf.if %cond3A_83 {
        %add3A_100 = arith.constant 2 : i32
        %add3A_101 = arith.addi %mul3A_63, %add3A_100 : i32
        %add3A_102 = arith.addi %add3A, %add3A_101 : i32
        %mul3A_103 = arith.constant 128 : i32
        %mul3A_104 = arith.muli %add3A_102, %mul3A_103 : i32
        %dma_start3A_105 = tpu.memref_slice %arg3[%mul3A_104] : memref<327680xi32, #tpu.memory_space<hbm>> -> memref<128xi32, #tpu.memory_space<hbm>>
        %dma_start3A_106 = tpu.memref_slice %arg3[%mul3A_104] : memref<327680xi32, #tpu.memory_space<hbm>> -> memref<128xi32, #tpu.memory_space<hbm>>
        tpu.enqueue_dma source(%dma_start3A_106 : memref<128xi32, #tpu.memory_space<hbm>>) target(%arg7 : memref<128xi32, #tpu.memory_space<vmem>>) target_semaphore(%arg14 : memref<!tpu.dma_semaphore, #tpu.memory_space<semaphore_mem>>)
        %dma_start3A_107 = tpu.memref_slice %arg4[%mul3A_104] : memref<327680xi32, #tpu.memory_space<hbm>> -> memref<128xi32, #tpu.memory_space<hbm>>
        %dma_start3A_108 = tpu.memref_slice %arg4[%mul3A_104] : memref<327680xi32, #tpu.memory_space<hbm>> -> memref<128xi32, #tpu.memory_space<hbm>>
        tpu.enqueue_dma source(%dma_start3A_108 : memref<128xi32, #tpu.memory_space<hbm>>) target(%arg9 : memref<128xi32, #tpu.memory_space<vmem>>) target_semaphore(%arg16 : memref<!tpu.dma_semaphore, #tpu.memory_space<semaphore_mem>>)
      } else {
      }
      %dma_wait3A_84 = arith.constant 0 : i32
      %dma_wait3A_85 = arith.constant 0 : i32
      %dma_wait3A_86 = tpu.memref_slice %arg2[%dma_wait3A_84, %dma_wait3A_85] : memref<10240x128xf32, #tpu.memory_space<hbm>> -> memref<128x128xf32, #tpu.memory_space<hbm>>
      %dma_wait3A_87 = arith.constant 0 : i32
      %dma_wait3A_88 = arith.constant 0 : i32
      %dma_wait3A_89 = tpu.memref_slice %arg2[%dma_wait3A_87, %dma_wait3A_88] : memref<10240x128xf32, #tpu.memory_space<hbm>> -> memref<128x128xf32, #tpu.memory_space<hbm>>
      tpu.wait_dma2 semaphore(%arg19 : memref<!tpu.dma_semaphore, #tpu.memory_space<semaphore_mem>>) src(%dma_wait3A_89 : memref<128x128xf32, #tpu.memory_space<hbm>>) dst(%arg12 : memref<128x128xf32, #tpu.memory_space<vmem>>)
      %dma_wait3A_90 = arith.constant 0 : i32
      %dma_wait3A_91 = tpu.memref_slice %arg3[%dma_wait3A_90] : memref<327680xi32, #tpu.memory_space<hbm>> -> memref<128xi32, #tpu.memory_space<hbm>>
      %dma_wait3A_92 = arith.constant 0 : i32
      %dma_wait3A_93 = tpu.memref_slice %arg3[%dma_wait3A_92] : memref<327680xi32, #tpu.memory_space<hbm>> -> memref<128xi32, #tpu.memory_space<hbm>>
      tpu.wait_dma2 semaphore(%arg17 : memref<!tpu.dma_semaphore, #tpu.memory_space<semaphore_mem>>) src(%dma_wait3A_93 : memref<128xi32, #tpu.memory_space<hbm>>) dst(%arg10 : memref<128xi32, #tpu.memory_space<vmem>>)
      "tpu.region"() ({
        %run_scoped3A = tpu.sem_alloc : memref<!tpu.dma_semaphore, #tpu.memory_space<semaphore_mem>>
        %dma_start3A_100 = arith.constant 0 : i32
        %dma_start3A_101 = arith.constant 0 : i32
        %dma_start3A_102 = tpu.memref_slice %arg13[%dma_start3A_100, %dma_start3A_101] : memref<10240x128xf32, #tpu.memory_space<vmem_shared>> -> memref<10240x128xf32, #tpu.memory_space<vmem_shared>>
        tpu.enqueue_indirect_dma source(%arg12 : memref<128x128xf32, #tpu.memory_space<vmem>>) target(%dma_start3A_102 : memref<10240x128xf32, #tpu.memory_space<vmem_shared>>) offsets(%arg10 : memref<128xi32, #tpu.memory_space<vmem>>) semaphore(%run_scoped3A : memref<!tpu.dma_semaphore, #tpu.memory_space<semaphore_mem>>) {add = true}
        %dma_wait3A_103 = arith.constant 0 : i32
        %dma_wait3A_104 = arith.constant 0 : i32
        %dma_wait3A_105 = tpu.memref_slice %arg13[%dma_wait3A_103, %dma_wait3A_104] : memref<10240x128xf32, #tpu.memory_space<vmem_shared>> -> memref<10240x128xf32, #tpu.memory_space<vmem_shared>>
        tpu.wait_indirect_dma semaphore(%run_scoped3A : memref<!tpu.dma_semaphore, #tpu.memory_space<semaphore_mem>>) src(%arg12 : memref<128x128xf32, #tpu.memory_space<vmem>>) dst(%dma_wait3A_105 : memref<10240x128xf32, #tpu.memory_space<vmem_shared>>)
        tpu.yield
      }) : () -> ()
      %sub3A_94 = arith.constant 1 : i32
      %sub3A_95 = arith.subi %select_n3A, %sub3A_94 : i32
      %lt3A_96 = arith.cmpi slt, %while3A_61, %sub3A_95 : i32
      %convert_element_type3A_97 = arith.extui %lt3A_96 : i1 to i32
      %cond3A_98 = arith.constant 0 : i32
      %cond3A_99 = arith.cmpi ne, %convert_element_type3A_97, %cond3A_98 : i32
      scf.if %cond3A_99 {
        %dma_wait3A_100 = arith.constant 0 : i32
        %dma_wait3A_101 = tpu.memref_slice %arg3[%dma_wait3A_100] : memref<327680xi32, #tpu.memory_space<hbm>> -> memref<128xi32, #tpu.memory_space<hbm>>
        %dma_wait3A_102 = arith.constant 0 : i32
        %dma_wait3A_103 = tpu.memref_slice %arg3[%dma_wait3A_102] : memref<327680xi32, #tpu.memory_space<hbm>> -> memref<128xi32, #tpu.memory_space<hbm>>
        tpu.wait_dma2 semaphore(%arg14 : memref<!tpu.dma_semaphore, #tpu.memory_space<semaphore_mem>>) src(%dma_wait3A_103 : memref<128xi32, #tpu.memory_space<hbm>>) dst(%arg7 : memref<128xi32, #tpu.memory_space<vmem>>)
        %dma_start3A_104 = arith.constant 0 : i32
        %dma_start3A_105 = arith.constant 0 : i32
        %dma_start3A_106 = tpu.memref_slice %arg2[%dma_start3A_104, %dma_start3A_105] : memref<10240x128xf32, #tpu.memory_space<hbm>> -> memref<10240x128xf32, #tpu.memory_space<hbm>>
        tpu.enqueue_indirect_dma source(%dma_start3A_106 : memref<10240x128xf32, #tpu.memory_space<hbm>>) target(%arg11 : memref<128x128xf32, #tpu.memory_space<vmem>>) offsets(%arg7 : memref<128xi32, #tpu.memory_space<vmem>>) semaphore(%arg18 : memref<!tpu.dma_semaphore, #tpu.memory_space<semaphore_mem>>)
        %add3A_107 = arith.constant 3 : i32
        %add3A_108 = arith.addi %mul3A_63, %add3A_107 : i32
        %add3A_109 = arith.addi %add3A, %add3A_108 : i32
        %mul3A_110 = arith.constant 128 : i32
        %mul3A_111 = arith.muli %add3A_109, %mul3A_110 : i32
        %dma_start3A_112 = tpu.memref_slice %arg3[%mul3A_111] : memref<327680xi32, #tpu.memory_space<hbm>> -> memref<128xi32, #tpu.memory_space<hbm>>
        %dma_start3A_113 = tpu.memref_slice %arg3[%mul3A_111] : memref<327680xi32, #tpu.memory_space<hbm>> -> memref<128xi32, #tpu.memory_space<hbm>>
        tpu.enqueue_dma source(%dma_start3A_113 : memref<128xi32, #tpu.memory_space<hbm>>) target(%arg8 : memref<128xi32, #tpu.memory_space<vmem>>) target_semaphore(%arg15 : memref<!tpu.dma_semaphore, #tpu.memory_space<semaphore_mem>>)
        %dma_start3A_114 = tpu.memref_slice %arg4[%mul3A_111] : memref<327680xi32, #tpu.memory_space<hbm>> -> memref<128xi32, #tpu.memory_space<hbm>>
        %dma_start3A_115 = tpu.memref_slice %arg4[%mul3A_111] : memref<327680xi32, #tpu.memory_space<hbm>> -> memref<128xi32, #tpu.memory_space<hbm>>
        tpu.enqueue_dma source(%dma_start3A_115 : memref<128xi32, #tpu.memory_space<hbm>>) target(%arg10 : memref<128xi32, #tpu.memory_space<vmem>>) target_semaphore(%arg17 : memref<!tpu.dma_semaphore, #tpu.memory_space<semaphore_mem>>)
      } else {
      }
    }
    %barrier3A_56 = arith.constant 0 : index
    tpu.barrier barrier_id(%barrier3A_56)
    %mul3A_57 = arith.constant 640 : i32
    %mul3A_58 = arith.muli %arg1, %mul3A_57 : i32
    %mul3A_59 = arith.constant 640 : i32
    %mul3A_60 = arith.muli %arg1, %mul3A_59 : i32
    "tpu.region"() ({
      %run_scoped3A = tpu.sem_alloc : memref<!tpu.dma_semaphore, #tpu.memory_space<semaphore_mem>>
      %dma_start3A_61 = arith.constant 0 : i32
      %dma_start3A_62 = tpu.memref_slice %arg6[%arg0, %mul3A_60, %dma_start3A_61] : memref<2x10240x128xf32, #tpu.memory_space<hbm>> -> memref<1x640x128xf32, #tpu.memory_space<hbm>>
      %dma_start3A_63 = tpu.memref_squeeze %dma_start3A_62 : memref<1x640x128xf32, #tpu.memory_space<hbm>> -> memref<640x128xf32, #tpu.memory_space<hbm>>
      %dma_start3A_64 = arith.constant 0 : i32
      %dma_start3A_65 = tpu.memref_slice %arg13[%mul3A_58, %dma_start3A_64] : memref<10240x128xf32, #tpu.memory_space<vmem_shared>> -> memref<640x128xf32, #tpu.memory_space<vmem_shared>>
      tpu.enqueue_dma source(%dma_start3A_65 : memref<640x128xf32, #tpu.memory_space<vmem_shared>>) target(%dma_start3A_63 : memref<640x128xf32, #tpu.memory_space<hbm>>) target_semaphore(%run_scoped3A : memref<!tpu.dma_semaphore, #tpu.memory_space<semaphore_mem>>)
      %dma_wait3A_66 = arith.constant 0 : i32
      %dma_wait3A_67 = tpu.memref_slice %arg6[%arg0, %mul3A_60, %dma_wait3A_66] : memref<2x10240x128xf32, #tpu.memory_space<hbm>> -> memref<1x640x128xf32, #tpu.memory_space<hbm>>
      %dma_wait3A_68 = tpu.memref_squeeze %dma_wait3A_67 : memref<1x640x128xf32, #tpu.memory_space<hbm>> -> memref<640x128xf32, #tpu.memory_space<hbm>>
      %dma_wait3A_69 = arith.constant 0 : i32
      %dma_wait3A_70 = tpu.memref_slice %arg13[%mul3A_58, %dma_wait3A_69] : memref<10240x128xf32, #tpu.memory_space<vmem_shared>> -> memref<640x128xf32, #tpu.memory_space<vmem_shared>>
      tpu.wait_dma2 semaphore(%run_scoped3A : memref<!tpu.dma_semaphore, #tpu.memory_space<semaphore_mem>>) src(%dma_wait3A_70 : memref<640x128xf32, #tpu.memory_space<vmem_shared>>) dst(%dma_wait3A_68 : memref<640x128xf32, #tpu.memory_space<hbm>>)
      tpu.yield
    }) : () -> ()
    return
  }
}

#map = affine_map<(d0, d1) -> (0, 0)>
#map1 = affine_map<(d0, d1) -> (0)>
module attributes {stable_mosaic.version = 14 : i64} {
  func.func @k(%arg0: i32, %arg1: i32, %arg2: memref<10240x128xf32, #tpu.memory_space<hbm>>, %arg3: memref<65536xi32, #tpu.memory_space<hbm>>, %arg4: memref<65536xi32, #tpu.memory_space<hbm>>, %arg5: memref<65536x128xf32, #tpu.memory_space<hbm>>, %arg6: memref<65536x128xf32, #tpu.memory_space<hbm>>, %arg7: memref<4096xi32, #tpu.memory_space<vmem>>, %arg8: memref<4096xi32, #tpu.memory_space<vmem>>, %arg9: memref<128x128xf32, #tpu.memory_space<vmem>>, %arg10: memref<128x128xf32, #tpu.memory_space<vmem>>, %arg11: memref<128x128xf32, #tpu.memory_space<vmem>>, %arg12: memref<128x128xf32, #tpu.memory_space<vmem>>, %arg13: memref<!tpu.dma_semaphore, #tpu.memory_space<semaphore_mem>>, %arg14: memref<!tpu.dma_semaphore, #tpu.memory_space<semaphore_mem>>, %arg15: memref<!tpu.dma_semaphore, #tpu.memory_space<semaphore_mem>>, %arg16: memref<!tpu.dma_semaphore, #tpu.memory_space<semaphore_mem>>, %arg17: memref<!tpu.dma_semaphore, #tpu.memory_space<semaphore_mem>>, %arg18: memref<!tpu.dma_semaphore, #tpu.memory_space<semaphore_mem>>, %arg19: memref<!tpu.dma_semaphore, #tpu.memory_space<semaphore_mem>>, %arg20: memref<!tpu.dma_semaphore, #tpu.memory_space<semaphore_mem>>) attributes {dimension_semantics = [#tpu.dimension_semantics<core_parallel>, #tpu.dimension_semantics<subcore_parallel>], iteration_bounds = array<i64: 1, 16>, scalar_prefetch = 0 : i64, scratch_operands = 14 : i64, tpu.core_type = #tpu.core_type<sc_vector_subcore>, window_params = [{transform_indices = #map}, {transform_indices = #map1}, {transform_indices = #map1}, {transform_indices = #map}, {transform_indices = #map}]} {
    %mul3A = arith.constant 16 : i32
    %mul3A_0 = arith.muli %arg0, %mul3A : i32
    %add3A = arith.addi %mul3A_0, %arg1 : i32
    %mul3A_1 = arith.constant 32 : i32
    %mul3A_2 = arith.muli %add3A, %mul3A_1 : i32
    %mul3A_3 = arith.constant 128 : i32
    %mul3A_4 = arith.muli %mul3A_2, %mul3A_3 : i32
    "tpu.region"() ({
      %run_scoped3A = tpu.sem_alloc : memref<!tpu.dma_semaphore, #tpu.memory_space<semaphore_mem>>
      %dma_start3A_44 = tpu.memref_slice %arg3[%mul3A_4] : memref<65536xi32, #tpu.memory_space<hbm>> -> memref<4096xi32, #tpu.memory_space<hbm>>
      %dma_start3A_45 = tpu.memref_slice %arg3[%mul3A_4] : memref<65536xi32, #tpu.memory_space<hbm>> -> memref<4096xi32, #tpu.memory_space<hbm>>
      tpu.enqueue_dma source(%dma_start3A_45 : memref<4096xi32, #tpu.memory_space<hbm>>) target(%arg7 : memref<4096xi32, #tpu.memory_space<vmem>>) target_semaphore(%run_scoped3A : memref<!tpu.dma_semaphore, #tpu.memory_space<semaphore_mem>>)
      %dma_wait3A_46 = tpu.memref_slice %arg3[%mul3A_4] : memref<65536xi32, #tpu.memory_space<hbm>> -> memref<4096xi32, #tpu.memory_space<hbm>>
      %dma_wait3A_47 = tpu.memref_slice %arg3[%mul3A_4] : memref<65536xi32, #tpu.memory_space<hbm>> -> memref<4096xi32, #tpu.memory_space<hbm>>
      tpu.wait_dma2 semaphore(%run_scoped3A : memref<!tpu.dma_semaphore, #tpu.memory_space<semaphore_mem>>) src(%dma_wait3A_47 : memref<4096xi32, #tpu.memory_space<hbm>>) dst(%arg7 : memref<4096xi32, #tpu.memory_space<vmem>>)
      tpu.yield
    }) : () -> ()
    %mul3A_5 = arith.constant 128 : i32
    %mul3A_6 = arith.muli %mul3A_2, %mul3A_5 : i32
    "tpu.region"() ({
      %run_scoped3A = tpu.sem_alloc : memref<!tpu.dma_semaphore, #tpu.memory_space<semaphore_mem>>
      %dma_start3A_44 = tpu.memref_slice %arg4[%mul3A_6] : memref<65536xi32, #tpu.memory_space<hbm>> -> memref<4096xi32, #tpu.memory_space<hbm>>
      %dma_start3A_45 = tpu.memref_slice %arg4[%mul3A_6] : memref<65536xi32, #tpu.memory_space<hbm>> -> memref<4096xi32, #tpu.memory_space<hbm>>
      tpu.enqueue_dma source(%dma_start3A_45 : memref<4096xi32, #tpu.memory_space<hbm>>) target(%arg8 : memref<4096xi32, #tpu.memory_space<vmem>>) target_semaphore(%run_scoped3A : memref<!tpu.dma_semaphore, #tpu.memory_space<semaphore_mem>>)
      %dma_wait3A_46 = tpu.memref_slice %arg4[%mul3A_6] : memref<65536xi32, #tpu.memory_space<hbm>> -> memref<4096xi32, #tpu.memory_space<hbm>>
      %dma_wait3A_47 = tpu.memref_slice %arg4[%mul3A_6] : memref<65536xi32, #tpu.memory_space<hbm>> -> memref<4096xi32, #tpu.memory_space<hbm>>
      tpu.wait_dma2 semaphore(%run_scoped3A : memref<!tpu.dma_semaphore, #tpu.memory_space<semaphore_mem>>) src(%dma_wait3A_47 : memref<4096xi32, #tpu.memory_space<hbm>>) dst(%arg8 : memref<4096xi32, #tpu.memory_space<vmem>>)
      tpu.yield
    }) : () -> ()
    %dma_start3A = arith.constant 0 : i32
    %dma_start3A_7 = tpu.memref_slice %arg7[%dma_start3A] : memref<4096xi32, #tpu.memory_space<vmem>> -> memref<128xi32, #tpu.memory_space<vmem>>
    %dma_start3A_8 = arith.constant 0 : i32
    %dma_start3A_9 = arith.constant 0 : i32
    %dma_start3A_10 = tpu.memref_slice %arg2[%dma_start3A_8, %dma_start3A_9] : memref<10240x128xf32, #tpu.memory_space<hbm>> -> memref<10240x128xf32, #tpu.memory_space<hbm>>
    tpu.enqueue_indirect_dma source(%dma_start3A_10 : memref<10240x128xf32, #tpu.memory_space<hbm>>) target(%arg9 : memref<128x128xf32, #tpu.memory_space<vmem>>) offsets(%dma_start3A_7 : memref<128xi32, #tpu.memory_space<vmem>>) semaphore(%arg13 : memref<!tpu.dma_semaphore, #tpu.memory_space<semaphore_mem>>)
    %dma_start3A_11 = arith.constant 0 : i32
    %dma_start3A_12 = tpu.memref_slice %arg8[%dma_start3A_11] : memref<4096xi32, #tpu.memory_space<vmem>> -> memref<128xi32, #tpu.memory_space<vmem>>
    %dma_start3A_13 = arith.constant 0 : i32
    %dma_start3A_14 = arith.constant 0 : i32
    %dma_start3A_15 = tpu.memref_slice %arg2[%dma_start3A_13, %dma_start3A_14] : memref<10240x128xf32, #tpu.memory_space<hbm>> -> memref<10240x128xf32, #tpu.memory_space<hbm>>
    tpu.enqueue_indirect_dma source(%dma_start3A_15 : memref<10240x128xf32, #tpu.memory_space<hbm>>) target(%arg11 : memref<128x128xf32, #tpu.memory_space<vmem>>) offsets(%dma_start3A_12 : memref<128xi32, #tpu.memory_space<vmem>>) semaphore(%arg15 : memref<!tpu.dma_semaphore, #tpu.memory_space<semaphore_mem>>)
    %scan3A = arith.constant 0 : i32
    %scan3A_16 = arith.constant 0 : i32
    %scan3A_17 = arith.constant 16 : i32
    %scan3A_18 = arith.addi %scan3A_16, %scan3A_17 : i32
    %scan3A_19 = arith.constant 1 : i32
    scf.for %scan3A_44 = %scan3A_16 to %scan3A_18 step %scan3A_19  : i32 {
      %mul3A_45 = arith.constant 2 : i32
      %mul3A_46 = arith.muli %mul3A_45, %scan3A_44 : i32
      %gt3A = arith.constant 0 : i32
      %gt3A_47 = arith.cmpi sgt, %scan3A_44, %gt3A : i32
      %convert_element_type3A = arith.extui %gt3A_47 : i1 to i32
      %cond3A = arith.constant 0 : i32
      %cond3A_48 = arith.cmpi ne, %convert_element_type3A, %cond3A : i32
      scf.if %cond3A_48 {
        %dma_wait3A_115 = arith.constant 0 : i32
        %dma_wait3A_116 = arith.constant 0 : i32
        %dma_wait3A_117 = tpu.memref_slice %arg5[%dma_wait3A_115, %dma_wait3A_116] : memref<65536x128xf32, #tpu.memory_space<hbm>> -> memref<128x128xf32, #tpu.memory_space<hbm>>
        %dma_wait3A_118 = arith.constant 0 : i32
        %dma_wait3A_119 = arith.constant 0 : i32
        %dma_wait3A_120 = tpu.memref_slice %arg5[%dma_wait3A_118, %dma_wait3A_119] : memref<65536x128xf32, #tpu.memory_space<hbm>> -> memref<128x128xf32, #tpu.memory_space<hbm>>
        tpu.wait_dma2 semaphore(%arg18 : memref<!tpu.dma_semaphore, #tpu.memory_space<semaphore_mem>>) src(%arg10 : memref<128x128xf32, #tpu.memory_space<vmem>>) dst(%dma_wait3A_120 : memref<128x128xf32, #tpu.memory_space<hbm>>)
        %dma_wait3A_121 = arith.constant 0 : i32
        %dma_wait3A_122 = arith.constant 0 : i32
        %dma_wait3A_123 = tpu.memref_slice %arg5[%dma_wait3A_121, %dma_wait3A_122] : memref<65536x128xf32, #tpu.memory_space<hbm>> -> memref<128x128xf32, #tpu.memory_space<hbm>>
        %dma_wait3A_124 = arith.constant 0 : i32
        %dma_wait3A_125 = arith.constant 0 : i32
        %dma_wait3A_126 = tpu.memref_slice %arg5[%dma_wait3A_124, %dma_wait3A_125] : memref<65536x128xf32, #tpu.memory_space<hbm>> -> memref<128x128xf32, #tpu.memory_space<hbm>>
        tpu.wait_dma2 semaphore(%arg20 : memref<!tpu.dma_semaphore, #tpu.memory_space<semaphore_mem>>) src(%arg12 : memref<128x128xf32, #tpu.memory_space<vmem>>) dst(%dma_wait3A_126 : memref<128x128xf32, #tpu.memory_space<hbm>>)
      } else {
      }
      %add3A_49 = arith.constant 1 : i32
      %add3A_50 = arith.addi %mul3A_46, %add3A_49 : i32
      %mul3A_51 = arith.constant 128 : i32
      %mul3A_52 = arith.muli %add3A_50, %mul3A_51 : i32
      %dma_start3A_53 = tpu.memref_slice %arg7[%mul3A_52] : memref<4096xi32, #tpu.memory_space<vmem>> -> memref<128xi32, #tpu.memory_space<vmem>>
      %dma_start3A_54 = arith.constant 0 : i32
      %dma_start3A_55 = arith.constant 0 : i32
      %dma_start3A_56 = tpu.memref_slice %arg2[%dma_start3A_54, %dma_start3A_55] : memref<10240x128xf32, #tpu.memory_space<hbm>> -> memref<10240x128xf32, #tpu.memory_space<hbm>>
      tpu.enqueue_indirect_dma source(%dma_start3A_56 : memref<10240x128xf32, #tpu.memory_space<hbm>>) target(%arg10 : memref<128x128xf32, #tpu.memory_space<vmem>>) offsets(%dma_start3A_53 : memref<128xi32, #tpu.memory_space<vmem>>) semaphore(%arg14 : memref<!tpu.dma_semaphore, #tpu.memory_space<semaphore_mem>>)
      %mul3A_57 = arith.constant 128 : i32
      %mul3A_58 = arith.muli %add3A_50, %mul3A_57 : i32
      %dma_start3A_59 = tpu.memref_slice %arg8[%mul3A_58] : memref<4096xi32, #tpu.memory_space<vmem>> -> memref<128xi32, #tpu.memory_space<vmem>>
      %dma_start3A_60 = arith.constant 0 : i32
      %dma_start3A_61 = arith.constant 0 : i32
      %dma_start3A_62 = tpu.memref_slice %arg2[%dma_start3A_60, %dma_start3A_61] : memref<10240x128xf32, #tpu.memory_space<hbm>> -> memref<10240x128xf32, #tpu.memory_space<hbm>>
      tpu.enqueue_indirect_dma source(%dma_start3A_62 : memref<10240x128xf32, #tpu.memory_space<hbm>>) target(%arg12 : memref<128x128xf32, #tpu.memory_space<vmem>>) offsets(%dma_start3A_59 : memref<128xi32, #tpu.memory_space<vmem>>) semaphore(%arg16 : memref<!tpu.dma_semaphore, #tpu.memory_space<semaphore_mem>>)
      %dma_wait3A_63 = arith.constant 0 : i32
      %dma_wait3A_64 = arith.constant 0 : i32
      %dma_wait3A_65 = tpu.memref_slice %arg2[%dma_wait3A_63, %dma_wait3A_64] : memref<10240x128xf32, #tpu.memory_space<hbm>> -> memref<128x128xf32, #tpu.memory_space<hbm>>
      %dma_wait3A_66 = arith.constant 0 : i32
      %dma_wait3A_67 = arith.constant 0 : i32
      %dma_wait3A_68 = tpu.memref_slice %arg2[%dma_wait3A_66, %dma_wait3A_67] : memref<10240x128xf32, #tpu.memory_space<hbm>> -> memref<128x128xf32, #tpu.memory_space<hbm>>
      tpu.wait_dma2 semaphore(%arg13 : memref<!tpu.dma_semaphore, #tpu.memory_space<semaphore_mem>>) src(%dma_wait3A_68 : memref<128x128xf32, #tpu.memory_space<hbm>>) dst(%arg9 : memref<128x128xf32, #tpu.memory_space<vmem>>)
      %dma_wait3A_69 = arith.constant 0 : i32
      %dma_wait3A_70 = arith.constant 0 : i32
      %dma_wait3A_71 = tpu.memref_slice %arg2[%dma_wait3A_69, %dma_wait3A_70] : memref<10240x128xf32, #tpu.memory_space<hbm>> -> memref<128x128xf32, #tpu.memory_space<hbm>>
      %dma_wait3A_72 = arith.constant 0 : i32
      %dma_wait3A_73 = arith.constant 0 : i32
      %dma_wait3A_74 = tpu.memref_slice %arg2[%dma_wait3A_72, %dma_wait3A_73] : memref<10240x128xf32, #tpu.memory_space<hbm>> -> memref<128x128xf32, #tpu.memory_space<hbm>>
      tpu.wait_dma2 semaphore(%arg15 : memref<!tpu.dma_semaphore, #tpu.memory_space<semaphore_mem>>) src(%dma_wait3A_74 : memref<128x128xf32, #tpu.memory_space<hbm>>) dst(%arg11 : memref<128x128xf32, #tpu.memory_space<vmem>>)
      %add3A_75 = arith.addi %mul3A_2, %mul3A_46 : i32
      %mul3A_76 = arith.constant 128 : i32
      %mul3A_77 = arith.muli %add3A_75, %mul3A_76 : i32
      %dma_start3A_78 = arith.constant 0 : i32
      %dma_start3A_79 = tpu.memref_slice %arg5[%mul3A_77, %dma_start3A_78] : memref<65536x128xf32, #tpu.memory_space<hbm>> -> memref<128x128xf32, #tpu.memory_space<hbm>>
      %dma_start3A_80 = arith.constant 0 : i32
      %dma_start3A_81 = tpu.memref_slice %arg5[%mul3A_77, %dma_start3A_80] : memref<65536x128xf32, #tpu.memory_space<hbm>> -> memref<128x128xf32, #tpu.memory_space<hbm>>
      tpu.enqueue_dma source(%arg9 : memref<128x128xf32, #tpu.memory_space<vmem>>) target(%dma_start3A_81 : memref<128x128xf32, #tpu.memory_space<hbm>>) target_semaphore(%arg17 : memref<!tpu.dma_semaphore, #tpu.memory_space<semaphore_mem>>)
      %dma_start3A_82 = arith.constant 0 : i32
      %dma_start3A_83 = tpu.memref_slice %arg6[%mul3A_77, %dma_start3A_82] : memref<65536x128xf32, #tpu.memory_space<hbm>> -> memref<128x128xf32, #tpu.memory_space<hbm>>
      %dma_start3A_84 = arith.constant 0 : i32
      %dma_start3A_85 = tpu.memref_slice %arg6[%mul3A_77, %dma_start3A_84] : memref<65536x128xf32, #tpu.memory_space<hbm>> -> memref<128x128xf32, #tpu.memory_space<hbm>>
      tpu.enqueue_dma source(%arg11 : memref<128x128xf32, #tpu.memory_space<vmem>>) target(%dma_start3A_85 : memref<128x128xf32, #tpu.memory_space<hbm>>) target_semaphore(%arg19 : memref<!tpu.dma_semaphore, #tpu.memory_space<semaphore_mem>>)
      %lt3A = arith.constant 15 : i32
      %lt3A_86 = arith.cmpi slt, %scan3A_44, %lt3A : i32
      %convert_element_type3A_87 = arith.extui %lt3A_86 : i1 to i32
      %cond3A_88 = arith.constant 0 : i32
      %cond3A_89 = arith.cmpi ne, %convert_element_type3A_87, %cond3A_88 : i32
      scf.if %cond3A_89 {
        %dma_wait3A_115 = arith.constant 0 : i32
        %dma_wait3A_116 = arith.constant 0 : i32
        %dma_wait3A_117 = tpu.memref_slice %arg5[%dma_wait3A_115, %dma_wait3A_116] : memref<65536x128xf32, #tpu.memory_space<hbm>> -> memref<128x128xf32, #tpu.memory_space<hbm>>
        %dma_wait3A_118 = arith.constant 0 : i32
        %dma_wait3A_119 = arith.constant 0 : i32
        %dma_wait3A_120 = tpu.memref_slice %arg5[%dma_wait3A_118, %dma_wait3A_119] : memref<65536x128xf32, #tpu.memory_space<hbm>> -> memref<128x128xf32, #tpu.memory_space<hbm>>
        tpu.wait_dma2 semaphore(%arg17 : memref<!tpu.dma_semaphore, #tpu.memory_space<semaphore_mem>>) src(%arg9 : memref<128x128xf32, #tpu.memory_space<vmem>>) dst(%dma_wait3A_120 : memref<128x128xf32, #tpu.memory_space<hbm>>)
        %dma_wait3A_121 = arith.constant 0 : i32
        %dma_wait3A_122 = arith.constant 0 : i32
        %dma_wait3A_123 = tpu.memref_slice %arg5[%dma_wait3A_121, %dma_wait3A_122] : memref<65536x128xf32, #tpu.memory_space<hbm>> -> memref<128x128xf32, #tpu.memory_space<hbm>>
        %dma_wait3A_124 = arith.constant 0 : i32
        %dma_wait3A_125 = arith.constant 0 : i32
        %dma_wait3A_126 = tpu.memref_slice %arg5[%dma_wait3A_124, %dma_wait3A_125] : memref<65536x128xf32, #tpu.memory_space<hbm>> -> memref<128x128xf32, #tpu.memory_space<hbm>>
        tpu.wait_dma2 semaphore(%arg19 : memref<!tpu.dma_semaphore, #tpu.memory_space<semaphore_mem>>) src(%arg11 : memref<128x128xf32, #tpu.memory_space<vmem>>) dst(%dma_wait3A_126 : memref<128x128xf32, #tpu.memory_space<hbm>>)
        %add3A_127 = arith.constant 2 : i32
        %add3A_128 = arith.addi %mul3A_46, %add3A_127 : i32
        %mul3A_129 = arith.constant 128 : i32
        %mul3A_130 = arith.muli %add3A_128, %mul3A_129 : i32
        %dma_start3A_131 = tpu.memref_slice %arg7[%mul3A_130] : memref<4096xi32, #tpu.memory_space<vmem>> -> memref<128xi32, #tpu.memory_space<vmem>>
        %dma_start3A_132 = arith.constant 0 : i32
        %dma_start3A_133 = arith.constant 0 : i32
        %dma_start3A_134 = tpu.memref_slice %arg2[%dma_start3A_132, %dma_start3A_133] : memref<10240x128xf32, #tpu.memory_space<hbm>> -> memref<10240x128xf32, #tpu.memory_space<hbm>>
        tpu.enqueue_indirect_dma source(%dma_start3A_134 : memref<10240x128xf32, #tpu.memory_space<hbm>>) target(%arg9 : memref<128x128xf32, #tpu.memory_space<vmem>>) offsets(%dma_start3A_131 : memref<128xi32, #tpu.memory_space<vmem>>) semaphore(%arg13 : memref<!tpu.dma_semaphore, #tpu.memory_space<semaphore_mem>>)
        %mul3A_135 = arith.constant 128 : i32
        %mul3A_136 = arith.muli %add3A_128, %mul3A_135 : i32
        %dma_start3A_137 = tpu.memref_slice %arg8[%mul3A_136] : memref<4096xi32, #tpu.memory_space<vmem>> -> memref<128xi32, #tpu.memory_space<vmem>>
        %dma_start3A_138 = arith.constant 0 : i32
        %dma_start3A_139 = arith.constant 0 : i32
        %dma_start3A_140 = tpu.memref_slice %arg2[%dma_start3A_138, %dma_start3A_139] : memref<10240x128xf32, #tpu.memory_space<hbm>> -> memref<10240x128xf32, #tpu.memory_space<hbm>>
        tpu.enqueue_indirect_dma source(%dma_start3A_140 : memref<10240x128xf32, #tpu.memory_space<hbm>>) target(%arg11 : memref<128x128xf32, #tpu.memory_space<vmem>>) offsets(%dma_start3A_137 : memref<128xi32, #tpu.memory_space<vmem>>) semaphore(%arg15 : memref<!tpu.dma_semaphore, #tpu.memory_space<semaphore_mem>>)
      } else {
      }
      %dma_wait3A_90 = arith.constant 0 : i32
      %dma_wait3A_91 = arith.constant 0 : i32
      %dma_wait3A_92 = tpu.memref_slice %arg2[%dma_wait3A_90, %dma_wait3A_91] : memref<10240x128xf32, #tpu.memory_space<hbm>> -> memref<128x128xf32, #tpu.memory_space<hbm>>
      %dma_wait3A_93 = arith.constant 0 : i32
      %dma_wait3A_94 = arith.constant 0 : i32
      %dma_wait3A_95 = tpu.memref_slice %arg2[%dma_wait3A_93, %dma_wait3A_94] : memref<10240x128xf32, #tpu.memory_space<hbm>> -> memref<128x128xf32, #tpu.memory_space<hbm>>
      tpu.wait_dma2 semaphore(%arg14 : memref<!tpu.dma_semaphore, #tpu.memory_space<semaphore_mem>>) src(%dma_wait3A_95 : memref<128x128xf32, #tpu.memory_space<hbm>>) dst(%arg10 : memref<128x128xf32, #tpu.memory_space<vmem>>)
      %dma_wait3A_96 = arith.constant 0 : i32
      %dma_wait3A_97 = arith.constant 0 : i32
      %dma_wait3A_98 = tpu.memref_slice %arg2[%dma_wait3A_96, %dma_wait3A_97] : memref<10240x128xf32, #tpu.memory_space<hbm>> -> memref<128x128xf32, #tpu.memory_space<hbm>>
      %dma_wait3A_99 = arith.constant 0 : i32
      %dma_wait3A_100 = arith.constant 0 : i32
      %dma_wait3A_101 = tpu.memref_slice %arg2[%dma_wait3A_99, %dma_wait3A_100] : memref<10240x128xf32, #tpu.memory_space<hbm>> -> memref<128x128xf32, #tpu.memory_space<hbm>>
      tpu.wait_dma2 semaphore(%arg16 : memref<!tpu.dma_semaphore, #tpu.memory_space<semaphore_mem>>) src(%dma_wait3A_101 : memref<128x128xf32, #tpu.memory_space<hbm>>) dst(%arg12 : memref<128x128xf32, #tpu.memory_space<vmem>>)
      %add3A_102 = arith.constant 1 : i32
      %add3A_103 = arith.addi %mul3A_46, %add3A_102 : i32
      %add3A_104 = arith.addi %mul3A_2, %add3A_103 : i32
      %mul3A_105 = arith.constant 128 : i32
      %mul3A_106 = arith.muli %add3A_104, %mul3A_105 : i32
      %dma_start3A_107 = arith.constant 0 : i32
      %dma_start3A_108 = tpu.memref_slice %arg5[%mul3A_106, %dma_start3A_107] : memref<65536x128xf32, #tpu.memory_space<hbm>> -> memref<128x128xf32, #tpu.memory_space<hbm>>
      %dma_start3A_109 = arith.constant 0 : i32
      %dma_start3A_110 = tpu.memref_slice %arg5[%mul3A_106, %dma_start3A_109] : memref<65536x128xf32, #tpu.memory_space<hbm>> -> memref<128x128xf32, #tpu.memory_space<hbm>>
      tpu.enqueue_dma source(%arg10 : memref<128x128xf32, #tpu.memory_space<vmem>>) target(%dma_start3A_110 : memref<128x128xf32, #tpu.memory_space<hbm>>) target_semaphore(%arg18 : memref<!tpu.dma_semaphore, #tpu.memory_space<semaphore_mem>>)
      %dma_start3A_111 = arith.constant 0 : i32
      %dma_start3A_112 = tpu.memref_slice %arg6[%mul3A_106, %dma_start3A_111] : memref<65536x128xf32, #tpu.memory_space<hbm>> -> memref<128x128xf32, #tpu.memory_space<hbm>>
      %dma_start3A_113 = arith.constant 0 : i32
      %dma_start3A_114 = tpu.memref_slice %arg6[%mul3A_106, %dma_start3A_113] : memref<65536x128xf32, #tpu.memory_space<hbm>> -> memref<128x128xf32, #tpu.memory_space<hbm>>
      tpu.enqueue_dma source(%arg12 : memref<128x128xf32, #tpu.memory_space<vmem>>) target(%dma_start3A_114 : memref<128x128xf32, #tpu.memory_space<hbm>>) target_semaphore(%arg20 : memref<!tpu.dma_semaphore, #tpu.memory_space<semaphore_mem>>)
    }
    %scan3A_20 = arith.constant 16 : i32
    %dma_wait3A = arith.constant 0 : i32
    %dma_wait3A_21 = arith.constant 0 : i32
    %dma_wait3A_22 = tpu.memref_slice %arg5[%dma_wait3A, %dma_wait3A_21] : memref<65536x128xf32, #tpu.memory_space<hbm>> -> memref<128x128xf32, #tpu.memory_space<hbm>>
    %dma_wait3A_23 = arith.constant 0 : i32
    %dma_wait3A_24 = arith.constant 0 : i32
    %dma_wait3A_25 = tpu.memref_slice %arg5[%dma_wait3A_23, %dma_wait3A_24] : memref<65536x128xf32, #tpu.memory_space<hbm>> -> memref<128x128xf32, #tpu.memory_space<hbm>>
    tpu.wait_dma2 semaphore(%arg17 : memref<!tpu.dma_semaphore, #tpu.memory_space<semaphore_mem>>) src(%arg9 : memref<128x128xf32, #tpu.memory_space<vmem>>) dst(%dma_wait3A_25 : memref<128x128xf32, #tpu.memory_space<hbm>>)
    %dma_wait3A_26 = arith.constant 0 : i32
    %dma_wait3A_27 = arith.constant 0 : i32
    %dma_wait3A_28 = tpu.memref_slice %arg5[%dma_wait3A_26, %dma_wait3A_27] : memref<65536x128xf32, #tpu.memory_space<hbm>> -> memref<128x128xf32, #tpu.memory_space<hbm>>
    %dma_wait3A_29 = arith.constant 0 : i32
    %dma_wait3A_30 = arith.constant 0 : i32
    %dma_wait3A_31 = tpu.memref_slice %arg5[%dma_wait3A_29, %dma_wait3A_30] : memref<65536x128xf32, #tpu.memory_space<hbm>> -> memref<128x128xf32, #tpu.memory_space<hbm>>
    tpu.wait_dma2 semaphore(%arg19 : memref<!tpu.dma_semaphore, #tpu.memory_space<semaphore_mem>>) src(%arg11 : memref<128x128xf32, #tpu.memory_space<vmem>>) dst(%dma_wait3A_31 : memref<128x128xf32, #tpu.memory_space<hbm>>)
    %dma_wait3A_32 = arith.constant 0 : i32
    %dma_wait3A_33 = arith.constant 0 : i32
    %dma_wait3A_34 = tpu.memref_slice %arg5[%dma_wait3A_32, %dma_wait3A_33] : memref<65536x128xf32, #tpu.memory_space<hbm>> -> memref<128x128xf32, #tpu.memory_space<hbm>>
    %dma_wait3A_35 = arith.constant 0 : i32
    %dma_wait3A_36 = arith.constant 0 : i32
    %dma_wait3A_37 = tpu.memref_slice %arg5[%dma_wait3A_35, %dma_wait3A_36] : memref<65536x128xf32, #tpu.memory_space<hbm>> -> memref<128x128xf32, #tpu.memory_space<hbm>>
    tpu.wait_dma2 semaphore(%arg18 : memref<!tpu.dma_semaphore, #tpu.memory_space<semaphore_mem>>) src(%arg10 : memref<128x128xf32, #tpu.memory_space<vmem>>) dst(%dma_wait3A_37 : memref<128x128xf32, #tpu.memory_space<hbm>>)
    %dma_wait3A_38 = arith.constant 0 : i32
    %dma_wait3A_39 = arith.constant 0 : i32
    %dma_wait3A_40 = tpu.memref_slice %arg5[%dma_wait3A_38, %dma_wait3A_39] : memref<65536x128xf32, #tpu.memory_space<hbm>> -> memref<128x128xf32, #tpu.memory_space<hbm>>
    %dma_wait3A_41 = arith.constant 0 : i32
    %dma_wait3A_42 = arith.constant 0 : i32
    %dma_wait3A_43 = tpu.memref_slice %arg5[%dma_wait3A_41, %dma_wait3A_42] : memref<65536x128xf32, #tpu.memory_space<hbm>> -> memref<128x128xf32, #tpu.memory_space<hbm>>
    tpu.wait_dma2 semaphore(%arg20 : memref<!tpu.dma_semaphore, #tpu.memory_space<semaphore_mem>>) src(%arg12 : memref<128x128xf32, #tpu.memory_space<vmem>>) dst(%dma_wait3A_43 : memref<128x128xf32, #tpu.memory_space<hbm>>)
    return
  }
}

#map = affine_map<(d0, d1) -> (0, 0)>
#map1 = affine_map<(d0, d1) -> (0)>
module attributes {stable_mosaic.version = 14 : i64} {
  func.func @k(%arg0: i32, %arg1: i32, %arg2: memref<10240x128xf32, #tpu.memory_space<hbm>>, %arg3: memref<98304xi32, #tpu.memory_space<hbm>>, %arg4: memref<98304xi32, #tpu.memory_space<hbm>>, %arg5: memref<98304x128xf32, #tpu.memory_space<hbm>>, %arg6: memref<98304x128xf32, #tpu.memory_space<hbm>>, %arg7: memref<6144xi32, #tpu.memory_space<vmem>>, %arg8: memref<6144xi32, #tpu.memory_space<vmem>>, %arg9: memref<128x128xf32, #tpu.memory_space<vmem>>, %arg10: memref<128x128xf32, #tpu.memory_space<vmem>>, %arg11: memref<128x128xf32, #tpu.memory_space<vmem>>, %arg12: memref<128x128xf32, #tpu.memory_space<vmem>>, %arg13: memref<!tpu.dma_semaphore, #tpu.memory_space<semaphore_mem>>, %arg14: memref<!tpu.dma_semaphore, #tpu.memory_space<semaphore_mem>>, %arg15: memref<!tpu.dma_semaphore, #tpu.memory_space<semaphore_mem>>, %arg16: memref<!tpu.dma_semaphore, #tpu.memory_space<semaphore_mem>>, %arg17: memref<!tpu.dma_semaphore, #tpu.memory_space<semaphore_mem>>, %arg18: memref<!tpu.dma_semaphore, #tpu.memory_space<semaphore_mem>>, %arg19: memref<!tpu.dma_semaphore, #tpu.memory_space<semaphore_mem>>, %arg20: memref<!tpu.dma_semaphore, #tpu.memory_space<semaphore_mem>>) attributes {dimension_semantics = [#tpu.dimension_semantics<core_parallel>, #tpu.dimension_semantics<subcore_parallel>], iteration_bounds = array<i64: 1, 16>, scalar_prefetch = 0 : i64, scratch_operands = 14 : i64, tpu.core_type = #tpu.core_type<sc_vector_subcore>, window_params = [{transform_indices = #map}, {transform_indices = #map1}, {transform_indices = #map1}, {transform_indices = #map}, {transform_indices = #map}]} {
    %mul3A = arith.constant 16 : i32
    %mul3A_0 = arith.muli %arg0, %mul3A : i32
    %add3A = arith.addi %mul3A_0, %arg1 : i32
    %mul3A_1 = arith.constant 48 : i32
    %mul3A_2 = arith.muli %add3A, %mul3A_1 : i32
    %mul3A_3 = arith.constant 128 : i32
    %mul3A_4 = arith.muli %mul3A_2, %mul3A_3 : i32
    "tpu.region"() ({
      %run_scoped3A = tpu.sem_alloc : memref<!tpu.dma_semaphore, #tpu.memory_space<semaphore_mem>>
      %dma_start3A_44 = tpu.memref_slice %arg3[%mul3A_4] : memref<98304xi32, #tpu.memory_space<hbm>> -> memref<6144xi32, #tpu.memory_space<hbm>>
      %dma_start3A_45 = tpu.memref_slice %arg3[%mul3A_4] : memref<98304xi32, #tpu.memory_space<hbm>> -> memref<6144xi32, #tpu.memory_space<hbm>>
      tpu.enqueue_dma source(%dma_start3A_45 : memref<6144xi32, #tpu.memory_space<hbm>>) target(%arg7 : memref<6144xi32, #tpu.memory_space<vmem>>) target_semaphore(%run_scoped3A : memref<!tpu.dma_semaphore, #tpu.memory_space<semaphore_mem>>)
      %dma_wait3A_46 = tpu.memref_slice %arg3[%mul3A_4] : memref<98304xi32, #tpu.memory_space<hbm>> -> memref<6144xi32, #tpu.memory_space<hbm>>
      %dma_wait3A_47 = tpu.memref_slice %arg3[%mul3A_4] : memref<98304xi32, #tpu.memory_space<hbm>> -> memref<6144xi32, #tpu.memory_space<hbm>>
      tpu.wait_dma2 semaphore(%run_scoped3A : memref<!tpu.dma_semaphore, #tpu.memory_space<semaphore_mem>>) src(%dma_wait3A_47 : memref<6144xi32, #tpu.memory_space<hbm>>) dst(%arg7 : memref<6144xi32, #tpu.memory_space<vmem>>)
      tpu.yield
    }) : () -> ()
    %mul3A_5 = arith.constant 128 : i32
    %mul3A_6 = arith.muli %mul3A_2, %mul3A_5 : i32
    "tpu.region"() ({
      %run_scoped3A = tpu.sem_alloc : memref<!tpu.dma_semaphore, #tpu.memory_space<semaphore_mem>>
      %dma_start3A_44 = tpu.memref_slice %arg4[%mul3A_6] : memref<98304xi32, #tpu.memory_space<hbm>> -> memref<6144xi32, #tpu.memory_space<hbm>>
      %dma_start3A_45 = tpu.memref_slice %arg4[%mul3A_6] : memref<98304xi32, #tpu.memory_space<hbm>> -> memref<6144xi32, #tpu.memory_space<hbm>>
      tpu.enqueue_dma source(%dma_start3A_45 : memref<6144xi32, #tpu.memory_space<hbm>>) target(%arg8 : memref<6144xi32, #tpu.memory_space<vmem>>) target_semaphore(%run_scoped3A : memref<!tpu.dma_semaphore, #tpu.memory_space<semaphore_mem>>)
      %dma_wait3A_46 = tpu.memref_slice %arg4[%mul3A_6] : memref<98304xi32, #tpu.memory_space<hbm>> -> memref<6144xi32, #tpu.memory_space<hbm>>
      %dma_wait3A_47 = tpu.memref_slice %arg4[%mul3A_6] : memref<98304xi32, #tpu.memory_space<hbm>> -> memref<6144xi32, #tpu.memory_space<hbm>>
      tpu.wait_dma2 semaphore(%run_scoped3A : memref<!tpu.dma_semaphore, #tpu.memory_space<semaphore_mem>>) src(%dma_wait3A_47 : memref<6144xi32, #tpu.memory_space<hbm>>) dst(%arg8 : memref<6144xi32, #tpu.memory_space<vmem>>)
      tpu.yield
    }) : () -> ()
    %dma_start3A = arith.constant 0 : i32
    %dma_start3A_7 = tpu.memref_slice %arg7[%dma_start3A] : memref<6144xi32, #tpu.memory_space<vmem>> -> memref<128xi32, #tpu.memory_space<vmem>>
    %dma_start3A_8 = arith.constant 0 : i32
    %dma_start3A_9 = arith.constant 0 : i32
    %dma_start3A_10 = tpu.memref_slice %arg2[%dma_start3A_8, %dma_start3A_9] : memref<10240x128xf32, #tpu.memory_space<hbm>> -> memref<10240x128xf32, #tpu.memory_space<hbm>>
    tpu.enqueue_indirect_dma source(%dma_start3A_10 : memref<10240x128xf32, #tpu.memory_space<hbm>>) target(%arg9 : memref<128x128xf32, #tpu.memory_space<vmem>>) offsets(%dma_start3A_7 : memref<128xi32, #tpu.memory_space<vmem>>) semaphore(%arg13 : memref<!tpu.dma_semaphore, #tpu.memory_space<semaphore_mem>>)
    %dma_start3A_11 = arith.constant 0 : i32
    %dma_start3A_12 = tpu.memref_slice %arg8[%dma_start3A_11] : memref<6144xi32, #tpu.memory_space<vmem>> -> memref<128xi32, #tpu.memory_space<vmem>>
    %dma_start3A_13 = arith.constant 0 : i32
    %dma_start3A_14 = arith.constant 0 : i32
    %dma_start3A_15 = tpu.memref_slice %arg2[%dma_start3A_13, %dma_start3A_14] : memref<10240x128xf32, #tpu.memory_space<hbm>> -> memref<10240x128xf32, #tpu.memory_space<hbm>>
    tpu.enqueue_indirect_dma source(%dma_start3A_15 : memref<10240x128xf32, #tpu.memory_space<hbm>>) target(%arg11 : memref<128x128xf32, #tpu.memory_space<vmem>>) offsets(%dma_start3A_12 : memref<128xi32, #tpu.memory_space<vmem>>) semaphore(%arg15 : memref<!tpu.dma_semaphore, #tpu.memory_space<semaphore_mem>>)
    %scan3A = arith.constant 0 : i32
    %scan3A_16 = arith.constant 0 : i32
    %scan3A_17 = arith.constant 24 : i32
    %scan3A_18 = arith.addi %scan3A_16, %scan3A_17 : i32
    %scan3A_19 = arith.constant 1 : i32
    scf.for %scan3A_44 = %scan3A_16 to %scan3A_18 step %scan3A_19  : i32 {
      %mul3A_45 = arith.constant 2 : i32
      %mul3A_46 = arith.muli %mul3A_45, %scan3A_44 : i32
      %gt3A = arith.constant 0 : i32
      %gt3A_47 = arith.cmpi sgt, %scan3A_44, %gt3A : i32
      %convert_element_type3A = arith.extui %gt3A_47 : i1 to i32
      %cond3A = arith.constant 0 : i32
      %cond3A_48 = arith.cmpi ne, %convert_element_type3A, %cond3A : i32
      scf.if %cond3A_48 {
        %dma_wait3A_115 = arith.constant 0 : i32
        %dma_wait3A_116 = arith.constant 0 : i32
        %dma_wait3A_117 = tpu.memref_slice %arg5[%dma_wait3A_115, %dma_wait3A_116] : memref<98304x128xf32, #tpu.memory_space<hbm>> -> memref<128x128xf32, #tpu.memory_space<hbm>>
        %dma_wait3A_118 = arith.constant 0 : i32
        %dma_wait3A_119 = arith.constant 0 : i32
        %dma_wait3A_120 = tpu.memref_slice %arg5[%dma_wait3A_118, %dma_wait3A_119] : memref<98304x128xf32, #tpu.memory_space<hbm>> -> memref<128x128xf32, #tpu.memory_space<hbm>>
        tpu.wait_dma2 semaphore(%arg18 : memref<!tpu.dma_semaphore, #tpu.memory_space<semaphore_mem>>) src(%arg10 : memref<128x128xf32, #tpu.memory_space<vmem>>) dst(%dma_wait3A_120 : memref<128x128xf32, #tpu.memory_space<hbm>>)
        %dma_wait3A_121 = arith.constant 0 : i32
        %dma_wait3A_122 = arith.constant 0 : i32
        %dma_wait3A_123 = tpu.memref_slice %arg5[%dma_wait3A_121, %dma_wait3A_122] : memref<98304x128xf32, #tpu.memory_space<hbm>> -> memref<128x128xf32, #tpu.memory_space<hbm>>
        %dma_wait3A_124 = arith.constant 0 : i32
        %dma_wait3A_125 = arith.constant 0 : i32
        %dma_wait3A_126 = tpu.memref_slice %arg5[%dma_wait3A_124, %dma_wait3A_125] : memref<98304x128xf32, #tpu.memory_space<hbm>> -> memref<128x128xf32, #tpu.memory_space<hbm>>
        tpu.wait_dma2 semaphore(%arg20 : memref<!tpu.dma_semaphore, #tpu.memory_space<semaphore_mem>>) src(%arg12 : memref<128x128xf32, #tpu.memory_space<vmem>>) dst(%dma_wait3A_126 : memref<128x128xf32, #tpu.memory_space<hbm>>)
      } else {
      }
      %add3A_49 = arith.constant 1 : i32
      %add3A_50 = arith.addi %mul3A_46, %add3A_49 : i32
      %mul3A_51 = arith.constant 128 : i32
      %mul3A_52 = arith.muli %add3A_50, %mul3A_51 : i32
      %dma_start3A_53 = tpu.memref_slice %arg7[%mul3A_52] : memref<6144xi32, #tpu.memory_space<vmem>> -> memref<128xi32, #tpu.memory_space<vmem>>
      %dma_start3A_54 = arith.constant 0 : i32
      %dma_start3A_55 = arith.constant 0 : i32
      %dma_start3A_56 = tpu.memref_slice %arg2[%dma_start3A_54, %dma_start3A_55] : memref<10240x128xf32, #tpu.memory_space<hbm>> -> memref<10240x128xf32, #tpu.memory_space<hbm>>
      tpu.enqueue_indirect_dma source(%dma_start3A_56 : memref<10240x128xf32, #tpu.memory_space<hbm>>) target(%arg10 : memref<128x128xf32, #tpu.memory_space<vmem>>) offsets(%dma_start3A_53 : memref<128xi32, #tpu.memory_space<vmem>>) semaphore(%arg14 : memref<!tpu.dma_semaphore, #tpu.memory_space<semaphore_mem>>)
      %mul3A_57 = arith.constant 128 : i32
      %mul3A_58 = arith.muli %add3A_50, %mul3A_57 : i32
      %dma_start3A_59 = tpu.memref_slice %arg8[%mul3A_58] : memref<6144xi32, #tpu.memory_space<vmem>> -> memref<128xi32, #tpu.memory_space<vmem>>
      %dma_start3A_60 = arith.constant 0 : i32
      %dma_start3A_61 = arith.constant 0 : i32
      %dma_start3A_62 = tpu.memref_slice %arg2[%dma_start3A_60, %dma_start3A_61] : memref<10240x128xf32, #tpu.memory_space<hbm>> -> memref<10240x128xf32, #tpu.memory_space<hbm>>
      tpu.enqueue_indirect_dma source(%dma_start3A_62 : memref<10240x128xf32, #tpu.memory_space<hbm>>) target(%arg12 : memref<128x128xf32, #tpu.memory_space<vmem>>) offsets(%dma_start3A_59 : memref<128xi32, #tpu.memory_space<vmem>>) semaphore(%arg16 : memref<!tpu.dma_semaphore, #tpu.memory_space<semaphore_mem>>)
      %dma_wait3A_63 = arith.constant 0 : i32
      %dma_wait3A_64 = arith.constant 0 : i32
      %dma_wait3A_65 = tpu.memref_slice %arg2[%dma_wait3A_63, %dma_wait3A_64] : memref<10240x128xf32, #tpu.memory_space<hbm>> -> memref<128x128xf32, #tpu.memory_space<hbm>>
      %dma_wait3A_66 = arith.constant 0 : i32
      %dma_wait3A_67 = arith.constant 0 : i32
      %dma_wait3A_68 = tpu.memref_slice %arg2[%dma_wait3A_66, %dma_wait3A_67] : memref<10240x128xf32, #tpu.memory_space<hbm>> -> memref<128x128xf32, #tpu.memory_space<hbm>>
      tpu.wait_dma2 semaphore(%arg13 : memref<!tpu.dma_semaphore, #tpu.memory_space<semaphore_mem>>) src(%dma_wait3A_68 : memref<128x128xf32, #tpu.memory_space<hbm>>) dst(%arg9 : memref<128x128xf32, #tpu.memory_space<vmem>>)
      %dma_wait3A_69 = arith.constant 0 : i32
      %dma_wait3A_70 = arith.constant 0 : i32
      %dma_wait3A_71 = tpu.memref_slice %arg2[%dma_wait3A_69, %dma_wait3A_70] : memref<10240x128xf32, #tpu.memory_space<hbm>> -> memref<128x128xf32, #tpu.memory_space<hbm>>
      %dma_wait3A_72 = arith.constant 0 : i32
      %dma_wait3A_73 = arith.constant 0 : i32
      %dma_wait3A_74 = tpu.memref_slice %arg2[%dma_wait3A_72, %dma_wait3A_73] : memref<10240x128xf32, #tpu.memory_space<hbm>> -> memref<128x128xf32, #tpu.memory_space<hbm>>
      tpu.wait_dma2 semaphore(%arg15 : memref<!tpu.dma_semaphore, #tpu.memory_space<semaphore_mem>>) src(%dma_wait3A_74 : memref<128x128xf32, #tpu.memory_space<hbm>>) dst(%arg11 : memref<128x128xf32, #tpu.memory_space<vmem>>)
      %add3A_75 = arith.addi %mul3A_2, %mul3A_46 : i32
      %mul3A_76 = arith.constant 128 : i32
      %mul3A_77 = arith.muli %add3A_75, %mul3A_76 : i32
      %dma_start3A_78 = arith.constant 0 : i32
      %dma_start3A_79 = tpu.memref_slice %arg5[%mul3A_77, %dma_start3A_78] : memref<98304x128xf32, #tpu.memory_space<hbm>> -> memref<128x128xf32, #tpu.memory_space<hbm>>
      %dma_start3A_80 = arith.constant 0 : i32
      %dma_start3A_81 = tpu.memref_slice %arg5[%mul3A_77, %dma_start3A_80] : memref<98304x128xf32, #tpu.memory_space<hbm>> -> memref<128x128xf32, #tpu.memory_space<hbm>>
      tpu.enqueue_dma source(%arg9 : memref<128x128xf32, #tpu.memory_space<vmem>>) target(%dma_start3A_81 : memref<128x128xf32, #tpu.memory_space<hbm>>) target_semaphore(%arg17 : memref<!tpu.dma_semaphore, #tpu.memory_space<semaphore_mem>>)
      %dma_start3A_82 = arith.constant 0 : i32
      %dma_start3A_83 = tpu.memref_slice %arg6[%mul3A_77, %dma_start3A_82] : memref<98304x128xf32, #tpu.memory_space<hbm>> -> memref<128x128xf32, #tpu.memory_space<hbm>>
      %dma_start3A_84 = arith.constant 0 : i32
      %dma_start3A_85 = tpu.memref_slice %arg6[%mul3A_77, %dma_start3A_84] : memref<98304x128xf32, #tpu.memory_space<hbm>> -> memref<128x128xf32, #tpu.memory_space<hbm>>
      tpu.enqueue_dma source(%arg11 : memref<128x128xf32, #tpu.memory_space<vmem>>) target(%dma_start3A_85 : memref<128x128xf32, #tpu.memory_space<hbm>>) target_semaphore(%arg19 : memref<!tpu.dma_semaphore, #tpu.memory_space<semaphore_mem>>)
      %lt3A = arith.constant 23 : i32
      %lt3A_86 = arith.cmpi slt, %scan3A_44, %lt3A : i32
      %convert_element_type3A_87 = arith.extui %lt3A_86 : i1 to i32
      %cond3A_88 = arith.constant 0 : i32
      %cond3A_89 = arith.cmpi ne, %convert_element_type3A_87, %cond3A_88 : i32
      scf.if %cond3A_89 {
        %dma_wait3A_115 = arith.constant 0 : i32
        %dma_wait3A_116 = arith.constant 0 : i32
        %dma_wait3A_117 = tpu.memref_slice %arg5[%dma_wait3A_115, %dma_wait3A_116] : memref<98304x128xf32, #tpu.memory_space<hbm>> -> memref<128x128xf32, #tpu.memory_space<hbm>>
        %dma_wait3A_118 = arith.constant 0 : i32
        %dma_wait3A_119 = arith.constant 0 : i32
        %dma_wait3A_120 = tpu.memref_slice %arg5[%dma_wait3A_118, %dma_wait3A_119] : memref<98304x128xf32, #tpu.memory_space<hbm>> -> memref<128x128xf32, #tpu.memory_space<hbm>>
        tpu.wait_dma2 semaphore(%arg17 : memref<!tpu.dma_semaphore, #tpu.memory_space<semaphore_mem>>) src(%arg9 : memref<128x128xf32, #tpu.memory_space<vmem>>) dst(%dma_wait3A_120 : memref<128x128xf32, #tpu.memory_space<hbm>>)
        %dma_wait3A_121 = arith.constant 0 : i32
        %dma_wait3A_122 = arith.constant 0 : i32
        %dma_wait3A_123 = tpu.memref_slice %arg5[%dma_wait3A_121, %dma_wait3A_122] : memref<98304x128xf32, #tpu.memory_space<hbm>> -> memref<128x128xf32, #tpu.memory_space<hbm>>
        %dma_wait3A_124 = arith.constant 0 : i32
        %dma_wait3A_125 = arith.constant 0 : i32
        %dma_wait3A_126 = tpu.memref_slice %arg5[%dma_wait3A_124, %dma_wait3A_125] : memref<98304x128xf32, #tpu.memory_space<hbm>> -> memref<128x128xf32, #tpu.memory_space<hbm>>
        tpu.wait_dma2 semaphore(%arg19 : memref<!tpu.dma_semaphore, #tpu.memory_space<semaphore_mem>>) src(%arg11 : memref<128x128xf32, #tpu.memory_space<vmem>>) dst(%dma_wait3A_126 : memref<128x128xf32, #tpu.memory_space<hbm>>)
        %add3A_127 = arith.constant 2 : i32
        %add3A_128 = arith.addi %mul3A_46, %add3A_127 : i32
        %mul3A_129 = arith.constant 128 : i32
        %mul3A_130 = arith.muli %add3A_128, %mul3A_129 : i32
        %dma_start3A_131 = tpu.memref_slice %arg7[%mul3A_130] : memref<6144xi32, #tpu.memory_space<vmem>> -> memref<128xi32, #tpu.memory_space<vmem>>
        %dma_start3A_132 = arith.constant 0 : i32
        %dma_start3A_133 = arith.constant 0 : i32
        %dma_start3A_134 = tpu.memref_slice %arg2[%dma_start3A_132, %dma_start3A_133] : memref<10240x128xf32, #tpu.memory_space<hbm>> -> memref<10240x128xf32, #tpu.memory_space<hbm>>
        tpu.enqueue_indirect_dma source(%dma_start3A_134 : memref<10240x128xf32, #tpu.memory_space<hbm>>) target(%arg9 : memref<128x128xf32, #tpu.memory_space<vmem>>) offsets(%dma_start3A_131 : memref<128xi32, #tpu.memory_space<vmem>>) semaphore(%arg13 : memref<!tpu.dma_semaphore, #tpu.memory_space<semaphore_mem>>)
        %mul3A_135 = arith.constant 128 : i32
        %mul3A_136 = arith.muli %add3A_128, %mul3A_135 : i32
        %dma_start3A_137 = tpu.memref_slice %arg8[%mul3A_136] : memref<6144xi32, #tpu.memory_space<vmem>> -> memref<128xi32, #tpu.memory_space<vmem>>
        %dma_start3A_138 = arith.constant 0 : i32
        %dma_start3A_139 = arith.constant 0 : i32
        %dma_start3A_140 = tpu.memref_slice %arg2[%dma_start3A_138, %dma_start3A_139] : memref<10240x128xf32, #tpu.memory_space<hbm>> -> memref<10240x128xf32, #tpu.memory_space<hbm>>
        tpu.enqueue_indirect_dma source(%dma_start3A_140 : memref<10240x128xf32, #tpu.memory_space<hbm>>) target(%arg11 : memref<128x128xf32, #tpu.memory_space<vmem>>) offsets(%dma_start3A_137 : memref<128xi32, #tpu.memory_space<vmem>>) semaphore(%arg15 : memref<!tpu.dma_semaphore, #tpu.memory_space<semaphore_mem>>)
      } else {
      }
      %dma_wait3A_90 = arith.constant 0 : i32
      %dma_wait3A_91 = arith.constant 0 : i32
      %dma_wait3A_92 = tpu.memref_slice %arg2[%dma_wait3A_90, %dma_wait3A_91] : memref<10240x128xf32, #tpu.memory_space<hbm>> -> memref<128x128xf32, #tpu.memory_space<hbm>>
      %dma_wait3A_93 = arith.constant 0 : i32
      %dma_wait3A_94 = arith.constant 0 : i32
      %dma_wait3A_95 = tpu.memref_slice %arg2[%dma_wait3A_93, %dma_wait3A_94] : memref<10240x128xf32, #tpu.memory_space<hbm>> -> memref<128x128xf32, #tpu.memory_space<hbm>>
      tpu.wait_dma2 semaphore(%arg14 : memref<!tpu.dma_semaphore, #tpu.memory_space<semaphore_mem>>) src(%dma_wait3A_95 : memref<128x128xf32, #tpu.memory_space<hbm>>) dst(%arg10 : memref<128x128xf32, #tpu.memory_space<vmem>>)
      %dma_wait3A_96 = arith.constant 0 : i32
      %dma_wait3A_97 = arith.constant 0 : i32
      %dma_wait3A_98 = tpu.memref_slice %arg2[%dma_wait3A_96, %dma_wait3A_97] : memref<10240x128xf32, #tpu.memory_space<hbm>> -> memref<128x128xf32, #tpu.memory_space<hbm>>
      %dma_wait3A_99 = arith.constant 0 : i32
      %dma_wait3A_100 = arith.constant 0 : i32
      %dma_wait3A_101 = tpu.memref_slice %arg2[%dma_wait3A_99, %dma_wait3A_100] : memref<10240x128xf32, #tpu.memory_space<hbm>> -> memref<128x128xf32, #tpu.memory_space<hbm>>
      tpu.wait_dma2 semaphore(%arg16 : memref<!tpu.dma_semaphore, #tpu.memory_space<semaphore_mem>>) src(%dma_wait3A_101 : memref<128x128xf32, #tpu.memory_space<hbm>>) dst(%arg12 : memref<128x128xf32, #tpu.memory_space<vmem>>)
      %add3A_102 = arith.constant 1 : i32
      %add3A_103 = arith.addi %mul3A_46, %add3A_102 : i32
      %add3A_104 = arith.addi %mul3A_2, %add3A_103 : i32
      %mul3A_105 = arith.constant 128 : i32
      %mul3A_106 = arith.muli %add3A_104, %mul3A_105 : i32
      %dma_start3A_107 = arith.constant 0 : i32
      %dma_start3A_108 = tpu.memref_slice %arg5[%mul3A_106, %dma_start3A_107] : memref<98304x128xf32, #tpu.memory_space<hbm>> -> memref<128x128xf32, #tpu.memory_space<hbm>>
      %dma_start3A_109 = arith.constant 0 : i32
      %dma_start3A_110 = tpu.memref_slice %arg5[%mul3A_106, %dma_start3A_109] : memref<98304x128xf32, #tpu.memory_space<hbm>> -> memref<128x128xf32, #tpu.memory_space<hbm>>
      tpu.enqueue_dma source(%arg10 : memref<128x128xf32, #tpu.memory_space<vmem>>) target(%dma_start3A_110 : memref<128x128xf32, #tpu.memory_space<hbm>>) target_semaphore(%arg18 : memref<!tpu.dma_semaphore, #tpu.memory_space<semaphore_mem>>)
      %dma_start3A_111 = arith.constant 0 : i32
      %dma_start3A_112 = tpu.memref_slice %arg6[%mul3A_106, %dma_start3A_111] : memref<98304x128xf32, #tpu.memory_space<hbm>> -> memref<128x128xf32, #tpu.memory_space<hbm>>
      %dma_start3A_113 = arith.constant 0 : i32
      %dma_start3A_114 = tpu.memref_slice %arg6[%mul3A_106, %dma_start3A_113] : memref<98304x128xf32, #tpu.memory_space<hbm>> -> memref<128x128xf32, #tpu.memory_space<hbm>>
      tpu.enqueue_dma source(%arg12 : memref<128x128xf32, #tpu.memory_space<vmem>>) target(%dma_start3A_114 : memref<128x128xf32, #tpu.memory_space<hbm>>) target_semaphore(%arg20 : memref<!tpu.dma_semaphore, #tpu.memory_space<semaphore_mem>>)
    }
    %scan3A_20 = arith.constant 24 : i32
    %dma_wait3A = arith.constant 0 : i32
    %dma_wait3A_21 = arith.constant 0 : i32
    %dma_wait3A_22 = tpu.memref_slice %arg5[%dma_wait3A, %dma_wait3A_21] : memref<98304x128xf32, #tpu.memory_space<hbm>> -> memref<128x128xf32, #tpu.memory_space<hbm>>
    %dma_wait3A_23 = arith.constant 0 : i32
    %dma_wait3A_24 = arith.constant 0 : i32
    %dma_wait3A_25 = tpu.memref_slice %arg5[%dma_wait3A_23, %dma_wait3A_24] : memref<98304x128xf32, #tpu.memory_space<hbm>> -> memref<128x128xf32, #tpu.memory_space<hbm>>
    tpu.wait_dma2 semaphore(%arg17 : memref<!tpu.dma_semaphore, #tpu.memory_space<semaphore_mem>>) src(%arg9 : memref<128x128xf32, #tpu.memory_space<vmem>>) dst(%dma_wait3A_25 : memref<128x128xf32, #tpu.memory_space<hbm>>)
    %dma_wait3A_26 = arith.constant 0 : i32
    %dma_wait3A_27 = arith.constant 0 : i32
    %dma_wait3A_28 = tpu.memref_slice %arg5[%dma_wait3A_26, %dma_wait3A_27] : memref<98304x128xf32, #tpu.memory_space<hbm>> -> memref<128x128xf32, #tpu.memory_space<hbm>>
    %dma_wait3A_29 = arith.constant 0 : i32
    %dma_wait3A_30 = arith.constant 0 : i32
    %dma_wait3A_31 = tpu.memref_slice %arg5[%dma_wait3A_29, %dma_wait3A_30] : memref<98304x128xf32, #tpu.memory_space<hbm>> -> memref<128x128xf32, #tpu.memory_space<hbm>>
    tpu.wait_dma2 semaphore(%arg19 : memref<!tpu.dma_semaphore, #tpu.memory_space<semaphore_mem>>) src(%arg11 : memref<128x128xf32, #tpu.memory_space<vmem>>) dst(%dma_wait3A_31 : memref<128x128xf32, #tpu.memory_space<hbm>>)
    %dma_wait3A_32 = arith.constant 0 : i32
    %dma_wait3A_33 = arith.constant 0 : i32
    %dma_wait3A_34 = tpu.memref_slice %arg5[%dma_wait3A_32, %dma_wait3A_33] : memref<98304x128xf32, #tpu.memory_space<hbm>> -> memref<128x128xf32, #tpu.memory_space<hbm>>
    %dma_wait3A_35 = arith.constant 0 : i32
    %dma_wait3A_36 = arith.constant 0 : i32
    %dma_wait3A_37 = tpu.memref_slice %arg5[%dma_wait3A_35, %dma_wait3A_36] : memref<98304x128xf32, #tpu.memory_space<hbm>> -> memref<128x128xf32, #tpu.memory_space<hbm>>
    tpu.wait_dma2 semaphore(%arg18 : memref<!tpu.dma_semaphore, #tpu.memory_space<semaphore_mem>>) src(%arg10 : memref<128x128xf32, #tpu.memory_space<vmem>>) dst(%dma_wait3A_37 : memref<128x128xf32, #tpu.memory_space<hbm>>)
    %dma_wait3A_38 = arith.constant 0 : i32
    %dma_wait3A_39 = arith.constant 0 : i32
    %dma_wait3A_40 = tpu.memref_slice %arg5[%dma_wait3A_38, %dma_wait3A_39] : memref<98304x128xf32, #tpu.memory_space<hbm>> -> memref<128x128xf32, #tpu.memory_space<hbm>>
    %dma_wait3A_41 = arith.constant 0 : i32
    %dma_wait3A_42 = arith.constant 0 : i32
    %dma_wait3A_43 = tpu.memref_slice %arg5[%dma_wait3A_41, %dma_wait3A_42] : memref<98304x128xf32, #tpu.memory_space<hbm>> -> memref<128x128xf32, #tpu.memory_space<hbm>>
    tpu.wait_dma2 semaphore(%arg20 : memref<!tpu.dma_semaphore, #tpu.memory_space<semaphore_mem>>) src(%arg12 : memref<128x128xf32, #tpu.memory_space<vmem>>) dst(%dma_wait3A_43 : memref<128x128xf32, #tpu.memory_space<hbm>>)
    return
  }
}

#map = affine_map<(d0, d1) -> (0, 0)>
#map1 = affine_map<(d0, d1) -> (0)>
module attributes {stable_mosaic.version = 14 : i64} {
  func.func @k(%arg0: i32, %arg1: i32, %arg2: memref<10240x128xf32, #tpu.memory_space<hbm>>, %arg3: memref<114688xi32, #tpu.memory_space<hbm>>, %arg4: memref<114688xi32, #tpu.memory_space<hbm>>, %arg5: memref<114688x128xf32, #tpu.memory_space<hbm>>, %arg6: memref<114688x128xf32, #tpu.memory_space<hbm>>, %arg7: memref<7168xi32, #tpu.memory_space<vmem>>, %arg8: memref<7168xi32, #tpu.memory_space<vmem>>, %arg9: memref<128x128xf32, #tpu.memory_space<vmem>>, %arg10: memref<128x128xf32, #tpu.memory_space<vmem>>, %arg11: memref<128x128xf32, #tpu.memory_space<vmem>>, %arg12: memref<128x128xf32, #tpu.memory_space<vmem>>, %arg13: memref<!tpu.dma_semaphore, #tpu.memory_space<semaphore_mem>>, %arg14: memref<!tpu.dma_semaphore, #tpu.memory_space<semaphore_mem>>, %arg15: memref<!tpu.dma_semaphore, #tpu.memory_space<semaphore_mem>>, %arg16: memref<!tpu.dma_semaphore, #tpu.memory_space<semaphore_mem>>, %arg17: memref<!tpu.dma_semaphore, #tpu.memory_space<semaphore_mem>>, %arg18: memref<!tpu.dma_semaphore, #tpu.memory_space<semaphore_mem>>, %arg19: memref<!tpu.dma_semaphore, #tpu.memory_space<semaphore_mem>>, %arg20: memref<!tpu.dma_semaphore, #tpu.memory_space<semaphore_mem>>) attributes {dimension_semantics = [#tpu.dimension_semantics<core_parallel>, #tpu.dimension_semantics<subcore_parallel>], iteration_bounds = array<i64: 1, 16>, scalar_prefetch = 0 : i64, scratch_operands = 14 : i64, tpu.core_type = #tpu.core_type<sc_vector_subcore>, window_params = [{transform_indices = #map}, {transform_indices = #map1}, {transform_indices = #map1}, {transform_indices = #map}, {transform_indices = #map}]} {
    %mul3A = arith.constant 16 : i32
    %mul3A_0 = arith.muli %arg0, %mul3A : i32
    %add3A = arith.addi %mul3A_0, %arg1 : i32
    %mul3A_1 = arith.constant 56 : i32
    %mul3A_2 = arith.muli %add3A, %mul3A_1 : i32
    %mul3A_3 = arith.constant 128 : i32
    %mul3A_4 = arith.muli %mul3A_2, %mul3A_3 : i32
    "tpu.region"() ({
      %run_scoped3A = tpu.sem_alloc : memref<!tpu.dma_semaphore, #tpu.memory_space<semaphore_mem>>
      %dma_start3A_44 = tpu.memref_slice %arg3[%mul3A_4] : memref<114688xi32, #tpu.memory_space<hbm>> -> memref<7168xi32, #tpu.memory_space<hbm>>
      %dma_start3A_45 = tpu.memref_slice %arg3[%mul3A_4] : memref<114688xi32, #tpu.memory_space<hbm>> -> memref<7168xi32, #tpu.memory_space<hbm>>
      tpu.enqueue_dma source(%dma_start3A_45 : memref<7168xi32, #tpu.memory_space<hbm>>) target(%arg7 : memref<7168xi32, #tpu.memory_space<vmem>>) target_semaphore(%run_scoped3A : memref<!tpu.dma_semaphore, #tpu.memory_space<semaphore_mem>>)
      %dma_wait3A_46 = tpu.memref_slice %arg3[%mul3A_4] : memref<114688xi32, #tpu.memory_space<hbm>> -> memref<7168xi32, #tpu.memory_space<hbm>>
      %dma_wait3A_47 = tpu.memref_slice %arg3[%mul3A_4] : memref<114688xi32, #tpu.memory_space<hbm>> -> memref<7168xi32, #tpu.memory_space<hbm>>
      tpu.wait_dma2 semaphore(%run_scoped3A : memref<!tpu.dma_semaphore, #tpu.memory_space<semaphore_mem>>) src(%dma_wait3A_47 : memref<7168xi32, #tpu.memory_space<hbm>>) dst(%arg7 : memref<7168xi32, #tpu.memory_space<vmem>>)
      tpu.yield
    }) : () -> ()
    %mul3A_5 = arith.constant 128 : i32
    %mul3A_6 = arith.muli %mul3A_2, %mul3A_5 : i32
    "tpu.region"() ({
      %run_scoped3A = tpu.sem_alloc : memref<!tpu.dma_semaphore, #tpu.memory_space<semaphore_mem>>
      %dma_start3A_44 = tpu.memref_slice %arg4[%mul3A_6] : memref<114688xi32, #tpu.memory_space<hbm>> -> memref<7168xi32, #tpu.memory_space<hbm>>
      %dma_start3A_45 = tpu.memref_slice %arg4[%mul3A_6] : memref<114688xi32, #tpu.memory_space<hbm>> -> memref<7168xi32, #tpu.memory_space<hbm>>
      tpu.enqueue_dma source(%dma_start3A_45 : memref<7168xi32, #tpu.memory_space<hbm>>) target(%arg8 : memref<7168xi32, #tpu.memory_space<vmem>>) target_semaphore(%run_scoped3A : memref<!tpu.dma_semaphore, #tpu.memory_space<semaphore_mem>>)
      %dma_wait3A_46 = tpu.memref_slice %arg4[%mul3A_6] : memref<114688xi32, #tpu.memory_space<hbm>> -> memref<7168xi32, #tpu.memory_space<hbm>>
      %dma_wait3A_47 = tpu.memref_slice %arg4[%mul3A_6] : memref<114688xi32, #tpu.memory_space<hbm>> -> memref<7168xi32, #tpu.memory_space<hbm>>
      tpu.wait_dma2 semaphore(%run_scoped3A : memref<!tpu.dma_semaphore, #tpu.memory_space<semaphore_mem>>) src(%dma_wait3A_47 : memref<7168xi32, #tpu.memory_space<hbm>>) dst(%arg8 : memref<7168xi32, #tpu.memory_space<vmem>>)
      tpu.yield
    }) : () -> ()
    %dma_start3A = arith.constant 0 : i32
    %dma_start3A_7 = tpu.memref_slice %arg7[%dma_start3A] : memref<7168xi32, #tpu.memory_space<vmem>> -> memref<128xi32, #tpu.memory_space<vmem>>
    %dma_start3A_8 = arith.constant 0 : i32
    %dma_start3A_9 = arith.constant 0 : i32
    %dma_start3A_10 = tpu.memref_slice %arg2[%dma_start3A_8, %dma_start3A_9] : memref<10240x128xf32, #tpu.memory_space<hbm>> -> memref<10240x128xf32, #tpu.memory_space<hbm>>
    tpu.enqueue_indirect_dma source(%dma_start3A_10 : memref<10240x128xf32, #tpu.memory_space<hbm>>) target(%arg9 : memref<128x128xf32, #tpu.memory_space<vmem>>) offsets(%dma_start3A_7 : memref<128xi32, #tpu.memory_space<vmem>>) semaphore(%arg13 : memref<!tpu.dma_semaphore, #tpu.memory_space<semaphore_mem>>)
    %dma_start3A_11 = arith.constant 0 : i32
    %dma_start3A_12 = tpu.memref_slice %arg8[%dma_start3A_11] : memref<7168xi32, #tpu.memory_space<vmem>> -> memref<128xi32, #tpu.memory_space<vmem>>
    %dma_start3A_13 = arith.constant 0 : i32
    %dma_start3A_14 = arith.constant 0 : i32
    %dma_start3A_15 = tpu.memref_slice %arg2[%dma_start3A_13, %dma_start3A_14] : memref<10240x128xf32, #tpu.memory_space<hbm>> -> memref<10240x128xf32, #tpu.memory_space<hbm>>
    tpu.enqueue_indirect_dma source(%dma_start3A_15 : memref<10240x128xf32, #tpu.memory_space<hbm>>) target(%arg11 : memref<128x128xf32, #tpu.memory_space<vmem>>) offsets(%dma_start3A_12 : memref<128xi32, #tpu.memory_space<vmem>>) semaphore(%arg15 : memref<!tpu.dma_semaphore, #tpu.memory_space<semaphore_mem>>)
    %scan3A = arith.constant 0 : i32
    %scan3A_16 = arith.constant 0 : i32
    %scan3A_17 = arith.constant 28 : i32
    %scan3A_18 = arith.addi %scan3A_16, %scan3A_17 : i32
    %scan3A_19 = arith.constant 1 : i32
    scf.for %scan3A_44 = %scan3A_16 to %scan3A_18 step %scan3A_19  : i32 {
      %mul3A_45 = arith.constant 2 : i32
      %mul3A_46 = arith.muli %mul3A_45, %scan3A_44 : i32
      %gt3A = arith.constant 0 : i32
      %gt3A_47 = arith.cmpi sgt, %scan3A_44, %gt3A : i32
      %convert_element_type3A = arith.extui %gt3A_47 : i1 to i32
      %cond3A = arith.constant 0 : i32
      %cond3A_48 = arith.cmpi ne, %convert_element_type3A, %cond3A : i32
      scf.if %cond3A_48 {
        %dma_wait3A_115 = arith.constant 0 : i32
        %dma_wait3A_116 = arith.constant 0 : i32
        %dma_wait3A_117 = tpu.memref_slice %arg5[%dma_wait3A_115, %dma_wait3A_116] : memref<114688x128xf32, #tpu.memory_space<hbm>> -> memref<128x128xf32, #tpu.memory_space<hbm>>
        %dma_wait3A_118 = arith.constant 0 : i32
        %dma_wait3A_119 = arith.constant 0 : i32
        %dma_wait3A_120 = tpu.memref_slice %arg5[%dma_wait3A_118, %dma_wait3A_119] : memref<114688x128xf32, #tpu.memory_space<hbm>> -> memref<128x128xf32, #tpu.memory_space<hbm>>
        tpu.wait_dma2 semaphore(%arg18 : memref<!tpu.dma_semaphore, #tpu.memory_space<semaphore_mem>>) src(%arg10 : memref<128x128xf32, #tpu.memory_space<vmem>>) dst(%dma_wait3A_120 : memref<128x128xf32, #tpu.memory_space<hbm>>)
        %dma_wait3A_121 = arith.constant 0 : i32
        %dma_wait3A_122 = arith.constant 0 : i32
        %dma_wait3A_123 = tpu.memref_slice %arg5[%dma_wait3A_121, %dma_wait3A_122] : memref<114688x128xf32, #tpu.memory_space<hbm>> -> memref<128x128xf32, #tpu.memory_space<hbm>>
        %dma_wait3A_124 = arith.constant 0 : i32
        %dma_wait3A_125 = arith.constant 0 : i32
        %dma_wait3A_126 = tpu.memref_slice %arg5[%dma_wait3A_124, %dma_wait3A_125] : memref<114688x128xf32, #tpu.memory_space<hbm>> -> memref<128x128xf32, #tpu.memory_space<hbm>>
        tpu.wait_dma2 semaphore(%arg20 : memref<!tpu.dma_semaphore, #tpu.memory_space<semaphore_mem>>) src(%arg12 : memref<128x128xf32, #tpu.memory_space<vmem>>) dst(%dma_wait3A_126 : memref<128x128xf32, #tpu.memory_space<hbm>>)
      } else {
      }
      %add3A_49 = arith.constant 1 : i32
      %add3A_50 = arith.addi %mul3A_46, %add3A_49 : i32
      %mul3A_51 = arith.constant 128 : i32
      %mul3A_52 = arith.muli %add3A_50, %mul3A_51 : i32
      %dma_start3A_53 = tpu.memref_slice %arg7[%mul3A_52] : memref<7168xi32, #tpu.memory_space<vmem>> -> memref<128xi32, #tpu.memory_space<vmem>>
      %dma_start3A_54 = arith.constant 0 : i32
      %dma_start3A_55 = arith.constant 0 : i32
      %dma_start3A_56 = tpu.memref_slice %arg2[%dma_start3A_54, %dma_start3A_55] : memref<10240x128xf32, #tpu.memory_space<hbm>> -> memref<10240x128xf32, #tpu.memory_space<hbm>>
      tpu.enqueue_indirect_dma source(%dma_start3A_56 : memref<10240x128xf32, #tpu.memory_space<hbm>>) target(%arg10 : memref<128x128xf32, #tpu.memory_space<vmem>>) offsets(%dma_start3A_53 : memref<128xi32, #tpu.memory_space<vmem>>) semaphore(%arg14 : memref<!tpu.dma_semaphore, #tpu.memory_space<semaphore_mem>>)
      %mul3A_57 = arith.constant 128 : i32
      %mul3A_58 = arith.muli %add3A_50, %mul3A_57 : i32
      %dma_start3A_59 = tpu.memref_slice %arg8[%mul3A_58] : memref<7168xi32, #tpu.memory_space<vmem>> -> memref<128xi32, #tpu.memory_space<vmem>>
      %dma_start3A_60 = arith.constant 0 : i32
      %dma_start3A_61 = arith.constant 0 : i32
      %dma_start3A_62 = tpu.memref_slice %arg2[%dma_start3A_60, %dma_start3A_61] : memref<10240x128xf32, #tpu.memory_space<hbm>> -> memref<10240x128xf32, #tpu.memory_space<hbm>>
      tpu.enqueue_indirect_dma source(%dma_start3A_62 : memref<10240x128xf32, #tpu.memory_space<hbm>>) target(%arg12 : memref<128x128xf32, #tpu.memory_space<vmem>>) offsets(%dma_start3A_59 : memref<128xi32, #tpu.memory_space<vmem>>) semaphore(%arg16 : memref<!tpu.dma_semaphore, #tpu.memory_space<semaphore_mem>>)
      %dma_wait3A_63 = arith.constant 0 : i32
      %dma_wait3A_64 = arith.constant 0 : i32
      %dma_wait3A_65 = tpu.memref_slice %arg2[%dma_wait3A_63, %dma_wait3A_64] : memref<10240x128xf32, #tpu.memory_space<hbm>> -> memref<128x128xf32, #tpu.memory_space<hbm>>
      %dma_wait3A_66 = arith.constant 0 : i32
      %dma_wait3A_67 = arith.constant 0 : i32
      %dma_wait3A_68 = tpu.memref_slice %arg2[%dma_wait3A_66, %dma_wait3A_67] : memref<10240x128xf32, #tpu.memory_space<hbm>> -> memref<128x128xf32, #tpu.memory_space<hbm>>
      tpu.wait_dma2 semaphore(%arg13 : memref<!tpu.dma_semaphore, #tpu.memory_space<semaphore_mem>>) src(%dma_wait3A_68 : memref<128x128xf32, #tpu.memory_space<hbm>>) dst(%arg9 : memref<128x128xf32, #tpu.memory_space<vmem>>)
      %dma_wait3A_69 = arith.constant 0 : i32
      %dma_wait3A_70 = arith.constant 0 : i32
      %dma_wait3A_71 = tpu.memref_slice %arg2[%dma_wait3A_69, %dma_wait3A_70] : memref<10240x128xf32, #tpu.memory_space<hbm>> -> memref<128x128xf32, #tpu.memory_space<hbm>>
      %dma_wait3A_72 = arith.constant 0 : i32
      %dma_wait3A_73 = arith.constant 0 : i32
      %dma_wait3A_74 = tpu.memref_slice %arg2[%dma_wait3A_72, %dma_wait3A_73] : memref<10240x128xf32, #tpu.memory_space<hbm>> -> memref<128x128xf32, #tpu.memory_space<hbm>>
      tpu.wait_dma2 semaphore(%arg15 : memref<!tpu.dma_semaphore, #tpu.memory_space<semaphore_mem>>) src(%dma_wait3A_74 : memref<128x128xf32, #tpu.memory_space<hbm>>) dst(%arg11 : memref<128x128xf32, #tpu.memory_space<vmem>>)
      %add3A_75 = arith.addi %mul3A_2, %mul3A_46 : i32
      %mul3A_76 = arith.constant 128 : i32
      %mul3A_77 = arith.muli %add3A_75, %mul3A_76 : i32
      %dma_start3A_78 = arith.constant 0 : i32
      %dma_start3A_79 = tpu.memref_slice %arg5[%mul3A_77, %dma_start3A_78] : memref<114688x128xf32, #tpu.memory_space<hbm>> -> memref<128x128xf32, #tpu.memory_space<hbm>>
      %dma_start3A_80 = arith.constant 0 : i32
      %dma_start3A_81 = tpu.memref_slice %arg5[%mul3A_77, %dma_start3A_80] : memref<114688x128xf32, #tpu.memory_space<hbm>> -> memref<128x128xf32, #tpu.memory_space<hbm>>
      tpu.enqueue_dma source(%arg9 : memref<128x128xf32, #tpu.memory_space<vmem>>) target(%dma_start3A_81 : memref<128x128xf32, #tpu.memory_space<hbm>>) target_semaphore(%arg17 : memref<!tpu.dma_semaphore, #tpu.memory_space<semaphore_mem>>)
      %dma_start3A_82 = arith.constant 0 : i32
      %dma_start3A_83 = tpu.memref_slice %arg6[%mul3A_77, %dma_start3A_82] : memref<114688x128xf32, #tpu.memory_space<hbm>> -> memref<128x128xf32, #tpu.memory_space<hbm>>
      %dma_start3A_84 = arith.constant 0 : i32
      %dma_start3A_85 = tpu.memref_slice %arg6[%mul3A_77, %dma_start3A_84] : memref<114688x128xf32, #tpu.memory_space<hbm>> -> memref<128x128xf32, #tpu.memory_space<hbm>>
      tpu.enqueue_dma source(%arg11 : memref<128x128xf32, #tpu.memory_space<vmem>>) target(%dma_start3A_85 : memref<128x128xf32, #tpu.memory_space<hbm>>) target_semaphore(%arg19 : memref<!tpu.dma_semaphore, #tpu.memory_space<semaphore_mem>>)
      %lt3A = arith.constant 27 : i32
      %lt3A_86 = arith.cmpi slt, %scan3A_44, %lt3A : i32
      %convert_element_type3A_87 = arith.extui %lt3A_86 : i1 to i32
      %cond3A_88 = arith.constant 0 : i32
      %cond3A_89 = arith.cmpi ne, %convert_element_type3A_87, %cond3A_88 : i32
      scf.if %cond3A_89 {
        %dma_wait3A_115 = arith.constant 0 : i32
        %dma_wait3A_116 = arith.constant 0 : i32
        %dma_wait3A_117 = tpu.memref_slice %arg5[%dma_wait3A_115, %dma_wait3A_116] : memref<114688x128xf32, #tpu.memory_space<hbm>> -> memref<128x128xf32, #tpu.memory_space<hbm>>
        %dma_wait3A_118 = arith.constant 0 : i32
        %dma_wait3A_119 = arith.constant 0 : i32
        %dma_wait3A_120 = tpu.memref_slice %arg5[%dma_wait3A_118, %dma_wait3A_119] : memref<114688x128xf32, #tpu.memory_space<hbm>> -> memref<128x128xf32, #tpu.memory_space<hbm>>
        tpu.wait_dma2 semaphore(%arg17 : memref<!tpu.dma_semaphore, #tpu.memory_space<semaphore_mem>>) src(%arg9 : memref<128x128xf32, #tpu.memory_space<vmem>>) dst(%dma_wait3A_120 : memref<128x128xf32, #tpu.memory_space<hbm>>)
        %dma_wait3A_121 = arith.constant 0 : i32
        %dma_wait3A_122 = arith.constant 0 : i32
        %dma_wait3A_123 = tpu.memref_slice %arg5[%dma_wait3A_121, %dma_wait3A_122] : memref<114688x128xf32, #tpu.memory_space<hbm>> -> memref<128x128xf32, #tpu.memory_space<hbm>>
        %dma_wait3A_124 = arith.constant 0 : i32
        %dma_wait3A_125 = arith.constant 0 : i32
        %dma_wait3A_126 = tpu.memref_slice %arg5[%dma_wait3A_124, %dma_wait3A_125] : memref<114688x128xf32, #tpu.memory_space<hbm>> -> memref<128x128xf32, #tpu.memory_space<hbm>>
        tpu.wait_dma2 semaphore(%arg19 : memref<!tpu.dma_semaphore, #tpu.memory_space<semaphore_mem>>) src(%arg11 : memref<128x128xf32, #tpu.memory_space<vmem>>) dst(%dma_wait3A_126 : memref<128x128xf32, #tpu.memory_space<hbm>>)
        %add3A_127 = arith.constant 2 : i32
        %add3A_128 = arith.addi %mul3A_46, %add3A_127 : i32
        %mul3A_129 = arith.constant 128 : i32
        %mul3A_130 = arith.muli %add3A_128, %mul3A_129 : i32
        %dma_start3A_131 = tpu.memref_slice %arg7[%mul3A_130] : memref<7168xi32, #tpu.memory_space<vmem>> -> memref<128xi32, #tpu.memory_space<vmem>>
        %dma_start3A_132 = arith.constant 0 : i32
        %dma_start3A_133 = arith.constant 0 : i32
        %dma_start3A_134 = tpu.memref_slice %arg2[%dma_start3A_132, %dma_start3A_133] : memref<10240x128xf32, #tpu.memory_space<hbm>> -> memref<10240x128xf32, #tpu.memory_space<hbm>>
        tpu.enqueue_indirect_dma source(%dma_start3A_134 : memref<10240x128xf32, #tpu.memory_space<hbm>>) target(%arg9 : memref<128x128xf32, #tpu.memory_space<vmem>>) offsets(%dma_start3A_131 : memref<128xi32, #tpu.memory_space<vmem>>) semaphore(%arg13 : memref<!tpu.dma_semaphore, #tpu.memory_space<semaphore_mem>>)
        %mul3A_135 = arith.constant 128 : i32
        %mul3A_136 = arith.muli %add3A_128, %mul3A_135 : i32
        %dma_start3A_137 = tpu.memref_slice %arg8[%mul3A_136] : memref<7168xi32, #tpu.memory_space<vmem>> -> memref<128xi32, #tpu.memory_space<vmem>>
        %dma_start3A_138 = arith.constant 0 : i32
        %dma_start3A_139 = arith.constant 0 : i32
        %dma_start3A_140 = tpu.memref_slice %arg2[%dma_start3A_138, %dma_start3A_139] : memref<10240x128xf32, #tpu.memory_space<hbm>> -> memref<10240x128xf32, #tpu.memory_space<hbm>>
        tpu.enqueue_indirect_dma source(%dma_start3A_140 : memref<10240x128xf32, #tpu.memory_space<hbm>>) target(%arg11 : memref<128x128xf32, #tpu.memory_space<vmem>>) offsets(%dma_start3A_137 : memref<128xi32, #tpu.memory_space<vmem>>) semaphore(%arg15 : memref<!tpu.dma_semaphore, #tpu.memory_space<semaphore_mem>>)
      } else {
      }
      %dma_wait3A_90 = arith.constant 0 : i32
      %dma_wait3A_91 = arith.constant 0 : i32
      %dma_wait3A_92 = tpu.memref_slice %arg2[%dma_wait3A_90, %dma_wait3A_91] : memref<10240x128xf32, #tpu.memory_space<hbm>> -> memref<128x128xf32, #tpu.memory_space<hbm>>
      %dma_wait3A_93 = arith.constant 0 : i32
      %dma_wait3A_94 = arith.constant 0 : i32
      %dma_wait3A_95 = tpu.memref_slice %arg2[%dma_wait3A_93, %dma_wait3A_94] : memref<10240x128xf32, #tpu.memory_space<hbm>> -> memref<128x128xf32, #tpu.memory_space<hbm>>
      tpu.wait_dma2 semaphore(%arg14 : memref<!tpu.dma_semaphore, #tpu.memory_space<semaphore_mem>>) src(%dma_wait3A_95 : memref<128x128xf32, #tpu.memory_space<hbm>>) dst(%arg10 : memref<128x128xf32, #tpu.memory_space<vmem>>)
      %dma_wait3A_96 = arith.constant 0 : i32
      %dma_wait3A_97 = arith.constant 0 : i32
      %dma_wait3A_98 = tpu.memref_slice %arg2[%dma_wait3A_96, %dma_wait3A_97] : memref<10240x128xf32, #tpu.memory_space<hbm>> -> memref<128x128xf32, #tpu.memory_space<hbm>>
      %dma_wait3A_99 = arith.constant 0 : i32
      %dma_wait3A_100 = arith.constant 0 : i32
      %dma_wait3A_101 = tpu.memref_slice %arg2[%dma_wait3A_99, %dma_wait3A_100] : memref<10240x128xf32, #tpu.memory_space<hbm>> -> memref<128x128xf32, #tpu.memory_space<hbm>>
      tpu.wait_dma2 semaphore(%arg16 : memref<!tpu.dma_semaphore, #tpu.memory_space<semaphore_mem>>) src(%dma_wait3A_101 : memref<128x128xf32, #tpu.memory_space<hbm>>) dst(%arg12 : memref<128x128xf32, #tpu.memory_space<vmem>>)
      %add3A_102 = arith.constant 1 : i32
      %add3A_103 = arith.addi %mul3A_46, %add3A_102 : i32
      %add3A_104 = arith.addi %mul3A_2, %add3A_103 : i32
      %mul3A_105 = arith.constant 128 : i32
      %mul3A_106 = arith.muli %add3A_104, %mul3A_105 : i32
      %dma_start3A_107 = arith.constant 0 : i32
      %dma_start3A_108 = tpu.memref_slice %arg5[%mul3A_106, %dma_start3A_107] : memref<114688x128xf32, #tpu.memory_space<hbm>> -> memref<128x128xf32, #tpu.memory_space<hbm>>
      %dma_start3A_109 = arith.constant 0 : i32
      %dma_start3A_110 = tpu.memref_slice %arg5[%mul3A_106, %dma_start3A_109] : memref<114688x128xf32, #tpu.memory_space<hbm>> -> memref<128x128xf32, #tpu.memory_space<hbm>>
      tpu.enqueue_dma source(%arg10 : memref<128x128xf32, #tpu.memory_space<vmem>>) target(%dma_start3A_110 : memref<128x128xf32, #tpu.memory_space<hbm>>) target_semaphore(%arg18 : memref<!tpu.dma_semaphore, #tpu.memory_space<semaphore_mem>>)
      %dma_start3A_111 = arith.constant 0 : i32
      %dma_start3A_112 = tpu.memref_slice %arg6[%mul3A_106, %dma_start3A_111] : memref<114688x128xf32, #tpu.memory_space<hbm>> -> memref<128x128xf32, #tpu.memory_space<hbm>>
      %dma_start3A_113 = arith.constant 0 : i32
      %dma_start3A_114 = tpu.memref_slice %arg6[%mul3A_106, %dma_start3A_113] : memref<114688x128xf32, #tpu.memory_space<hbm>> -> memref<128x128xf32, #tpu.memory_space<hbm>>
      tpu.enqueue_dma source(%arg12 : memref<128x128xf32, #tpu.memory_space<vmem>>) target(%dma_start3A_114 : memref<128x128xf32, #tpu.memory_space<hbm>>) target_semaphore(%arg20 : memref<!tpu.dma_semaphore, #tpu.memory_space<semaphore_mem>>)
    }
    %scan3A_20 = arith.constant 28 : i32
    %dma_wait3A = arith.constant 0 : i32
    %dma_wait3A_21 = arith.constant 0 : i32
    %dma_wait3A_22 = tpu.memref_slice %arg5[%dma_wait3A, %dma_wait3A_21] : memref<114688x128xf32, #tpu.memory_space<hbm>> -> memref<128x128xf32, #tpu.memory_space<hbm>>
    %dma_wait3A_23 = arith.constant 0 : i32
    %dma_wait3A_24 = arith.constant 0 : i32
    %dma_wait3A_25 = tpu.memref_slice %arg5[%dma_wait3A_23, %dma_wait3A_24] : memref<114688x128xf32, #tpu.memory_space<hbm>> -> memref<128x128xf32, #tpu.memory_space<hbm>>
    tpu.wait_dma2 semaphore(%arg17 : memref<!tpu.dma_semaphore, #tpu.memory_space<semaphore_mem>>) src(%arg9 : memref<128x128xf32, #tpu.memory_space<vmem>>) dst(%dma_wait3A_25 : memref<128x128xf32, #tpu.memory_space<hbm>>)
    %dma_wait3A_26 = arith.constant 0 : i32
    %dma_wait3A_27 = arith.constant 0 : i32
    %dma_wait3A_28 = tpu.memref_slice %arg5[%dma_wait3A_26, %dma_wait3A_27] : memref<114688x128xf32, #tpu.memory_space<hbm>> -> memref<128x128xf32, #tpu.memory_space<hbm>>
    %dma_wait3A_29 = arith.constant 0 : i32
    %dma_wait3A_30 = arith.constant 0 : i32
    %dma_wait3A_31 = tpu.memref_slice %arg5[%dma_wait3A_29, %dma_wait3A_30] : memref<114688x128xf32, #tpu.memory_space<hbm>> -> memref<128x128xf32, #tpu.memory_space<hbm>>
    tpu.wait_dma2 semaphore(%arg19 : memref<!tpu.dma_semaphore, #tpu.memory_space<semaphore_mem>>) src(%arg11 : memref<128x128xf32, #tpu.memory_space<vmem>>) dst(%dma_wait3A_31 : memref<128x128xf32, #tpu.memory_space<hbm>>)
    %dma_wait3A_32 = arith.constant 0 : i32
    %dma_wait3A_33 = arith.constant 0 : i32
    %dma_wait3A_34 = tpu.memref_slice %arg5[%dma_wait3A_32, %dma_wait3A_33] : memref<114688x128xf32, #tpu.memory_space<hbm>> -> memref<128x128xf32, #tpu.memory_space<hbm>>
    %dma_wait3A_35 = arith.constant 0 : i32
    %dma_wait3A_36 = arith.constant 0 : i32
    %dma_wait3A_37 = tpu.memref_slice %arg5[%dma_wait3A_35, %dma_wait3A_36] : memref<114688x128xf32, #tpu.memory_space<hbm>> -> memref<128x128xf32, #tpu.memory_space<hbm>>
    tpu.wait_dma2 semaphore(%arg18 : memref<!tpu.dma_semaphore, #tpu.memory_space<semaphore_mem>>) src(%arg10 : memref<128x128xf32, #tpu.memory_space<vmem>>) dst(%dma_wait3A_37 : memref<128x128xf32, #tpu.memory_space<hbm>>)
    %dma_wait3A_38 = arith.constant 0 : i32
    %dma_wait3A_39 = arith.constant 0 : i32
    %dma_wait3A_40 = tpu.memref_slice %arg5[%dma_wait3A_38, %dma_wait3A_39] : memref<114688x128xf32, #tpu.memory_space<hbm>> -> memref<128x128xf32, #tpu.memory_space<hbm>>
    %dma_wait3A_41 = arith.constant 0 : i32
    %dma_wait3A_42 = arith.constant 0 : i32
    %dma_wait3A_43 = tpu.memref_slice %arg5[%dma_wait3A_41, %dma_wait3A_42] : memref<114688x128xf32, #tpu.memory_space<hbm>> -> memref<128x128xf32, #tpu.memory_space<hbm>>
    tpu.wait_dma2 semaphore(%arg20 : memref<!tpu.dma_semaphore, #tpu.memory_space<semaphore_mem>>) src(%arg12 : memref<128x128xf32, #tpu.memory_space<vmem>>) dst(%dma_wait3A_43 : memref<128x128xf32, #tpu.memory_space<hbm>>)
    return
  }
}

module attributes {stable_mosaic.version = 14 : i64} {
  func.func @_msg_body(%arg0: i32, %arg1: memref<2048x128xf32, #tpu.memory_space<vmem>>, %arg2: memref<128x128xf32, #tpu.memory_space<vmem>>, %arg3: memref<1x128xf32, #tpu.memory_space<vmem>>, %arg4: memref<2048x128xf32, #tpu.memory_space<vmem>>) attributes {dimension_semantics = [#tpu.dimension_semantics<arbitrary>], iteration_bounds = array<i64: 5>, scalar_prefetch = 0 : i64, scratch_operands = 0 : i64, tpu.core_type = #tpu.core_type<tc>, window_params = [{transform_indices = @transform_0, window_bounds = array<i64: 2048, 128>}, {pipeline_mode = #tpu.pipeline_mode<synchronous>, transform_indices = @transform_1, window_bounds = array<i64: 128, 128>}, {pipeline_mode = #tpu.pipeline_mode<synchronous>, transform_indices = @transform_2, window_bounds = array<i64: 1, 128>}, {transform_indices = @transform_3, window_bounds = array<i64: 2048, 128>}]} {
    %get3A = arith.constant 0 : index
    %get3A_0 = arith.constant 0 : index
    %get3A_1 = vector.load %arg1[%get3A, %get3A_0] : memref<2048x128xf32, #tpu.memory_space<vmem>>, vector<2048x128xf32>
    %get3A_2 = arith.constant 0 : index
    %get3A_3 = arith.constant 0 : index
    %get3A_4 = vector.load %arg2[%get3A_2, %get3A_3] : memref<128x128xf32, #tpu.memory_space<vmem>>, vector<128x128xf32>
    %dot_general3A = arith.constant dense<0.000000e+00> : vector<2048x128xf32>
    %dot_general3A_5 = tpu.matmul %get3A_1, %get3A_4, %dot_general3A {dimension_numbers = #tpu.dot_dimension_numbers<[1], [0], [0], [1], [0, 0, 1, 1], [], []>, transpose_lhs_hint = false} : vector<2048x128xf32>, vector<128x128xf32>, vector<2048x128xf32> -> vector<2048x128xf32>
    %get3A_6 = arith.constant 0 : index
    %get3A_7 = arith.constant 0 : index
    %get3A_8 = vector.load %arg3[%get3A_6, %get3A_7] : memref<1x128xf32, #tpu.memory_space<vmem>>, vector<1x128xf32>
    %add3A = vector.broadcast %get3A_8 : vector<1x128xf32> to vector<2048x128xf32>
    %add3A_9 = arith.addf %dot_general3A_5, %add3A : vector<2048x128xf32>
    %max3A = arith.constant 0.000000e+00 : f32
    %max3A_10 = vector.broadcast %max3A : f32 to vector<2048x128xf32>
    %max3A_11 = arith.maximumf %add3A_9, %max3A_10 : vector<2048x128xf32>
    %iota3A = tpu.iota {dimensions = array<i32: 0>} : vector<2048x128xi32>
    %mul3A = arith.constant 2048 : i32
    %mul3A_12 = arith.muli %arg0, %mul3A : i32
    %add3A_13 = vector.broadcast %mul3A_12 : i32 to vector<2048x128xi32>
    %add3A_14 = arith.addi %iota3A, %add3A_13 : vector<2048x128xi32>
    %lt3A = arith.constant 10000 : i32
    %lt3A_15 = vector.broadcast %lt3A : i32 to vector<2048x128xi32>
    %lt3A_16 = arith.cmpi slt, %add3A_14, %lt3A_15 : vector<2048x128xi32>
    %jit3A = arith.constant 0.000000e+00 : f32
    %broadcast_in_dim3A = vector.broadcast %jit3A : f32 to vector<2048x128xf32>
    %select_n3A = arith.select %lt3A_16, %max3A_11, %broadcast_in_dim3A : vector<2048x128xi1>, vector<2048x128xf32>
    %swap3A = arith.constant 0 : index
    %swap3A_17 = arith.constant 0 : index
    %swap3A_18 = vector.load %arg4[%swap3A, %swap3A_17] : memref<2048x128xf32, #tpu.memory_space<vmem>>, vector<2048x128xf32>
    tpu.vector_store %arg4[%swap3A, %swap3A_17], %select_n3A {strides = array<i32>} : memref<2048x128xf32, #tpu.memory_space<vmem>>, vector<2048x128xf32>,
    return
  }
  func.func @transform_0(%arg0: i32) -> (i32, i32) {
    %c0_i32 = arith.constant 0 : i32
    %c0_i32_0 = arith.constant 0 : i32
    return %arg0, %c0_i32 : i32, i32
  }
  func.func @transform_1(%arg0: i32) -> (i32, i32) {
    %c0_i32 = arith.constant 0 : i32
    %c0_i32_0 = arith.constant 0 : i32
    %c0_i32_1 = arith.constant 0 : i32
    return %c0_i32, %c0_i32_0 : i32, i32
  }
  func.func @transform_2(%arg0: i32) -> (i32, i32) {
    %c0_i32 = arith.constant 0 : i32
    %c0_i32_0 = arith.constant 0 : i32
    %c0_i32_1 = arith.constant 0 : i32
    return %c0_i32, %c0_i32_0 : i32, i32
  }
  func.func @transform_3(%arg0: i32) -> (i32, i32) {
    %c0_i32 = arith.constant 0 : i32
    %c0_i32_0 = arith.constant 0 : i32
    return %arg0, %c0_i32 : i32, i32
  }
}

module attributes {stable_mosaic.version = 14 : i64} {
  func.func @_upd_m_body(%arg0: i32, %arg1: memref<2x2048x128xf32, #tpu.memory_space<vmem>>, %arg2: memref<2048x128xf32, #tpu.memory_space<vmem>>, %arg3: memref<128x128xf32, #tpu.memory_space<vmem>>, %arg4: memref<1x128xf32, #tpu.memory_space<vmem>>, %arg5: memref<128x384xf32, #tpu.memory_space<vmem>>, %arg6: memref<1x384xf32, #tpu.memory_space<vmem>>, %arg7: memref<128x384xf32, #tpu.memory_space<vmem>>, %arg8: memref<1x384xf32, #tpu.memory_space<vmem>>, %arg9: memref<128x128xf32, #tpu.memory_space<vmem>>, %arg10: memref<1x128xf32, #tpu.memory_space<vmem>>, %arg11: memref<2048x128xf32, #tpu.memory_space<vmem>>, %arg12: memref<2048x128xf32, #tpu.memory_space<vmem>>) attributes {dimension_semantics = [#tpu.dimension_semantics<arbitrary>], iteration_bounds = array<i64: 5>, scalar_prefetch = 0 : i64, scratch_operands = 0 : i64, tpu.core_type = #tpu.core_type<tc>, window_params = [{transform_indices = @transform_0, window_bounds = array<i64: 2, 2048, 128>}, {transform_indices = @transform_1, window_bounds = array<i64: 2048, 128>}, {pipeline_mode = #tpu.pipeline_mode<synchronous>, transform_indices = @transform_2, window_bounds = array<i64: 128, 128>}, {pipeline_mode = #tpu.pipeline_mode<synchronous>, transform_indices = @transform_3, window_bounds = array<i64: 1, 128>}, {pipeline_mode = #tpu.pipeline_mode<synchronous>, transform_indices = @transform_4, window_bounds = array<i64: 128, 384>}, {pipeline_mode = #tpu.pipeline_mode<synchronous>, transform_indices = @transform_5, window_bounds = array<i64: 1, 384>}, {pipeline_mode = #tpu.pipeline_mode<synchronous>, transform_indices = @transform_6, window_bounds = array<i64: 128, 384>}, {pipeline_mode = #tpu.pipeline_mode<synchronous>, transform_indices = @transform_7, window_bounds = array<i64: 1, 384>}, {pipeline_mode = #tpu.pipeline_mode<synchronous>, transform_indices = @transform_8, window_bounds = array<i64: 128, 128>}, {pipeline_mode = #tpu.pipeline_mode<synchronous>, transform_indices = @transform_9, window_bounds = array<i64: 1, 128>}, {transform_indices = @transform_10, window_bounds = array<i64: 2048, 128>}, {transform_indices = @transform_11, window_bounds = array<i64: 2048, 128>}]} {
    %get3A = arith.constant 0 : index
    %get3A_0 = arith.constant 0 : index
    %get3A_1 = arith.constant 0 : index
    %get3A_2 = vector.load %arg1[%get3A, %get3A_0, %get3A_1] : memref<2x2048x128xf32, #tpu.memory_space<vmem>>, vector<1x2048x128xf32>
    %get3A_3 = vector.shape_cast %get3A_2 : vector<1x2048x128xf32> to vector<2048x128xf32>
    %get3A_4 = arith.constant 1 : index
    %get3A_5 = arith.constant 0 : index
    %get3A_6 = arith.constant 0 : index
    %get3A_7 = vector.load %arg1[%get3A_4, %get3A_5, %get3A_6] : memref<2x2048x128xf32, #tpu.memory_space<vmem>>, vector<1x2048x128xf32>
    %get3A_8 = vector.shape_cast %get3A_7 : vector<1x2048x128xf32> to vector<2048x128xf32>
    %add3A = arith.addf %get3A_3, %get3A_8 : vector<2048x128xf32>
    %get3A_9 = arith.constant 0 : index
    %get3A_10 = arith.constant 0 : index
    %get3A_11 = vector.load %arg2[%get3A_9, %get3A_10] : memref<2048x128xf32, #tpu.memory_space<vmem>>, vector<2048x128xf32>
    %get3A_12 = arith.constant 0 : index
    %get3A_13 = arith.constant 0 : index
    %get3A_14 = vector.load %arg3[%get3A_12, %get3A_13] : memref<128x128xf32, #tpu.memory_space<vmem>>, vector<128x128xf32>
    %get3A_15 = arith.constant 0 : index
    %get3A_16 = arith.constant 0 : index
    %get3A_17 = vector.load %arg4[%get3A_15, %get3A_16] : memref<1x128xf32, #tpu.memory_space<vmem>>, vector<1x128xf32>
    %get3A_18 = arith.constant 0 : index
    %get3A_19 = arith.constant 0 : index
    %get3A_20 = vector.load %arg5[%get3A_18, %get3A_19] : memref<128x384xf32, #tpu.memory_space<vmem>>, vector<128x384xf32>
    %get3A_21 = arith.constant 0 : index
    %get3A_22 = arith.constant 0 : index
    %get3A_23 = vector.load %arg6[%get3A_21, %get3A_22] : memref<1x384xf32, #tpu.memory_space<vmem>>, vector<1x384xf32>
    %get3A_24 = arith.constant 0 : index
    %get3A_25 = arith.constant 0 : index
    %get3A_26 = vector.load %arg7[%get3A_24, %get3A_25] : memref<128x384xf32, #tpu.memory_space<vmem>>, vector<128x384xf32>
    %get3A_27 = arith.constant 0 : index
    %get3A_28 = arith.constant 0 : index
    %get3A_29 = vector.load %arg8[%get3A_27, %get3A_28] : memref<1x384xf32, #tpu.memory_space<vmem>>, vector<1x384xf32>
    %dot_general3A = arith.constant dense<0.000000e+00> : vector<2048x128xf32>
    %dot_general3A_30 = tpu.matmul %add3A, %get3A_14, %dot_general3A {dimension_numbers = #tpu.dot_dimension_numbers<[1], [0], [0], [1], [0, 0, 1, 1], [], []>, transpose_lhs_hint = false} : vector<2048x128xf32>, vector<128x128xf32>, vector<2048x128xf32> -> vector<2048x128xf32>
    %add3A_31 = vector.broadcast %get3A_17 : vector<1x128xf32> to vector<2048x128xf32>
    %add3A_32 = arith.addf %dot_general3A_30, %add3A_31 : vector<2048x128xf32>
    %max3A = arith.constant 0.000000e+00 : f32
    %max3A_33 = vector.broadcast %max3A : f32 to vector<2048x128xf32>
    %max3A_34 = arith.maximumf %add3A_32, %max3A_33 : vector<2048x128xf32>
    %dot_general3A_35 = arith.constant dense<0.000000e+00> : vector<2048x384xf32>
    %dot_general3A_36 = tpu.matmul %max3A_34, %get3A_20, %dot_general3A_35 {dimension_numbers = #tpu.dot_dimension_numbers<[1], [0], [0], [1], [0, 0, 1, 1], [], []>, transpose_lhs_hint = false} : vector<2048x128xf32>, vector<128x384xf32>, vector<2048x384xf32> -> vector<2048x384xf32>
    %add3A_37 = vector.broadcast %get3A_23 : vector<1x384xf32> to vector<2048x384xf32>
    %add3A_38 = arith.addf %dot_general3A_36, %add3A_37 : vector<2048x384xf32>
    %dot_general3A_39 = arith.constant dense<0.000000e+00> : vector<2048x384xf32>
    %dot_general3A_40 = tpu.matmul %get3A_11, %get3A_26, %dot_general3A_39 {dimension_numbers = #tpu.dot_dimension_numbers<[1], [0], [0], [1], [0, 0, 1, 1], [], []>, transpose_lhs_hint = false} : vector<2048x128xf32>, vector<128x384xf32>, vector<2048x384xf32> -> vector<2048x384xf32>
    %add3A_41 = vector.broadcast %get3A_29 : vector<1x384xf32> to vector<2048x384xf32>
    %add3A_42 = arith.addf %dot_general3A_40, %add3A_41 : vector<2048x384xf32>
    %slice3A = vector.extract_strided_slice %add3A_38 {offsets = [0, 0], sizes = [2048, 128], strides = [1, 1]} : vector<2048x384xf32> to vector<2048x128xf32>
    %slice3A_43 = vector.extract_strided_slice %add3A_42 {offsets = [0, 0], sizes = [2048, 128], strides = [1, 1]} : vector<2048x384xf32> to vector<2048x128xf32>
    %add3A_44 = arith.addf %slice3A, %slice3A_43 : vector<2048x128xf32>
    %logistic3A = arith.negf %add3A_44 : vector<2048x128xf32>
    %logistic3A_45 = math.exp %logistic3A : vector<2048x128xf32>
    %logistic3A_46 = arith.constant 1.000000e+00 : f32
    %logistic3A_47 = vector.broadcast %logistic3A_46 : f32 to vector<2048x128xf32>
    %logistic3A_48 = arith.addf %logistic3A_47, %logistic3A_45 : vector<2048x128xf32>
    %logistic3A_49 = arith.divf %logistic3A_47, %logistic3A_48 : vector<2048x128xf32>
    %slice3A_50 = vector.extract_strided_slice %add3A_38 {offsets = [0, 128], sizes = [2048, 128], strides = [1, 1]} : vector<2048x384xf32> to vector<2048x128xf32>
    %slice3A_51 = vector.extract_strided_slice %add3A_42 {offsets = [0, 128], sizes = [2048, 128], strides = [1, 1]} : vector<2048x384xf32> to vector<2048x128xf32>
    %add3A_52 = arith.addf %slice3A_50, %slice3A_51 : vector<2048x128xf32>
    %logistic3A_53 = arith.negf %add3A_52 : vector<2048x128xf32>
    %logistic3A_54 = math.exp %logistic3A_53 : vector<2048x128xf32>
    %logistic3A_55 = arith.constant 1.000000e+00 : f32
    %logistic3A_56 = vector.broadcast %logistic3A_55 : f32 to vector<2048x128xf32>
    %logistic3A_57 = arith.addf %logistic3A_56, %logistic3A_54 : vector<2048x128xf32>
    %logistic3A_58 = arith.divf %logistic3A_56, %logistic3A_57 : vector<2048x128xf32>
    %slice3A_59 = vector.extract_strided_slice %add3A_38 {offsets = [0, 256], sizes = [2048, 128], strides = [1, 1]} : vector<2048x384xf32> to vector<2048x128xf32>
    %slice3A_60 = vector.extract_strided_slice %add3A_42 {offsets = [0, 256], sizes = [2048, 128], strides = [1, 1]} : vector<2048x384xf32> to vector<2048x128xf32>
    %mul3A = arith.mulf %logistic3A_49, %slice3A_60 : vector<2048x128xf32>
    %add3A_61 = arith.addf %slice3A_59, %mul3A : vector<2048x128xf32>
    %tanh3A = math.tanh %add3A_61 : vector<2048x128xf32>
    %sub3A = arith.constant 1.000000e+00 : f32
    %sub3A_62 = vector.broadcast %sub3A : f32 to vector<2048x128xf32>
    %sub3A_63 = arith.subf %sub3A_62, %logistic3A_58 : vector<2048x128xf32>
    %mul3A_64 = arith.mulf %sub3A_63, %tanh3A : vector<2048x128xf32>
    %mul3A_65 = arith.mulf %logistic3A_58, %get3A_11 : vector<2048x128xf32>
    %add3A_66 = arith.addf %mul3A_64, %mul3A_65 : vector<2048x128xf32>
    %swap3A = arith.constant 0 : index
    %swap3A_67 = arith.constant 0 : index
    %swap3A_68 = vector.load %arg11[%swap3A, %swap3A_67] : memref<2048x128xf32, #tpu.memory_space<vmem>>, vector<2048x128xf32>
    tpu.vector_store %arg11[%swap3A, %swap3A_67], %add3A_66 {strides = array<i32>} : memref<2048x128xf32, #tpu.memory_space<vmem>>, vector<2048x128xf32>,
    %get3A_69 = arith.constant 0 : index
    %get3A_70 = arith.constant 0 : index
    %get3A_71 = vector.load %arg9[%get3A_69, %get3A_70] : memref<128x128xf32, #tpu.memory_space<vmem>>, vector<128x128xf32>
    %dot_general3A_72 = arith.constant dense<0.000000e+00> : vector<2048x128xf32>
    %dot_general3A_73 = tpu.matmul %add3A_66, %get3A_71, %dot_general3A_72 {dimension_numbers = #tpu.dot_dimension_numbers<[1], [0], [0], [1], [0, 0, 1, 1], [], []>, transpose_lhs_hint = false} : vector<2048x128xf32>, vector<128x128xf32>, vector<2048x128xf32> -> vector<2048x128xf32>
    %get3A_74 = arith.constant 0 : index
    %get3A_75 = arith.constant 0 : index
    %get3A_76 = vector.load %arg10[%get3A_74, %get3A_75] : memref<1x128xf32, #tpu.memory_space<vmem>>, vector<1x128xf32>
    %add3A_77 = vector.broadcast %get3A_76 : vector<1x128xf32> to vector<2048x128xf32>
    %add3A_78 = arith.addf %dot_general3A_73, %add3A_77 : vector<2048x128xf32>
    %max3A_79 = arith.constant 0.000000e+00 : f32
    %max3A_80 = vector.broadcast %max3A_79 : f32 to vector<2048x128xf32>
    %max3A_81 = arith.maximumf %add3A_78, %max3A_80 : vector<2048x128xf32>
    %iota3A = tpu.iota {dimensions = array<i32: 0>} : vector<2048x128xi32>
    %mul3A_82 = arith.constant 2048 : i32
    %mul3A_83 = arith.muli %arg0, %mul3A_82 : i32
    %add3A_84 = vector.broadcast %mul3A_83 : i32 to vector<2048x128xi32>
    %add3A_85 = arith.addi %iota3A, %add3A_84 : vector<2048x128xi32>
    %lt3A = arith.constant 10000 : i32
    %lt3A_86 = vector.broadcast %lt3A : i32 to vector<2048x128xi32>
    %lt3A_87 = arith.cmpi slt, %add3A_85, %lt3A_86 : vector<2048x128xi32>
    %jit3A = arith.constant 0.000000e+00 : f32
    %broadcast_in_dim3A = vector.broadcast %jit3A : f32 to vector<2048x128xf32>
    %select_n3A = arith.select %lt3A_87, %max3A_81, %broadcast_in_dim3A : vector<2048x128xi1>, vector<2048x128xf32>
    %swap3A_88 = arith.constant 0 : index
    %swap3A_89 = arith.constant 0 : index
    %swap3A_90 = vector.load %arg12[%swap3A_88, %swap3A_89] : memref<2048x128xf32, #tpu.memory_space<vmem>>, vector<2048x128xf32>
    tpu.vector_store %arg12[%swap3A_88, %swap3A_89], %select_n3A {strides = array<i32>} : memref<2048x128xf32, #tpu.memory_space<vmem>>, vector<2048x128xf32>,
    return
  }
  func.func @transform_0(%arg0: i32) -> (i32, i32, i32) {
    %c0_i32 = arith.constant 0 : i32
    %c0_i32_0 = arith.constant 0 : i32
    %c0_i32_1 = arith.constant 0 : i32
    return %c0_i32, %arg0, %c0_i32_0 : i32, i32, i32
  }
  func.func @transform_1(%arg0: i32) -> (i32, i32) {
    %c0_i32 = arith.constant 0 : i32
    %c0_i32_0 = arith.constant 0 : i32
    return %arg0, %c0_i32 : i32, i32
  }
  func.func @transform_2(%arg0: i32) -> (i32, i32) {
    %c0_i32 = arith.constant 0 : i32
    %c0_i32_0 = arith.constant 0 : i32
    %c0_i32_1 = arith.constant 0 : i32
    return %c0_i32, %c0_i32_0 : i32, i32
  }
  func.func @transform_3(%arg0: i32) -> (i32, i32) {
    %c0_i32 = arith.constant 0 : i32
    %c0_i32_0 = arith.constant 0 : i32
    %c0_i32_1 = arith.constant 0 : i32
    return %c0_i32, %c0_i32_0 : i32, i32
  }
  func.func @transform_4(%arg0: i32) -> (i32, i32) {
    %c0_i32 = arith.constant 0 : i32
    %c0_i32_0 = arith.constant 0 : i32
    %c0_i32_1 = arith.constant 0 : i32
    return %c0_i32, %c0_i32_0 : i32, i32
  }
  func.func @transform_5(%arg0: i32) -> (i32, i32) {
    %c0_i32 = arith.constant 0 : i32
    %c0_i32_0 = arith.constant 0 : i32
    %c0_i32_1 = arith.constant 0 : i32
    return %c0_i32, %c0_i32_0 : i32, i32
  }
  func.func @transform_6(%arg0: i32) -> (i32, i32) {
    %c0_i32 = arith.constant 0 : i32
    %c0_i32_0 = arith.constant 0 : i32
    %c0_i32_1 = arith.constant 0 : i32
    return %c0_i32, %c0_i32_0 : i32, i32
  }
  func.func @transform_7(%arg0: i32) -> (i32, i32) {
    %c0_i32 = arith.constant 0 : i32
    %c0_i32_0 = arith.constant 0 : i32
    %c0_i32_1 = arith.constant 0 : i32
    return %c0_i32, %c0_i32_0 : i32, i32
  }
  func.func @transform_8(%arg0: i32) -> (i32, i32) {
    %c0_i32 = arith.constant 0 : i32
    %c0_i32_0 = arith.constant 0 : i32
    %c0_i32_1 = arith.constant 0 : i32
    return %c0_i32, %c0_i32_0 : i32, i32
  }
  func.func @transform_9(%arg0: i32) -> (i32, i32) {
    %c0_i32 = arith.constant 0 : i32
    %c0_i32_0 = arith.constant 0 : i32
    %c0_i32_1 = arith.constant 0 : i32
    return %c0_i32, %c0_i32_0 : i32, i32
  }
  func.func @transform_10(%arg0: i32) -> (i32, i32) {
    %c0_i32 = arith.constant 0 : i32
    %c0_i32_0 = arith.constant 0 : i32
    return %arg0, %c0_i32 : i32, i32
  }
  func.func @transform_11(%arg0: i32) -> (i32, i32) {
    %c0_i32 = arith.constant 0 : i32
    %c0_i32_0 = arith.constant 0 : i32
    return %arg0, %c0_i32 : i32, i32
  }
}

module attributes {stable_mosaic.version = 14 : i64} {
  func.func @_upd_body(%arg0: i32, %arg1: memref<2x2048x128xf32, #tpu.memory_space<vmem>>, %arg2: memref<2048x128xf32, #tpu.memory_space<vmem>>, %arg3: memref<128x128xf32, #tpu.memory_space<vmem>>, %arg4: memref<1x128xf32, #tpu.memory_space<vmem>>, %arg5: memref<128x384xf32, #tpu.memory_space<vmem>>, %arg6: memref<1x384xf32, #tpu.memory_space<vmem>>, %arg7: memref<128x384xf32, #tpu.memory_space<vmem>>, %arg8: memref<1x384xf32, #tpu.memory_space<vmem>>, %arg9: memref<2048x128xf32, #tpu.memory_space<vmem>>) attributes {dimension_semantics = [#tpu.dimension_semantics<arbitrary>], iteration_bounds = array<i64: 5>, scalar_prefetch = 0 : i64, scratch_operands = 0 : i64, tpu.core_type = #tpu.core_type<tc>, window_params = [{transform_indices = @transform_0, window_bounds = array<i64: 2, 2048, 128>}, {transform_indices = @transform_1, window_bounds = array<i64: 2048, 128>}, {pipeline_mode = #tpu.pipeline_mode<synchronous>, transform_indices = @transform_2, window_bounds = array<i64: 128, 128>}, {pipeline_mode = #tpu.pipeline_mode<synchronous>, transform_indices = @transform_3, window_bounds = array<i64: 1, 128>}, {pipeline_mode = #tpu.pipeline_mode<synchronous>, transform_indices = @transform_4, window_bounds = array<i64: 128, 384>}, {pipeline_mode = #tpu.pipeline_mode<synchronous>, transform_indices = @transform_5, window_bounds = array<i64: 1, 384>}, {pipeline_mode = #tpu.pipeline_mode<synchronous>, transform_indices = @transform_6, window_bounds = array<i64: 128, 384>}, {pipeline_mode = #tpu.pipeline_mode<synchronous>, transform_indices = @transform_7, window_bounds = array<i64: 1, 384>}, {transform_indices = @transform_8, window_bounds = array<i64: 2048, 128>}]} {
    %get3A = arith.constant 0 : index
    %get3A_0 = arith.constant 0 : index
    %get3A_1 = arith.constant 0 : index
    %get3A_2 = vector.load %arg1[%get3A, %get3A_0, %get3A_1] : memref<2x2048x128xf32, #tpu.memory_space<vmem>>, vector<1x2048x128xf32>
    %get3A_3 = vector.shape_cast %get3A_2 : vector<1x2048x128xf32> to vector<2048x128xf32>
    %get3A_4 = arith.constant 1 : index
    %get3A_5 = arith.constant 0 : index
    %get3A_6 = arith.constant 0 : index
    %get3A_7 = vector.load %arg1[%get3A_4, %get3A_5, %get3A_6] : memref<2x2048x128xf32, #tpu.memory_space<vmem>>, vector<1x2048x128xf32>
    %get3A_8 = vector.shape_cast %get3A_7 : vector<1x2048x128xf32> to vector<2048x128xf32>
    %add3A = arith.addf %get3A_3, %get3A_8 : vector<2048x128xf32>
    %get3A_9 = arith.constant 0 : index
    %get3A_10 = arith.constant 0 : index
    %get3A_11 = vector.load %arg2[%get3A_9, %get3A_10] : memref<2048x128xf32, #tpu.memory_space<vmem>>, vector<2048x128xf32>
    %get3A_12 = arith.constant 0 : index
    %get3A_13 = arith.constant 0 : index
    %get3A_14 = vector.load %arg3[%get3A_12, %get3A_13] : memref<128x128xf32, #tpu.memory_space<vmem>>, vector<128x128xf32>
    %get3A_15 = arith.constant 0 : index
    %get3A_16 = arith.constant 0 : index
    %get3A_17 = vector.load %arg4[%get3A_15, %get3A_16] : memref<1x128xf32, #tpu.memory_space<vmem>>, vector<1x128xf32>
    %get3A_18 = arith.constant 0 : index
    %get3A_19 = arith.constant 0 : index
    %get3A_20 = vector.load %arg5[%get3A_18, %get3A_19] : memref<128x384xf32, #tpu.memory_space<vmem>>, vector<128x384xf32>
    %get3A_21 = arith.constant 0 : index
    %get3A_22 = arith.constant 0 : index
    %get3A_23 = vector.load %arg6[%get3A_21, %get3A_22] : memref<1x384xf32, #tpu.memory_space<vmem>>, vector<1x384xf32>
    %get3A_24 = arith.constant 0 : index
    %get3A_25 = arith.constant 0 : index
    %get3A_26 = vector.load %arg7[%get3A_24, %get3A_25] : memref<128x384xf32, #tpu.memory_space<vmem>>, vector<128x384xf32>
    %get3A_27 = arith.constant 0 : index
    %get3A_28 = arith.constant 0 : index
    %get3A_29 = vector.load %arg8[%get3A_27, %get3A_28] : memref<1x384xf32, #tpu.memory_space<vmem>>, vector<1x384xf32>
    %dot_general3A = arith.constant dense<0.000000e+00> : vector<2048x128xf32>
    %dot_general3A_30 = tpu.matmul %add3A, %get3A_14, %dot_general3A {dimension_numbers = #tpu.dot_dimension_numbers<[1], [0], [0], [1], [0, 0, 1, 1], [], []>, transpose_lhs_hint = false} : vector<2048x128xf32>, vector<128x128xf32>, vector<2048x128xf32> -> vector<2048x128xf32>
    %add3A_31 = vector.broadcast %get3A_17 : vector<1x128xf32> to vector<2048x128xf32>
    %add3A_32 = arith.addf %dot_general3A_30, %add3A_31 : vector<2048x128xf32>
    %max3A = arith.constant 0.000000e+00 : f32
    %max3A_33 = vector.broadcast %max3A : f32 to vector<2048x128xf32>
    %max3A_34 = arith.maximumf %add3A_32, %max3A_33 : vector<2048x128xf32>
    %dot_general3A_35 = arith.constant dense<0.000000e+00> : vector<2048x384xf32>
    %dot_general3A_36 = tpu.matmul %max3A_34, %get3A_20, %dot_general3A_35 {dimension_numbers = #tpu.dot_dimension_numbers<[1], [0], [0], [1], [0, 0, 1, 1], [], []>, transpose_lhs_hint = false} : vector<2048x128xf32>, vector<128x384xf32>, vector<2048x384xf32> -> vector<2048x384xf32>
    %add3A_37 = vector.broadcast %get3A_23 : vector<1x384xf32> to vector<2048x384xf32>
    %add3A_38 = arith.addf %dot_general3A_36, %add3A_37 : vector<2048x384xf32>
    %dot_general3A_39 = arith.constant dense<0.000000e+00> : vector<2048x384xf32>
    %dot_general3A_40 = tpu.matmul %get3A_11, %get3A_26, %dot_general3A_39 {dimension_numbers = #tpu.dot_dimension_numbers<[1], [0], [0], [1], [0, 0, 1, 1], [], []>, transpose_lhs_hint = false} : vector<2048x128xf32>, vector<128x384xf32>, vector<2048x384xf32> -> vector<2048x384xf32>
    %add3A_41 = vector.broadcast %get3A_29 : vector<1x384xf32> to vector<2048x384xf32>
    %add3A_42 = arith.addf %dot_general3A_40, %add3A_41 : vector<2048x384xf32>
    %slice3A = vector.extract_strided_slice %add3A_38 {offsets = [0, 0], sizes = [2048, 128], strides = [1, 1]} : vector<2048x384xf32> to vector<2048x128xf32>
    %slice3A_43 = vector.extract_strided_slice %add3A_42 {offsets = [0, 0], sizes = [2048, 128], strides = [1, 1]} : vector<2048x384xf32> to vector<2048x128xf32>
    %add3A_44 = arith.addf %slice3A, %slice3A_43 : vector<2048x128xf32>
    %logistic3A = arith.negf %add3A_44 : vector<2048x128xf32>
    %logistic3A_45 = math.exp %logistic3A : vector<2048x128xf32>
    %logistic3A_46 = arith.constant 1.000000e+00 : f32
    %logistic3A_47 = vector.broadcast %logistic3A_46 : f32 to vector<2048x128xf32>
    %logistic3A_48 = arith.addf %logistic3A_47, %logistic3A_45 : vector<2048x128xf32>
    %logistic3A_49 = arith.divf %logistic3A_47, %logistic3A_48 : vector<2048x128xf32>
    %slice3A_50 = vector.extract_strided_slice %add3A_38 {offsets = [0, 128], sizes = [2048, 128], strides = [1, 1]} : vector<2048x384xf32> to vector<2048x128xf32>
    %slice3A_51 = vector.extract_strided_slice %add3A_42 {offsets = [0, 128], sizes = [2048, 128], strides = [1, 1]} : vector<2048x384xf32> to vector<2048x128xf32>
    %add3A_52 = arith.addf %slice3A_50, %slice3A_51 : vector<2048x128xf32>
    %logistic3A_53 = arith.negf %add3A_52 : vector<2048x128xf32>
    %logistic3A_54 = math.exp %logistic3A_53 : vector<2048x128xf32>
    %logistic3A_55 = arith.constant 1.000000e+00 : f32
    %logistic3A_56 = vector.broadcast %logistic3A_55 : f32 to vector<2048x128xf32>
    %logistic3A_57 = arith.addf %logistic3A_56, %logistic3A_54 : vector<2048x128xf32>
    %logistic3A_58 = arith.divf %logistic3A_56, %logistic3A_57 : vector<2048x128xf32>
    %slice3A_59 = vector.extract_strided_slice %add3A_38 {offsets = [0, 256], sizes = [2048, 128], strides = [1, 1]} : vector<2048x384xf32> to vector<2048x128xf32>
    %slice3A_60 = vector.extract_strided_slice %add3A_42 {offsets = [0, 256], sizes = [2048, 128], strides = [1, 1]} : vector<2048x384xf32> to vector<2048x128xf32>
    %mul3A = arith.mulf %logistic3A_49, %slice3A_60 : vector<2048x128xf32>
    %add3A_61 = arith.addf %slice3A_59, %mul3A : vector<2048x128xf32>
    %tanh3A = math.tanh %add3A_61 : vector<2048x128xf32>
    %sub3A = arith.constant 1.000000e+00 : f32
    %sub3A_62 = vector.broadcast %sub3A : f32 to vector<2048x128xf32>
    %sub3A_63 = arith.subf %sub3A_62, %logistic3A_58 : vector<2048x128xf32>
    %mul3A_64 = arith.mulf %sub3A_63, %tanh3A : vector<2048x128xf32>
    %mul3A_65 = arith.mulf %logistic3A_58, %get3A_11 : vector<2048x128xf32>
    %add3A_66 = arith.addf %mul3A_64, %mul3A_65 : vector<2048x128xf32>
    %swap3A = arith.constant 0 : index
    %swap3A_67 = arith.constant 0 : index
    %swap3A_68 = vector.load %arg9[%swap3A, %swap3A_67] : memref<2048x128xf32, #tpu.memory_space<vmem>>, vector<2048x128xf32>
    tpu.vector_store %arg9[%swap3A, %swap3A_67], %add3A_66 {strides = array<i32>} : memref<2048x128xf32, #tpu.memory_space<vmem>>, vector<2048x128xf32>,
    return
  }
  func.func @transform_0(%arg0: i32) -> (i32, i32, i32) {
    %c0_i32 = arith.constant 0 : i32
    %c0_i32_0 = arith.constant 0 : i32
    %c0_i32_1 = arith.constant 0 : i32
    return %c0_i32, %arg0, %c0_i32_0 : i32, i32, i32
  }
  func.func @transform_1(%arg0: i32) -> (i32, i32) {
    %c0_i32 = arith.constant 0 : i32
    %c0_i32_0 = arith.constant 0 : i32
    return %arg0, %c0_i32 : i32, i32
  }
  func.func @transform_2(%arg0: i32) -> (i32, i32) {
    %c0_i32 = arith.constant 0 : i32
    %c0_i32_0 = arith.constant 0 : i32
    %c0_i32_1 = arith.constant 0 : i32
    return %c0_i32, %c0_i32_0 : i32, i32
  }
  func.func @transform_3(%arg0: i32) -> (i32, i32) {
    %c0_i32 = arith.constant 0 : i32
    %c0_i32_0 = arith.constant 0 : i32
    %c0_i32_1 = arith.constant 0 : i32
    return %c0_i32, %c0_i32_0 : i32, i32
  }
  func.func @transform_4(%arg0: i32) -> (i32, i32) {
    %c0_i32 = arith.constant 0 : i32
    %c0_i32_0 = arith.constant 0 : i32
    %c0_i32_1 = arith.constant 0 : i32
    return %c0_i32, %c0_i32_0 : i32, i32
  }
  func.func @transform_5(%arg0: i32) -> (i32, i32) {
    %c0_i32 = arith.constant 0 : i32
    %c0_i32_0 = arith.constant 0 : i32
    %c0_i32_1 = arith.constant 0 : i32
    return %c0_i32, %c0_i32_0 : i32, i32
  }
  func.func @transform_6(%arg0: i32) -> (i32, i32) {
    %c0_i32 = arith.constant 0 : i32
    %c0_i32_0 = arith.constant 0 : i32
    %c0_i32_1 = arith.constant 0 : i32
    return %c0_i32, %c0_i32_0 : i32, i32
  }
  func.func @transform_7(%arg0: i32) -> (i32, i32) {
    %c0_i32 = arith.constant 0 : i32
    %c0_i32_0 = arith.constant 0 : i32
    %c0_i32_1 = arith.constant 0 : i32
    return %c0_i32, %c0_i32_0 : i32, i32
  }
  func.func @transform_8(%arg0: i32) -> (i32, i32) {
    %c0_i32 = arith.constant 0 : i32
    %c0_i32_0 = arith.constant 0 : i32
    return %arg0, %c0_i32 : i32, i32
  }
}

module attributes {stable_mosaic.version = 14 : i64} {
  func.func @_score_body(%arg0: i32, %arg1: memref<4096x128xf32, #tpu.memory_space<vmem>>, %arg2: memref<4096x128xf32, #tpu.memory_space<vmem>>, %arg3: memref<512x128xbf16, #tpu.memory_space<vmem>>, %arg4: memref<1x128xf32, #tpu.memory_space<vmem>>, %arg5: memref<1x128xf32, #tpu.memory_space<vmem>>, %arg6: memref<1x128xf32, #tpu.memory_space<vmem>>, %arg7: memref<4096xf32, #tpu.memory_space<vmem>>) attributes {dimension_semantics = [#tpu.dimension_semantics<arbitrary>], iteration_bounds = array<i64: 4>, scalar_prefetch = 0 : i64, scratch_operands = 0 : i64, tpu.core_type = #tpu.core_type<tc>, window_params = [{transform_indices = @transform_0, window_bounds = array<i64: 4096, 128>}, {transform_indices = @transform_1, window_bounds = array<i64: 4096, 128>}, {pipeline_mode = #tpu.pipeline_mode<synchronous>, transform_indices = @transform_2, window_bounds = array<i64: 512, 128>}, {pipeline_mode = #tpu.pipeline_mode<synchronous>, transform_indices = @transform_3, window_bounds = array<i64: 1, 128>}, {pipeline_mode = #tpu.pipeline_mode<synchronous>, transform_indices = @transform_4, window_bounds = array<i64: 1, 128>}, {pipeline_mode = #tpu.pipeline_mode<synchronous>, transform_indices = @transform_5, window_bounds = array<i64: 1, 128>}, {transform_indices = @transform_6, window_bounds = array<i64: 4096>}]} {
    %get3A = arith.constant 0 : index
    %get3A_0 = arith.constant 0 : index
    %get3A_1 = vector.load %arg1[%get3A, %get3A_0] : memref<4096x128xf32, #tpu.memory_space<vmem>>, vector<4096x128xf32>
    %get3A_2 = arith.constant 0 : index
    %get3A_3 = arith.constant 0 : index
    %get3A_4 = vector.load %arg2[%get3A_2, %get3A_3] : memref<4096x128xf32, #tpu.memory_space<vmem>>, vector<4096x128xf32>
    %convert_element_type3A = arith.truncf %get3A_1 : vector<4096x128xf32> to vector<4096x128xbf16>
    %convert_element_type3A_5 = arith.truncf %get3A_4 : vector<4096x128xf32> to vector<4096x128xbf16>
    %sub3A = arith.subf %get3A_1, %get3A_4 : vector<4096x128xf32>
    %abs3A = math.absf %sub3A : vector<4096x128xf32>
    %convert_element_type3A_6 = arith.truncf %abs3A : vector<4096x128xf32> to vector<4096x128xbf16>
    %mul3A = arith.mulf %get3A_1, %get3A_4 : vector<4096x128xf32>
    %convert_element_type3A_7 = arith.truncf %mul3A : vector<4096x128xf32> to vector<4096x128xbf16>
    %concatenate3A = tpu.concatenate %convert_element_type3A, %convert_element_type3A_5, %convert_element_type3A_6, %convert_element_type3A_7 in 1 : vector<4096x128xbf16>, vector<4096x128xbf16>, vector<4096x128xbf16>, vector<4096x128xbf16> -> vector<4096x512xbf16>
    %get3A_8 = arith.constant 0 : index
    %get3A_9 = arith.constant 0 : index
    %get3A_10 = vector.load %arg3[%get3A_8, %get3A_9] : memref<512x128xbf16, #tpu.memory_space<vmem>>, vector<512x128xbf16>
    %dot_general3A = arith.constant dense<0.000000e+00> : vector<4096x128xf32>
    %dot_general3A_11 = tpu.matmul %concatenate3A, %get3A_10, %dot_general3A {dimension_numbers = #tpu.dot_dimension_numbers<[1], [0], [0], [1], [0, 0, 1, 1], [], []>, transpose_lhs_hint = false} : vector<4096x512xbf16>, vector<512x128xbf16>, vector<4096x128xf32> -> vector<4096x128xf32>
    %get3A_12 = arith.constant 0 : index
    %get3A_13 = arith.constant 0 : index
    %get3A_14 = vector.load %arg4[%get3A_12, %get3A_13] : memref<1x128xf32, #tpu.memory_space<vmem>>, vector<1x128xf32>
    %add3A = vector.broadcast %get3A_14 : vector<1x128xf32> to vector<4096x128xf32>
    %add3A_15 = arith.addf %dot_general3A_11, %add3A : vector<4096x128xf32>
    %max3A = arith.constant 0.000000e+00 : f32
    %max3A_16 = vector.broadcast %max3A : f32 to vector<4096x128xf32>
    %max3A_17 = arith.maximumf %add3A_15, %max3A_16 : vector<4096x128xf32>
    %get3A_18 = arith.constant 0 : index
    %get3A_19 = arith.constant 0 : index
    %get3A_20 = vector.load %arg5[%get3A_18, %get3A_19] : memref<1x128xf32, #tpu.memory_space<vmem>>, vector<1x128xf32>
    %mul3A_21 = vector.broadcast %get3A_20 : vector<1x128xf32> to vector<4096x128xf32>
    %mul3A_22 = arith.mulf %max3A_17, %mul3A_21 : vector<4096x128xf32>
    %get3A_23 = arith.constant 0 : index
    %get3A_24 = arith.constant 0 : index
    %get3A_25 = vector.load %arg6[%get3A_23, %get3A_24] : memref<1x128xf32, #tpu.memory_space<vmem>>, vector<1x128xf32>
    %add3A_26 = vector.broadcast %get3A_25 : vector<1x128xf32> to vector<4096x128xf32>
    %add3A_27 = arith.addf %mul3A_22, %add3A_26 : vector<4096x128xf32>
    %reduce_sum3A = arith.constant dense<0.000000e+00> : vector<4096xf32>
    %reduce_sum3A_28 = vector.multi_reduction <add>, %add3A_27, %reduce_sum3A [1] : vector<4096x128xf32> to vector<4096xf32>
    %swap3A = arith.constant 0 : index
    %swap3A_29 = vector.load %arg7[%swap3A] : memref<4096xf32, #tpu.memory_space<vmem>>, vector<4096xf32>
    tpu.vector_store %arg7[%swap3A], %reduce_sum3A_28 {strides = array<i32>} : memref<4096xf32, #tpu.memory_space<vmem>>, vector<4096xf32>,
    return
  }
  func.func @transform_0(%arg0: i32) -> (i32, i32) {
    %c0_i32 = arith.constant 0 : i32
    %c0_i32_0 = arith.constant 0 : i32
    return %arg0, %c0_i32 : i32, i32
  }
  func.func @transform_1(%arg0: i32) -> (i32, i32) {
    %c0_i32 = arith.constant 0 : i32
    %c0_i32_0 = arith.constant 0 : i32
    return %arg0, %c0_i32 : i32, i32
  }
  func.func @transform_2(%arg0: i32) -> (i32, i32) {
    %c0_i32 = arith.constant 0 : i32
    %c0_i32_0 = arith.constant 0 : i32
    %c0_i32_1 = arith.constant 0 : i32
    return %c0_i32, %c0_i32_0 : i32, i32
  }
  func.func @transform_3(%arg0: i32) -> (i32, i32) {
    %c0_i32 = arith.constant 0 : i32
    %c0_i32_0 = arith.constant 0 : i32
    %c0_i32_1 = arith.constant 0 : i32
    return %c0_i32, %c0_i32_0 : i32, i32
  }
  func.func @transform_4(%arg0: i32) -> (i32, i32) {
    %c0_i32 = arith.constant 0 : i32
    %c0_i32_0 = arith.constant 0 : i32
    %c0_i32_1 = arith.constant 0 : i32
    return %c0_i32, %c0_i32_0 : i32, i32
  }
  func.func @transform_5(%arg0: i32) -> (i32, i32) {
    %c0_i32 = arith.constant 0 : i32
    %c0_i32_0 = arith.constant 0 : i32
    %c0_i32_1 = arith.constant 0 : i32
    return %c0_i32, %c0_i32_0 : i32, i32
  }
  func.func @transform_6(%arg0: i32) -> i32 {
    %c0_i32 = arith.constant 0 : i32
    return %arg0 : i32
  }
}

module attributes {stable_mosaic.version = 14 : i64} {
  func.func @_score_body(%arg0: i32, %arg1: memref<4096x128xf32, #tpu.memory_space<vmem>>, %arg2: memref<4096x128xf32, #tpu.memory_space<vmem>>, %arg3: memref<512x128xbf16, #tpu.memory_space<vmem>>, %arg4: memref<1x128xf32, #tpu.memory_space<vmem>>, %arg5: memref<1x128xf32, #tpu.memory_space<vmem>>, %arg6: memref<1x128xf32, #tpu.memory_space<vmem>>, %arg7: memref<4096xf32, #tpu.memory_space<vmem>>) attributes {dimension_semantics = [#tpu.dimension_semantics<arbitrary>], iteration_bounds = array<i64: 8>, scalar_prefetch = 0 : i64, scratch_operands = 0 : i64, tpu.core_type = #tpu.core_type<tc>, window_params = [{transform_indices = @transform_0, window_bounds = array<i64: 4096, 128>}, {transform_indices = @transform_1, window_bounds = array<i64: 4096, 128>}, {pipeline_mode = #tpu.pipeline_mode<synchronous>, transform_indices = @transform_2, window_bounds = array<i64: 512, 128>}, {pipeline_mode = #tpu.pipeline_mode<synchronous>, transform_indices = @transform_3, window_bounds = array<i64: 1, 128>}, {pipeline_mode = #tpu.pipeline_mode<synchronous>, transform_indices = @transform_4, window_bounds = array<i64: 1, 128>}, {pipeline_mode = #tpu.pipeline_mode<synchronous>, transform_indices = @transform_5, window_bounds = array<i64: 1, 128>}, {transform_indices = @transform_6, window_bounds = array<i64: 4096>}]} {
    %get3A = arith.constant 0 : index
    %get3A_0 = arith.constant 0 : index
    %get3A_1 = vector.load %arg1[%get3A, %get3A_0] : memref<4096x128xf32, #tpu.memory_space<vmem>>, vector<4096x128xf32>
    %get3A_2 = arith.constant 0 : index
    %get3A_3 = arith.constant 0 : index
    %get3A_4 = vector.load %arg2[%get3A_2, %get3A_3] : memref<4096x128xf32, #tpu.memory_space<vmem>>, vector<4096x128xf32>
    %convert_element_type3A = arith.truncf %get3A_1 : vector<4096x128xf32> to vector<4096x128xbf16>
    %convert_element_type3A_5 = arith.truncf %get3A_4 : vector<4096x128xf32> to vector<4096x128xbf16>
    %sub3A = arith.subf %get3A_1, %get3A_4 : vector<4096x128xf32>
    %abs3A = math.absf %sub3A : vector<4096x128xf32>
    %convert_element_type3A_6 = arith.truncf %abs3A : vector<4096x128xf32> to vector<4096x128xbf16>
    %mul3A = arith.mulf %get3A_1, %get3A_4 : vector<4096x128xf32>
    %convert_element_type3A_7 = arith.truncf %mul3A : vector<4096x128xf32> to vector<4096x128xbf16>
    %concatenate3A = tpu.concatenate %convert_element_type3A, %convert_element_type3A_5, %convert_element_type3A_6, %convert_element_type3A_7 in 1 : vector<4096x128xbf16>, vector<4096x128xbf16>, vector<4096x128xbf16>, vector<4096x128xbf16> -> vector<4096x512xbf16>
    %get3A_8 = arith.constant 0 : index
    %get3A_9 = arith.constant 0 : index
    %get3A_10 = vector.load %arg3[%get3A_8, %get3A_9] : memref<512x128xbf16, #tpu.memory_space<vmem>>, vector<512x128xbf16>
    %dot_general3A = arith.constant dense<0.000000e+00> : vector<4096x128xf32>
    %dot_general3A_11 = tpu.matmul %concatenate3A, %get3A_10, %dot_general3A {dimension_numbers = #tpu.dot_dimension_numbers<[1], [0], [0], [1], [0, 0, 1, 1], [], []>, transpose_lhs_hint = false} : vector<4096x512xbf16>, vector<512x128xbf16>, vector<4096x128xf32> -> vector<4096x128xf32>
    %get3A_12 = arith.constant 0 : index
    %get3A_13 = arith.constant 0 : index
    %get3A_14 = vector.load %arg4[%get3A_12, %get3A_13] : memref<1x128xf32, #tpu.memory_space<vmem>>, vector<1x128xf32>
    %add3A = vector.broadcast %get3A_14 : vector<1x128xf32> to vector<4096x128xf32>
    %add3A_15 = arith.addf %dot_general3A_11, %add3A : vector<4096x128xf32>
    %max3A = arith.constant 0.000000e+00 : f32
    %max3A_16 = vector.broadcast %max3A : f32 to vector<4096x128xf32>
    %max3A_17 = arith.maximumf %add3A_15, %max3A_16 : vector<4096x128xf32>
    %get3A_18 = arith.constant 0 : index
    %get3A_19 = arith.constant 0 : index
    %get3A_20 = vector.load %arg5[%get3A_18, %get3A_19] : memref<1x128xf32, #tpu.memory_space<vmem>>, vector<1x128xf32>
    %mul3A_21 = vector.broadcast %get3A_20 : vector<1x128xf32> to vector<4096x128xf32>
    %mul3A_22 = arith.mulf %max3A_17, %mul3A_21 : vector<4096x128xf32>
    %get3A_23 = arith.constant 0 : index
    %get3A_24 = arith.constant 0 : index
    %get3A_25 = vector.load %arg6[%get3A_23, %get3A_24] : memref<1x128xf32, #tpu.memory_space<vmem>>, vector<1x128xf32>
    %add3A_26 = vector.broadcast %get3A_25 : vector<1x128xf32> to vector<4096x128xf32>
    %add3A_27 = arith.addf %mul3A_22, %add3A_26 : vector<4096x128xf32>
    %reduce_sum3A = arith.constant dense<0.000000e+00> : vector<4096xf32>
    %reduce_sum3A_28 = vector.multi_reduction <add>, %add3A_27, %reduce_sum3A [1] : vector<4096x128xf32> to vector<4096xf32>
    %swap3A = arith.constant 0 : index
    %swap3A_29 = vector.load %arg7[%swap3A] : memref<4096xf32, #tpu.memory_space<vmem>>, vector<4096xf32>
    tpu.vector_store %arg7[%swap3A], %reduce_sum3A_28 {strides = array<i32>} : memref<4096xf32, #tpu.memory_space<vmem>>, vector<4096xf32>,
    return
  }
  func.func @transform_0(%arg0: i32) -> (i32, i32) {
    %c0_i32 = arith.constant 0 : i32
    %c0_i32_0 = arith.constant 0 : i32
    return %arg0, %c0_i32 : i32, i32
  }
  func.func @transform_1(%arg0: i32) -> (i32, i32) {
    %c0_i32 = arith.constant 0 : i32
    %c0_i32_0 = arith.constant 0 : i32
    return %arg0, %c0_i32 : i32, i32
  }
  func.func @transform_2(%arg0: i32) -> (i32, i32) {
    %c0_i32 = arith.constant 0 : i32
    %c0_i32_0 = arith.constant 0 : i32
    %c0_i32_1 = arith.constant 0 : i32
    return %c0_i32, %c0_i32_0 : i32, i32
  }
  func.func @transform_3(%arg0: i32) -> (i32, i32) {
    %c0_i32 = arith.constant 0 : i32
    %c0_i32_0 = arith.constant 0 : i32
    %c0_i32_1 = arith.constant 0 : i32
    return %c0_i32, %c0_i32_0 : i32, i32
  }
  func.func @transform_4(%arg0: i32) -> (i32, i32) {
    %c0_i32 = arith.constant 0 : i32
    %c0_i32_0 = arith.constant 0 : i32
    %c0_i32_1 = arith.constant 0 : i32
    return %c0_i32, %c0_i32_0 : i32, i32
  }
  func.func @transform_5(%arg0: i32) -> (i32, i32) {
    %c0_i32 = arith.constant 0 : i32
    %c0_i32_0 = arith.constant 0 : i32
    %c0_i32_1 = arith.constant 0 : i32
    return %c0_i32, %c0_i32_0 : i32, i32
  }
  func.func @transform_6(%arg0: i32) -> i32 {
    %c0_i32 = arith.constant 0 : i32
    return %arg0 : i32
  }
}

module attributes {stable_mosaic.version = 14 : i64} {
  func.func @_score_body(%arg0: i32, %arg1: memref<4096x128xf32, #tpu.memory_space<vmem>>, %arg2: memref<4096x128xf32, #tpu.memory_space<vmem>>, %arg3: memref<512x128xbf16, #tpu.memory_space<vmem>>, %arg4: memref<1x128xf32, #tpu.memory_space<vmem>>, %arg5: memref<1x128xf32, #tpu.memory_space<vmem>>, %arg6: memref<1x128xf32, #tpu.memory_space<vmem>>, %arg7: memref<4096xf32, #tpu.memory_space<vmem>>) attributes {dimension_semantics = [#tpu.dimension_semantics<arbitrary>], iteration_bounds = array<i64: 16>, scalar_prefetch = 0 : i64, scratch_operands = 0 : i64, tpu.core_type = #tpu.core_type<tc>, window_params = [{transform_indices = @transform_0, window_bounds = array<i64: 4096, 128>}, {transform_indices = @transform_1, window_bounds = array<i64: 4096, 128>}, {pipeline_mode = #tpu.pipeline_mode<synchronous>, transform_indices = @transform_2, window_bounds = array<i64: 512, 128>}, {pipeline_mode = #tpu.pipeline_mode<synchronous>, transform_indices = @transform_3, window_bounds = array<i64: 1, 128>}, {pipeline_mode = #tpu.pipeline_mode<synchronous>, transform_indices = @transform_4, window_bounds = array<i64: 1, 128>}, {pipeline_mode = #tpu.pipeline_mode<synchronous>, transform_indices = @transform_5, window_bounds = array<i64: 1, 128>}, {transform_indices = @transform_6, window_bounds = array<i64: 4096>}]} {
    %get3A = arith.constant 0 : index
    %get3A_0 = arith.constant 0 : index
    %get3A_1 = vector.load %arg1[%get3A, %get3A_0] : memref<4096x128xf32, #tpu.memory_space<vmem>>, vector<4096x128xf32>
    %get3A_2 = arith.constant 0 : index
    %get3A_3 = arith.constant 0 : index
    %get3A_4 = vector.load %arg2[%get3A_2, %get3A_3] : memref<4096x128xf32, #tpu.memory_space<vmem>>, vector<4096x128xf32>
    %convert_element_type3A = arith.truncf %get3A_1 : vector<4096x128xf32> to vector<4096x128xbf16>
    %convert_element_type3A_5 = arith.truncf %get3A_4 : vector<4096x128xf32> to vector<4096x128xbf16>
    %sub3A = arith.subf %get3A_1, %get3A_4 : vector<4096x128xf32>
    %abs3A = math.absf %sub3A : vector<4096x128xf32>
    %convert_element_type3A_6 = arith.truncf %abs3A : vector<4096x128xf32> to vector<4096x128xbf16>
    %mul3A = arith.mulf %get3A_1, %get3A_4 : vector<4096x128xf32>
    %convert_element_type3A_7 = arith.truncf %mul3A : vector<4096x128xf32> to vector<4096x128xbf16>
    %concatenate3A = tpu.concatenate %convert_element_type3A, %convert_element_type3A_5, %convert_element_type3A_6, %convert_element_type3A_7 in 1 : vector<4096x128xbf16>, vector<4096x128xbf16>, vector<4096x128xbf16>, vector<4096x128xbf16> -> vector<4096x512xbf16>
    %get3A_8 = arith.constant 0 : index
    %get3A_9 = arith.constant 0 : index
    %get3A_10 = vector.load %arg3[%get3A_8, %get3A_9] : memref<512x128xbf16, #tpu.memory_space<vmem>>, vector<512x128xbf16>
    %dot_general3A = arith.constant dense<0.000000e+00> : vector<4096x128xf32>
    %dot_general3A_11 = tpu.matmul %concatenate3A, %get3A_10, %dot_general3A {dimension_numbers = #tpu.dot_dimension_numbers<[1], [0], [0], [1], [0, 0, 1, 1], [], []>, transpose_lhs_hint = false} : vector<4096x512xbf16>, vector<512x128xbf16>, vector<4096x128xf32> -> vector<4096x128xf32>
    %get3A_12 = arith.constant 0 : index
    %get3A_13 = arith.constant 0 : index
    %get3A_14 = vector.load %arg4[%get3A_12, %get3A_13] : memref<1x128xf32, #tpu.memory_space<vmem>>, vector<1x128xf32>
    %add3A = vector.broadcast %get3A_14 : vector<1x128xf32> to vector<4096x128xf32>
    %add3A_15 = arith.addf %dot_general3A_11, %add3A : vector<4096x128xf32>
    %max3A = arith.constant 0.000000e+00 : f32
    %max3A_16 = vector.broadcast %max3A : f32 to vector<4096x128xf32>
    %max3A_17 = arith.maximumf %add3A_15, %max3A_16 : vector<4096x128xf32>
    %get3A_18 = arith.constant 0 : index
    %get3A_19 = arith.constant 0 : index
    %get3A_20 = vector.load %arg5[%get3A_18, %get3A_19] : memref<1x128xf32, #tpu.memory_space<vmem>>, vector<1x128xf32>
    %mul3A_21 = vector.broadcast %get3A_20 : vector<1x128xf32> to vector<4096x128xf32>
    %mul3A_22 = arith.mulf %max3A_17, %mul3A_21 : vector<4096x128xf32>
    %get3A_23 = arith.constant 0 : index
    %get3A_24 = arith.constant 0 : index
    %get3A_25 = vector.load %arg6[%get3A_23, %get3A_24] : memref<1x128xf32, #tpu.memory_space<vmem>>, vector<1x128xf32>
    %add3A_26 = vector.broadcast %get3A_25 : vector<1x128xf32> to vector<4096x128xf32>
    %add3A_27 = arith.addf %mul3A_22, %add3A_26 : vector<4096x128xf32>
    %reduce_sum3A = arith.constant dense<0.000000e+00> : vector<4096xf32>
    %reduce_sum3A_28 = vector.multi_reduction <add>, %add3A_27, %reduce_sum3A [1] : vector<4096x128xf32> to vector<4096xf32>
    %swap3A = arith.constant 0 : index
    %swap3A_29 = vector.load %arg7[%swap3A] : memref<4096xf32, #tpu.memory_space<vmem>>, vector<4096xf32>
    tpu.vector_store %arg7[%swap3A], %reduce_sum3A_28 {strides = array<i32>} : memref<4096xf32, #tpu.memory_space<vmem>>, vector<4096xf32>,
    return
  }
  func.func @transform_0(%arg0: i32) -> (i32, i32) {
    %c0_i32 = arith.constant 0 : i32
    %c0_i32_0 = arith.constant 0 : i32
    return %arg0, %c0_i32 : i32, i32
  }
  func.func @transform_1(%arg0: i32) -> (i32, i32) {
    %c0_i32 = arith.constant 0 : i32
    %c0_i32_0 = arith.constant 0 : i32
    return %arg0, %c0_i32 : i32, i32
  }
  func.func @transform_2(%arg0: i32) -> (i32, i32) {
    %c0_i32 = arith.constant 0 : i32
    %c0_i32_0 = arith.constant 0 : i32
    %c0_i32_1 = arith.constant 0 : i32
    return %c0_i32, %c0_i32_0 : i32, i32
  }
  func.func @transform_3(%arg0: i32) -> (i32, i32) {
    %c0_i32 = arith.constant 0 : i32
    %c0_i32_0 = arith.constant 0 : i32
    %c0_i32_1 = arith.constant 0 : i32
    return %c0_i32, %c0_i32_0 : i32, i32
  }
  func.func @transform_4(%arg0: i32) -> (i32, i32) {
    %c0_i32 = arith.constant 0 : i32
    %c0_i32_0 = arith.constant 0 : i32
    %c0_i32_1 = arith.constant 0 : i32
    return %c0_i32, %c0_i32_0 : i32, i32
  }
  func.func @transform_5(%arg0: i32) -> (i32, i32) {
    %c0_i32 = arith.constant 0 : i32
    %c0_i32_0 = arith.constant 0 : i32
    %c0_i32_1 = arith.constant 0 : i32
    return %c0_i32, %c0_i32_0 : i32, i32
  }
  func.func @transform_6(%arg0: i32) -> i32 {
    %c0_i32 = arith.constant 0 : i32
    return %arg0 : i32
  }
}

module attributes {stable_mosaic.version = 14 : i64} {
  func.func @_score_body(%arg0: i32, %arg1: memref<4096x128xf32, #tpu.memory_space<vmem>>, %arg2: memref<4096x128xf32, #tpu.memory_space<vmem>>, %arg3: memref<512x128xbf16, #tpu.memory_space<vmem>>, %arg4: memref<1x128xf32, #tpu.memory_space<vmem>>, %arg5: memref<1x128xf32, #tpu.memory_space<vmem>>, %arg6: memref<1x128xf32, #tpu.memory_space<vmem>>, %arg7: memref<4096xf32, #tpu.memory_space<vmem>>) attributes {dimension_semantics = [#tpu.dimension_semantics<arbitrary>], iteration_bounds = array<i64: 24>, scalar_prefetch = 0 : i64, scratch_operands = 0 : i64, tpu.core_type = #tpu.core_type<tc>, window_params = [{transform_indices = @transform_0, window_bounds = array<i64: 4096, 128>}, {transform_indices = @transform_1, window_bounds = array<i64: 4096, 128>}, {pipeline_mode = #tpu.pipeline_mode<synchronous>, transform_indices = @transform_2, window_bounds = array<i64: 512, 128>}, {pipeline_mode = #tpu.pipeline_mode<synchronous>, transform_indices = @transform_3, window_bounds = array<i64: 1, 128>}, {pipeline_mode = #tpu.pipeline_mode<synchronous>, transform_indices = @transform_4, window_bounds = array<i64: 1, 128>}, {pipeline_mode = #tpu.pipeline_mode<synchronous>, transform_indices = @transform_5, window_bounds = array<i64: 1, 128>}, {transform_indices = @transform_6, window_bounds = array<i64: 4096>}]} {
    %get3A = arith.constant 0 : index
    %get3A_0 = arith.constant 0 : index
    %get3A_1 = vector.load %arg1[%get3A, %get3A_0] : memref<4096x128xf32, #tpu.memory_space<vmem>>, vector<4096x128xf32>
    %get3A_2 = arith.constant 0 : index
    %get3A_3 = arith.constant 0 : index
    %get3A_4 = vector.load %arg2[%get3A_2, %get3A_3] : memref<4096x128xf32, #tpu.memory_space<vmem>>, vector<4096x128xf32>
    %convert_element_type3A = arith.truncf %get3A_1 : vector<4096x128xf32> to vector<4096x128xbf16>
    %convert_element_type3A_5 = arith.truncf %get3A_4 : vector<4096x128xf32> to vector<4096x128xbf16>
    %sub3A = arith.subf %get3A_1, %get3A_4 : vector<4096x128xf32>
    %abs3A = math.absf %sub3A : vector<4096x128xf32>
    %convert_element_type3A_6 = arith.truncf %abs3A : vector<4096x128xf32> to vector<4096x128xbf16>
    %mul3A = arith.mulf %get3A_1, %get3A_4 : vector<4096x128xf32>
    %convert_element_type3A_7 = arith.truncf %mul3A : vector<4096x128xf32> to vector<4096x128xbf16>
    %concatenate3A = tpu.concatenate %convert_element_type3A, %convert_element_type3A_5, %convert_element_type3A_6, %convert_element_type3A_7 in 1 : vector<4096x128xbf16>, vector<4096x128xbf16>, vector<4096x128xbf16>, vector<4096x128xbf16> -> vector<4096x512xbf16>
    %get3A_8 = arith.constant 0 : index
    %get3A_9 = arith.constant 0 : index
    %get3A_10 = vector.load %arg3[%get3A_8, %get3A_9] : memref<512x128xbf16, #tpu.memory_space<vmem>>, vector<512x128xbf16>
    %dot_general3A = arith.constant dense<0.000000e+00> : vector<4096x128xf32>
    %dot_general3A_11 = tpu.matmul %concatenate3A, %get3A_10, %dot_general3A {dimension_numbers = #tpu.dot_dimension_numbers<[1], [0], [0], [1], [0, 0, 1, 1], [], []>, transpose_lhs_hint = false} : vector<4096x512xbf16>, vector<512x128xbf16>, vector<4096x128xf32> -> vector<4096x128xf32>
    %get3A_12 = arith.constant 0 : index
    %get3A_13 = arith.constant 0 : index
    %get3A_14 = vector.load %arg4[%get3A_12, %get3A_13] : memref<1x128xf32, #tpu.memory_space<vmem>>, vector<1x128xf32>
    %add3A = vector.broadcast %get3A_14 : vector<1x128xf32> to vector<4096x128xf32>
    %add3A_15 = arith.addf %dot_general3A_11, %add3A : vector<4096x128xf32>
    %max3A = arith.constant 0.000000e+00 : f32
    %max3A_16 = vector.broadcast %max3A : f32 to vector<4096x128xf32>
    %max3A_17 = arith.maximumf %add3A_15, %max3A_16 : vector<4096x128xf32>
    %get3A_18 = arith.constant 0 : index
    %get3A_19 = arith.constant 0 : index
    %get3A_20 = vector.load %arg5[%get3A_18, %get3A_19] : memref<1x128xf32, #tpu.memory_space<vmem>>, vector<1x128xf32>
    %mul3A_21 = vector.broadcast %get3A_20 : vector<1x128xf32> to vector<4096x128xf32>
    %mul3A_22 = arith.mulf %max3A_17, %mul3A_21 : vector<4096x128xf32>
    %get3A_23 = arith.constant 0 : index
    %get3A_24 = arith.constant 0 : index
    %get3A_25 = vector.load %arg6[%get3A_23, %get3A_24] : memref<1x128xf32, #tpu.memory_space<vmem>>, vector<1x128xf32>
    %add3A_26 = vector.broadcast %get3A_25 : vector<1x128xf32> to vector<4096x128xf32>
    %add3A_27 = arith.addf %mul3A_22, %add3A_26 : vector<4096x128xf32>
    %reduce_sum3A = arith.constant dense<0.000000e+00> : vector<4096xf32>
    %reduce_sum3A_28 = vector.multi_reduction <add>, %add3A_27, %reduce_sum3A [1] : vector<4096x128xf32> to vector<4096xf32>
    %swap3A = arith.constant 0 : index
    %swap3A_29 = vector.load %arg7[%swap3A] : memref<4096xf32, #tpu.memory_space<vmem>>, vector<4096xf32>
    tpu.vector_store %arg7[%swap3A], %reduce_sum3A_28 {strides = array<i32>} : memref<4096xf32, #tpu.memory_space<vmem>>, vector<4096xf32>,
    return
  }
  func.func @transform_0(%arg0: i32) -> (i32, i32) {
    %c0_i32 = arith.constant 0 : i32
    %c0_i32_0 = arith.constant 0 : i32
    return %arg0, %c0_i32 : i32, i32
  }
  func.func @transform_1(%arg0: i32) -> (i32, i32) {
    %c0_i32 = arith.constant 0 : i32
    %c0_i32_0 = arith.constant 0 : i32
    return %arg0, %c0_i32 : i32, i32
  }
  func.func @transform_2(%arg0: i32) -> (i32, i32) {
    %c0_i32 = arith.constant 0 : i32
    %c0_i32_0 = arith.constant 0 : i32
    %c0_i32_1 = arith.constant 0 : i32
    return %c0_i32, %c0_i32_0 : i32, i32
  }
  func.func @transform_3(%arg0: i32) -> (i32, i32) {
    %c0_i32 = arith.constant 0 : i32
    %c0_i32_0 = arith.constant 0 : i32
    %c0_i32_1 = arith.constant 0 : i32
    return %c0_i32, %c0_i32_0 : i32, i32
  }
  func.func @transform_4(%arg0: i32) -> (i32, i32) {
    %c0_i32 = arith.constant 0 : i32
    %c0_i32_0 = arith.constant 0 : i32
    %c0_i32_1 = arith.constant 0 : i32
    return %c0_i32, %c0_i32_0 : i32, i32
  }
  func.func @transform_5(%arg0: i32) -> (i32, i32) {
    %c0_i32 = arith.constant 0 : i32
    %c0_i32_0 = arith.constant 0 : i32
    %c0_i32_1 = arith.constant 0 : i32
    return %c0_i32, %c0_i32_0 : i32, i32
  }
  func.func @transform_6(%arg0: i32) -> i32 {
    %c0_i32 = arith.constant 0 : i32
    return %arg0 : i32
  }
}

module attributes {stable_mosaic.version = 14 : i64} {
  func.func @_score_body(%arg0: i32, %arg1: memref<4096x128xf32, #tpu.memory_space<vmem>>, %arg2: memref<4096x128xf32, #tpu.memory_space<vmem>>, %arg3: memref<512x128xbf16, #tpu.memory_space<vmem>>, %arg4: memref<1x128xf32, #tpu.memory_space<vmem>>, %arg5: memref<1x128xf32, #tpu.memory_space<vmem>>, %arg6: memref<1x128xf32, #tpu.memory_space<vmem>>, %arg7: memref<4096xf32, #tpu.memory_space<vmem>>) attributes {dimension_semantics = [#tpu.dimension_semantics<arbitrary>], iteration_bounds = array<i64: 28>, scalar_prefetch = 0 : i64, scratch_operands = 0 : i64, tpu.core_type = #tpu.core_type<tc>, window_params = [{transform_indices = @transform_0, window_bounds = array<i64: 4096, 128>}, {transform_indices = @transform_1, window_bounds = array<i64: 4096, 128>}, {pipeline_mode = #tpu.pipeline_mode<synchronous>, transform_indices = @transform_2, window_bounds = array<i64: 512, 128>}, {pipeline_mode = #tpu.pipeline_mode<synchronous>, transform_indices = @transform_3, window_bounds = array<i64: 1, 128>}, {pipeline_mode = #tpu.pipeline_mode<synchronous>, transform_indices = @transform_4, window_bounds = array<i64: 1, 128>}, {pipeline_mode = #tpu.pipeline_mode<synchronous>, transform_indices = @transform_5, window_bounds = array<i64: 1, 128>}, {transform_indices = @transform_6, window_bounds = array<i64: 4096>}]} {
    %get3A = arith.constant 0 : index
    %get3A_0 = arith.constant 0 : index
    %get3A_1 = vector.load %arg1[%get3A, %get3A_0] : memref<4096x128xf32, #tpu.memory_space<vmem>>, vector<4096x128xf32>
    %get3A_2 = arith.constant 0 : index
    %get3A_3 = arith.constant 0 : index
    %get3A_4 = vector.load %arg2[%get3A_2, %get3A_3] : memref<4096x128xf32, #tpu.memory_space<vmem>>, vector<4096x128xf32>
    %convert_element_type3A = arith.truncf %get3A_1 : vector<4096x128xf32> to vector<4096x128xbf16>
    %convert_element_type3A_5 = arith.truncf %get3A_4 : vector<4096x128xf32> to vector<4096x128xbf16>
    %sub3A = arith.subf %get3A_1, %get3A_4 : vector<4096x128xf32>
    %abs3A = math.absf %sub3A : vector<4096x128xf32>
    %convert_element_type3A_6 = arith.truncf %abs3A : vector<4096x128xf32> to vector<4096x128xbf16>
    %mul3A = arith.mulf %get3A_1, %get3A_4 : vector<4096x128xf32>
    %convert_element_type3A_7 = arith.truncf %mul3A : vector<4096x128xf32> to vector<4096x128xbf16>
    %concatenate3A = tpu.concatenate %convert_element_type3A, %convert_element_type3A_5, %convert_element_type3A_6, %convert_element_type3A_7 in 1 : vector<4096x128xbf16>, vector<4096x128xbf16>, vector<4096x128xbf16>, vector<4096x128xbf16> -> vector<4096x512xbf16>
    %get3A_8 = arith.constant 0 : index
    %get3A_9 = arith.constant 0 : index
    %get3A_10 = vector.load %arg3[%get3A_8, %get3A_9] : memref<512x128xbf16, #tpu.memory_space<vmem>>, vector<512x128xbf16>
    %dot_general3A = arith.constant dense<0.000000e+00> : vector<4096x128xf32>
    %dot_general3A_11 = tpu.matmul %concatenate3A, %get3A_10, %dot_general3A {dimension_numbers = #tpu.dot_dimension_numbers<[1], [0], [0], [1], [0, 0, 1, 1], [], []>, transpose_lhs_hint = false} : vector<4096x512xbf16>, vector<512x128xbf16>, vector<4096x128xf32> -> vector<4096x128xf32>
    %get3A_12 = arith.constant 0 : index
    %get3A_13 = arith.constant 0 : index
    %get3A_14 = vector.load %arg4[%get3A_12, %get3A_13] : memref<1x128xf32, #tpu.memory_space<vmem>>, vector<1x128xf32>
    %add3A = vector.broadcast %get3A_14 : vector<1x128xf32> to vector<4096x128xf32>
    %add3A_15 = arith.addf %dot_general3A_11, %add3A : vector<4096x128xf32>
    %max3A = arith.constant 0.000000e+00 : f32
    %max3A_16 = vector.broadcast %max3A : f32 to vector<4096x128xf32>
    %max3A_17 = arith.maximumf %add3A_15, %max3A_16 : vector<4096x128xf32>
    %get3A_18 = arith.constant 0 : index
    %get3A_19 = arith.constant 0 : index
    %get3A_20 = vector.load %arg5[%get3A_18, %get3A_19] : memref<1x128xf32, #tpu.memory_space<vmem>>, vector<1x128xf32>
    %mul3A_21 = vector.broadcast %get3A_20 : vector<1x128xf32> to vector<4096x128xf32>
    %mul3A_22 = arith.mulf %max3A_17, %mul3A_21 : vector<4096x128xf32>
    %get3A_23 = arith.constant 0 : index
    %get3A_24 = arith.constant 0 : index
    %get3A_25 = vector.load %arg6[%get3A_23, %get3A_24] : memref<1x128xf32, #tpu.memory_space<vmem>>, vector<1x128xf32>
    %add3A_26 = vector.broadcast %get3A_25 : vector<1x128xf32> to vector<4096x128xf32>
    %add3A_27 = arith.addf %mul3A_22, %add3A_26 : vector<4096x128xf32>
    %reduce_sum3A = arith.constant dense<0.000000e+00> : vector<4096xf32>
    %reduce_sum3A_28 = vector.multi_reduction <add>, %add3A_27, %reduce_sum3A [1] : vector<4096x128xf32> to vector<4096xf32>
    %swap3A = arith.constant 0 : index
    %swap3A_29 = vector.load %arg7[%swap3A] : memref<4096xf32, #tpu.memory_space<vmem>>, vector<4096xf32>
    tpu.vector_store %arg7[%swap3A], %reduce_sum3A_28 {strides = array<i32>} : memref<4096xf32, #tpu.memory_space<vmem>>, vector<4096xf32>,
    return
  }
  func.func @transform_0(%arg0: i32) -> (i32, i32) {
    %c0_i32 = arith.constant 0 : i32
    %c0_i32_0 = arith.constant 0 : i32
    return %arg0, %c0_i32 : i32, i32
  }
  func.func @transform_1(%arg0: i32) -> (i32, i32) {
    %c0_i32 = arith.constant 0 : i32
    %c0_i32_0 = arith.constant 0 : i32
    return %arg0, %c0_i32 : i32, i32
  }
  func.func @transform_2(%arg0: i32) -> (i32, i32) {
    %c0_i32 = arith.constant 0 : i32
    %c0_i32_0 = arith.constant 0 : i32
    %c0_i32_1 = arith.constant 0 : i32
    return %c0_i32, %c0_i32_0 : i32, i32
  }
  func.func @transform_3(%arg0: i32) -> (i32, i32) {
    %c0_i32 = arith.constant 0 : i32
    %c0_i32_0 = arith.constant 0 : i32
    %c0_i32_1 = arith.constant 0 : i32
    return %c0_i32, %c0_i32_0 : i32, i32
  }
  func.func @transform_4(%arg0: i32) -> (i32, i32) {
    %c0_i32 = arith.constant 0 : i32
    %c0_i32_0 = arith.constant 0 : i32
    %c0_i32_1 = arith.constant 0 : i32
    return %c0_i32, %c0_i32_0 : i32, i32
  }
  func.func @transform_5(%arg0: i32) -> (i32, i32) {
    %c0_i32 = arith.constant 0 : i32
    %c0_i32_0 = arith.constant 0 : i32
    %c0_i32_1 = arith.constant 0 : i32
    return %c0_i32, %c0_i32_0 : i32, i32
  }
  func.func @transform_6(%arg0: i32) -> i32 {
    %c0_i32 = arith.constant 0 : i32
    return %arg0 : i32
  }
}

</mosaic_0001>

<sc_bundles>
// kernel: kernel.17.cloned.1.call-start
scs
__scs_entry_jumppad:
0x0: {  	(pc) =	sbr.rel $0x88, $3  }
0x1: {  	(tag) =	ssettag $0x0;
	lr =	simm.s32 $0x1  }
0x2: {  	[smem:$0x3F8F] =	sst lr;
	_ =	strace $0xD0000000  }
0x3: {  	_ = 	snop  }
0x4: {  	_ = 	snop  }
0x5: {  	_ = 	snop  }
0x6: {  	_ = 	snop  }
0x7: {  	_ = 	snop  }
__scs_overlays_trampoline_lowered:
0x8: {  	[smem:$0x3F9E] =	sst s0  }
0x9: {  	[smem:$0x3F9F] =	sst s1  }
0xa: {  	[smem:$0x3FA0] =	sst s2  }
0xb: {  	[smem:$0x3FA1] =	sst s3  }
0xc: {  	[smem:$0x3FA2] =	sst s4  }
0xd: {  	[smem:$0x3FA3] =	sst s5  }
0xe: {  	[smem:$0x3FA4] =	sst s6  }
0xf: {  	[smem:$0x3FA5] =	sst s7  }
0x10: {  	[smem:$0x3FA6] =	sst s8  }
0x11: {  	[smem:$0x3FA7] =	sst s9;
	s0 =	simm.s32 @!p0 $0x0  }
0x12: {  	s1 =	sld [smem:$0x3F8D];
	s0 =	simm.s32 @p0 $0x1  }
0x13: {  	[smem:$0x3FA8] =	sst s0;
	s0 =	simm.s32 @!p1 $0x0  }
0x14: {  	s2 =	sld [smem:$0x3F8C];
	s0 =	simm.s32 @p1 $0x1  }
0x15: {  	[smem:$0x3FA9] =	sst s0;
	s0 =	simm.s32 @!p2 $0x0  }
0x16: {  	s3 =	sld [smem:$0x3FDB];
	s0 =	simm.s32 @p2 $0x1  }
0x17: {  	s4 =	simm.s32 $0x1BF5;
	[smem:$0x3FAB] =	sst s0  }
0x18: {  	s0 =	sld [smem:$0x3F8E];
	_ =	swait.ge [sflag:s4], $0x0  }
0x19: {  	s7 =	sld [smem:$0x3F8F]  }
0x1a: {  	s8 =	sadd.s32 $0xFFFFE003, lr  }
0x1b: {  	s9 =	sadd.s32 $0xFFFFFEF7, lr;
	s5 =	simm.s32 $0xFFFFFFFF;
	p2 =	slt.u32 s8, $0xFFFFF086  }
0x1c: {  	p1 =	slt.u32 s9, $0xF7A;
	s5 =	simm.s32 @!p2 $0x0  }
0x1d: {  	s5 =	simm.s32 @p1 $0x1;
	p0 =	seq.s32 s7, s2  }
0x1e: {  	s7 =	smul.u32 @!p0 $0xF7A, s2;
	p2 =	seq.s32 @!p0 s5, $0x0  }
0x1f: {  	s9 =	smul.u32 $0xF7A, s1;
	s8 =	simm.s32 @!p0 $0x1BF5;
	p2 =	por !p2, p0  }
0x20: {  	[sflag:s8] =	ssyncset.s32 @!p0 $0xFFFFF086;
	s6 =	sadd.s32 @!p0 s3, s7;
	s7 =	simm.s32 @!p0 $0x108  }
0x21: {  	s3 =	sadd.s32 s3, s9;
	s6 =	sadd.s32 @!p0 $0x88, s6;
	s7 =	simm.s32 @p2 $0x1082  }
0x22: {  	[simem:s7], [sflag:s8] =	dma.local @!p0 [hbm:s6], $0xF7A  }
0x23: {  	s9 =	sor.u32 $0xD0000000, s2;
	s6 =	simm.s32 $0x108;
	_ =	swait.ge @!p0 [sflag:s8], $0x0  }
0x24: {  	s3 =	sadd.s32 $0x88, s3;
	s6 =	simm.s32 @!p1 $0x1082;
	[sflag:s4] =	ssyncset.s32 $0xFFFFF086  }
0x25: {  	[simem:s6], [sflag:s4] =	dma.local [hbm:s3], $0xF7A  }
0x26: {  	[smem:$0x3F8F] =	sst s1;
	(tag) =	ssettag s2;
	_ =	strace s9  }
0x27: {  	s1 =	sld [smem:$0x3F9F]  }
0x28: {  	s2 =	sld [smem:$0x3FA0]  }
0x29: {  	s4 =	sld [smem:$0x3FA2]  }
0x2a: {  	p0 =	seq.s32 s5, $0x0;
	s5 =	sld [smem:$0x3FA3]  }
0x2b: {  	s6 =	sld [smem:$0x3FA4]  }
0x2c: {  	s7 =	sld [smem:$0x3FA5]  }
0x2d: {  	s3 =	simm.s32 $0x108;
	s8 =	sld [smem:$0x3FA6]  }
0x2e: {  	s3 =	simm.s32 @!p0 $0x1082;
	s9 =	sld [smem:$0x3FA7]  }
0x2f: {  	lr =	sadd.s32 s0, s3;
	s0 =	sld [smem:$0x3F9E]  }
0x30: {  	s3 =	sld [smem:$0x3FA1]  }
0x31: {  	[smem:$0x3FAA] =	sst s10  }
0x32: {  	s10 =	sld [smem:$0x3FA8];
	_ =	sdelay $0x3  }
0x33: {  	p0 =	seq.s32 s10, $0x1;
	s10 =	sld [smem:$0x3FAA];
	_ =	sdelay $0x3  }
0x34: {  	[smem:$0x3FAA] =	sst s10  }
0x35: {  	s10 =	sld [smem:$0x3FA9];
	_ =	sdelay $0x3  }
0x36: {  	p1 =	seq.s32 s10, $0x1;
	s10 =	sld [smem:$0x3FAA];
	_ =	sdelay $0x3  }
0x37: {  	[smem:$0x3FAA] =	sst s10  }
0x38: {  	s10 =	sld [smem:$0x3FAB]  }
0x39: {  	_ = 	snop;
	(pc) =	sbr.ind lr, $3  }
0x3a: {  	_ = 	snop  }
0x3b: {  	_ = 	snop  }
0x3c: {  	p2 =	seq.s32 s10, $0x1;
	s10 =	sld [smem:$0x3FAA]  }
0x3d: {  	_ =	shalt  }
0x3e: {  	_ =	shalt  }
0x3f: {  	_ =	shalt  }
0x40: {  	_ =	shalt  }
0x41: {  	_ =	shalt  }
0x42: {  	_ =	shalt  }
0x43: {  	_ =	shalt  }
0x44: {  	_ =	shalt  }
0x45: {  	_ =	shalt  }
0x46: {  	_ =	shalt  }
0x47: {  	_ =	shalt  }
0x48: {  	_ =	shalt  }
0x49: {  	_ =	shalt  }
0x4a: {  	_ =	shalt  }
0x4b: {  	_ =	shalt  }
0x4c: {  	_ =	shalt  }
0x4d: {  	_ =	shalt  }
0x4e: {  	_ =	shalt  }
0x4f: {  	_ =	shalt  }
0x50: {  	_ =	shalt  }
0x51: {  	_ =	shalt  }
0x52: {  	_ =	shalt  }
0x53: {  	_ =	shalt  }
0x54: {  	_ =	shalt  }
0x55: {  	_ =	shalt  }
0x56: {  	_ =	shalt  }
0x57: {  	_ =	shalt  }
0x58: {  	_ =	shalt  }
0x59: {  	_ =	shalt  }
0x5a: {  	_ =	shalt  }
0x5b: {  	_ =	shalt  }
0x5c: {  	_ =	shalt  }
0x5d: {  	_ =	shalt  }
0x5e: {  	_ =	shalt  }
0x5f: {  	_ =	shalt  }
0x60: {  	_ =	shalt  }
0x61: {  	_ =	shalt  }
0x62: {  	_ =	shalt  }
0x63: {  	_ =	shalt  }
0x64: {  	_ =	shalt  }
0x65: {  	_ =	shalt  }
0x66: {  	_ =	shalt  }
0x67: {  	_ =	shalt  }
0x68: {  	_ =	shalt  }
0x69: {  	_ =	shalt  }
0x6a: {  	_ =	shalt  }
0x6b: {  	_ =	shalt  }
0x6c: {  	_ =	shalt  }
0x6d: {  	_ =	shalt  }
0x6e: {  	_ =	shalt  }
0x6f: {  	_ =	shalt  }
0x70: {  	_ =	shalt  }
0x71: {  	_ =	shalt  }
0x72: {  	_ =	shalt  }
0x73: {  	_ =	shalt  }
0x74: {  	_ =	shalt  }
0x75: {  	_ =	shalt  }
0x76: {  	_ =	shalt  }
0x77: {  	_ =	shalt  }
0x78: {  	_ =	shalt  }
0x79: {  	_ =	shalt  }
0x7a: {  	_ =	shalt  }
0x7b: {  	_ =	shalt  }
0x7c: {  	_ =	shalt  }
0x7d: {  	_ =	shalt  }
0x7e: {  	_ =	shalt  }
0x7f: {  	_ =	shalt  }
0x80: {  	_ =	shalt  }
0x81: {  	_ =	shalt  }
0x82: {  	_ =	shalt  }
0x83: {  	_ =	shalt  }
0x84: {  	_ =	shalt  }
0x85: {  	_ =	shalt  }
0x86: {  	_ =	shalt  }
0x87: {  	_ =	shalt  }
.Lfunc_end0:
.L_simem_size_0:
called_computation_lowered:
.L_overlay_start_0:
0x88: {  	s2 =	sld [smem:$0x3FD9]  }
0x89: {  	s3 =	sld [smem:$0x3FFE];
	_ =	sdelay $0x1  }
0x8a: {  	s1 =	srdreg.scid  }
0x8b: {  	s0 =	sand.u32 $0x1, s1  }
0x8c: {  	s17 =	sshll.u32 s0, $0xA;
	s2 =	sadd.s32 s3, s2  }
0x8d: {  	s2 =	sadd.s32 s2, s17  }
0x8e: {  	[smem:$0x3FB6] =	sst s2  }
0x8f: {  	_ = 	snop  }
0x90: {  	s2 =	sld [smem:$0x3FD0];
	(tm) =	ssettm $0x1  }
0x91: {  	s18 =	sld [smem:$0x3FFB];
	_ =	sdelay $0x3  }
0x92: {  	_ =	strace s18  }
0x93: {  	s3 =	sld [smem:$0x3FFC];
	_ =	sdelay $0x3  }
0x94: {  	_ =	strace s3  }
0x95: {  	s3 =	sld [smem:$0x3FFD];
	_ =	sdelay $0x3  }
0x96: {  	_ =	strace s3  }
0x97: {  	_ =	strace $0x8FFFFFFF  }
0x98: {  	s19 =	sld [smem:$0x3FDB];
	_ =	sdelay $0x1  }
0x99: {  	s4 =	simm.s32 $_scs_section_size  }
0x9a: {  	s5 =	simm.s32 $_size__tile_overlayer_lowered;
	s6 =	simm.s32 $_tile_overlayer_lowered  }
0x9b: {  	s22 =	simm.s32 $0x1BFF;
	s21 =	sshll.u32 s6, $0x1;
	s3 =	sadd.s32 s4, s19  }
0x9c: {  	s7 =	simm.s32 $0x0;
	s20 =	sshll.u32 s5, $0x1;
	s5 =	sadd.s32 s21, s3  }
0x9d: {  	[timem:s7], [sflag:s22] =	dma.local [hbm:s5], s20  }
0x9e: {  	_ =	swait.ge [sflag:s22], s20  }
0x9f: {  	s4 =	ssub.s32 $0x0, s20;
	[sflag:s22] =	ssyncset.done $0x0  }
0xa0: {  	[sflag:s22] =	ssyncadd.s32 s4;
	_ =	sdelay $0x1  }
0xa1: {  	s23 =	simm.s32 $0x1B8B  }
0xa2: {  	_ =	swait.ge [sflag:s23], $0x1  }
0xa3: {  	[sflag:s23] =	ssyncset.done $0x0  }
0xa4: {  	s25 =	simm.s32 $0x1B8E;
	s24 =	sld [smem:$0x3FFE];
	[sflag:s23] =	ssyncadd.s32 $0xFFFFFFFF  }
0xa5: {  	s26 =	simm.s32 $execute0_lowered;
	[smem:$0x3FD2] =	sst s25  }
0xa6: {  	s5 =	sshll.u32 s26, $0x1;
	_ =	strace $0x80000046;
	[dreg:$0x1] =	wrdreg $0xFFFFFFFF  }
0xa7: {  	s28 =	simm.s32 $_size_execute0_lowered;
	s3 =	sadd.s32 s3, s5;
	[dreg:$0x0] =	wrdreg $0x0  }
0xa8: {  	s5 =	sshll.u32 s28, $0x1;
	[dreg:$0x2] =	wrdreg s3  }
0xa9: {  	[dreg:$0x3] =	wrdreg s5  }
0xaa: {  	[dreg:$0x4] =	wrdreg $0xC0  }
0xab: {  	_ =	task [dreg:s7], $0x5FFFF  }
0xac: {  	[dreg:$0x1] =	wrdreg $0xFFFFFFFF  }
0xad: {  	[dreg:$0x0] =	wrdreg $0x60  }
0xae: {  	[dreg:$0x2] =	wrdreg s24  }
0xaf: {  	[dreg:$0x3] =	wrdreg s2  }
0xb0: {  	[dreg:$0x4] =	wrdreg $0x82000  }
0xb1: {  	[dreg:$0x5] =	wrdreg $0x9  }
0xb2: {  	_ =	task.clear_ibuf [dreg:s7], $0x6FFFF;
	_ =	strace $0x90000046  }
0xb3: {  	s29 =	simm.s32 $0x9;
	_ =	strace $0x80000048  }
0xb4: {  	_ =	swait.ge [sflag:s29], $0x1  }
0xb5: {  	[sflag:s29] =	ssyncadd.s32 $0xFFFFFFFF  }
0xb6: {  	_ =	strace $0x90000048  }
0xb7: {  	_ =	sfence  }
0xb8: {  	s30 =	sld [smem:$0x0];
	_ =	sdelay $0x2  }
0xb9: {  	s31 =	sshll.u32 s1, $0xD;
	s1 =	sshrl.u32 s1, $0x2  }
0xba: {  	s3 =	sand.u32 $0x4000, s31;
	s1 =	sadd.s32 s1, s30  }
0xbb: {  	s0 =	sor.u32 s3, s0;
	s1 =	sshll.u32 s1, $0x11  }
0xbc: {  	s0 =	sor.u32 s1, s0  }
0xbd: {  	s0 =	sadd.s32 $0x8F2B, s0  }
0xbe: {  	[sflag:s0] =	ssyncadd.remote.s32 $0x1  }
0xbf: {  	_ =	sfence.sel $0xFFFF  }
0xc0: {  	[dreg:$0x0] =	wrdreg $0xFFFFFFFF;
	(pc) =	sbr.abs _section_cstart, $3  }
0xc1: {  	[dreg:$0x1] =	wrdreg $0xFFFFFFFF  }
0xc2: {  	_ =	task.clear_ibuf [dreg:s7], $0x2FFFF;
	_ =	strace $0x9FFFFFFF  }
0xc3: {  	(tm) =	ssettm $0x7FFFFFFF  }
tec
execute0_lowered:
.L_overlay_start_1:
0x0: {  	(tag) =	ssettag $0x1  }
0x1: {  	s0 =	rddreg [dreg:$0x0]  }
0x2: {  	s2 =	rddreg [dreg:$0x2]  }
0x3: {  	s1 =	srdreg.scid;
	s3 =	simm.s32 $0x0;
	s14 =	stileid.u32  }
0x4: {  	s28 =	simm.s32 $0x5;
	s29 =	simm.s32 $0x3;
	s9 =	smul.u32 $0x14000, s14  }
0x5: {  	s30 =	simm.s32 $0x6;
	s1 =	sand.u32 $0x1, s1;
	s13 =	smul.u32 $0x50000, s14  }
0x6: {  	s31 =	simm.s32 $0x4;
	[smem:$0x7FF] =	sst s3;
	s4 =	smul.u32 $0x140000, s1  }
0x7: {  	s5 =	sadd.s32 $0x1A000, s0;
	s6 =	sadd.s32 $0x6000, s0;
	s8 =	smul.u32 $0xFFFFFFB0, s1  }
0x8: {  	s7 =	sadd.s32 $0x10000, s0;
	s20 =	sshll.u32 s14, $0x6;
	s10 =	smul.u32 $0x780, s1  }
0x9: {  	_ =	strace $0x80000047;
	s26 =	ssub.s32 $0x2, s1;
	s25 =	smul.u32 $0x7800, s1  }
0xa: {  	s12 =	sshrl.u32 s26, $0x1;
	s18 =	sshrl.u32 s13, $0x2;
	s8 =	sadd.s32 $0x78, s8  }
0xb: {  	s4 =	sadd.s32 s9, s4;
	s15 =	ssub.s32 s26, s12;
	s16 =	sadd.s32 s18, s2  }
0xc: {  	s11 =	smul.u32 s14, s8;
	s4 =	sshrl.u32 s4, $0x3;
	s17 =	sshrl.u32 s8, $0x1  }
0xd: {  	s8 =	sor.u32 $0x1C07, s20;
	s15 =	smax.u32 s15, $0x1;
	s18 =	sshrl.u32 s16, $0x3  }
0xe: {  	s20 =	simm.s32 $0x100;
	s0 =	sadd.s32 s4, s0;
	s13 =	sadd.s32 $0xFFFFFFFF, s17  }
0xf: {  	s26 =	sadd.s32 s10, s11;
	s14 =	sadd.s32 $0x42000, s0;
	s0 =	simm.s32 $0x0  }
0x10: {  	s19 =	sshll.u32 s26, $0x4;
	s9 =	sor.u32 $0x3, s26;
	s26 =	sshll.u32 s11, $0x4  }
0x11: {  	s12 =	sand.u32 $0x1FFFFF80, s19;
	s17 =	sadd.s32 s25, s26;
	s19 =	simm.s32 $0x7  }
0x12: {  	s25 =	simm.s32 $0x2;
	s26 =	simm.s32 $0x4200;
	s21 =	sadd.s32 s6, s12  }
0x13: {  	s22 =	sor.u32 $0x10, s12;
	s12 =	sadd.s32 s7, s12;
	[dreg:$0x4] =	wrdreg s21  }
0x14: {  	[dreg:$0x5] =	wrdreg s12;
	s23 =	sadd.s32 s6, s22;
	s24 =	sadd.s32 s7, s22  }
0x15: {  	s21 =	simm.s32 $0x1;
	s22 =	simm.s32 $0x80;
	[dreg:$0x6] =	wrdreg s23  }
0x16: {  	[dreg:$0x7] =	wrdreg s24;
	s23 =	simm.s32 $0x200;
	s24 =	simm.s32 $0x180  }
.LBB2_1:
0x17: {  	s1 =	rddreg [dreg:$0x1]  }
0x18: {  	[spmem:s18], [sflag:s8] =	dma.local [hbm:s1], $0x2800  }
0x19: {  	_ =	swait.ge [sflag:s19], $0x2800  }
0x1a: {  	[sflag:s19] =	ssyncset.done $0x0  }
0x1b: {  	[sflag:s19] =	ssyncadd.s32 $0xFFFFD800  }
0x1c: {  	[bflag:$0x0] =	sbarrier.arrive $0xFFFF  }
0x1d: {  	s12 =	rddreg [dreg:$0x4]  }
0x1e: {  	[tilespmem:s3], [sflag:$0x1] =	stream.linear.gather [hbm4b:s12+s3], $0x80, $0x38;
	[tilespmem:$0x1C200] =	vst v63  }
0x1f: {  	s16 =	rddreg [dreg:$0x5]  }
0x20: {  	[tilespmem:s20], [sflag:$0x3] =	stream.linear.gather [hbm4b:s16+s3], $0x80, $0x38;
	[tilespmem:$0x1C200] =	vst v63  }
0x21: {  	_ =	swait.ge [sflag:s21], $0x80  }
0x22: {  	[sflag:s21] =	ssyncset.done $0x0  }
0x23: {  	[sflag:s21] =	ssyncadd.s32 $0xFFFFFF80  }
0x24: {  	[tilespmem:s23], [sflag:$0x5] =	stream.indirect.gather [hbm4b:s5+s22], $0x80, s3, s22, $0xb8;
	[tilespmem:$0x1C200] =	vst v63  }
0x25: {  	s4 =	rddreg [dreg:$0x6]  }
0x26: {  	[tilespmem:s22], [sflag:$0x2] =	stream.linear.gather [hbm4b:s4+s3], $0x80, $0x38;
	[tilespmem:$0x1C200] =	vst v63  }
0x27: {  	s10 =	rddreg [dreg:$0x7]  }
0x28: {  	[tilespmem:s24], [sflag:$0x4] =	stream.linear.gather [hbm4b:s10+s3], $0x80, $0x38;
	[tilespmem:$0x1C200] =	vst v63  }
0x29: {  	_ =	swait.ge [sflag:s25], $0x80  }
0x2a: {  	[sflag:s25] =	ssyncset.done $0x0  }
0x2b: {  	[sflag:s25] =	ssyncadd.s32 $0xFFFFFF80  }
0x2c: {  	[tilespmem:s26], [sflag:$0x6] =	stream.indirect.gather [hbm4b:s5+s22], $0x80, s22, s22, $0xb8;
	[tilespmem:$0x1C200] =	vst v63  }
0x2d: {  	_ =	swait.ge [sflag:s28], $0x4000  }
0x2e: {  	[sflag:s28] =	ssyncset.done $0x0  }
0x2f: {  	[sflag:s28] =	ssyncadd.s32 $0xFFFFC000  }
0x30: {  	_ =	swait.ge [sflag:s29], $0x80  }
0x31: {  	[sflag:s29] =	ssyncset.done $0x0  }
0x32: {  	[sflag:s29] =	ssyncadd.s32 $0xFFFFFF80  }
0x33: {  	[spmem:s2] =	stream.indirect.scatter.add.f32 [tilespmem:s23], [sflag:$0x7], $0x80, s20, s22, $0xb8;
	[tilespmem:$0x1C200] =	vst v63  }
0x34: {  	s4 =	sadd.s32 $0x20, s17;
	_ =	swait.ge [sflag:s19], $0x4000  }
0x35: {  	s11 =	sand.u32 $0x1FFFFFE0, s4;
	[sflag:s19] =	ssyncset.done $0x0  }
0x36: {  	s10 =	sadd.s32 s6, s11;
	[sflag:s19] =	ssyncadd.s32 $0xFFFFC000  }
0x37: {  	[tilespmem:s3], [sflag:$0x1] =	stream.linear.gather [hbm4b:s10+s3], $0x80, $0x38;
	[tilespmem:$0x1C200] =	vst v63  }
0x38: {  	s1 =	sadd.s32 s7, s11  }
0x39: {  	[tilespmem:s20], [sflag:$0x3] =	stream.linear.gather [hbm4b:s1+s3], $0x80, $0x38;
	[tilespmem:$0x1C200] =	vst v63  }
0x3a: {  	_ =	swait.ge [sflag:s30], $0x4000  }
0x3b: {  	[sflag:s30] =	ssyncset.done $0x0  }
0x3c: {  	[sflag:s30] =	ssyncadd.s32 $0xFFFFC000  }
0x3d: {  	_ =	swait.ge [sflag:s31], $0x80  }
0x3e: {  	[sflag:s31] =	ssyncset.done $0x0  }
0x3f: {  	[sflag:s31] =	ssyncadd.s32 $0xFFFFFF80  }
0x40: {  	[spmem:s2] =	stream.indirect.scatter.add.f32 [tilespmem:s26], [sflag:$0x7], $0x80, s24, s22, $0xb8;
	[tilespmem:$0x1C200] =	vst v63  }
0x41: {  	_ =	swait.ge [sflag:s19], $0x4000  }
0x42: {  	[sflag:s19] =	ssyncset.done $0x0  }
0x43: {  	[sflag:s19] =	ssyncadd.s32 $0xFFFFC000  }
0x44: {  	_ =	swait.ge [sflag:s21], $0x80  }
0x45: {  	p0 =	sne.s32 s13, $0x1;
	s12 =	sadd.s32 $0x30, s17;
	[sflag:s21] =	ssyncset.done $0x0  }
.Ltmp0:
0x46: {  	s16 =	sand.u32 $0x1FFFFFF0, s12;
	[sflag:s21] =	ssyncadd.s32 $0xFFFFFF80;
	(pc) =	sbr.rel @!p0 .LBB2_3-.Ltmp0, $4  }
0x47: {  	[tilespmem:s23], [sflag:$0x5] =	stream.indirect.gather [hbm4b:s5+s22], $0x80, s3, s22, $0xb8;
	[tilespmem:$0x1C200] =	vst v63  }
0x48: {  	s1 =	sadd.s32 s6, s16  }
0x49: {  	[tilespmem:s22], [sflag:$0x2] =	stream.linear.gather [hbm4b:s1+s3], $0x80, $0x38;
	[tilespmem:$0x1C200] =	vst v63  }
0x4a: {  	s11 =	sadd.s32 s7, s16;
	s16 =	smov.u32 s9;
	s1 =	simm.s32 $0x1  }
.LBB2_2:
0x4b: {  	s1 =	sadd.s32 $0x1, s1;
	s16 =	sadd.s32 $0x2, s16;
	s10 =	smov.u32 s4  }
0x4c: {  	[tilespmem:s24], [sflag:$0x4] =	stream.linear.gather [hbm4b:s11+s3], $0x80, $0x38;
	[tilespmem:$0x1C200] =	vst v63  }
0x4d: {  	p0 =	sne.s32 s13, s1;
	_ =	swait.ge [sflag:s25], $0x80  }
0x4e: {  	[sflag:s25] =	ssyncset.done $0x0  }
0x4f: {  	[sflag:s25] =	ssyncadd.s32 $0xFFFFFF80  }
0x50: {  	[tilespmem:s26], [sflag:$0x6] =	stream.indirect.gather [hbm4b:s5+s22], $0x80, s22, s22, $0xb8;
	[tilespmem:$0x1C200] =	vst v63  }
0x51: {  	_ =	swait.ge [sflag:s28], $0x4000  }
0x52: {  	[sflag:s28] =	ssyncset.done $0x0  }
0x53: {  	[sflag:s28] =	ssyncadd.s32 $0xFFFFC000  }
0x54: {  	_ =	swait.ge [sflag:s29], $0x80  }
0x55: {  	[sflag:s29] =	ssyncset.done $0x0  }
0x56: {  	s4 =	sadd.s32 $0x20, s4;
	[sflag:s29] =	ssyncadd.s32 $0xFFFFFF80  }
0x57: {  	[spmem:s2] =	stream.indirect.scatter.add.f32 [tilespmem:s23], [sflag:$0x7], $0x80, s20, s22, $0xb8;
	[tilespmem:$0x1C200] =	vst v63  }
0x58: {  	s11 =	sand.u32 $0x1FFFFFE0, s4;
	_ =	swait.ge [sflag:s19], $0x4000  }
0x59: {  	s12 =	sadd.s32 s6, s11;
	[sflag:s19] =	ssyncset.done $0x0  }
0x5a: {  	[sflag:s19] =	ssyncadd.s32 $0xFFFFC000  }
0x5b: {  	[tilespmem:s3], [sflag:$0x1] =	stream.linear.gather [hbm4b:s12+s3], $0x80, $0x38;
	[tilespmem:$0x1C200] =	vst v63  }
0x5c: {  	s11 =	sadd.s32 s7, s11  }
0x5d: {  	[tilespmem:s20], [sflag:$0x3] =	stream.linear.gather [hbm4b:s11+s3], $0x80, $0x38;
	[tilespmem:$0x1C200] =	vst v63  }
0x5e: {  	_ =	swait.ge [sflag:s30], $0x4000  }
0x5f: {  	[sflag:s30] =	ssyncset.done $0x0  }
0x60: {  	[sflag:s30] =	ssyncadd.s32 $0xFFFFC000  }
0x61: {  	_ =	swait.ge [sflag:s31], $0x80  }
0x62: {  	[sflag:s31] =	ssyncset.done $0x0  }
0x63: {  	[sflag:s31] =	ssyncadd.s32 $0xFFFFFF80  }
0x64: {  	[spmem:s2] =	stream.indirect.scatter.add.f32 [tilespmem:s26], [sflag:$0x7], $0x80, s24, s22, $0xb8;
	[tilespmem:$0x1C200] =	vst v63  }
0x65: {  	_ =	swait.ge [sflag:s19], $0x4000  }
0x66: {  	[sflag:s19] =	ssyncset.done $0x0  }
0x67: {  	[sflag:s19] =	ssyncadd.s32 $0xFFFFC000  }
0x68: {  	_ =	swait.ge [sflag:s21], $0x80  }
.Ltmp1:
0x69: {  	s10 =	sadd.s32 $0x30, s10;
	[sflag:s21] =	ssyncset.done $0x0;
	(pc) =	sbr.rel @p0 .LBB2_2-.Ltmp1, $4  }
0x6a: {  	s10 =	sand.u32 $0x1FFFFFF0, s10;
	[sflag:s21] =	ssyncadd.s32 $0xFFFFFF80  }
0x6b: {  	[tilespmem:s23], [sflag:$0x5] =	stream.indirect.gather [hbm4b:s5+s22], $0x80, s3, s22, $0xb8;
	[tilespmem:$0x1C200] =	vst v63  }
0x6c: {  	s12 =	sadd.s32 s6, s10;
	s11 =	sadd.s32 s7, s10  }
0x6d: {  	[tilespmem:s22], [sflag:$0x2] =	stream.linear.gather [hbm4b:s12+s3], $0x80, $0x38;
	[tilespmem:$0x1C200] =	vst v63  }
.LBB2_3:
0x6e: {  	[tilespmem:s24], [sflag:$0x4] =	stream.linear.gather [hbm4b:s11+s3], $0x80, $0x38;
	[tilespmem:$0x1C200] =	vst v63  }
0x6f: {  	_ =	swait.ge [sflag:s25], $0x80  }
0x70: {  	[sflag:s25] =	ssyncset.done $0x0  }
0x71: {  	[sflag:s25] =	ssyncadd.s32 $0xFFFFFF80  }
0x72: {  	[tilespmem:s26], [sflag:$0x6] =	stream.indirect.gather [hbm4b:s5+s22], $0x80, s22, s22, $0xb8;
	[tilespmem:$0x1C200] =	vst v63  }
0x73: {  	_ =	swait.ge [sflag:s28], $0x4000  }
0x74: {  	[sflag:s28] =	ssyncset.done $0x0  }
0x75: {  	[sflag:s28] =	ssyncadd.s32 $0xFFFFC000  }
0x76: {  	_ =	swait.ge [sflag:s29], $0x80  }
0x77: {  	s4 =	sadd.s32 $0x2, s16;
	p0 =	slt.u32 s1, s13;
	[sflag:s29] =	ssyncset.done $0x0  }
0x78: {  	s1 =	sshll.u32 @p0 s4, $0x4;
	[sflag:s29] =	ssyncadd.s32 $0xFFFFFF80  }
0x79: {  	[spmem:s2] =	stream.indirect.scatter.add.f32 [tilespmem:s23], [sflag:$0x7], $0x80, s20, s22, $0xb8;
	[tilespmem:$0x1C200] =	vst v63  }
0x7a: {  	s4 =	sadd.s32 @p0 $0xFFFFFFF0, s1;
	_ =	swait.ge [sflag:s19], $0x4000  }
0x7b: {  	s4 =	sand.u32 @p0 $0x1FFFFFE0, s4;
	[sflag:s19] =	ssyncset.done $0x0  }
0x7c: {  	s11 =	simm.s32 @p0 $0x0;
	s10 =	sadd.s32 @p0 s6, s4;
	[sflag:s19] =	ssyncadd.s32 $0xFFFFC000  }
0x7d: {  	[tilespmem:s11], [sflag:$0x1] =	stream.linear.gather @p0 [hbm4b:s10+s11], $0x80, $0x38;
	[tilespmem:$0x1C200] =	vst v63  }
0x7e: {  	s4 =	sadd.s32 @p0 s7, s4;
	s10 =	simm.s32 @p0 $0x100  }
0x7f: {  	[tilespmem:s10], [sflag:$0x3] =	stream.linear.gather @p0 [hbm4b:s4+s11], $0x80, $0x38;
	[tilespmem:$0x1C200] =	vst v63  }
0x80: {  	s4 =	simm.s32 @p0 $0x6  }
0x81: {  	_ =	swait.ge @p0 [sflag:s4], $0x4000  }
0x82: {  	[sflag:s4] =	ssyncset.done @p0 $0x0  }
0x83: {  	[sflag:s4] =	ssyncadd.s32 @p0 $0xFFFFC000;
	s4 =	simm.s32 @p0 $0x4  }
0x84: {  	_ =	swait.ge @p0 [sflag:s4], $0x80  }
0x85: {  	s12 =	simm.s32 @p0 $0x4200;
	[sflag:s4] =	ssyncset.done @p0 $0x0  }
0x86: {  	s10 =	simm.s32 @p0 $0x180;
	[sflag:s4] =	ssyncadd.s32 @p0 $0xFFFFFF80;
	s4 =	simm.s32 @p0 $0x80  }
0x87: {  	[spmem:s2] =	stream.indirect.scatter.add.f32 @p0 [tilespmem:s12], [sflag:$0x7], $0x80, s10, s4, $0xb8;
	[tilespmem:$0x1C200] =	vst v63  }
0x88: {  	s12 =	simm.s32 @p0 $0x7  }
0x89: {  	_ =	swait.ge @p0 [sflag:s12], $0x4000  }
0x8a: {  	[sflag:s12] =	ssyncset.done @p0 $0x0  }
0x8b: {  	[sflag:s12] =	ssyncadd.s32 @p0 $0xFFFFC000;
	s12 =	simm.s32 @p0 $0x1  }
0x8c: {  	_ =	swait.ge @p0 [sflag:s12], $0x80  }
0x8d: {  	[sflag:s12] =	ssyncset.done @p0 $0x0  }
0x8e: {  	s1 =	sand.u32 @p0 $0x1FFFFFF0, s1;
	[sflag:s12] =	ssyncadd.s32 @p0 $0xFFFFFF80;
	s12 =	simm.s32 @p0 $0x200  }
0x8f: {  	[tilespmem:s12], [sflag:$0x5] =	stream.indirect.gather @p0 [hbm4b:s5+s4], $0x80, s11, s4, $0xb8;
	[tilespmem:$0x1C200] =	vst v63  }
0x90: {  	s12 =	sadd.s32 @p0 s6, s1  }
0x91: {  	[tilespmem:s4], [sflag:$0x2] =	stream.linear.gather @p0 [hbm4b:s12+s11], $0x80, $0x38;
	[tilespmem:$0x1C200] =	vst v63  }
0x92: {  	s1 =	sadd.s32 @p0 s7, s1  }
0x93: {  	[tilespmem:s10], [sflag:$0x4] =	stream.linear.gather @p0 [hbm4b:s1+s11], $0x80, $0x38;
	[tilespmem:$0x1C200] =	vst v63  }
0x94: {  	s1 =	simm.s32 @!p0 $0x6  }
0x95: {  	_ =	swait.ge @!p0 [sflag:s1], $0x4000  }
0x96: {  	[sflag:s1] =	ssyncset.done @!p0 $0x0  }
0x97: {  	[sflag:s1] =	ssyncadd.s32 @!p0 $0xFFFFC000;
	s1 =	simm.s32 @!p0 $0x4  }
0x98: {  	_ =	swait.ge @!p0 [sflag:s1], $0x80  }
0x99: {  	s4 =	simm.s32 @!p0 $0x180;
	[sflag:s1] =	ssyncset.done @!p0 $0x0  }
0x9a: {  	s10 =	simm.s32 @!p0 $0x4200;
	[sflag:s1] =	ssyncadd.s32 @!p0 $0xFFFFFF80;
	s1 =	simm.s32 @!p0 $0x80  }
0x9b: {  	[spmem:s2] =	stream.indirect.scatter.add.f32 @!p0 [tilespmem:s10], [sflag:$0x7], $0x80, s4, s1, $0xb8;
	[tilespmem:$0x1C200] =	vst v63  }
0x9c: {  	s1 =	simm.s32 @!p0 $0x7  }
0x9d: {  	_ =	swait.ge @!p0 [sflag:s1], $0x4000  }
0x9e: {  	s0 =	sadd.s32 $0x1, s0;
	[sflag:s1] =	ssyncset.done @!p0 $0x0  }
0x9f: {  	[sflag:s1] =	ssyncadd.s32 @!p0 $0xFFFFC000;
	p0 =	sne.s32 s0, s15  }
.Ltmp2:
0xa0: {  	[bflag:$0x0] =	sbarrier.arrive $0xFFFF;
	(pc) =	sbr.rel @p0 .LBB2_1-.Ltmp2, $4  }
0xa1: {  	[hbm:s14], [sflag:s8] =	dma.local [spmem:s18], $0x2800  }
0xa2: {  	_ =	swait.ge [sflag:s19], $0x2800  }
0xa3: {  	[sflag:s19] =	ssyncset.done $0x0  }
0xa4: {  	[sflag:s19] =	ssyncadd.s32 $0xFFFFD800  }
0xa5: {  	_ =	sfence.sel $0x180000  }
0xa6: {  	[bflag:$0x0] =	sbarrier.arrive $0xFFFF  }
0xa7: {  	_ =	strace $0x90000047  }
0xa8: {  	s0 =	stileid.u32;
	[bflag:$0x2] =	sbarrier.arrive $0xFFFF  }
0xa9: {  	p0 =	sne.s32 s0, $0x0;
	s0 =	rddreg [dreg:$0x3]  }
0xaa: {  	s0 =	sadd.s32 @!p0 $0x100000, s0  }
0xab: {  	[sflag:s0] =	ssyncadd.tile.s32 @!p0 $0x1;
	_ =	shalt  }
.Lfunc_end2:
_tile_overlayer_lowered:
.L_overlay_start_2:
0xac: {  	(tag) =	ssettag $0x2  }
0xad: {  	s0 =	rddreg [dreg:$0x0];
	s2 =	stileid.u32  }
0xae: {  	s1 =	rddreg [dreg:$0x1];
	p0 =	sne.s32 s2, $0x0  }
0xaf: {  	s3 =	rddreg [dreg:$0x2];
	[bflag:$0x3] =	sbarrier.arrive $0xFFFF;
	s2 =	simm.s32 @!p0 $0x1C07  }
0xb0: {  	[timem:s3], [sflag:s2] =	dma.local @!p0 [hbm:s0], s1  }
0xb1: {  	s0 =	simm.s32 @!p0 $0x7  }
0xb2: {  	_ =	swait.ge @!p0 [sflag:s0], s1  }
0xb3: {  	s1 =	ssub.s32 @!p0 $0x0, s1;
	[sflag:s0] =	ssyncset.done @!p0 $0x0  }
0xb4: {  	[sflag:s0] =	ssyncadd.s32 @!p0 s1  }
0xb5: {  	[bflag:$0x3] =	sbarrier.arrive $0xFFFF  }
0xb6: {  	_ =	shalt  }

// kernel: kernel.20.cloned.1.call-start
scs
__scs_entry_jumppad:
0x0: {  	(pc) =	sbr.rel $0x88, $3  }
0x1: {  	(tag) =	ssettag $0x0;
	lr =	simm.s32 $0x1  }
0x2: {  	[smem:$0x3F8F] =	sst lr;
	_ =	strace $0xD0000000  }
0x3: {  	_ = 	snop  }
0x4: {  	_ = 	snop  }
0x5: {  	_ = 	snop  }
0x6: {  	_ = 	snop  }
0x7: {  	_ = 	snop  }
__scs_overlays_trampoline_lowered:
0x8: {  	[smem:$0x3F9E] =	sst s0  }
0x9: {  	[smem:$0x3F9F] =	sst s1  }
0xa: {  	[smem:$0x3FA0] =	sst s2  }
0xb: {  	[smem:$0x3FA1] =	sst s3  }
0xc: {  	[smem:$0x3FA2] =	sst s4  }
0xd: {  	[smem:$0x3FA3] =	sst s5  }
0xe: {  	[smem:$0x3FA4] =	sst s6  }
0xf: {  	[smem:$0x3FA5] =	sst s7  }
0x10: {  	[smem:$0x3FA6] =	sst s8  }
0x11: {  	[smem:$0x3FA7] =	sst s9;
	s0 =	simm.s32 @!p0 $0x0  }
0x12: {  	s1 =	sld [smem:$0x3F8D];
	s0 =	simm.s32 @p0 $0x1  }
0x13: {  	[smem:$0x3FA8] =	sst s0;
	s0 =	simm.s32 @!p1 $0x0  }
0x14: {  	s2 =	sld [smem:$0x3F8C];
	s0 =	simm.s32 @p1 $0x1  }
0x15: {  	[smem:$0x3FA9] =	sst s0;
	s0 =	simm.s32 @!p2 $0x0  }
0x16: {  	s3 =	sld [smem:$0x3FDB];
	s0 =	simm.s32 @p2 $0x1  }
0x17: {  	s4 =	simm.s32 $0x1BF5;
	[smem:$0x3FAB] =	sst s0  }
0x18: {  	s0 =	sld [smem:$0x3F8E];
	_ =	swait.ge [sflag:s4], $0x0  }
0x19: {  	s7 =	sld [smem:$0x3F8F]  }
0x1a: {  	s8 =	sadd.s32 $0xFFFFE003, lr  }
0x1b: {  	s9 =	sadd.s32 $0xFFFFFEF7, lr;
	s5 =	simm.s32 $0xFFFFFFFF;
	p2 =	slt.u32 s8, $0xFFFFF086  }
0x1c: {  	p1 =	slt.u32 s9, $0xF7A;
	s5 =	simm.s32 @!p2 $0x0  }
0x1d: {  	s5 =	simm.s32 @p1 $0x1;
	p0 =	seq.s32 s7, s2  }
0x1e: {  	s7 =	smul.u32 @!p0 $0xF7A, s2;
	p2 =	seq.s32 @!p0 s5, $0x0  }
0x1f: {  	s9 =	smul.u32 $0xF7A, s1;
	s8 =	simm.s32 @!p0 $0x1BF5;
	p2 =	por !p2, p0  }
0x20: {  	[sflag:s8] =	ssyncset.s32 @!p0 $0xFFFFF086;
	s6 =	sadd.s32 @!p0 s3, s7;
	s7 =	simm.s32 @!p0 $0x108  }
0x21: {  	s3 =	sadd.s32 s3, s9;
	s6 =	sadd.s32 @!p0 $0x88, s6;
	s7 =	simm.s32 @p2 $0x1082  }
0x22: {  	[simem:s7], [sflag:s8] =	dma.local @!p0 [hbm:s6], $0xF7A  }
0x23: {  	s9 =	sor.u32 $0xD0000000, s2;
	s6 =	simm.s32 $0x108;
	_ =	swait.ge @!p0 [sflag:s8], $0x0  }
0x24: {  	s3 =	sadd.s32 $0x88, s3;
	s6 =	simm.s32 @!p1 $0x1082;
	[sflag:s4] =	ssyncset.s32 $0xFFFFF086  }
0x25: {  	[simem:s6], [sflag:s4] =	dma.local [hbm:s3], $0xF7A  }
0x26: {  	[smem:$0x3F8F] =	sst s1;
	(tag) =	ssettag s2;
	_ =	strace s9  }
0x27: {  	s1 =	sld [smem:$0x3F9F]  }
0x28: {  	s2 =	sld [smem:$0x3FA0]  }
0x29: {  	s4 =	sld [smem:$0x3FA2]  }
0x2a: {  	p0 =	seq.s32 s5, $0x0;
	s5 =	sld [smem:$0x3FA3]  }
0x2b: {  	s6 =	sld [smem:$0x3FA4]  }
0x2c: {  	s7 =	sld [smem:$0x3FA5]  }
0x2d: {  	s3 =	simm.s32 $0x108;
	s8 =	sld [smem:$0x3FA6]  }
0x2e: {  	s3 =	simm.s32 @!p0 $0x1082;
	s9 =	sld [smem:$0x3FA7]  }
0x2f: {  	lr =	sadd.s32 s0, s3;
	s0 =	sld [smem:$0x3F9E]  }
0x30: {  	s3 =	sld [smem:$0x3FA1]  }
0x31: {  	[smem:$0x3FAA] =	sst s10  }
0x32: {  	s10 =	sld [smem:$0x3FA8];
	_ =	sdelay $0x3  }
0x33: {  	p0 =	seq.s32 s10, $0x1;
	s10 =	sld [smem:$0x3FAA];
	_ =	sdelay $0x3  }
0x34: {  	[smem:$0x3FAA] =	sst s10  }
0x35: {  	s10 =	sld [smem:$0x3FA9];
	_ =	sdelay $0x3  }
0x36: {  	p1 =	seq.s32 s10, $0x1;
	s10 =	sld [smem:$0x3FAA];
	_ =	sdelay $0x3  }
0x37: {  	[smem:$0x3FAA] =	sst s10  }
0x38: {  	s10 =	sld [smem:$0x3FAB]  }
0x39: {  	_ = 	snop;
	(pc) =	sbr.ind lr, $3  }
0x3a: {  	_ = 	snop  }
0x3b: {  	_ = 	snop  }
0x3c: {  	p2 =	seq.s32 s10, $0x1;
	s10 =	sld [smem:$0x3FAA]  }
0x3d: {  	_ =	shalt  }
0x3e: {  	_ =	shalt  }
0x3f: {  	_ =	shalt  }
0x40: {  	_ =	shalt  }
0x41: {  	_ =	shalt  }
0x42: {  	_ =	shalt  }
0x43: {  	_ =	shalt  }
0x44: {  	_ =	shalt  }
0x45: {  	_ =	shalt  }
0x46: {  	_ =	shalt  }
0x47: {  	_ =	shalt  }
0x48: {  	_ =	shalt  }
0x49: {  	_ =	shalt  }
0x4a: {  	_ =	shalt  }
0x4b: {  	_ =	shalt  }
0x4c: {  	_ =	shalt  }
0x4d: {  	_ =	shalt  }
0x4e: {  	_ =	shalt  }
0x4f: {  	_ =	shalt  }
0x50: {  	_ =	shalt  }
0x51: {  	_ =	shalt  }
0x52: {  	_ =	shalt  }
0x53: {  	_ =	shalt  }
0x54: {  	_ =	shalt  }
0x55: {  	_ =	shalt  }
0x56: {  	_ =	shalt  }
0x57: {  	_ =	shalt  }
0x58: {  	_ =	shalt  }
0x59: {  	_ =	shalt  }
0x5a: {  	_ =	shalt  }
0x5b: {  	_ =	shalt  }
0x5c: {  	_ =	shalt  }
0x5d: {  	_ =	shalt  }
0x5e: {  	_ =	shalt  }
0x5f: {  	_ =	shalt  }
0x60: {  	_ =	shalt  }
0x61: {  	_ =	shalt  }
0x62: {  	_ =	shalt  }
0x63: {  	_ =	shalt  }
0x64: {  	_ =	shalt  }
0x65: {  	_ =	shalt  }
0x66: {  	_ =	shalt  }
0x67: {  	_ =	shalt  }
0x68: {  	_ =	shalt  }
0x69: {  	_ =	shalt  }
0x6a: {  	_ =	shalt  }
0x6b: {  	_ =	shalt  }
0x6c: {  	_ =	shalt  }
0x6d: {  	_ =	shalt  }
0x6e: {  	_ =	shalt  }
0x6f: {  	_ =	shalt  }
0x70: {  	_ =	shalt  }
0x71: {  	_ =	shalt  }
0x72: {  	_ =	shalt  }
0x73: {  	_ =	shalt  }
0x74: {  	_ =	shalt  }
0x75: {  	_ =	shalt  }
0x76: {  	_ =	shalt  }
0x77: {  	_ =	shalt  }
0x78: {  	_ =	shalt  }
0x79: {  	_ =	shalt  }
0x7a: {  	_ =	shalt  }
0x7b: {  	_ =	shalt  }
0x7c: {  	_ =	shalt  }
0x7d: {  	_ =	shalt  }
0x7e: {  	_ =	shalt  }
0x7f: {  	_ =	shalt  }
0x80: {  	_ =	shalt  }
0x81: {  	_ =	shalt  }
0x82: {  	_ =	shalt  }
0x83: {  	_ =	shalt  }
0x84: {  	_ =	shalt  }
0x85: {  	_ =	shalt  }
0x86: {  	_ =	shalt  }
0x87: {  	_ =	shalt  }
.Lfunc_end0:
.L_simem_size_0:
called_computation.1_lowered:
.L_overlay_start_0:
0x88: {  	s2 =	sld [smem:$0x3FD9]  }
0x89: {  	s3 =	sld [smem:$0x3FFE];
	_ =	sdelay $0x1  }
0x8a: {  	s1 =	srdreg.scid  }
0x8b: {  	s0 =	sand.u32 $0x1, s1  }
0x8c: {  	s17 =	sshll.u32 s0, $0xA;
	s2 =	sadd.s32 s3, s2  }
0x8d: {  	s2 =	sadd.s32 s2, s17  }
0x8e: {  	[smem:$0x3FB6] =	sst s2  }
0x8f: {  	_ = 	snop  }
0x90: {  	s2 =	sld [smem:$0x3FD0];
	(tm) =	ssettm $0x1  }
0x91: {  	s18 =	sld [smem:$0x3FFB];
	_ =	sdelay $0x3  }
0x92: {  	_ =	strace s18  }
0x93: {  	s3 =	sld [smem:$0x3FFC];
	_ =	sdelay $0x3  }
0x94: {  	_ =	strace s3  }
0x95: {  	s3 =	sld [smem:$0x3FFD];
	_ =	sdelay $0x3  }
0x96: {  	_ =	strace s3  }
0x97: {  	_ =	strace $0x8FFFFFFF  }
0x98: {  	s19 =	sld [smem:$0x3FDB];
	_ =	sdelay $0x1  }
0x99: {  	s4 =	simm.s32 $_scs_section_size  }
0x9a: {  	s5 =	simm.s32 $_size__tile_overlayer_lowered;
	s6 =	simm.s32 $_tile_overlayer_lowered  }
0x9b: {  	s22 =	simm.s32 $0x1BFF;
	s21 =	sshll.u32 s6, $0x1;
	s3 =	sadd.s32 s4, s19  }
0x9c: {  	s7 =	simm.s32 $0x0;
	s20 =	sshll.u32 s5, $0x1;
	s5 =	sadd.s32 s21, s3  }
0x9d: {  	[timem:s7], [sflag:s22] =	dma.local [hbm:s5], s20  }
0x9e: {  	_ =	swait.ge [sflag:s22], s20  }
0x9f: {  	s4 =	ssub.s32 $0x0, s20;
	[sflag:s22] =	ssyncset.done $0x0  }
0xa0: {  	[sflag:s22] =	ssyncadd.s32 s4;
	_ =	sdelay $0x1  }
0xa1: {  	s23 =	simm.s32 $0x1B8B  }
0xa2: {  	_ =	swait.ge [sflag:s23], $0x1  }
0xa3: {  	[sflag:s23] =	ssyncset.done $0x0  }
0xa4: {  	s25 =	simm.s32 $0x1B8E;
	s24 =	sld [smem:$0x3FFE];
	[sflag:s23] =	ssyncadd.s32 $0xFFFFFFFF  }
0xa5: {  	s26 =	simm.s32 $execute0_lowered;
	[smem:$0x3FD2] =	sst s25  }
0xa6: {  	s5 =	sshll.u32 s26, $0x1;
	_ =	strace $0x80000049;
	[dreg:$0x1] =	wrdreg $0xFFFFFFFF  }
0xa7: {  	s28 =	simm.s32 $_size_execute0_lowered;
	s3 =	sadd.s32 s3, s5;
	[dreg:$0x0] =	wrdreg $0x0  }
0xa8: {  	s5 =	sshll.u32 s28, $0x1;
	[dreg:$0x2] =	wrdreg s3  }
0xa9: {  	[dreg:$0x3] =	wrdreg s5  }
0xaa: {  	[dreg:$0x4] =	wrdreg $0xC0  }
0xab: {  	_ =	task [dreg:s7], $0x5FFFF  }
0xac: {  	[dreg:$0x1] =	wrdreg $0xFFFFFFFF  }
0xad: {  	[dreg:$0x0] =	wrdreg $0x60  }
0xae: {  	[dreg:$0x2] =	wrdreg s24  }
0xaf: {  	[dreg:$0x3] =	wrdreg s2  }
0xb0: {  	[dreg:$0x4] =	wrdreg $0x82000  }
0xb1: {  	[dreg:$0x5] =	wrdreg $0x9  }
0xb2: {  	_ =	task.clear_ibuf [dreg:s7], $0x6FFFF;
	_ =	strace $0x90000049  }
0xb3: {  	s29 =	simm.s32 $0x9;
	_ =	strace $0x8000004B  }
0xb4: {  	_ =	swait.ge [sflag:s29], $0x1  }
0xb5: {  	[sflag:s29] =	ssyncadd.s32 $0xFFFFFFFF  }
0xb6: {  	_ =	strace $0x9000004B  }
0xb7: {  	_ =	sfence  }
0xb8: {  	s30 =	sld [smem:$0x0];
	_ =	sdelay $0x2  }
0xb9: {  	s31 =	sshll.u32 s1, $0xD;
	s1 =	sshrl.u32 s1, $0x2  }
0xba: {  	s3 =	sand.u32 $0x4000, s31;
	s1 =	sadd.s32 s1, s30  }
0xbb: {  	s0 =	sor.u32 s3, s0;
	s1 =	sshll.u32 s1, $0x11  }
0xbc: {  	s0 =	sor.u32 s1, s0  }
0xbd: {  	s0 =	sadd.s32 $0x8F2B, s0  }
0xbe: {  	[sflag:s0] =	ssyncadd.remote.s32 $0x1  }
0xbf: {  	_ =	sfence.sel $0xFFFF  }
0xc0: {  	[dreg:$0x0] =	wrdreg $0xFFFFFFFF;
	(pc) =	sbr.abs _section_cstart, $3  }
0xc1: {  	[dreg:$0x1] =	wrdreg $0xFFFFFFFF  }
0xc2: {  	_ =	task.clear_ibuf [dreg:s7], $0x2FFFF;
	_ =	strace $0x9FFFFFFF  }
0xc3: {  	(tm) =	ssettm $0x7FFFFFFF  }
tec
execute0_lowered:
.L_overlay_start_1:
0x0: {  	(tag) =	ssettag $0x1  }
0x1: {  	s0 =	rddreg [dreg:$0x0]  }
0x2: {  	s2 =	rddreg [dreg:$0x2]  }
0x3: {  	s1 =	srdreg.scid;
	s3 =	simm.s32 $0x0;
	s14 =	stileid.u32  }
0x4: {  	s28 =	simm.s32 $0x5;
	s29 =	simm.s32 $0x3;
	s9 =	smul.u32 $0x14000, s14  }
0x5: {  	s30 =	simm.s32 $0x6;
	s1 =	sand.u32 $0x1, s1;
	s13 =	smul.u32 $0x50000, s14  }
0x6: {  	s31 =	simm.s32 $0x4;
	[smem:$0x7FF] =	sst s3;
	s4 =	smul.u32 $0x140000, s1  }
0x7: {  	s5 =	sadd.s32 $0x1A000, s0;
	s6 =	sadd.s32 $0x6000, s0;
	s8 =	smul.u32 $0xFFFFFFB0, s1  }
0x8: {  	s7 =	sadd.s32 $0x10000, s0;
	s20 =	sshll.u32 s14, $0x6;
	s10 =	smul.u32 $0x780, s1  }
0x9: {  	_ =	strace $0x8000004A;
	s26 =	ssub.s32 $0x2, s1;
	s25 =	smul.u32 $0x7800, s1  }
0xa: {  	s12 =	sshrl.u32 s26, $0x1;
	s18 =	sshrl.u32 s13, $0x2;
	s8 =	sadd.s32 $0x78, s8  }
0xb: {  	s4 =	sadd.s32 s9, s4;
	s15 =	ssub.s32 s26, s12;
	s16 =	sadd.s32 s18, s2  }
0xc: {  	s11 =	smul.u32 s14, s8;
	s4 =	sshrl.u32 s4, $0x3;
	s17 =	sshrl.u32 s8, $0x1  }
0xd: {  	s8 =	sor.u32 $0x1C07, s20;
	s15 =	smax.u32 s15, $0x1;
	s18 =	sshrl.u32 s16, $0x3  }
0xe: {  	s20 =	simm.s32 $0x100;
	s0 =	sadd.s32 s4, s0;
	s13 =	sadd.s32 $0xFFFFFFFF, s17  }
0xf: {  	s26 =	sadd.s32 s10, s11;
	s14 =	sadd.s32 $0x42000, s0;
	s0 =	simm.s32 $0x0  }
0x10: {  	s19 =	sshll.u32 s26, $0x4;
	s9 =	sor.u32 $0x3, s26;
	s26 =	sshll.u32 s11, $0x4  }
0x11: {  	s12 =	sand.u32 $0x1FFFFF80, s19;
	s17 =	sadd.s32 s25, s26;
	s19 =	simm.s32 $0x7  }
0x12: {  	s25 =	simm.s32 $0x2;
	s26 =	simm.s32 $0x4200;
	s21 =	sadd.s32 s6, s12  }
0x13: {  	s22 =	sor.u32 $0x10, s12;
	s12 =	sadd.s32 s7, s12;
	[dreg:$0x4] =	wrdreg s21  }
0x14: {  	[dreg:$0x5] =	wrdreg s12;
	s23 =	sadd.s32 s6, s22;
	s24 =	sadd.s32 s7, s22  }
0x15: {  	s21 =	simm.s32 $0x1;
	s22 =	simm.s32 $0x80;
	[dreg:$0x6] =	wrdreg s23  }
0x16: {  	[dreg:$0x7] =	wrdreg s24;
	s23 =	simm.s32 $0x200;
	s24 =	simm.s32 $0x180  }
.LBB2_1:
0x17: {  	s1 =	rddreg [dreg:$0x1]  }
0x18: {  	[spmem:s18], [sflag:s8] =	dma.local [hbm:s1], $0x2800  }
0x19: {  	_ =	swait.ge [sflag:s19], $0x2800  }
0x1a: {  	[sflag:s19] =	ssyncset.done $0x0  }
0x1b: {  	[sflag:s19] =	ssyncadd.s32 $0xFFFFD800  }
0x1c: {  	[bflag:$0x0] =	sbarrier.arrive $0xFFFF  }
0x1d: {  	s12 =	rddreg [dreg:$0x4]  }
0x1e: {  	[tilespmem:s3], [sflag:$0x1] =	stream.linear.gather [hbm4b:s12+s3], $0x80, $0x38;
	[tilespmem:$0x1C200] =	vst v63  }
0x1f: {  	s16 =	rddreg [dreg:$0x5]  }
0x20: {  	[tilespmem:s20], [sflag:$0x3] =	stream.linear.gather [hbm4b:s16+s3], $0x80, $0x38;
	[tilespmem:$0x1C200] =	vst v63  }
0x21: {  	_ =	swait.ge [sflag:s21], $0x80  }
0x22: {  	[sflag:s21] =	ssyncset.done $0x0  }
0x23: {  	[sflag:s21] =	ssyncadd.s32 $0xFFFFFF80  }
0x24: {  	[tilespmem:s23], [sflag:$0x5] =	stream.indirect.gather [hbm4b:s5+s22], $0x80, s3, s22, $0xb8;
	[tilespmem:$0x1C200] =	vst v63  }
0x25: {  	s4 =	rddreg [dreg:$0x6]  }
0x26: {  	[tilespmem:s22], [sflag:$0x2] =	stream.linear.gather [hbm4b:s4+s3], $0x80, $0x38;
	[tilespmem:$0x1C200] =	vst v63  }
0x27: {  	s10 =	rddreg [dreg:$0x7]  }
0x28: {  	[tilespmem:s24], [sflag:$0x4] =	stream.linear.gather [hbm4b:s10+s3], $0x80, $0x38;
	[tilespmem:$0x1C200] =	vst v63  }
0x29: {  	_ =	swait.ge [sflag:s25], $0x80  }
0x2a: {  	[sflag:s25] =	ssyncset.done $0x0  }
0x2b: {  	[sflag:s25] =	ssyncadd.s32 $0xFFFFFF80  }
0x2c: {  	[tilespmem:s26], [sflag:$0x6] =	stream.indirect.gather [hbm4b:s5+s22], $0x80, s22, s22, $0xb8;
	[tilespmem:$0x1C200] =	vst v63  }
0x2d: {  	_ =	swait.ge [sflag:s28], $0x4000  }
0x2e: {  	[sflag:s28] =	ssyncset.done $0x0  }
0x2f: {  	[sflag:s28] =	ssyncadd.s32 $0xFFFFC000  }
0x30: {  	_ =	swait.ge [sflag:s29], $0x80  }
0x31: {  	[sflag:s29] =	ssyncset.done $0x0  }
0x32: {  	[sflag:s29] =	ssyncadd.s32 $0xFFFFFF80  }
0x33: {  	[spmem:s2] =	stream.indirect.scatter.add.f32 [tilespmem:s23], [sflag:$0x7], $0x80, s20, s22, $0xb8;
	[tilespmem:$0x1C200] =	vst v63  }
0x34: {  	s4 =	sadd.s32 $0x20, s17;
	_ =	swait.ge [sflag:s19], $0x4000  }
0x35: {  	s11 =	sand.u32 $0x1FFFFFE0, s4;
	[sflag:s19] =	ssyncset.done $0x0  }
0x36: {  	s10 =	sadd.s32 s6, s11;
	[sflag:s19] =	ssyncadd.s32 $0xFFFFC000  }
0x37: {  	[tilespmem:s3], [sflag:$0x1] =	stream.linear.gather [hbm4b:s10+s3], $0x80, $0x38;
	[tilespmem:$0x1C200] =	vst v63  }
0x38: {  	s1 =	sadd.s32 s7, s11  }
0x39: {  	[tilespmem:s20], [sflag:$0x3] =	stream.linear.gather [hbm4b:s1+s3], $0x80, $0x38;
	[tilespmem:$0x1C200] =	vst v63  }
0x3a: {  	_ =	swait.ge [sflag:s30], $0x4000  }
0x3b: {  	[sflag:s30] =	ssyncset.done $0x0  }
0x3c: {  	[sflag:s30] =	ssyncadd.s32 $0xFFFFC000  }
0x3d: {  	_ =	swait.ge [sflag:s31], $0x80  }
0x3e: {  	[sflag:s31] =	ssyncset.done $0x0  }
0x3f: {  	[sflag:s31] =	ssyncadd.s32 $0xFFFFFF80  }
0x40: {  	[spmem:s2] =	stream.indirect.scatter.add.f32 [tilespmem:s26], [sflag:$0x7], $0x80, s24, s22, $0xb8;
	[tilespmem:$0x1C200] =	vst v63  }
0x41: {  	_ =	swait.ge [sflag:s19], $0x4000  }
0x42: {  	[sflag:s19] =	ssyncset.done $0x0  }
0x43: {  	[sflag:s19] =	ssyncadd.s32 $0xFFFFC000  }
0x44: {  	_ =	swait.ge [sflag:s21], $0x80  }
0x45: {  	p0 =	sne.s32 s13, $0x1;
	s12 =	sadd.s32 $0x30, s17;
	[sflag:s21] =	ssyncset.done $0x0  }
.Ltmp0:
0x46: {  	s16 =	sand.u32 $0x1FFFFFF0, s12;
	[sflag:s21] =	ssyncadd.s32 $0xFFFFFF80;
	(pc) =	sbr.rel @!p0 .LBB2_3-.Ltmp0, $4  }
0x47: {  	[tilespmem:s23], [sflag:$0x5] =	stream.indirect.gather [hbm4b:s5+s22], $0x80, s3, s22, $0xb8;
	[tilespmem:$0x1C200] =	vst v63  }
0x48: {  	s1 =	sadd.s32 s6, s16  }
0x49: {  	[tilespmem:s22], [sflag:$0x2] =	stream.linear.gather [hbm4b:s1+s3], $0x80, $0x38;
	[tilespmem:$0x1C200] =	vst v63  }
0x4a: {  	s11 =	sadd.s32 s7, s16;
	s16 =	smov.u32 s9;
	s1 =	simm.s32 $0x1  }
.LBB2_2:
0x4b: {  	s1 =	sadd.s32 $0x1, s1;
	s16 =	sadd.s32 $0x2, s16;
	s10 =	smov.u32 s4  }
0x4c: {  	[tilespmem:s24], [sflag:$0x4] =	stream.linear.gather [hbm4b:s11+s3], $0x80, $0x38;
	[tilespmem:$0x1C200] =	vst v63  }
0x4d: {  	p0 =	sne.s32 s13, s1;
	_ =	swait.ge [sflag:s25], $0x80  }
0x4e: {  	[sflag:s25] =	ssyncset.done $0x0  }
0x4f: {  	[sflag:s25] =	ssyncadd.s32 $0xFFFFFF80  }
0x50: {  	[tilespmem:s26], [sflag:$0x6] =	stream.indirect.gather [hbm4b:s5+s22], $0x80, s22, s22, $0xb8;
	[tilespmem:$0x1C200] =	vst v63  }
0x51: {  	_ =	swait.ge [sflag:s28], $0x4000  }
0x52: {  	[sflag:s28] =	ssyncset.done $0x0  }
0x53: {  	[sflag:s28] =	ssyncadd.s32 $0xFFFFC000  }
0x54: {  	_ =	swait.ge [sflag:s29], $0x80  }
0x55: {  	[sflag:s29] =	ssyncset.done $0x0  }
0x56: {  	s4 =	sadd.s32 $0x20, s4;
	[sflag:s29] =	ssyncadd.s32 $0xFFFFFF80  }
0x57: {  	[spmem:s2] =	stream.indirect.scatter.add.f32 [tilespmem:s23], [sflag:$0x7], $0x80, s20, s22, $0xb8;
	[tilespmem:$0x1C200] =	vst v63  }
0x58: {  	s11 =	sand.u32 $0x1FFFFFE0, s4;
	_ =	swait.ge [sflag:s19], $0x4000  }
0x59: {  	s12 =	sadd.s32 s6, s11;
	[sflag:s19] =	ssyncset.done $0x0  }
0x5a: {  	[sflag:s19] =	ssyncadd.s32 $0xFFFFC000  }
0x5b: {  	[tilespmem:s3], [sflag:$0x1] =	stream.linear.gather [hbm4b:s12+s3], $0x80, $0x38;
	[tilespmem:$0x1C200] =	vst v63  }
0x5c: {  	s11 =	sadd.s32 s7, s11  }
0x5d: {  	[tilespmem:s20], [sflag:$0x3] =	stream.linear.gather [hbm4b:s11+s3], $0x80, $0x38;
	[tilespmem:$0x1C200] =	vst v63  }
0x5e: {  	_ =	swait.ge [sflag:s30], $0x4000  }
0x5f: {  	[sflag:s30] =	ssyncset.done $0x0  }
0x60: {  	[sflag:s30] =	ssyncadd.s32 $0xFFFFC000  }
0x61: {  	_ =	swait.ge [sflag:s31], $0x80  }
0x62: {  	[sflag:s31] =	ssyncset.done $0x0  }
0x63: {  	[sflag:s31] =	ssyncadd.s32 $0xFFFFFF80  }
0x64: {  	[spmem:s2] =	stream.indirect.scatter.add.f32 [tilespmem:s26], [sflag:$0x7], $0x80, s24, s22, $0xb8;
	[tilespmem:$0x1C200] =	vst v63  }
0x65: {  	_ =	swait.ge [sflag:s19], $0x4000  }
0x66: {  	[sflag:s19] =	ssyncset.done $0x0  }
0x67: {  	[sflag:s19] =	ssyncadd.s32 $0xFFFFC000  }
0x68: {  	_ =	swait.ge [sflag:s21], $0x80  }
.Ltmp1:
0x69: {  	s10 =	sadd.s32 $0x30, s10;
	[sflag:s21] =	ssyncset.done $0x0;
	(pc) =	sbr.rel @p0 .LBB2_2-.Ltmp1, $4  }
0x6a: {  	s10 =	sand.u32 $0x1FFFFFF0, s10;
	[sflag:s21] =	ssyncadd.s32 $0xFFFFFF80  }
0x6b: {  	[tilespmem:s23], [sflag:$0x5] =	stream.indirect.gather [hbm4b:s5+s22], $0x80, s3, s22, $0xb8;
	[tilespmem:$0x1C200] =	vst v63  }
0x6c: {  	s12 =	sadd.s32 s6, s10;
	s11 =	sadd.s32 s7, s10  }
0x6d: {  	[tilespmem:s22], [sflag:$0x2] =	stream.linear.gather [hbm4b:s12+s3], $0x80, $0x38;
	[tilespmem:$0x1C200] =	vst v63  }
.LBB2_3:
0x6e: {  	[tilespmem:s24], [sflag:$0x4] =	stream.linear.gather [hbm4b:s11+s3], $0x80, $0x38;
	[tilespmem:$0x1C200] =	vst v63  }
0x6f: {  	_ =	swait.ge [sflag:s25], $0x80  }
0x70: {  	[sflag:s25] =	ssyncset.done $0x0  }
0x71: {  	[sflag:s25] =	ssyncadd.s32 $0xFFFFFF80  }
0x72: {  	[tilespmem:s26], [sflag:$0x6] =	stream.indirect.gather [hbm4b:s5+s22], $0x80, s22, s22, $0xb8;
	[tilespmem:$0x1C200] =	vst v63  }
0x73: {  	_ =	swait.ge [sflag:s28], $0x4000  }
0x74: {  	[sflag:s28] =	ssyncset.done $0x0  }
0x75: {  	[sflag:s28] =	ssyncadd.s32 $0xFFFFC000  }
0x76: {  	_ =	swait.ge [sflag:s29], $0x80  }
0x77: {  	s4 =	sadd.s32 $0x2, s16;
	p0 =	slt.u32 s1, s13;
	[sflag:s29] =	ssyncset.done $0x0  }
0x78: {  	s1 =	sshll.u32 @p0 s4, $0x4;
	[sflag:s29] =	ssyncadd.s32 $0xFFFFFF80  }
0x79: {  	[spmem:s2] =	stream.indirect.scatter.add.f32 [tilespmem:s23], [sflag:$0x7], $0x80, s20, s22, $0xb8;
	[tilespmem:$0x1C200] =	vst v63  }
0x7a: {  	s4 =	sadd.s32 @p0 $0xFFFFFFF0, s1;
	_ =	swait.ge [sflag:s19], $0x4000  }
0x7b: {  	s4 =	sand.u32 @p0 $0x1FFFFFE0, s4;
	[sflag:s19] =	ssyncset.done $0x0  }
0x7c: {  	s11 =	simm.s32 @p0 $0x0;
	s10 =	sadd.s32 @p0 s6, s4;
	[sflag:s19] =	ssyncadd.s32 $0xFFFFC000  }
0x7d: {  	[tilespmem:s11], [sflag:$0x1] =	stream.linear.gather @p0 [hbm4b:s10+s11], $0x80, $0x38;
	[tilespmem:$0x1C200] =	vst v63  }
0x7e: {  	s4 =	sadd.s32 @p0 s7, s4;
	s10 =	simm.s32 @p0 $0x100  }
0x7f: {  	[tilespmem:s10], [sflag:$0x3] =	stream.linear.gather @p0 [hbm4b:s4+s11], $0x80, $0x38;
	[tilespmem:$0x1C200] =	vst v63  }
0x80: {  	s4 =	simm.s32 @p0 $0x6  }
0x81: {  	_ =	swait.ge @p0 [sflag:s4], $0x4000  }
0x82: {  	[sflag:s4] =	ssyncset.done @p0 $0x0  }
0x83: {  	[sflag:s4] =	ssyncadd.s32 @p0 $0xFFFFC000;
	s4 =	simm.s32 @p0 $0x4  }
0x84: {  	_ =	swait.ge @p0 [sflag:s4], $0x80  }
0x85: {  	s12 =	simm.s32 @p0 $0x4200;
	[sflag:s4] =	ssyncset.done @p0 $0x0  }
0x86: {  	s10 =	simm.s32 @p0 $0x180;
	[sflag:s4] =	ssyncadd.s32 @p0 $0xFFFFFF80;
	s4 =	simm.s32 @p0 $0x80  }
0x87: {  	[spmem:s2] =	stream.indirect.scatter.add.f32 @p0 [tilespmem:s12], [sflag:$0x7], $0x80, s10, s4, $0xb8;
	[tilespmem:$0x1C200] =	vst v63  }
0x88: {  	s12 =	simm.s32 @p0 $0x7  }
0x89: {  	_ =	swait.ge @p0 [sflag:s12], $0x4000  }
0x8a: {  	[sflag:s12] =	ssyncset.done @p0 $0x0  }
0x8b: {  	[sflag:s12] =	ssyncadd.s32 @p0 $0xFFFFC000;
	s12 =	simm.s32 @p0 $0x1  }
0x8c: {  	_ =	swait.ge @p0 [sflag:s12], $0x80  }
0x8d: {  	[sflag:s12] =	ssyncset.done @p0 $0x0  }
0x8e: {  	s1 =	sand.u32 @p0 $0x1FFFFFF0, s1;
	[sflag:s12] =	ssyncadd.s32 @p0 $0xFFFFFF80;
	s12 =	simm.s32 @p0 $0x200  }
0x8f: {  	[tilespmem:s12], [sflag:$0x5] =	stream.indirect.gather @p0 [hbm4b:s5+s4], $0x80, s11, s4, $0xb8;
	[tilespmem:$0x1C200] =	vst v63  }
0x90: {  	s12 =	sadd.s32 @p0 s6, s1  }
0x91: {  	[tilespmem:s4], [sflag:$0x2] =	stream.linear.gather @p0 [hbm4b:s12+s11], $0x80, $0x38;
	[tilespmem:$0x1C200] =	vst v63  }
0x92: {  	s1 =	sadd.s32 @p0 s7, s1  }
0x93: {  	[tilespmem:s10], [sflag:$0x4] =	stream.linear.gather @p0 [hbm4b:s1+s11], $0x80, $0x38;
	[tilespmem:$0x1C200] =	vst v63  }
0x94: {  	s1 =	simm.s32 @!p0 $0x6  }
0x95: {  	_ =	swait.ge @!p0 [sflag:s1], $0x4000  }
0x96: {  	[sflag:s1] =	ssyncset.done @!p0 $0x0  }
0x97: {  	[sflag:s1] =	ssyncadd.s32 @!p0 $0xFFFFC000;
	s1 =	simm.s32 @!p0 $0x4  }
0x98: {  	_ =	swait.ge @!p0 [sflag:s1], $0x80  }
0x99: {  	s4 =	simm.s32 @!p0 $0x180;
	[sflag:s1] =	ssyncset.done @!p0 $0x0  }
0x9a: {  	s10 =	simm.s32 @!p0 $0x4200;
	[sflag:s1] =	ssyncadd.s32 @!p0 $0xFFFFFF80;
	s1 =	simm.s32 @!p0 $0x80  }
0x9b: {  	[spmem:s2] =	stream.indirect.scatter.add.f32 @!p0 [tilespmem:s10], [sflag:$0x7], $0x80, s4, s1, $0xb8;
	[tilespmem:$0x1C200] =	vst v63  }
0x9c: {  	s1 =	simm.s32 @!p0 $0x7  }
0x9d: {  	_ =	swait.ge @!p0 [sflag:s1], $0x4000  }
0x9e: {  	s0 =	sadd.s32 $0x1, s0;
	[sflag:s1] =	ssyncset.done @!p0 $0x0  }
0x9f: {  	[sflag:s1] =	ssyncadd.s32 @!p0 $0xFFFFC000;
	p0 =	sne.s32 s0, s15  }
.Ltmp2:
0xa0: {  	[bflag:$0x0] =	sbarrier.arrive $0xFFFF;
	(pc) =	sbr.rel @p0 .LBB2_1-.Ltmp2, $4  }
0xa1: {  	[hbm:s14], [sflag:s8] =	dma.local [spmem:s18], $0x2800  }
0xa2: {  	_ =	swait.ge [sflag:s19], $0x2800  }
0xa3: {  	[sflag:s19] =	ssyncset.done $0x0  }
0xa4: {  	[sflag:s19] =	ssyncadd.s32 $0xFFFFD800  }
0xa5: {  	_ =	sfence.sel $0x180000  }
0xa6: {  	[bflag:$0x0] =	sbarrier.arrive $0xFFFF  }
0xa7: {  	_ =	strace $0x9000004A  }
0xa8: {  	s0 =	stileid.u32;
	[bflag:$0x2] =	sbarrier.arrive $0xFFFF  }
0xa9: {  	p0 =	sne.s32 s0, $0x0;
	s0 =	rddreg [dreg:$0x3]  }
0xaa: {  	s0 =	sadd.s32 @!p0 $0x100000, s0  }
0xab: {  	[sflag:s0] =	ssyncadd.tile.s32 @!p0 $0x1;
	_ =	shalt  }
.Lfunc_end2:
_tile_overlayer_lowered:
.L_overlay_start_2:
0xac: {  	(tag) =	ssettag $0x2  }
0xad: {  	s0 =	rddreg [dreg:$0x0];
	s2 =	stileid.u32  }
0xae: {  	s1 =	rddreg [dreg:$0x1];
	p0 =	sne.s32 s2, $0x0  }
0xaf: {  	s3 =	rddreg [dreg:$0x2];
	[bflag:$0x3] =	sbarrier.arrive $0xFFFF;
	s2 =	simm.s32 @!p0 $0x1C07  }
0xb0: {  	[timem:s3], [sflag:s2] =	dma.local @!p0 [hbm:s0], s1  }
0xb1: {  	s0 =	simm.s32 @!p0 $0x7  }
0xb2: {  	_ =	swait.ge @!p0 [sflag:s0], s1  }
0xb3: {  	s1 =	ssub.s32 @!p0 $0x0, s1;
	[sflag:s0] =	ssyncset.done @!p0 $0x0  }
0xb4: {  	[sflag:s0] =	ssyncadd.s32 @!p0 s1  }
0xb5: {  	[bflag:$0x3] =	sbarrier.arrive $0xFFFF  }
0xb6: {  	_ =	shalt  }

// kernel: kernel.23.cloned.1.call-start
scs
__scs_entry_jumppad:
0x0: {  	(pc) =	sbr.rel $0x88, $3  }
0x1: {  	(tag) =	ssettag $0x0;
	lr =	simm.s32 $0x1  }
0x2: {  	[smem:$0x3F8F] =	sst lr;
	_ =	strace $0xD0000000  }
0x3: {  	_ = 	snop  }
0x4: {  	_ = 	snop  }
0x5: {  	_ = 	snop  }
0x6: {  	_ = 	snop  }
0x7: {  	_ = 	snop  }
__scs_overlays_trampoline_lowered:
0x8: {  	[smem:$0x3F9E] =	sst s0  }
0x9: {  	[smem:$0x3F9F] =	sst s1  }
0xa: {  	[smem:$0x3FA0] =	sst s2  }
0xb: {  	[smem:$0x3FA1] =	sst s3  }
0xc: {  	[smem:$0x3FA2] =	sst s4  }
0xd: {  	[smem:$0x3FA3] =	sst s5  }
0xe: {  	[smem:$0x3FA4] =	sst s6  }
0xf: {  	[smem:$0x3FA5] =	sst s7  }
0x10: {  	[smem:$0x3FA6] =	sst s8  }
0x11: {  	[smem:$0x3FA7] =	sst s9;
	s0 =	simm.s32 @!p0 $0x0  }
0x12: {  	s1 =	sld [smem:$0x3F8D];
	s0 =	simm.s32 @p0 $0x1  }
0x13: {  	[smem:$0x3FA8] =	sst s0;
	s0 =	simm.s32 @!p1 $0x0  }
0x14: {  	s2 =	sld [smem:$0x3F8C];
	s0 =	simm.s32 @p1 $0x1  }
0x15: {  	[smem:$0x3FA9] =	sst s0;
	s0 =	simm.s32 @!p2 $0x0  }
0x16: {  	s3 =	sld [smem:$0x3FDB];
	s0 =	simm.s32 @p2 $0x1  }
0x17: {  	s4 =	simm.s32 $0x1BF5;
	[smem:$0x3FAB] =	sst s0  }
0x18: {  	s0 =	sld [smem:$0x3F8E];
	_ =	swait.ge [sflag:s4], $0x0  }
0x19: {  	s7 =	sld [smem:$0x3F8F]  }
0x1a: {  	s8 =	sadd.s32 $0xFFFFE003, lr  }
0x1b: {  	s9 =	sadd.s32 $0xFFFFFEF7, lr;
	s5 =	simm.s32 $0xFFFFFFFF;
	p2 =	slt.u32 s8, $0xFFFFF086  }
0x1c: {  	p1 =	slt.u32 s9, $0xF7A;
	s5 =	simm.s32 @!p2 $0x0  }
0x1d: {  	s5 =	simm.s32 @p1 $0x1;
	p0 =	seq.s32 s7, s2  }
0x1e: {  	s7 =	smul.u32 @!p0 $0xF7A, s2;
	p2 =	seq.s32 @!p0 s5, $0x0  }
0x1f: {  	s9 =	smul.u32 $0xF7A, s1;
	s8 =	simm.s32 @!p0 $0x1BF5;
	p2 =	por !p2, p0  }
0x20: {  	[sflag:s8] =	ssyncset.s32 @!p0 $0xFFFFF086;
	s6 =	sadd.s32 @!p0 s3, s7;
	s7 =	simm.s32 @!p0 $0x108  }
0x21: {  	s3 =	sadd.s32 s3, s9;
	s6 =	sadd.s32 @!p0 $0x88, s6;
	s7 =	simm.s32 @p2 $0x1082  }
0x22: {  	[simem:s7], [sflag:s8] =	dma.local @!p0 [hbm:s6], $0xF7A  }
0x23: {  	s9 =	sor.u32 $0xD0000000, s2;
	s6 =	simm.s32 $0x108;
	_ =	swait.ge @!p0 [sflag:s8], $0x0  }
0x24: {  	s3 =	sadd.s32 $0x88, s3;
	s6 =	simm.s32 @!p1 $0x1082;
	[sflag:s4] =	ssyncset.s32 $0xFFFFF086  }
0x25: {  	[simem:s6], [sflag:s4] =	dma.local [hbm:s3], $0xF7A  }
0x26: {  	[smem:$0x3F8F] =	sst s1;
	(tag) =	ssettag s2;
	_ =	strace s9  }
0x27: {  	s1 =	sld [smem:$0x3F9F]  }
0x28: {  	s2 =	sld [smem:$0x3FA0]  }
0x29: {  	s4 =	sld [smem:$0x3FA2]  }
0x2a: {  	p0 =	seq.s32 s5, $0x0;
	s5 =	sld [smem:$0x3FA3]  }
0x2b: {  	s6 =	sld [smem:$0x3FA4]  }
0x2c: {  	s7 =	sld [smem:$0x3FA5]  }
0x2d: {  	s3 =	simm.s32 $0x108;
	s8 =	sld [smem:$0x3FA6]  }
0x2e: {  	s3 =	simm.s32 @!p0 $0x1082;
	s9 =	sld [smem:$0x3FA7]  }
0x2f: {  	lr =	sadd.s32 s0, s3;
	s0 =	sld [smem:$0x3F9E]  }
0x30: {  	s3 =	sld [smem:$0x3FA1]  }
0x31: {  	[smem:$0x3FAA] =	sst s10  }
0x32: {  	s10 =	sld [smem:$0x3FA8];
	_ =	sdelay $0x3  }
0x33: {  	p0 =	seq.s32 s10, $0x1;
	s10 =	sld [smem:$0x3FAA];
	_ =	sdelay $0x3  }
0x34: {  	[smem:$0x3FAA] =	sst s10  }
0x35: {  	s10 =	sld [smem:$0x3FA9];
	_ =	sdelay $0x3  }
0x36: {  	p1 =	seq.s32 s10, $0x1;
	s10 =	sld [smem:$0x3FAA];
	_ =	sdelay $0x3  }
0x37: {  	[smem:$0x3FAA] =	sst s10  }
0x38: {  	s10 =	sld [smem:$0x3FAB]  }
0x39: {  	_ = 	snop;
	(pc) =	sbr.ind lr, $3  }
0x3a: {  	_ = 	snop  }
0x3b: {  	_ = 	snop  }
0x3c: {  	p2 =	seq.s32 s10, $0x1;
	s10 =	sld [smem:$0x3FAA]  }
0x3d: {  	_ =	shalt  }
0x3e: {  	_ =	shalt  }
0x3f: {  	_ =	shalt  }
0x40: {  	_ =	shalt  }
0x41: {  	_ =	shalt  }
0x42: {  	_ =	shalt  }
0x43: {  	_ =	shalt  }
0x44: {  	_ =	shalt  }
0x45: {  	_ =	shalt  }
0x46: {  	_ =	shalt  }
0x47: {  	_ =	shalt  }
0x48: {  	_ =	shalt  }
0x49: {  	_ =	shalt  }
0x4a: {  	_ =	shalt  }
0x4b: {  	_ =	shalt  }
0x4c: {  	_ =	shalt  }
0x4d: {  	_ =	shalt  }
0x4e: {  	_ =	shalt  }
0x4f: {  	_ =	shalt  }
0x50: {  	_ =	shalt  }
0x51: {  	_ =	shalt  }
0x52: {  	_ =	shalt  }
0x53: {  	_ =	shalt  }
0x54: {  	_ =	shalt  }
0x55: {  	_ =	shalt  }
0x56: {  	_ =	shalt  }
0x57: {  	_ =	shalt  }
0x58: {  	_ =	shalt  }
0x59: {  	_ =	shalt  }
0x5a: {  	_ =	shalt  }
0x5b: {  	_ =	shalt  }
0x5c: {  	_ =	shalt  }
0x5d: {  	_ =	shalt  }
0x5e: {  	_ =	shalt  }
0x5f: {  	_ =	shalt  }
0x60: {  	_ =	shalt  }
0x61: {  	_ =	shalt  }
0x62: {  	_ =	shalt  }
0x63: {  	_ =	shalt  }
0x64: {  	_ =	shalt  }
0x65: {  	_ =	shalt  }
0x66: {  	_ =	shalt  }
0x67: {  	_ =	shalt  }
0x68: {  	_ =	shalt  }
0x69: {  	_ =	shalt  }
0x6a: {  	_ =	shalt  }
0x6b: {  	_ =	shalt  }
0x6c: {  	_ =	shalt  }
0x6d: {  	_ =	shalt  }
0x6e: {  	_ =	shalt  }
0x6f: {  	_ =	shalt  }
0x70: {  	_ =	shalt  }
0x71: {  	_ =	shalt  }
0x72: {  	_ =	shalt  }
0x73: {  	_ =	shalt  }
0x74: {  	_ =	shalt  }
0x75: {  	_ =	shalt  }
0x76: {  	_ =	shalt  }
0x77: {  	_ =	shalt  }
0x78: {  	_ =	shalt  }
0x79: {  	_ =	shalt  }
0x7a: {  	_ =	shalt  }
0x7b: {  	_ =	shalt  }
0x7c: {  	_ =	shalt  }
0x7d: {  	_ =	shalt  }
0x7e: {  	_ =	shalt  }
0x7f: {  	_ =	shalt  }
0x80: {  	_ =	shalt  }
0x81: {  	_ =	shalt  }
0x82: {  	_ =	shalt  }
0x83: {  	_ =	shalt  }
0x84: {  	_ =	shalt  }
0x85: {  	_ =	shalt  }
0x86: {  	_ =	shalt  }
0x87: {  	_ =	shalt  }
.Lfunc_end0:
.L_simem_size_0:
called_computation.2_lowered:
.L_overlay_start_0:
0x88: {  	s0 =	sld [smem:$0x3FD9]  }
0x89: {  	s1 =	sld [smem:$0x3FFE];
	_ =	sdelay $0x3  }
0x8a: {  	s0 =	sadd.s32 s1, s0  }
0x8b: {  	[smem:$0x3FB6] =	sst s0  }
0x8c: {  	_ = 	snop  }
0x8d: {  	(tm) =	ssettm $0x1  }
0x8e: {  	s15 =	sld [smem:$0x3FFB];
	_ =	sdelay $0x3  }
0x8f: {  	_ =	strace s15  }
0x90: {  	s0 =	sld [smem:$0x3FFC];
	_ =	sdelay $0x3  }
0x91: {  	_ =	strace s0  }
0x92: {  	s0 =	sld [smem:$0x3FFD];
	_ =	sdelay $0x3  }
0x93: {  	_ =	strace s0  }
0x94: {  	_ =	strace $0x8FFFFFFF  }
0x95: {  	s16 =	sld [smem:$0x3FDB];
	_ =	sdelay $0x1  }
0x96: {  	s17 =	simm.s32 $_scs_section_size  }
0x97: {  	s2 =	simm.s32 $_size__tile_overlayer_lowered;
	s3 =	simm.s32 $_tile_overlayer_lowered  }
0x98: {  	s20 =	simm.s32 $0x1BFF;
	s19 =	sshll.u32 s3, $0x1;
	s0 =	sadd.s32 s17, s16  }
0x99: {  	s4 =	simm.s32 $0x0;
	s18 =	sshll.u32 s2, $0x1;
	s2 =	sadd.s32 s19, s0  }
0x9a: {  	[timem:s4], [sflag:s20] =	dma.local [hbm:s2], s18  }
0x9b: {  	_ =	swait.ge [sflag:s20], s18  }
0x9c: {  	s1 =	ssub.s32 $0x0, s18;
	[sflag:s20] =	ssyncset.done $0x0  }
0x9d: {  	[sflag:s20] =	ssyncadd.s32 s1;
	_ =	sdelay $0x1  }
0x9e: {  	s21 =	simm.s32 $0x1B8B  }
0x9f: {  	_ =	swait.ge [sflag:s21], $0x1  }
0xa0: {  	[sflag:s21] =	ssyncset.done $0x0  }
0xa1: {  	s23 =	simm.s32 $0x1B8E;
	s22 =	sld [smem:$0x3FFE];
	[sflag:s21] =	ssyncadd.s32 $0xFFFFFFFF  }
0xa2: {  	s24 =	simm.s32 $execute0_lowered;
	[smem:$0x3FD2] =	sst s23  }
0xa3: {  	s2 =	sshll.u32 s24, $0x1;
	_ =	strace $0x8000004C;
	[dreg:$0x1] =	wrdreg $0xFFFFFFFF  }
0xa4: {  	s25 =	simm.s32 $_size_execute0_lowered;
	s0 =	sadd.s32 s0, s2;
	[dreg:$0x0] =	wrdreg $0x0  }
0xa5: {  	s2 =	sshll.u32 s25, $0x1;
	[dreg:$0x2] =	wrdreg s0  }
0xa6: {  	[dreg:$0x3] =	wrdreg s2  }
0xa7: {  	[dreg:$0x4] =	wrdreg $0xC0  }
0xa8: {  	_ =	task [dreg:s4], $0x5FFFF  }
0xa9: {  	[dreg:$0x1] =	wrdreg $0xFFFFFFFF  }
0xaa: {  	[dreg:$0x0] =	wrdreg $0x60  }
0xab: {  	[dreg:$0x2] =	wrdreg s22  }
0xac: {  	[dreg:$0x3] =	wrdreg $0x9  }
0xad: {  	_ =	task.clear_ibuf [dreg:s4], $0x4FFFF;
	_ =	strace $0x9000004C  }
0xae: {  	s26 =	simm.s32 $0x9;
	_ =	strace $0x8000004E  }
0xaf: {  	_ =	swait.ge [sflag:s26], $0x1  }
0xb0: {  	[sflag:s26] =	ssyncadd.s32 $0xFFFFFFFF  }
0xb1: {  	_ =	strace $0x9000004E  }
0xb2: {  	_ =	sfence  }
0xb3: {  	s28 =	sld [smem:$0x0];
	_ =	sdelay $0x1  }
0xb4: {  	s29 =	srdreg.scid  }
0xb5: {  	s30 =	sshll.u32 s29, $0xD;
	s31 =	sshrl.u32 s29, $0x2  }
0xb6: {  	s1 =	sand.u32 $0x1, s29;
	s2 =	sand.u32 $0x4000, s30;
	s0 =	sadd.s32 s31, s28  }
0xb7: {  	s1 =	sor.u32 s2, s1;
	s0 =	sshll.u32 s0, $0x11  }
0xb8: {  	s0 =	sor.u32 s0, s1  }
0xb9: {  	s0 =	sadd.s32 $0x8F2B, s0  }
0xba: {  	[sflag:s0] =	ssyncadd.remote.s32 $0x1  }
0xbb: {  	_ =	sfence.sel $0xFFFF  }
0xbc: {  	[dreg:$0x0] =	wrdreg $0xFFFFFFFF;
	(pc) =	sbr.abs _section_cstart, $3  }
0xbd: {  	[dreg:$0x1] =	wrdreg $0xFFFFFFFF  }
0xbe: {  	_ =	task.clear_ibuf [dreg:s4], $0x2FFFF;
	_ =	strace $0x9FFFFFFF  }
0xbf: {  	(tm) =	ssettm $0x7FFFFFFF  }
tec
execute0_lowered:
.L_overlay_start_1:
0x0: {  	(tag) =	ssettag $0x1  }
0x1: {  	s9 =	rddreg [dreg:$0x0];
	s1 =	stileid.u32  }
0x2: {  	s0 =	rddreg [dreg:$0x1];
	s2 =	simm.s32 $0x0;
	s3 =	sshll.u32 s1, $0x7  }
0x3: {  	[smem:$0x7FF] =	sst s2;
	s3 =	sadd.s32 s3, s9  }
0x4: {  	s23 =	simm.s32 $0x9;
	_ =	strace $0x8000004D;
	s4 =	sadd.s32 $0x92800, s3  }
0x5: {  	[tilespmem:s2], [sflag:$0x9] =	stream.linear.gather [hbm4b:s4+s2], $0x400, $0x38;
	[tilespmem:$0x10800] =	vst v63  }
0x6: {  	_ =	swait.ge [sflag:s23], $0x400  }
0x7: {  	[sflag:s23] =	ssyncset.done $0x0  }
0x8: {  	s8 =	simm.s32 $0x400;
	s3 =	sadd.s32 $0x92000, s3;
	[sflag:s23] =	ssyncadd.s32 $0xFFFFFC00  }
0x9: {  	[tilespmem:s8], [sflag:$0x9] =	stream.linear.gather [hbm4b:s3+s2], $0x400, $0x38;
	[tilespmem:$0x10800] =	vst v63  }
0xa: {  	_ =	swait.ge [sflag:s23], $0x400  }
0xb: {  	s11 =	simm.s32 $0x80;
	[sflag:s23] =	ssyncset.done $0x0  }
0xc: {  	s5 =	simm.s32 $0x800;
	s7 =	sadd.s32 $0x6000, s9;
	[sflag:s23] =	ssyncadd.s32 $0xFFFFFC00  }
0xd: {  	[tilespmem:s5], [sflag:$0x1] =	stream.indirect.gather [hbm4b:s7+s11], $0x80, s2, s11, $0xb8;
	[tilespmem:$0x10800] =	vst v63  }
0xe: {  	s6 =	simm.s32 $0x8800  }
0xf: {  	[tilespmem:s6], [sflag:$0x3] =	stream.indirect.gather [hbm4b:s7+s11], $0x80, s8, s11, $0xb8;
	[tilespmem:$0x10800] =	vst v63  }
0x10: {  	s3 =	simm.s32 $0x4800  }
0x11: {  	[tilespmem:s3], [sflag:$0x2] =	stream.indirect.gather [hbm4b:s7+s11], $0x80, s11, s11, $0xb8;
	[tilespmem:$0x10800] =	vst v63  }
0x12: {  	s24 =	simm.s32 $0x480;
	s14 =	simm.s32 $0x1;
	s4 =	simm.s32 $0xC800  }
0x13: {  	[tilespmem:s4], [sflag:$0x4] =	stream.indirect.gather [hbm4b:s7+s11], $0x80, s24, s11, $0xb8;
	[tilespmem:$0x10800] =	vst v63  }
0x14: {  	_ =	swait.ge [sflag:s14], $0x4000  }
0x15: {  	[sflag:s14] =	ssyncset.done $0x0  }
0x16: {  	s15 =	simm.s32 $0x3;
	[sflag:s14] =	ssyncadd.s32 $0xFFFFC000  }
0x17: {  	_ =	swait.ge [sflag:s15], $0x4000  }
0x18: {  	s10 =	sshll.u32 s1, $0xE;
	s8 =	sadd.s32 $0x2E000, s9;
	[sflag:s15] =	ssyncset.done $0x0  }
0x19: {  	s9 =	sadd.s32 $0x93000, s9;
	s12 =	sadd.s32 s8, s10;
	[sflag:s15] =	ssyncadd.s32 $0xFFFFC000  }
0x1a: {  	[hbm4b:s12+s2] =	stream.linear.scatter [tilespmem:s5], [sflag:$0x5], $0x4000, $0x38;
	[tilespmem:$0x10800] =	vst v63  }
0x1b: {  	s25 =	sadd.s32 s9, s10;
	s12 =	simm.s32 $0x5  }
0x1c: {  	[hbm4b:s25+s2] =	stream.linear.scatter [tilespmem:s6], [sflag:$0x7], $0x4000, $0x38;
	[tilespmem:$0x10800] =	vst v63  }
0x1d: {  	_ =	swait.ge [sflag:s12], $0x4000  }
0x1e: {  	[sflag:s12] =	ssyncset.done $0x0  }
0x1f: {  	s13 =	simm.s32 $0x7;
	[sflag:s12] =	ssyncadd.s32 $0xFFFFC000  }
0x20: {  	_ =	swait.ge [sflag:s13], $0x4000  }
0x21: {  	[sflag:s13] =	ssyncset.done $0x0  }
0x22: {  	s16 =	simm.s32 $0x100;
	[sflag:s13] =	ssyncadd.s32 $0xFFFFC000  }
0x23: {  	[tilespmem:s5], [sflag:$0x1] =	stream.indirect.gather [hbm4b:s7+s11], $0x80, s16, s11, $0xb8;
	[tilespmem:$0x10800] =	vst v63  }
0x24: {  	s26 =	simm.s32 $0x500;
	s18 =	simm.s32 $0x2  }
0x25: {  	[tilespmem:s6], [sflag:$0x3] =	stream.indirect.gather [hbm4b:s7+s11], $0x80, s26, s11, $0xb8;
	[tilespmem:$0x10800] =	vst v63  }
0x26: {  	_ =	swait.ge [sflag:s18], $0x4000  }
0x27: {  	[sflag:s18] =	ssyncset.done $0x0  }
0x28: {  	s19 =	simm.s32 $0x4;
	[sflag:s18] =	ssyncadd.s32 $0xFFFFC000  }
0x29: {  	_ =	swait.ge [sflag:s19], $0x4000  }
0x2a: {  	s28 =	sor.u32 $0x800, s10;
	[sflag:s19] =	ssyncset.done $0x0  }
0x2b: {  	s17 =	sadd.s32 s8, s28;
	[sflag:s19] =	ssyncadd.s32 $0xFFFFC000  }
0x2c: {  	[hbm4b:s17+s2] =	stream.linear.scatter [tilespmem:s3], [sflag:$0x6], $0x4000, $0x38;
	[tilespmem:$0x10800] =	vst v63  }
0x2d: {  	s16 =	sadd.s32 s9, s28  }
0x2e: {  	[hbm4b:s16+s2] =	stream.linear.scatter [tilespmem:s4], [sflag:$0x8], $0x4000, $0x38;
	[tilespmem:$0x10800] =	vst v63  }
0x2f: {  	s16 =	simm.s32 $0x6  }
0x30: {  	_ =	swait.ge [sflag:s16], $0x4000  }
0x31: {  	[sflag:s16] =	ssyncset.done $0x0  }
0x32: {  	s17 =	simm.s32 $0x8;
	[sflag:s16] =	ssyncadd.s32 $0xFFFFC000  }
0x33: {  	_ =	swait.ge [sflag:s17], $0x4000  }
0x34: {  	[sflag:s17] =	ssyncset.done $0x0  }
0x35: {  	s20 =	simm.s32 $0x180;
	[sflag:s17] =	ssyncadd.s32 $0xFFFFC000  }
0x36: {  	[tilespmem:s3], [sflag:$0x2] =	stream.indirect.gather [hbm4b:s7+s11], $0x80, s20, s11, $0xb8;
	[tilespmem:$0x10800] =	vst v63  }
0x37: {  	s29 =	simm.s32 $0x580  }
0x38: {  	[tilespmem:s4], [sflag:$0x4] =	stream.indirect.gather [hbm4b:s7+s11], $0x80, s29, s11, $0xb8;
	[tilespmem:$0x10800] =	vst v63  }
0x39: {  	_ =	swait.ge [sflag:s14], $0x4000  }
0x3a: {  	[sflag:s14] =	ssyncset.done $0x0  }
0x3b: {  	[sflag:s14] =	ssyncadd.s32 $0xFFFFC000  }
0x3c: {  	_ =	swait.ge [sflag:s15], $0x4000  }
0x3d: {  	s30 =	sor.u32 $0x1000, s10;
	[sflag:s15] =	ssyncset.done $0x0  }
0x3e: {  	s21 =	sadd.s32 s8, s30;
	[sflag:s15] =	ssyncadd.s32 $0xFFFFC000  }
0x3f: {  	[hbm4b:s21+s2] =	stream.linear.scatter [tilespmem:s5], [sflag:$0x5], $0x4000, $0x38;
	[tilespmem:$0x10800] =	vst v63  }
0x40: {  	s20 =	sadd.s32 s9, s30  }
0x41: {  	[hbm4b:s20+s2] =	stream.linear.scatter [tilespmem:s6], [sflag:$0x7], $0x4000, $0x38;
	[tilespmem:$0x10800] =	vst v63  }
0x42: {  	_ =	swait.ge [sflag:s12], $0x4000  }
0x43: {  	[sflag:s12] =	ssyncset.done $0x0  }
0x44: {  	[sflag:s12] =	ssyncadd.s32 $0xFFFFC000  }
0x45: {  	_ =	swait.ge [sflag:s13], $0x4000  }
0x46: {  	[sflag:s13] =	ssyncset.done $0x0  }
0x47: {  	s31 =	simm.s32 $0x200;
	[sflag:s13] =	ssyncadd.s32 $0xFFFFC000  }
0x48: {  	[tilespmem:s5], [sflag:$0x1] =	stream.indirect.gather [hbm4b:s7+s11], $0x80, s31, s11, $0xb8;
	[tilespmem:$0x10800] =	vst v63  }
0x49: {  	s21 =	simm.s32 $0x600  }
0x4a: {  	[tilespmem:s6], [sflag:$0x3] =	stream.indirect.gather [hbm4b:s7+s11], $0x80, s21, s11, $0xb8;
	[tilespmem:$0x10800] =	vst v63  }
0x4b: {  	_ =	swait.ge [sflag:s18], $0x4000  }
0x4c: {  	[sflag:s18] =	ssyncset.done $0x0  }
0x4d: {  	[sflag:s18] =	ssyncadd.s32 $0xFFFFC000  }
0x4e: {  	_ =	swait.ge [sflag:s19], $0x4000  }
0x4f: {  	s22 =	sor.u32 $0x1800, s10;
	[sflag:s19] =	ssyncset.done $0x0  }
0x50: {  	s23 =	sadd.s32 s8, s22;
	[sflag:s19] =	ssyncadd.s32 $0xFFFFC000  }
0x51: {  	[hbm4b:s23+s2] =	stream.linear.scatter [tilespmem:s3], [sflag:$0x6], $0x4000, $0x38;
	[tilespmem:$0x10800] =	vst v63  }
0x52: {  	s20 =	sadd.s32 s9, s22  }
0x53: {  	[hbm4b:s20+s2] =	stream.linear.scatter [tilespmem:s4], [sflag:$0x8], $0x4000, $0x38;
	[tilespmem:$0x10800] =	vst v63  }
0x54: {  	_ =	swait.ge [sflag:s16], $0x4000  }
0x55: {  	[sflag:s16] =	ssyncset.done $0x0  }
0x56: {  	[sflag:s16] =	ssyncadd.s32 $0xFFFFC000  }
0x57: {  	_ =	swait.ge [sflag:s17], $0x4000  }
0x58: {  	[sflag:s17] =	ssyncset.done $0x0  }
0x59: {  	s24 =	simm.s32 $0x280;
	[sflag:s17] =	ssyncadd.s32 $0xFFFFC000  }
0x5a: {  	[tilespmem:s3], [sflag:$0x2] =	stream.indirect.gather [hbm4b:s7+s11], $0x80, s24, s11, $0xb8;
	[tilespmem:$0x10800] =	vst v63  }
0x5b: {  	s25 =	simm.s32 $0x680  }
0x5c: {  	[tilespmem:s4], [sflag:$0x4] =	stream.indirect.gather [hbm4b:s7+s11], $0x80, s25, s11, $0xb8;
	[tilespmem:$0x10800] =	vst v63  }
0x5d: {  	_ =	swait.ge [sflag:s14], $0x4000  }
0x5e: {  	[sflag:s14] =	ssyncset.done $0x0  }
0x5f: {  	[sflag:s14] =	ssyncadd.s32 $0xFFFFC000  }
0x60: {  	_ =	swait.ge [sflag:s15], $0x4000  }
0x61: {  	s26 =	sor.u32 $0x2000, s10;
	[sflag:s15] =	ssyncset.done $0x0  }
0x62: {  	s28 =	sadd.s32 s8, s26;
	[sflag:s15] =	ssyncadd.s32 $0xFFFFC000  }
0x63: {  	[hbm4b:s28+s2] =	stream.linear.scatter [tilespmem:s5], [sflag:$0x5], $0x4000, $0x38;
	[tilespmem:$0x10800] =	vst v63  }
0x64: {  	s20 =	sadd.s32 s9, s26  }
0x65: {  	[hbm4b:s20+s2] =	stream.linear.scatter [tilespmem:s6], [sflag:$0x7], $0x4000, $0x38;
	[tilespmem:$0x10800] =	vst v63  }
0x66: {  	_ =	swait.ge [sflag:s12], $0x4000  }
0x67: {  	[sflag:s12] =	ssyncset.done $0x0  }
0x68: {  	[sflag:s12] =	ssyncadd.s32 $0xFFFFC000  }
0x69: {  	_ =	swait.ge [sflag:s13], $0x4000  }
0x6a: {  	[sflag:s13] =	ssyncset.done $0x0  }
0x6b: {  	s29 =	simm.s32 $0x300;
	[sflag:s13] =	ssyncadd.s32 $0xFFFFC000  }
0x6c: {  	[tilespmem:s5], [sflag:$0x1] =	stream.indirect.gather [hbm4b:s7+s11], $0x80, s29, s11, $0xb8;
	[tilespmem:$0x10800] =	vst v63  }
0x6d: {  	s30 =	simm.s32 $0x700  }
0x6e: {  	[tilespmem:s6], [sflag:$0x3] =	stream.indirect.gather [hbm4b:s7+s11], $0x80, s30, s11, $0xb8;
	[tilespmem:$0x10800] =	vst v63  }
0x6f: {  	_ =	swait.ge [sflag:s18], $0x4000  }
0x70: {  	[sflag:s18] =	ssyncset.done $0x0  }
0x71: {  	[sflag:s18] =	ssyncadd.s32 $0xFFFFC000  }
0x72: {  	_ =	swait.ge [sflag:s19], $0x4000  }
0x73: {  	s31 =	sor.u32 $0x2800, s10;
	[sflag:s19] =	ssyncset.done $0x0  }
0x74: {  	s22 =	sadd.s32 s8, s31;
	[sflag:s19] =	ssyncadd.s32 $0xFFFFC000  }
0x75: {  	[hbm4b:s22+s2] =	stream.linear.scatter [tilespmem:s3], [sflag:$0x6], $0x4000, $0x38;
	[tilespmem:$0x10800] =	vst v63  }
0x76: {  	s20 =	sadd.s32 s9, s31  }
0x77: {  	[hbm4b:s20+s2] =	stream.linear.scatter [tilespmem:s4], [sflag:$0x8], $0x4000, $0x38;
	[tilespmem:$0x10800] =	vst v63  }
0x78: {  	_ =	swait.ge [sflag:s16], $0x4000  }
0x79: {  	[sflag:s16] =	ssyncset.done $0x0  }
0x7a: {  	[sflag:s16] =	ssyncadd.s32 $0xFFFFC000  }
0x7b: {  	_ =	swait.ge [sflag:s17], $0x4000  }
0x7c: {  	[sflag:s17] =	ssyncset.done $0x0  }
0x7d: {  	s23 =	simm.s32 $0x380;
	[sflag:s17] =	ssyncadd.s32 $0xFFFFC000  }
0x7e: {  	[tilespmem:s3], [sflag:$0x2] =	stream.indirect.gather [hbm4b:s7+s11], $0x80, s23, s11, $0xb8;
	[tilespmem:$0x10800] =	vst v63  }
0x7f: {  	s24 =	simm.s32 $0x780  }
0x80: {  	[tilespmem:s4], [sflag:$0x4] =	stream.indirect.gather [hbm4b:s7+s11], $0x80, s24, s11, $0xb8;
	[tilespmem:$0x10800] =	vst v63  }
0x81: {  	_ =	swait.ge [sflag:s14], $0x4000  }
0x82: {  	[sflag:s14] =	ssyncset.done $0x0  }
0x83: {  	[sflag:s14] =	ssyncadd.s32 $0xFFFFC000  }
0x84: {  	_ =	swait.ge [sflag:s15], $0x4000  }
0x85: {  	s25 =	sor.u32 $0x3000, s10;
	[sflag:s15] =	ssyncset.done $0x0  }
0x86: {  	s26 =	sadd.s32 s8, s25;
	[sflag:s15] =	ssyncadd.s32 $0xFFFFC000  }
0x87: {  	[hbm4b:s26+s2] =	stream.linear.scatter [tilespmem:s5], [sflag:$0x5], $0x4000, $0x38;
	[tilespmem:$0x10800] =	vst v63  }
0x88: {  	s28 =	sadd.s32 s9, s25  }
0x89: {  	[hbm4b:s28+s2] =	stream.linear.scatter [tilespmem:s6], [sflag:$0x7], $0x4000, $0x38;
	[tilespmem:$0x10800] =	vst v63  }
0x8a: {  	_ =	swait.ge [sflag:s18], $0x4000  }
0x8b: {  	[sflag:s18] =	ssyncset.done $0x0  }
0x8c: {  	[sflag:s18] =	ssyncadd.s32 $0xFFFFC000  }
0x8d: {  	_ =	swait.ge [sflag:s19], $0x4000  }
0x8e: {  	s29 =	sor.u32 $0x3800, s10;
	[sflag:s19] =	ssyncset.done $0x0  }
0x8f: {  	s30 =	sadd.s32 s8, s29;
	[sflag:s19] =	ssyncadd.s32 $0xFFFFC000  }
0x90: {  	[hbm4b:s30+s2] =	stream.linear.scatter [tilespmem:s3], [sflag:$0x6], $0x4000, $0x38;
	[tilespmem:$0x10800] =	vst v63  }
0x91: {  	s31 =	sadd.s32 s9, s29  }
0x92: {  	[hbm4b:s31+s2] =	stream.linear.scatter [tilespmem:s4], [sflag:$0x8], $0x4000, $0x38;
	[tilespmem:$0x10800] =	vst v63  }
0x93: {  	_ =	swait.ge [sflag:s12], $0x4000  }
0x94: {  	[sflag:s12] =	ssyncset.done $0x0  }
0x95: {  	[sflag:s12] =	ssyncadd.s32 $0xFFFFC000  }
0x96: {  	_ =	swait.ge [sflag:s13], $0x4000  }
0x97: {  	[sflag:s13] =	ssyncset.done $0x0  }
0x98: {  	[sflag:s13] =	ssyncadd.s32 $0xFFFFC000  }
0x99: {  	_ =	swait.ge [sflag:s16], $0x4000  }
0x9a: {  	[sflag:s16] =	ssyncset.done $0x0  }
0x9b: {  	[sflag:s16] =	ssyncadd.s32 $0xFFFFC000  }
0x9c: {  	_ =	swait.ge [sflag:s17], $0x4000  }
0x9d: {  	[sflag:s17] =	ssyncset.done $0x0  }
0x9e: {  	[sflag:s17] =	ssyncadd.s32 $0xFFFFC000  }
0x9f: {  	_ =	sfence.sel $0x180000  }
0xa0: {  	[bflag:$0x0] =	sbarrier.arrive $0xFFFF  }
0xa1: {  	p0 =	sne.s32 s1, $0x0;
	_ =	strace $0x9000004D  }
0xa2: {  	s0 =	sadd.s32 @!p0 $0x100000, s0;
	[bflag:$0x2] =	sbarrier.arrive $0xFFFF  }
0xa3: {  	[sflag:s0] =	ssyncadd.tile.s32 @!p0 $0x1;
	_ =	shalt  }
.Lfunc_end2:
_tile_overlayer_lowered:
.L_overlay_start_2:
0xa4: {  	(tag) =	ssettag $0x2  }
0xa5: {  	s0 =	rddreg [dreg:$0x0];
	s2 =	stileid.u32  }
0xa6: {  	s1 =	rddreg [dreg:$0x1];
	p0 =	sne.s32 s2, $0x0  }
0xa7: {  	s3 =	rddreg [dreg:$0x2];
	[bflag:$0x3] =	sbarrier.arrive $0xFFFF;
	s2 =	simm.s32 @!p0 $0x1C09  }
0xa8: {  	[timem:s3], [sflag:s2] =	dma.local @!p0 [hbm:s0], s1  }
0xa9: {  	s0 =	simm.s32 @!p0 $0x9  }
0xaa: {  	_ =	swait.ge @!p0 [sflag:s0], s1  }
0xab: {  	s1 =	ssub.s32 @!p0 $0x0, s1;
	[sflag:s0] =	ssyncset.done @!p0 $0x0  }
0xac: {  	[sflag:s0] =	ssyncadd.s32 @!p0 s1  }
0xad: {  	[bflag:$0x3] =	sbarrier.arrive $0xFFFF  }
0xae: {  	_ =	shalt  }

// kernel: kernel.26.cloned.1.call-start
scs
__scs_entry_jumppad:
0x0: {  	(pc) =	sbr.rel $0x88, $3  }
0x1: {  	(tag) =	ssettag $0x0;
	lr =	simm.s32 $0x1  }
0x2: {  	[smem:$0x3F8F] =	sst lr;
	_ =	strace $0xD0000000  }
0x3: {  	_ = 	snop  }
0x4: {  	_ = 	snop  }
0x5: {  	_ = 	snop  }
0x6: {  	_ = 	snop  }
0x7: {  	_ = 	snop  }
__scs_overlays_trampoline_lowered:
0x8: {  	[smem:$0x3F9E] =	sst s0  }
0x9: {  	[smem:$0x3F9F] =	sst s1  }
0xa: {  	[smem:$0x3FA0] =	sst s2  }
0xb: {  	[smem:$0x3FA1] =	sst s3  }
0xc: {  	[smem:$0x3FA2] =	sst s4  }
0xd: {  	[smem:$0x3FA3] =	sst s5  }
0xe: {  	[smem:$0x3FA4] =	sst s6  }
0xf: {  	[smem:$0x3FA5] =	sst s7  }
0x10: {  	[smem:$0x3FA6] =	sst s8  }
0x11: {  	[smem:$0x3FA7] =	sst s9;
	s0 =	simm.s32 @!p0 $0x0  }
0x12: {  	s1 =	sld [smem:$0x3F8D];
	s0 =	simm.s32 @p0 $0x1  }
0x13: {  	[smem:$0x3FA8] =	sst s0;
	s0 =	simm.s32 @!p1 $0x0  }
0x14: {  	s2 =	sld [smem:$0x3F8C];
	s0 =	simm.s32 @p1 $0x1  }
0x15: {  	[smem:$0x3FA9] =	sst s0;
	s0 =	simm.s32 @!p2 $0x0  }
0x16: {  	s3 =	sld [smem:$0x3FDB];
	s0 =	simm.s32 @p2 $0x1  }
0x17: {  	s4 =	simm.s32 $0x1BF5;
	[smem:$0x3FAB] =	sst s0  }
0x18: {  	s0 =	sld [smem:$0x3F8E];
	_ =	swait.ge [sflag:s4], $0x0  }
0x19: {  	s7 =	sld [smem:$0x3F8F]  }
0x1a: {  	s8 =	sadd.s32 $0xFFFFE003, lr  }
0x1b: {  	s9 =	sadd.s32 $0xFFFFFEF7, lr;
	s5 =	simm.s32 $0xFFFFFFFF;
	p2 =	slt.u32 s8, $0xFFFFF086  }
0x1c: {  	p1 =	slt.u32 s9, $0xF7A;
	s5 =	simm.s32 @!p2 $0x0  }
0x1d: {  	s5 =	simm.s32 @p1 $0x1;
	p0 =	seq.s32 s7, s2  }
0x1e: {  	s7 =	smul.u32 @!p0 $0xF7A, s2;
	p2 =	seq.s32 @!p0 s5, $0x0  }
0x1f: {  	s9 =	smul.u32 $0xF7A, s1;
	s8 =	simm.s32 @!p0 $0x1BF5;
	p2 =	por !p2, p0  }
0x20: {  	[sflag:s8] =	ssyncset.s32 @!p0 $0xFFFFF086;
	s6 =	sadd.s32 @!p0 s3, s7;
	s7 =	simm.s32 @!p0 $0x108  }
0x21: {  	s3 =	sadd.s32 s3, s9;
	s6 =	sadd.s32 @!p0 $0x88, s6;
	s7 =	simm.s32 @p2 $0x1082  }
0x22: {  	[simem:s7], [sflag:s8] =	dma.local @!p0 [hbm:s6], $0xF7A  }
0x23: {  	s9 =	sor.u32 $0xD0000000, s2;
	s6 =	simm.s32 $0x108;
	_ =	swait.ge @!p0 [sflag:s8], $0x0  }
0x24: {  	s3 =	sadd.s32 $0x88, s3;
	s6 =	simm.s32 @!p1 $0x1082;
	[sflag:s4] =	ssyncset.s32 $0xFFFFF086  }
0x25: {  	[simem:s6], [sflag:s4] =	dma.local [hbm:s3], $0xF7A  }
0x26: {  	[smem:$0x3F8F] =	sst s1;
	(tag) =	ssettag s2;
	_ =	strace s9  }
0x27: {  	s1 =	sld [smem:$0x3F9F]  }
0x28: {  	s2 =	sld [smem:$0x3FA0]  }
0x29: {  	s4 =	sld [smem:$0x3FA2]  }
0x2a: {  	p0 =	seq.s32 s5, $0x0;
	s5 =	sld [smem:$0x3FA3]  }
0x2b: {  	s6 =	sld [smem:$0x3FA4]  }
0x2c: {  	s7 =	sld [smem:$0x3FA5]  }
0x2d: {  	s3 =	simm.s32 $0x108;
	s8 =	sld [smem:$0x3FA6]  }
0x2e: {  	s3 =	simm.s32 @!p0 $0x1082;
	s9 =	sld [smem:$0x3FA7]  }
0x2f: {  	lr =	sadd.s32 s0, s3;
	s0 =	sld [smem:$0x3F9E]  }
0x30: {  	s3 =	sld [smem:$0x3FA1]  }
0x31: {  	[smem:$0x3FAA] =	sst s10  }
0x32: {  	s10 =	sld [smem:$0x3FA8];
	_ =	sdelay $0x3  }
0x33: {  	p0 =	seq.s32 s10, $0x1;
	s10 =	sld [smem:$0x3FAA];
	_ =	sdelay $0x3  }
0x34: {  	[smem:$0x3FAA] =	sst s10  }
0x35: {  	s10 =	sld [smem:$0x3FA9];
	_ =	sdelay $0x3  }
0x36: {  	p1 =	seq.s32 s10, $0x1;
	s10 =	sld [smem:$0x3FAA];
	_ =	sdelay $0x3  }
0x37: {  	[smem:$0x3FAA] =	sst s10  }
0x38: {  	s10 =	sld [smem:$0x3FAB]  }
0x39: {  	_ = 	snop;
	(pc) =	sbr.ind lr, $3  }
0x3a: {  	_ = 	snop  }
0x3b: {  	_ = 	snop  }
0x3c: {  	p2 =	seq.s32 s10, $0x1;
	s10 =	sld [smem:$0x3FAA]  }
0x3d: {  	_ =	shalt  }
0x3e: {  	_ =	shalt  }
0x3f: {  	_ =	shalt  }
0x40: {  	_ =	shalt  }
0x41: {  	_ =	shalt  }
0x42: {  	_ =	shalt  }
0x43: {  	_ =	shalt  }
0x44: {  	_ =	shalt  }
0x45: {  	_ =	shalt  }
0x46: {  	_ =	shalt  }
0x47: {  	_ =	shalt  }
0x48: {  	_ =	shalt  }
0x49: {  	_ =	shalt  }
0x4a: {  	_ =	shalt  }
0x4b: {  	_ =	shalt  }
0x4c: {  	_ =	shalt  }
0x4d: {  	_ =	shalt  }
0x4e: {  	_ =	shalt  }
0x4f: {  	_ =	shalt  }
0x50: {  	_ =	shalt  }
0x51: {  	_ =	shalt  }
0x52: {  	_ =	shalt  }
0x53: {  	_ =	shalt  }
0x54: {  	_ =	shalt  }
0x55: {  	_ =	shalt  }
0x56: {  	_ =	shalt  }
0x57: {  	_ =	shalt  }
0x58: {  	_ =	shalt  }
0x59: {  	_ =	shalt  }
0x5a: {  	_ =	shalt  }
0x5b: {  	_ =	shalt  }
0x5c: {  	_ =	shalt  }
0x5d: {  	_ =	shalt  }
0x5e: {  	_ =	shalt  }
0x5f: {  	_ =	shalt  }
0x60: {  	_ =	shalt  }
0x61: {  	_ =	shalt  }
0x62: {  	_ =	shalt  }
0x63: {  	_ =	shalt  }
0x64: {  	_ =	shalt  }
0x65: {  	_ =	shalt  }
0x66: {  	_ =	shalt  }
0x67: {  	_ =	shalt  }
0x68: {  	_ =	shalt  }
0x69: {  	_ =	shalt  }
0x6a: {  	_ =	shalt  }
0x6b: {  	_ =	shalt  }
0x6c: {  	_ =	shalt  }
0x6d: {  	_ =	shalt  }
0x6e: {  	_ =	shalt  }
0x6f: {  	_ =	shalt  }
0x70: {  	_ =	shalt  }
0x71: {  	_ =	shalt  }
0x72: {  	_ =	shalt  }
0x73: {  	_ =	shalt  }
0x74: {  	_ =	shalt  }
0x75: {  	_ =	shalt  }
0x76: {  	_ =	shalt  }
0x77: {  	_ =	shalt  }
0x78: {  	_ =	shalt  }
0x79: {  	_ =	shalt  }
0x7a: {  	_ =	shalt  }
0x7b: {  	_ =	shalt  }
0x7c: {  	_ =	shalt  }
0x7d: {  	_ =	shalt  }
0x7e: {  	_ =	shalt  }
0x7f: {  	_ =	shalt  }
0x80: {  	_ =	shalt  }
0x81: {  	_ =	shalt  }
0x82: {  	_ =	shalt  }
0x83: {  	_ =	shalt  }
0x84: {  	_ =	shalt  }
0x85: {  	_ =	shalt  }
0x86: {  	_ =	shalt  }
0x87: {  	_ =	shalt  }
.Lfunc_end0:
.L_simem_size_0:
called_computation.3_lowered:
.L_overlay_start_0:
0x88: {  	s0 =	sld [smem:$0x3FD9]  }
0x89: {  	s1 =	sld [smem:$0x3FFE];
	_ =	sdelay $0x3  }
0x8a: {  	s0 =	sadd.s32 s1, s0  }
0x8b: {  	[smem:$0x3FB6] =	sst s0  }
0x8c: {  	_ = 	snop  }
0x8d: {  	(tm) =	ssettm $0x1  }
0x8e: {  	s15 =	sld [smem:$0x3FFB];
	_ =	sdelay $0x3  }
0x8f: {  	_ =	strace s15  }
0x90: {  	s0 =	sld [smem:$0x3FFC];
	_ =	sdelay $0x3  }
0x91: {  	_ =	strace s0  }
0x92: {  	s0 =	sld [smem:$0x3FFD];
	_ =	sdelay $0x3  }
0x93: {  	_ =	strace s0  }
0x94: {  	_ =	strace $0x8FFFFFFF  }
0x95: {  	s16 =	sld [smem:$0x3FDB];
	_ =	sdelay $0x1  }
0x96: {  	s17 =	simm.s32 $_scs_section_size  }
0x97: {  	s2 =	simm.s32 $_size__tile_overlayer_lowered;
	s3 =	simm.s32 $_tile_overlayer_lowered  }
0x98: {  	s20 =	simm.s32 $0x1BFF;
	s19 =	sshll.u32 s3, $0x1;
	s0 =	sadd.s32 s17, s16  }
0x99: {  	s4 =	simm.s32 $0x0;
	s18 =	sshll.u32 s2, $0x1;
	s2 =	sadd.s32 s19, s0  }
0x9a: {  	[timem:s4], [sflag:s20] =	dma.local [hbm:s2], s18  }
0x9b: {  	_ =	swait.ge [sflag:s20], s18  }
0x9c: {  	s1 =	ssub.s32 $0x0, s18;
	[sflag:s20] =	ssyncset.done $0x0  }
0x9d: {  	[sflag:s20] =	ssyncadd.s32 s1;
	_ =	sdelay $0x1  }
0x9e: {  	s21 =	simm.s32 $0x1B8B  }
0x9f: {  	_ =	swait.ge [sflag:s21], $0x1  }
0xa0: {  	[sflag:s21] =	ssyncset.done $0x0  }
0xa1: {  	s23 =	simm.s32 $0x1B8E;
	s22 =	sld [smem:$0x3FFE];
	[sflag:s21] =	ssyncadd.s32 $0xFFFFFFFF  }
0xa2: {  	s24 =	simm.s32 $execute0_lowered;
	[smem:$0x3FD2] =	sst s23  }
0xa3: {  	s2 =	sshll.u32 s24, $0x1;
	_ =	strace $0x8000004F;
	[dreg:$0x1] =	wrdreg $0xFFFFFFFF  }
0xa4: {  	s25 =	simm.s32 $_size_execute0_lowered;
	s0 =	sadd.s32 s0, s2;
	[dreg:$0x0] =	wrdreg $0x0  }
0xa5: {  	s2 =	sshll.u32 s25, $0x1;
	[dreg:$0x2] =	wrdreg s0  }
0xa6: {  	[dreg:$0x3] =	wrdreg s2  }
0xa7: {  	[dreg:$0x4] =	wrdreg $0xC0  }
0xa8: {  	_ =	task [dreg:s4], $0x5FFFF  }
0xa9: {  	[dreg:$0x1] =	wrdreg $0xFFFFFFFF  }
0xaa: {  	[dreg:$0x0] =	wrdreg $0x60  }
0xab: {  	[dreg:$0x2] =	wrdreg s22  }
0xac: {  	[dreg:$0x3] =	wrdreg $0xA  }
0xad: {  	_ =	task.clear_ibuf [dreg:s4], $0x4FFFF;
	_ =	strace $0x9000004F  }
0xae: {  	s26 =	simm.s32 $0xA;
	_ =	strace $0x80000051  }
0xaf: {  	_ =	swait.ge [sflag:s26], $0x1  }
0xb0: {  	[sflag:s26] =	ssyncadd.s32 $0xFFFFFFFF  }
0xb1: {  	_ =	strace $0x90000051  }
0xb2: {  	_ =	sfence  }
0xb3: {  	s28 =	sld [smem:$0x0];
	_ =	sdelay $0x1  }
0xb4: {  	s29 =	srdreg.scid  }
0xb5: {  	s30 =	sshll.u32 s29, $0xD;
	s31 =	sshrl.u32 s29, $0x2  }
0xb6: {  	s1 =	sand.u32 $0x1, s29;
	s2 =	sand.u32 $0x4000, s30;
	s0 =	sadd.s32 s31, s28  }
0xb7: {  	s1 =	sor.u32 s2, s1;
	s0 =	sshll.u32 s0, $0x11  }
0xb8: {  	s0 =	sor.u32 s0, s1  }
0xb9: {  	s0 =	sadd.s32 $0x8F2B, s0  }
0xba: {  	[sflag:s0] =	ssyncadd.remote.s32 $0x1  }
0xbb: {  	_ =	sfence.sel $0xFFFF  }
0xbc: {  	[dreg:$0x0] =	wrdreg $0xFFFFFFFF;
	(pc) =	sbr.abs _section_cstart, $3  }
0xbd: {  	[dreg:$0x1] =	wrdreg $0xFFFFFFFF  }
0xbe: {  	_ =	task.clear_ibuf [dreg:s4], $0x2FFFF;
	_ =	strace $0x9FFFFFFF  }
0xbf: {  	(tm) =	ssettm $0x7FFFFFFF  }
tec
execute0_lowered:
.L_overlay_start_1:
0x0: {  	(tag) =	ssettag $0x1  }
0x1: {  	s3 =	rddreg [dreg:$0x0];
	s1 =	stileid.u32  }
0x2: {  	s0 =	rddreg [dreg:$0x1];
	s6 =	simm.s32 $0x0;
	s2 =	sshll.u32 s1, $0x8  }
0x3: {  	[smem:$0x7FF] =	sst s6;
	s2 =	sadd.s32 s2, s3  }
0x4: {  	s23 =	simm.s32 $0x9;
	_ =	strace $0x80000050;
	s4 =	sadd.s32 $0x6F000, s2  }
0x5: {  	[tilespmem:s6], [sflag:$0x9] =	stream.linear.gather [hbm4b:s4+s6], $0x800, $0x38;
	[tilespmem:$0x11000] =	vst v63  }
0x6: {  	_ =	swait.ge [sflag:s23], $0x800  }
0x7: {  	[sflag:s23] =	ssyncset.done $0x0  }
0x8: {  	s10 =	simm.s32 $0x800;
	s2 =	sadd.s32 $0x6E000, s2;
	[sflag:s23] =	ssyncadd.s32 $0xFFFFF800  }
0x9: {  	[tilespmem:s10], [sflag:$0x9] =	stream.linear.gather [hbm4b:s2+s6], $0x800, $0x38;
	[tilespmem:$0x11000] =	vst v63  }
0xa: {  	_ =	swait.ge [sflag:s23], $0x800  }
0xb: {  	s7 =	simm.s32 $0x80;
	[sflag:s23] =	ssyncset.done $0x0  }
0xc: {  	s8 =	simm.s32 $0x1000;
	s5 =	sadd.s32 $0x6000, s3;
	[sflag:s23] =	ssyncadd.s32 $0xFFFFF800  }
0xd: {  	[tilespmem:s8], [sflag:$0x1] =	stream.indirect.gather [hbm4b:s5+s7], $0x80, s6, s7, $0xb8;
	[tilespmem:$0x11000] =	vst v63  }
0xe: {  	s9 =	simm.s32 $0x9000  }
0xf: {  	[tilespmem:s9], [sflag:$0x3] =	stream.indirect.gather [hbm4b:s5+s7], $0x80, s10, s7, $0xb8;
	[tilespmem:$0x11000] =	vst v63  }
0x10: {  	s10 =	simm.s32 $0x5000  }
0x11: {  	[tilespmem:s10], [sflag:$0x2] =	stream.indirect.gather [hbm4b:s5+s7], $0x80, s7, s7, $0xb8;
	[tilespmem:$0x11000] =	vst v63  }
0x12: {  	s24 =	simm.s32 $0x880;
	s11 =	simm.s32 $0xD000;
	s12 =	simm.s32 $0x1  }
0x13: {  	[tilespmem:s11], [sflag:$0x4] =	stream.indirect.gather [hbm4b:s5+s7], $0x80, s24, s7, $0xb8;
	[tilespmem:$0x11000] =	vst v63  }
0x14: {  	_ =	swait.ge [sflag:s12], $0x4000  }
0x15: {  	[sflag:s12] =	ssyncset.done $0x0  }
0x16: {  	s13 =	simm.s32 $0x3;
	[sflag:s12] =	ssyncadd.s32 $0xFFFFC000  }
0x17: {  	_ =	swait.ge [sflag:s13], $0x4000  }
0x18: {  	s4 =	sshll.u32 s1, $0xF;
	s2 =	sadd.s32 $0xD3000, s3;
	[sflag:s13] =	ssyncset.done $0x0  }
0x19: {  	s3 =	sadd.s32 $0x153000, s3;
	s20 =	sadd.s32 s2, s4;
	[sflag:s13] =	ssyncadd.s32 $0xFFFFC000  }
0x1a: {  	[hbm4b:s20+s6] =	stream.linear.scatter [tilespmem:s8], [sflag:$0x5], $0x4000, $0x38;
	[tilespmem:$0x11000] =	vst v63  }
0x1b: {  	s14 =	simm.s32 $0x5;
	s21 =	sadd.s32 s3, s4  }
0x1c: {  	[hbm4b:s21+s6] =	stream.linear.scatter [tilespmem:s9], [sflag:$0x7], $0x4000, $0x38;
	[tilespmem:$0x11000] =	vst v63  }
0x1d: {  	_ =	swait.ge [sflag:s14], $0x4000  }
0x1e: {  	[sflag:s14] =	ssyncset.done $0x0  }
0x1f: {  	s15 =	simm.s32 $0x7;
	[sflag:s14] =	ssyncadd.s32 $0xFFFFC000  }
0x20: {  	_ =	swait.ge [sflag:s15], $0x4000  }
0x21: {  	[sflag:s15] =	ssyncset.done $0x0  }
0x22: {  	s16 =	simm.s32 $0x100;
	[sflag:s15] =	ssyncadd.s32 $0xFFFFC000  }
0x23: {  	[tilespmem:s8], [sflag:$0x1] =	stream.indirect.gather [hbm4b:s5+s7], $0x80, s16, s7, $0xb8;
	[tilespmem:$0x11000] =	vst v63  }
0x24: {  	s25 =	simm.s32 $0x900;
	s16 =	simm.s32 $0x2  }
0x25: {  	[tilespmem:s9], [sflag:$0x3] =	stream.indirect.gather [hbm4b:s5+s7], $0x80, s25, s7, $0xb8;
	[tilespmem:$0x11000] =	vst v63  }
0x26: {  	_ =	swait.ge [sflag:s16], $0x4000  }
0x27: {  	[sflag:s16] =	ssyncset.done $0x0  }
0x28: {  	s17 =	simm.s32 $0x4;
	[sflag:s16] =	ssyncadd.s32 $0xFFFFC000  }
0x29: {  	_ =	swait.ge [sflag:s17], $0x4000  }
0x2a: {  	s18 =	sor.u32 $0x800, s4;
	[sflag:s17] =	ssyncset.done $0x0  }
0x2b: {  	s19 =	sadd.s32 s2, s18;
	[sflag:s17] =	ssyncadd.s32 $0xFFFFC000  }
0x2c: {  	[hbm4b:s19+s6] =	stream.linear.scatter [tilespmem:s10], [sflag:$0x6], $0x4000, $0x38;
	[tilespmem:$0x11000] =	vst v63  }
0x2d: {  	s18 =	sadd.s32 s3, s18  }
0x2e: {  	[hbm4b:s18+s6] =	stream.linear.scatter [tilespmem:s11], [sflag:$0x8], $0x4000, $0x38;
	[tilespmem:$0x11000] =	vst v63  }
0x2f: {  	s18 =	simm.s32 $0x6  }
0x30: {  	_ =	swait.ge [sflag:s18], $0x4000  }
0x31: {  	[sflag:s18] =	ssyncset.done $0x0  }
0x32: {  	s19 =	simm.s32 $0x8;
	[sflag:s18] =	ssyncadd.s32 $0xFFFFC000  }
0x33: {  	_ =	swait.ge [sflag:s19], $0x4000  }
0x34: {  	[sflag:s19] =	ssyncset.done $0x0  }
0x35: {  	s22 =	simm.s32 $0x180;
	[sflag:s19] =	ssyncadd.s32 $0xFFFFC000  }
0x36: {  	[tilespmem:s10], [sflag:$0x2] =	stream.indirect.gather [hbm4b:s5+s7], $0x80, s22, s7, $0xb8;
	[tilespmem:$0x11000] =	vst v63  }
0x37: {  	s26 =	simm.s32 $0x980  }
0x38: {  	[tilespmem:s11], [sflag:$0x4] =	stream.indirect.gather [hbm4b:s5+s7], $0x80, s26, s7, $0xb8;
	[tilespmem:$0x11000] =	vst v63  }
0x39: {  	_ =	swait.ge [sflag:s12], $0x4000  }
0x3a: {  	[sflag:s12] =	ssyncset.done $0x0  }
0x3b: {  	[sflag:s12] =	ssyncadd.s32 $0xFFFFC000  }
0x3c: {  	_ =	swait.ge [sflag:s13], $0x4000  }
0x3d: {  	[sflag:s13] =	ssyncset.done $0x0  }
0x3e: {  	s28 =	sadd.s32 $0x1000, s20;
	[sflag:s13] =	ssyncadd.s32 $0xFFFFC000  }
0x3f: {  	[hbm4b:s28+s6] =	stream.linear.scatter [tilespmem:s8], [sflag:$0x5], $0x4000, $0x38;
	[tilespmem:$0x11000] =	vst v63  }
0x40: {  	s21 =	sadd.s32 $0x1000, s21  }
0x41: {  	[hbm4b:s21+s6] =	stream.linear.scatter [tilespmem:s9], [sflag:$0x7], $0x4000, $0x38;
	[tilespmem:$0x11000] =	vst v63  }
0x42: {  	_ =	swait.ge [sflag:s14], $0x4000  }
0x43: {  	[sflag:s14] =	ssyncset.done $0x0  }
0x44: {  	[sflag:s14] =	ssyncadd.s32 $0xFFFFC000  }
0x45: {  	_ =	swait.ge [sflag:s15], $0x4000  }
0x46: {  	[sflag:s15] =	ssyncset.done $0x0  }
0x47: {  	s29 =	simm.s32 $0x200;
	[sflag:s15] =	ssyncadd.s32 $0xFFFFC000  }
0x48: {  	[tilespmem:s8], [sflag:$0x1] =	stream.indirect.gather [hbm4b:s5+s7], $0x80, s29, s7, $0xb8;
	[tilespmem:$0x11000] =	vst v63  }
0x49: {  	s30 =	simm.s32 $0xA00  }
0x4a: {  	[tilespmem:s9], [sflag:$0x3] =	stream.indirect.gather [hbm4b:s5+s7], $0x80, s30, s7, $0xb8;
	[tilespmem:$0x11000] =	vst v63  }
0x4b: {  	_ =	swait.ge [sflag:s16], $0x4000  }
0x4c: {  	[sflag:s16] =	ssyncset.done $0x0  }
0x4d: {  	[sflag:s16] =	ssyncadd.s32 $0xFFFFC000  }
0x4e: {  	s31 =	sadd.s32 $0x800, s28;
	_ =	swait.ge [sflag:s17], $0x4000  }
0x4f: {  	s20 =	simm.s32 $0x400;
	s23 =	sadd.s32 $0x800, s21;
	[sflag:s17] =	ssyncset.done $0x0  }
0x50: {  	s22 =	sadd.s32 $0x1000, s28;
	s21 =	sadd.s32 $0x1000, s21;
	[sflag:s17] =	ssyncadd.s32 $0xFFFFC000  }
0x51: {  	[hbm4b:s31+s6] =	stream.linear.scatter [tilespmem:s10], [sflag:$0x6], $0x4000, $0x38;
	[tilespmem:$0x11000] =	vst v63  }
.LBB2_1:
0x52: {  	[hbm4b:s23+s6] =	stream.linear.scatter [tilespmem:s11], [sflag:$0x8], $0x4000, $0x38;
	[tilespmem:$0x11000] =	vst v63  }
0x53: {  	s23 =	smov.u32 s20  }
0x54: {  	p0 =	sne.s32 s20, $0x1400;
	s20 =	sadd.s32 $0x400, s20;
	_ =	swait.ge [sflag:s18], $0x4000  }
0x55: {  	[sflag:s18] =	ssyncset.done $0x0  }
0x56: {  	[sflag:s18] =	ssyncadd.s32 $0xFFFFC000  }
0x57: {  	_ =	swait.ge [sflag:s19], $0x4000  }
0x58: {  	s23 =	sshra.s32 s23, $0x2;
	[sflag:s19] =	ssyncset.done $0x0  }
0x59: {  	s24 =	sadd.s32 $0x180, s23;
	[sflag:s19] =	ssyncadd.s32 $0xFFFFC000  }
0x5a: {  	[tilespmem:s10], [sflag:$0x2] =	stream.indirect.gather [hbm4b:s5+s7], $0x80, s24, s7, $0xb8;
	[tilespmem:$0x11000] =	vst v63  }
0x5b: {  	s24 =	sadd.s32 $0x980, s23  }
0x5c: {  	[tilespmem:s11], [sflag:$0x4] =	stream.indirect.gather [hbm4b:s5+s7], $0x80, s24, s7, $0xb8;
	[tilespmem:$0x11000] =	vst v63  }
0x5d: {  	_ =	swait.ge [sflag:s12], $0x4000  }
0x5e: {  	[sflag:s12] =	ssyncset.done $0x0  }
0x5f: {  	[sflag:s12] =	ssyncadd.s32 $0xFFFFC000  }
0x60: {  	_ =	swait.ge [sflag:s13], $0x4000  }
0x61: {  	[sflag:s13] =	ssyncset.done $0x0  }
0x62: {  	[sflag:s13] =	ssyncadd.s32 $0xFFFFC000  }
0x63: {  	[hbm4b:s22+s6] =	stream.linear.scatter [tilespmem:s8], [sflag:$0x5], $0x4000, $0x38;
	[tilespmem:$0x11000] =	vst v63  }
0x64: {  	_ = 	snop  }
0x65: {  	[hbm4b:s21+s6] =	stream.linear.scatter [tilespmem:s9], [sflag:$0x7], $0x4000, $0x38;
	[tilespmem:$0x11000] =	vst v63  }
0x66: {  	_ =	swait.ge [sflag:s14], $0x4000  }
0x67: {  	[sflag:s14] =	ssyncset.done $0x0  }
0x68: {  	[sflag:s14] =	ssyncadd.s32 $0xFFFFC000  }
0x69: {  	_ =	swait.ge [sflag:s15], $0x4000  }
0x6a: {  	[sflag:s15] =	ssyncset.done $0x0  }
0x6b: {  	s24 =	sadd.s32 $0x200, s23;
	[sflag:s15] =	ssyncadd.s32 $0xFFFFC000  }
0x6c: {  	[tilespmem:s8], [sflag:$0x1] =	stream.indirect.gather [hbm4b:s5+s7], $0x80, s24, s7, $0xb8;
	[tilespmem:$0x11000] =	vst v63  }
0x6d: {  	s23 =	sadd.s32 $0xA00, s23  }
0x6e: {  	[tilespmem:s9], [sflag:$0x3] =	stream.indirect.gather [hbm4b:s5+s7], $0x80, s23, s7, $0xb8;
	[tilespmem:$0x11000] =	vst v63  }
0x6f: {  	_ =	swait.ge [sflag:s16], $0x4000  }
0x70: {  	[sflag:s16] =	ssyncset.done $0x0  }
0x71: {  	[sflag:s16] =	ssyncadd.s32 $0xFFFFC000  }
.Ltmp0:
0x72: {  	_ =	swait.ge [sflag:s17], $0x4000;
	(pc) =	sbr.rel @p0 .LBB2_1-.Ltmp0, $4  }
0x73: {  	[sflag:s17] =	ssyncset.done $0x0  }
0x74: {  	s23 =	sadd.s32 $0x800, s22;
	[sflag:s17] =	ssyncadd.s32 $0xFFFFC000  }
0x75: {  	[hbm4b:s23+s6] =	stream.linear.scatter [tilespmem:s10], [sflag:$0x6], $0x4000, $0x38;
	[tilespmem:$0x11000] =	vst v63  }
0x76: {  	s22 =	sadd.s32 $0x1000, s22;
	s23 =	sadd.s32 $0x800, s21;
	s21 =	sadd.s32 $0x1000, s21  }
0x77: {  	[hbm4b:s23+s6] =	stream.linear.scatter [tilespmem:s11], [sflag:$0x8], $0x4000, $0x38;
	[tilespmem:$0x11000] =	vst v63  }
0x78: {  	s15 =	simm.s32 $0x6  }
0x79: {  	_ =	swait.ge [sflag:s15], $0x4000  }
0x7a: {  	[sflag:s15] =	ssyncset.done $0x0  }
0x7b: {  	s7 =	simm.s32 $0x8;
	[sflag:s15] =	ssyncadd.s32 $0xFFFFC000  }
0x7c: {  	_ =	swait.ge [sflag:s7], $0x4000  }
0x7d: {  	s8 =	simm.s32 $0x80;
	[sflag:s7] =	ssyncset.done $0x0  }
0x7e: {  	s9 =	simm.s32 $0x780;
	s10 =	simm.s32 $0x5000;
	[sflag:s7] =	ssyncadd.s32 $0xFFFFC000  }
0x7f: {  	[tilespmem:s10], [sflag:$0x2] =	stream.indirect.gather [hbm4b:s5+s8], $0x80, s9, s8, $0xb8;
	[tilespmem:$0x11000] =	vst v63  }
0x80: {  	s16 =	simm.s32 $0xF80;
	s17 =	simm.s32 $0xD000;
	s18 =	simm.s32 $0x1  }
0x81: {  	[tilespmem:s17], [sflag:$0x4] =	stream.indirect.gather [hbm4b:s5+s8], $0x80, s16, s8, $0xb8;
	[tilespmem:$0x11000] =	vst v63  }
0x82: {  	_ =	swait.ge [sflag:s18], $0x4000  }
0x83: {  	[sflag:s18] =	ssyncset.done $0x0  }
0x84: {  	s19 =	simm.s32 $0x3;
	[sflag:s18] =	ssyncadd.s32 $0xFFFFC000  }
0x85: {  	_ =	swait.ge [sflag:s19], $0x4000  }
0x86: {  	s20 =	sor.u32 $0x7000, s4;
	s22 =	simm.s32 $0x0;
	[sflag:s19] =	ssyncset.done $0x0  }
0x87: {  	s12 =	simm.s32 $0x1000;
	s21 =	sadd.s32 s2, s20;
	[sflag:s19] =	ssyncadd.s32 $0xFFFFC000  }
0x88: {  	[hbm4b:s21+s22] =	stream.linear.scatter [tilespmem:s12], [sflag:$0x5], $0x4000, $0x38;
	[tilespmem:$0x11000] =	vst v63  }
0x89: {  	s23 =	simm.s32 $0x9000;
	s24 =	simm.s32 $0x2;
	s5 =	sadd.s32 s3, s20  }
0x8a: {  	[hbm4b:s5+s22] =	stream.linear.scatter [tilespmem:s23], [sflag:$0x7], $0x4000, $0x38;
	[tilespmem:$0x11000] =	vst v63  }
0x8b: {  	_ =	swait.ge [sflag:s24], $0x4000  }
0x8c: {  	[sflag:s24] =	ssyncset.done $0x0  }
0x8d: {  	s25 =	simm.s32 $0x4;
	[sflag:s24] =	ssyncadd.s32 $0xFFFFC000  }
0x8e: {  	_ =	swait.ge [sflag:s25], $0x4000  }
0x8f: {  	s26 =	sor.u32 $0x7800, s4;
	[sflag:s25] =	ssyncset.done $0x0  }
0x90: {  	s28 =	sadd.s32 s2, s26;
	[sflag:s25] =	ssyncadd.s32 $0xFFFFC000  }
0x91: {  	[hbm4b:s28+s22] =	stream.linear.scatter [tilespmem:s10], [sflag:$0x6], $0x4000, $0x38;
	[tilespmem:$0x11000] =	vst v63  }
0x92: {  	s30 =	simm.s32 $0x5;
	s29 =	sadd.s32 s3, s26  }
0x93: {  	[hbm4b:s29+s22] =	stream.linear.scatter [tilespmem:s17], [sflag:$0x8], $0x4000, $0x38;
	[tilespmem:$0x11000] =	vst v63  }
0x94: {  	_ =	swait.ge [sflag:s30], $0x4000  }
0x95: {  	[sflag:s30] =	ssyncset.done $0x0  }
0x96: {  	s31 =	simm.s32 $0x7;
	[sflag:s30] =	ssyncadd.s32 $0xFFFFC000  }
0x97: {  	_ =	swait.ge [sflag:s31], $0x4000  }
0x98: {  	[sflag:s31] =	ssyncset.done $0x0  }
0x99: {  	[sflag:s31] =	ssyncadd.s32 $0xFFFFC000  }
0x9a: {  	_ =	swait.ge [sflag:s15], $0x4000  }
0x9b: {  	[sflag:s15] =	ssyncset.done $0x0  }
0x9c: {  	[sflag:s15] =	ssyncadd.s32 $0xFFFFC000  }
0x9d: {  	_ =	swait.ge [sflag:s7], $0x4000  }
0x9e: {  	[sflag:s7] =	ssyncset.done $0x0  }
0x9f: {  	[sflag:s7] =	ssyncadd.s32 $0xFFFFC000  }
0xa0: {  	_ =	sfence.sel $0x180000  }
0xa1: {  	[bflag:$0x0] =	sbarrier.arrive $0xFFFF  }
0xa2: {  	p0 =	sne.s32 s1, $0x0;
	_ =	strace $0x90000050  }
0xa3: {  	s0 =	sadd.s32 @!p0 $0x100000, s0;
	[bflag:$0x2] =	sbarrier.arrive $0xFFFF  }
0xa4: {  	[sflag:s0] =	ssyncadd.tile.s32 @!p0 $0x1;
	_ =	shalt  }
.Lfunc_end2:
_tile_overlayer_lowered:
.L_overlay_start_2:
0xa5: {  	(tag) =	ssettag $0x2  }
0xa6: {  	s0 =	rddreg [dreg:$0x0];
	s2 =	stileid.u32  }
0xa7: {  	s1 =	rddreg [dreg:$0x1];
	p0 =	sne.s32 s2, $0x0  }
0xa8: {  	s3 =	rddreg [dreg:$0x2];
	[bflag:$0x3] =	sbarrier.arrive $0xFFFF;
	s2 =	simm.s32 @!p0 $0x1C09  }
0xa9: {  	[timem:s3], [sflag:s2] =	dma.local @!p0 [hbm:s0], s1  }
0xaa: {  	s0 =	simm.s32 @!p0 $0x9  }
0xab: {  	_ =	swait.ge @!p0 [sflag:s0], s1  }
0xac: {  	s1 =	ssub.s32 @!p0 $0x0, s1;
	[sflag:s0] =	ssyncset.done @!p0 $0x0  }
0xad: {  	[sflag:s0] =	ssyncadd.s32 @!p0 s1  }
0xae: {  	[bflag:$0x3] =	sbarrier.arrive $0xFFFF  }
0xaf: {  	_ =	shalt  }

// kernel: kernel.29.cloned.1.call-start
scs
__scs_entry_jumppad:
0x0: {  	(pc) =	sbr.rel $0x88, $3  }
0x1: {  	(tag) =	ssettag $0x0;
	lr =	simm.s32 $0x1  }
0x2: {  	[smem:$0x3F8F] =	sst lr;
	_ =	strace $0xD0000000  }
0x3: {  	_ = 	snop  }
0x4: {  	_ = 	snop  }
0x5: {  	_ = 	snop  }
0x6: {  	_ = 	snop  }
0x7: {  	_ = 	snop  }
__scs_overlays_trampoline_lowered:
0x8: {  	[smem:$0x3F9E] =	sst s0  }
0x9: {  	[smem:$0x3F9F] =	sst s1  }
0xa: {  	[smem:$0x3FA0] =	sst s2  }
0xb: {  	[smem:$0x3FA1] =	sst s3  }
0xc: {  	[smem:$0x3FA2] =	sst s4  }
0xd: {  	[smem:$0x3FA3] =	sst s5  }
0xe: {  	[smem:$0x3FA4] =	sst s6  }
0xf: {  	[smem:$0x3FA5] =	sst s7  }
0x10: {  	[smem:$0x3FA6] =	sst s8  }
0x11: {  	[smem:$0x3FA7] =	sst s9;
	s0 =	simm.s32 @!p0 $0x0  }
0x12: {  	s1 =	sld [smem:$0x3F8D];
	s0 =	simm.s32 @p0 $0x1  }
0x13: {  	[smem:$0x3FA8] =	sst s0;
	s0 =	simm.s32 @!p1 $0x0  }
0x14: {  	s2 =	sld [smem:$0x3F8C];
	s0 =	simm.s32 @p1 $0x1  }
0x15: {  	[smem:$0x3FA9] =	sst s0;
	s0 =	simm.s32 @!p2 $0x0  }
0x16: {  	s3 =	sld [smem:$0x3FDB];
	s0 =	simm.s32 @p2 $0x1  }
0x17: {  	s4 =	simm.s32 $0x1BF5;
	[smem:$0x3FAB] =	sst s0  }
0x18: {  	s0 =	sld [smem:$0x3F8E];
	_ =	swait.ge [sflag:s4], $0x0  }
0x19: {  	s7 =	sld [smem:$0x3F8F]  }
0x1a: {  	s8 =	sadd.s32 $0xFFFFE003, lr  }
0x1b: {  	s9 =	sadd.s32 $0xFFFFFEF7, lr;
	s5 =	simm.s32 $0xFFFFFFFF;
	p2 =	slt.u32 s8, $0xFFFFF086  }
0x1c: {  	p1 =	slt.u32 s9, $0xF7A;
	s5 =	simm.s32 @!p2 $0x0  }
0x1d: {  	s5 =	simm.s32 @p1 $0x1;
	p0 =	seq.s32 s7, s2  }
0x1e: {  	s7 =	smul.u32 @!p0 $0xF7A, s2;
	p2 =	seq.s32 @!p0 s5, $0x0  }
0x1f: {  	s9 =	smul.u32 $0xF7A, s1;
	s8 =	simm.s32 @!p0 $0x1BF5;
	p2 =	por !p2, p0  }
0x20: {  	[sflag:s8] =	ssyncset.s32 @!p0 $0xFFFFF086;
	s6 =	sadd.s32 @!p0 s3, s7;
	s7 =	simm.s32 @!p0 $0x108  }
0x21: {  	s3 =	sadd.s32 s3, s9;
	s6 =	sadd.s32 @!p0 $0x88, s6;
	s7 =	simm.s32 @p2 $0x1082  }
0x22: {  	[simem:s7], [sflag:s8] =	dma.local @!p0 [hbm:s6], $0xF7A  }
0x23: {  	s9 =	sor.u32 $0xD0000000, s2;
	s6 =	simm.s32 $0x108;
	_ =	swait.ge @!p0 [sflag:s8], $0x0  }
0x24: {  	s3 =	sadd.s32 $0x88, s3;
	s6 =	simm.s32 @!p1 $0x1082;
	[sflag:s4] =	ssyncset.s32 $0xFFFFF086  }
0x25: {  	[simem:s6], [sflag:s4] =	dma.local [hbm:s3], $0xF7A  }
0x26: {  	[smem:$0x3F8F] =	sst s1;
	(tag) =	ssettag s2;
	_ =	strace s9  }
0x27: {  	s1 =	sld [smem:$0x3F9F]  }
0x28: {  	s2 =	sld [smem:$0x3FA0]  }
0x29: {  	s4 =	sld [smem:$0x3FA2]  }
0x2a: {  	p0 =	seq.s32 s5, $0x0;
	s5 =	sld [smem:$0x3FA3]  }
0x2b: {  	s6 =	sld [smem:$0x3FA4]  }
0x2c: {  	s7 =	sld [smem:$0x3FA5]  }
0x2d: {  	s3 =	simm.s32 $0x108;
	s8 =	sld [smem:$0x3FA6]  }
0x2e: {  	s3 =	simm.s32 @!p0 $0x1082;
	s9 =	sld [smem:$0x3FA7]  }
0x2f: {  	lr =	sadd.s32 s0, s3;
	s0 =	sld [smem:$0x3F9E]  }
0x30: {  	s3 =	sld [smem:$0x3FA1]  }
0x31: {  	[smem:$0x3FAA] =	sst s10  }
0x32: {  	s10 =	sld [smem:$0x3FA8];
	_ =	sdelay $0x3  }
0x33: {  	p0 =	seq.s32 s10, $0x1;
	s10 =	sld [smem:$0x3FAA];
	_ =	sdelay $0x3  }
0x34: {  	[smem:$0x3FAA] =	sst s10  }
0x35: {  	s10 =	sld [smem:$0x3FA9];
	_ =	sdelay $0x3  }
0x36: {  	p1 =	seq.s32 s10, $0x1;
	s10 =	sld [smem:$0x3FAA];
	_ =	sdelay $0x3  }
0x37: {  	[smem:$0x3FAA] =	sst s10  }
0x38: {  	s10 =	sld [smem:$0x3FAB]  }
0x39: {  	_ = 	snop;
	(pc) =	sbr.ind lr, $3  }
0x3a: {  	_ = 	snop  }
0x3b: {  	_ = 	snop  }
0x3c: {  	p2 =	seq.s32 s10, $0x1;
	s10 =	sld [smem:$0x3FAA]  }
0x3d: {  	_ =	shalt  }
0x3e: {  	_ =	shalt  }
0x3f: {  	_ =	shalt  }
0x40: {  	_ =	shalt  }
0x41: {  	_ =	shalt  }
0x42: {  	_ =	shalt  }
0x43: {  	_ =	shalt  }
0x44: {  	_ =	shalt  }
0x45: {  	_ =	shalt  }
0x46: {  	_ =	shalt  }
0x47: {  	_ =	shalt  }
0x48: {  	_ =	shalt  }
0x49: {  	_ =	shalt  }
0x4a: {  	_ =	shalt  }
0x4b: {  	_ =	shalt  }
0x4c: {  	_ =	shalt  }
0x4d: {  	_ =	shalt  }
0x4e: {  	_ =	shalt  }
0x4f: {  	_ =	shalt  }
0x50: {  	_ =	shalt  }
0x51: {  	_ =	shalt  }
0x52: {  	_ =	shalt  }
0x53: {  	_ =	shalt  }
0x54: {  	_ =	shalt  }
0x55: {  	_ =	shalt  }
0x56: {  	_ =	shalt  }
0x57: {  	_ =	shalt  }
0x58: {  	_ =	shalt  }
0x59: {  	_ =	shalt  }
0x5a: {  	_ =	shalt  }
0x5b: {  	_ =	shalt  }
0x5c: {  	_ =	shalt  }
0x5d: {  	_ =	shalt  }
0x5e: {  	_ =	shalt  }
0x5f: {  	_ =	shalt  }
0x60: {  	_ =	shalt  }
0x61: {  	_ =	shalt  }
0x62: {  	_ =	shalt  }
0x63: {  	_ =	shalt  }
0x64: {  	_ =	shalt  }
0x65: {  	_ =	shalt  }
0x66: {  	_ =	shalt  }
0x67: {  	_ =	shalt  }
0x68: {  	_ =	shalt  }
0x69: {  	_ =	shalt  }
0x6a: {  	_ =	shalt  }
0x6b: {  	_ =	shalt  }
0x6c: {  	_ =	shalt  }
0x6d: {  	_ =	shalt  }
0x6e: {  	_ =	shalt  }
0x6f: {  	_ =	shalt  }
0x70: {  	_ =	shalt  }
0x71: {  	_ =	shalt  }
0x72: {  	_ =	shalt  }
0x73: {  	_ =	shalt  }
0x74: {  	_ =	shalt  }
0x75: {  	_ =	shalt  }
0x76: {  	_ =	shalt  }
0x77: {  	_ =	shalt  }
0x78: {  	_ =	shalt  }
0x79: {  	_ =	shalt  }
0x7a: {  	_ =	shalt  }
0x7b: {  	_ =	shalt  }
0x7c: {  	_ =	shalt  }
0x7d: {  	_ =	shalt  }
0x7e: {  	_ =	shalt  }
0x7f: {  	_ =	shalt  }
0x80: {  	_ =	shalt  }
0x81: {  	_ =	shalt  }
0x82: {  	_ =	shalt  }
0x83: {  	_ =	shalt  }
0x84: {  	_ =	shalt  }
0x85: {  	_ =	shalt  }
0x86: {  	_ =	shalt  }
0x87: {  	_ =	shalt  }
.Lfunc_end0:
.L_simem_size_0:
called_computation.4_lowered:
.L_overlay_start_0:
0x88: {  	s0 =	sld [smem:$0x3FD9]  }
0x89: {  	s1 =	sld [smem:$0x3FFE];
	_ =	sdelay $0x3  }
0x8a: {  	s0 =	sadd.s32 s1, s0  }
0x8b: {  	[smem:$0x3FB6] =	sst s0  }
0x8c: {  	_ = 	snop  }
0x8d: {  	(tm) =	ssettm $0x1  }
0x8e: {  	s15 =	sld [smem:$0x3FFB];
	_ =	sdelay $0x3  }
0x8f: {  	_ =	strace s15  }
0x90: {  	s0 =	sld [smem:$0x3FFC];
	_ =	sdelay $0x3  }
0x91: {  	_ =	strace s0  }
0x92: {  	s0 =	sld [smem:$0x3FFD];
	_ =	sdelay $0x3  }
0x93: {  	_ =	strace s0  }
0x94: {  	_ =	strace $0x8FFFFFFF  }
0x95: {  	s16 =	sld [smem:$0x3FDB];
	_ =	sdelay $0x1  }
0x96: {  	s17 =	simm.s32 $_scs_section_size  }
0x97: {  	s2 =	simm.s32 $_size__tile_overlayer_lowered;
	s3 =	simm.s32 $_tile_overlayer_lowered  }
0x98: {  	s20 =	simm.s32 $0x1BFF;
	s19 =	sshll.u32 s3, $0x1;
	s0 =	sadd.s32 s17, s16  }
0x99: {  	s4 =	simm.s32 $0x0;
	s18 =	sshll.u32 s2, $0x1;
	s2 =	sadd.s32 s19, s0  }
0x9a: {  	[timem:s4], [sflag:s20] =	dma.local [hbm:s2], s18  }
0x9b: {  	_ =	swait.ge [sflag:s20], s18  }
0x9c: {  	s1 =	ssub.s32 $0x0, s18;
	[sflag:s20] =	ssyncset.done $0x0  }
0x9d: {  	[sflag:s20] =	ssyncadd.s32 s1;
	_ =	sdelay $0x1  }
0x9e: {  	s21 =	simm.s32 $0x1B8B  }
0x9f: {  	_ =	swait.ge [sflag:s21], $0x1  }
0xa0: {  	[sflag:s21] =	ssyncset.done $0x0  }
0xa1: {  	s23 =	simm.s32 $0x1B8E;
	s22 =	sld [smem:$0x3FFE];
	[sflag:s21] =	ssyncadd.s32 $0xFFFFFFFF  }
0xa2: {  	s24 =	simm.s32 $execute0_lowered;
	[smem:$0x3FD2] =	sst s23  }
0xa3: {  	s2 =	sshll.u32 s24, $0x1;
	_ =	strace $0x80000052;
	[dreg:$0x1] =	wrdreg $0xFFFFFFFF  }
0xa4: {  	s25 =	simm.s32 $_size_execute0_lowered;
	s0 =	sadd.s32 s0, s2;
	[dreg:$0x0] =	wrdreg $0x0  }
0xa5: {  	s2 =	sshll.u32 s25, $0x1;
	[dreg:$0x2] =	wrdreg s0  }
0xa6: {  	[dreg:$0x3] =	wrdreg s2  }
0xa7: {  	[dreg:$0x4] =	wrdreg $0xC0  }
0xa8: {  	_ =	task [dreg:s4], $0x5FFFF  }
0xa9: {  	[dreg:$0x1] =	wrdreg $0xFFFFFFFF  }
0xaa: {  	[dreg:$0x0] =	wrdreg $0x60  }
0xab: {  	[dreg:$0x2] =	wrdreg s22  }
0xac: {  	[dreg:$0x3] =	wrdreg $0xB  }
0xad: {  	_ =	task.clear_ibuf [dreg:s4], $0x4FFFF;
	_ =	strace $0x90000052  }
0xae: {  	s26 =	simm.s32 $0xB;
	_ =	strace $0x80000054  }
0xaf: {  	_ =	swait.ge [sflag:s26], $0x1  }
0xb0: {  	[sflag:s26] =	ssyncadd.s32 $0xFFFFFFFF  }
0xb1: {  	_ =	strace $0x90000054  }
0xb2: {  	_ =	sfence  }
0xb3: {  	s28 =	sld [smem:$0x0];
	_ =	sdelay $0x1  }
0xb4: {  	s29 =	srdreg.scid  }
0xb5: {  	s30 =	sshll.u32 s29, $0xD;
	s31 =	sshrl.u32 s29, $0x2  }
0xb6: {  	s1 =	sand.u32 $0x1, s29;
	s2 =	sand.u32 $0x4000, s30;
	s0 =	sadd.s32 s31, s28  }
0xb7: {  	s1 =	sor.u32 s2, s1;
	s0 =	sshll.u32 s0, $0x11  }
0xb8: {  	s0 =	sor.u32 s0, s1  }
0xb9: {  	s0 =	sadd.s32 $0x8F2B, s0  }
0xba: {  	[sflag:s0] =	ssyncadd.remote.s32 $0x1  }
0xbb: {  	_ =	sfence.sel $0xFFFF  }
0xbc: {  	[dreg:$0x0] =	wrdreg $0xFFFFFFFF;
	(pc) =	sbr.abs _section_cstart, $3  }
0xbd: {  	[dreg:$0x1] =	wrdreg $0xFFFFFFFF  }
0xbe: {  	_ =	task.clear_ibuf [dreg:s4], $0x2FFFF;
	_ =	strace $0x9FFFFFFF  }
0xbf: {  	(tm) =	ssettm $0x7FFFFFFF  }
tec
execute0_lowered:
.L_overlay_start_1:
0x0: {  	(tag) =	ssettag $0x1  }
0x1: {  	s3 =	rddreg [dreg:$0x0];
	s1 =	stileid.u32  }
0x2: {  	s0 =	rddreg [dreg:$0x1];
	s6 =	simm.s32 $0x0;
	s2 =	sshll.u32 s1, $0x9  }
0x3: {  	[smem:$0x7FF] =	sst s6;
	s2 =	sadd.s32 s2, s3  }
0x4: {  	s23 =	simm.s32 $0x9;
	_ =	strace $0x80000053;
	s4 =	sadd.s32 $0x72000, s2  }
0x5: {  	[tilespmem:s6], [sflag:$0x9] =	stream.linear.gather [hbm4b:s4+s6], $0x1000, $0x38;
	[tilespmem:$0x12000] =	vst v63  }
0x6: {  	_ =	swait.ge [sflag:s23], $0x1000  }
0x7: {  	[sflag:s23] =	ssyncset.done $0x0  }
0x8: {  	s10 =	simm.s32 $0x1000;
	s2 =	sadd.s32 $0x70000, s2;
	[sflag:s23] =	ssyncadd.s32 $0xFFFFF000  }
0x9: {  	[tilespmem:s10], [sflag:$0x9] =	stream.linear.gather [hbm4b:s2+s6], $0x1000, $0x38;
	[tilespmem:$0x12000] =	vst v63  }
0xa: {  	_ =	swait.ge [sflag:s23], $0x1000  }
0xb: {  	s7 =	simm.s32 $0x80;
	[sflag:s23] =	ssyncset.done $0x0  }
0xc: {  	s8 =	simm.s32 $0x2000;
	s5 =	sadd.s32 $0x6000, s3;
	[sflag:s23] =	ssyncadd.s32 $0xFFFFF000  }
0xd: {  	[tilespmem:s8], [sflag:$0x1] =	stream.indirect.gather [hbm4b:s5+s7], $0x80, s6, s7, $0xb8;
	[tilespmem:$0x12000] =	vst v63  }
0xe: {  	s9 =	simm.s32 $0xA000  }
0xf: {  	[tilespmem:s9], [sflag:$0x3] =	stream.indirect.gather [hbm4b:s5+s7], $0x80, s10, s7, $0xb8;
	[tilespmem:$0x12000] =	vst v63  }
0x10: {  	s10 =	simm.s32 $0x6000  }
0x11: {  	[tilespmem:s10], [sflag:$0x2] =	stream.indirect.gather [hbm4b:s5+s7], $0x80, s7, s7, $0xb8;
	[tilespmem:$0x12000] =	vst v63  }
0x12: {  	s24 =	simm.s32 $0x1080;
	s11 =	simm.s32 $0xE000;
	s12 =	simm.s32 $0x1  }
0x13: {  	[tilespmem:s11], [sflag:$0x4] =	stream.indirect.gather [hbm4b:s5+s7], $0x80, s24, s7, $0xb8;
	[tilespmem:$0x12000] =	vst v63  }
0x14: {  	_ =	swait.ge [sflag:s12], $0x4000  }
0x15: {  	[sflag:s12] =	ssyncset.done $0x0  }
0x16: {  	s13 =	simm.s32 $0x3;
	[sflag:s12] =	ssyncadd.s32 $0xFFFFC000  }
0x17: {  	_ =	swait.ge [sflag:s13], $0x4000  }
0x18: {  	s4 =	sshll.u32 s1, $0x10;
	s2 =	sadd.s32 $0x1D3000, s3;
	[sflag:s13] =	ssyncset.done $0x0  }
0x19: {  	s3 =	sadd.s32 $0x2D3000, s3;
	s20 =	sadd.s32 s2, s4;
	[sflag:s13] =	ssyncadd.s32 $0xFFFFC000  }
0x1a: {  	[hbm4b:s20+s6] =	stream.linear.scatter [tilespmem:s8], [sflag:$0x5], $0x4000, $0x38;
	[tilespmem:$0x12000] =	vst v63  }
0x1b: {  	s14 =	simm.s32 $0x5;
	s21 =	sadd.s32 s3, s4  }
0x1c: {  	[hbm4b:s21+s6] =	stream.linear.scatter [tilespmem:s9], [sflag:$0x7], $0x4000, $0x38;
	[tilespmem:$0x12000] =	vst v63  }
0x1d: {  	_ =	swait.ge [sflag:s14], $0x4000  }
0x1e: {  	[sflag:s14] =	ssyncset.done $0x0  }
0x1f: {  	s15 =	simm.s32 $0x7;
	[sflag:s14] =	ssyncadd.s32 $0xFFFFC000  }
0x20: {  	_ =	swait.ge [sflag:s15], $0x4000  }
0x21: {  	[sflag:s15] =	ssyncset.done $0x0  }
0x22: {  	s16 =	simm.s32 $0x100;
	[sflag:s15] =	ssyncadd.s32 $0xFFFFC000  }
0x23: {  	[tilespmem:s8], [sflag:$0x1] =	stream.indirect.gather [hbm4b:s5+s7], $0x80, s16, s7, $0xb8;
	[tilespmem:$0x12000] =	vst v63  }
0x24: {  	s25 =	simm.s32 $0x1100;
	s16 =	simm.s32 $0x2  }
0x25: {  	[tilespmem:s9], [sflag:$0x3] =	stream.indirect.gather [hbm4b:s5+s7], $0x80, s25, s7, $0xb8;
	[tilespmem:$0x12000] =	vst v63  }
0x26: {  	_ =	swait.ge [sflag:s16], $0x4000  }
0x27: {  	[sflag:s16] =	ssyncset.done $0x0  }
0x28: {  	s17 =	simm.s32 $0x4;
	[sflag:s16] =	ssyncadd.s32 $0xFFFFC000  }
0x29: {  	_ =	swait.ge [sflag:s17], $0x4000  }
0x2a: {  	s18 =	sor.u32 $0x800, s4;
	[sflag:s17] =	ssyncset.done $0x0  }
0x2b: {  	s19 =	sadd.s32 s2, s18;
	[sflag:s17] =	ssyncadd.s32 $0xFFFFC000  }
0x2c: {  	[hbm4b:s19+s6] =	stream.linear.scatter [tilespmem:s10], [sflag:$0x6], $0x4000, $0x38;
	[tilespmem:$0x12000] =	vst v63  }
0x2d: {  	s18 =	sadd.s32 s3, s18  }
0x2e: {  	[hbm4b:s18+s6] =	stream.linear.scatter [tilespmem:s11], [sflag:$0x8], $0x4000, $0x38;
	[tilespmem:$0x12000] =	vst v63  }
0x2f: {  	s18 =	simm.s32 $0x6  }
0x30: {  	_ =	swait.ge [sflag:s18], $0x4000  }
0x31: {  	[sflag:s18] =	ssyncset.done $0x0  }
0x32: {  	s19 =	simm.s32 $0x8;
	[sflag:s18] =	ssyncadd.s32 $0xFFFFC000  }
0x33: {  	_ =	swait.ge [sflag:s19], $0x4000  }
0x34: {  	[sflag:s19] =	ssyncset.done $0x0  }
0x35: {  	s22 =	simm.s32 $0x180;
	[sflag:s19] =	ssyncadd.s32 $0xFFFFC000  }
0x36: {  	[tilespmem:s10], [sflag:$0x2] =	stream.indirect.gather [hbm4b:s5+s7], $0x80, s22, s7, $0xb8;
	[tilespmem:$0x12000] =	vst v63  }
0x37: {  	s26 =	simm.s32 $0x1180  }
0x38: {  	[tilespmem:s11], [sflag:$0x4] =	stream.indirect.gather [hbm4b:s5+s7], $0x80, s26, s7, $0xb8;
	[tilespmem:$0x12000] =	vst v63  }
0x39: {  	_ =	swait.ge [sflag:s12], $0x4000  }
0x3a: {  	[sflag:s12] =	ssyncset.done $0x0  }
0x3b: {  	[sflag:s12] =	ssyncadd.s32 $0xFFFFC000  }
0x3c: {  	_ =	swait.ge [sflag:s13], $0x4000  }
0x3d: {  	[sflag:s13] =	ssyncset.done $0x0  }
0x3e: {  	s28 =	sadd.s32 $0x1000, s20;
	[sflag:s13] =	ssyncadd.s32 $0xFFFFC000  }
0x3f: {  	[hbm4b:s28+s6] =	stream.linear.scatter [tilespmem:s8], [sflag:$0x5], $0x4000, $0x38;
	[tilespmem:$0x12000] =	vst v63  }
0x40: {  	s21 =	sadd.s32 $0x1000, s21  }
0x41: {  	[hbm4b:s21+s6] =	stream.linear.scatter [tilespmem:s9], [sflag:$0x7], $0x4000, $0x38;
	[tilespmem:$0x12000] =	vst v63  }
0x42: {  	_ =	swait.ge [sflag:s14], $0x4000  }
0x43: {  	[sflag:s14] =	ssyncset.done $0x0  }
0x44: {  	[sflag:s14] =	ssyncadd.s32 $0xFFFFC000  }
0x45: {  	_ =	swait.ge [sflag:s15], $0x4000  }
0x46: {  	[sflag:s15] =	ssyncset.done $0x0  }
0x47: {  	s29 =	simm.s32 $0x200;
	[sflag:s15] =	ssyncadd.s32 $0xFFFFC000  }
0x48: {  	[tilespmem:s8], [sflag:$0x1] =	stream.indirect.gather [hbm4b:s5+s7], $0x80, s29, s7, $0xb8;
	[tilespmem:$0x12000] =	vst v63  }
0x49: {  	s30 =	simm.s32 $0x1200  }
0x4a: {  	[tilespmem:s9], [sflag:$0x3] =	stream.indirect.gather [hbm4b:s5+s7], $0x80, s30, s7, $0xb8;
	[tilespmem:$0x12000] =	vst v63  }
0x4b: {  	_ =	swait.ge [sflag:s16], $0x4000  }
0x4c: {  	[sflag:s16] =	ssyncset.done $0x0  }
0x4d: {  	[sflag:s16] =	ssyncadd.s32 $0xFFFFC000  }
0x4e: {  	s31 =	sadd.s32 $0x800, s28;
	_ =	swait.ge [sflag:s17], $0x4000  }
0x4f: {  	s20 =	simm.s32 $0x400;
	s23 =	sadd.s32 $0x800, s21;
	[sflag:s17] =	ssyncset.done $0x0  }
0x50: {  	s22 =	sadd.s32 $0x1000, s28;
	s21 =	sadd.s32 $0x1000, s21;
	[sflag:s17] =	ssyncadd.s32 $0xFFFFC000  }
0x51: {  	[hbm4b:s31+s6] =	stream.linear.scatter [tilespmem:s10], [sflag:$0x6], $0x4000, $0x38;
	[tilespmem:$0x12000] =	vst v63  }
.LBB2_1:
0x52: {  	[hbm4b:s23+s6] =	stream.linear.scatter [tilespmem:s11], [sflag:$0x8], $0x4000, $0x38;
	[tilespmem:$0x12000] =	vst v63  }
0x53: {  	s23 =	smov.u32 s20  }
0x54: {  	p0 =	sne.s32 s20, $0x3400;
	s20 =	sadd.s32 $0x400, s20;
	_ =	swait.ge [sflag:s18], $0x4000  }
0x55: {  	[sflag:s18] =	ssyncset.done $0x0  }
0x56: {  	[sflag:s18] =	ssyncadd.s32 $0xFFFFC000  }
0x57: {  	_ =	swait.ge [sflag:s19], $0x4000  }
0x58: {  	s23 =	sshra.s32 s23, $0x2;
	[sflag:s19] =	ssyncset.done $0x0  }
0x59: {  	s24 =	sadd.s32 $0x180, s23;
	[sflag:s19] =	ssyncadd.s32 $0xFFFFC000  }
0x5a: {  	[tilespmem:s10], [sflag:$0x2] =	stream.indirect.gather [hbm4b:s5+s7], $0x80, s24, s7, $0xb8;
	[tilespmem:$0x12000] =	vst v63  }
0x5b: {  	s24 =	sadd.s32 $0x1180, s23  }
0x5c: {  	[tilespmem:s11], [sflag:$0x4] =	stream.indirect.gather [hbm4b:s5+s7], $0x80, s24, s7, $0xb8;
	[tilespmem:$0x12000] =	vst v63  }
0x5d: {  	_ =	swait.ge [sflag:s12], $0x4000  }
0x5e: {  	[sflag:s12] =	ssyncset.done $0x0  }
0x5f: {  	[sflag:s12] =	ssyncadd.s32 $0xFFFFC000  }
0x60: {  	_ =	swait.ge [sflag:s13], $0x4000  }
0x61: {  	[sflag:s13] =	ssyncset.done $0x0  }
0x62: {  	[sflag:s13] =	ssyncadd.s32 $0xFFFFC000  }
0x63: {  	[hbm4b:s22+s6] =	stream.linear.scatter [tilespmem:s8], [sflag:$0x5], $0x4000, $0x38;
	[tilespmem:$0x12000] =	vst v63  }
0x64: {  	_ = 	snop  }
0x65: {  	[hbm4b:s21+s6] =	stream.linear.scatter [tilespmem:s9], [sflag:$0x7], $0x4000, $0x38;
	[tilespmem:$0x12000] =	vst v63  }
0x66: {  	_ =	swait.ge [sflag:s14], $0x4000  }
0x67: {  	[sflag:s14] =	ssyncset.done $0x0  }
0x68: {  	[sflag:s14] =	ssyncadd.s32 $0xFFFFC000  }
0x69: {  	_ =	swait.ge [sflag:s15], $0x4000  }
0x6a: {  	[sflag:s15] =	ssyncset.done $0x0  }
0x6b: {  	s24 =	sadd.s32 $0x200, s23;
	[sflag:s15] =	ssyncadd.s32 $0xFFFFC000  }
0x6c: {  	[tilespmem:s8], [sflag:$0x1] =	stream.indirect.gather [hbm4b:s5+s7], $0x80, s24, s7, $0xb8;
	[tilespmem:$0x12000] =	vst v63  }
0x6d: {  	s23 =	sadd.s32 $0x1200, s23  }
0x6e: {  	[tilespmem:s9], [sflag:$0x3] =	stream.indirect.gather [hbm4b:s5+s7], $0x80, s23, s7, $0xb8;
	[tilespmem:$0x12000] =	vst v63  }
0x6f: {  	_ =	swait.ge [sflag:s16], $0x4000  }
0x70: {  	[sflag:s16] =	ssyncset.done $0x0  }
0x71: {  	[sflag:s16] =	ssyncadd.s32 $0xFFFFC000  }
.Ltmp0:
0x72: {  	_ =	swait.ge [sflag:s17], $0x4000;
	(pc) =	sbr.rel @p0 .LBB2_1-.Ltmp0, $4  }
0x73: {  	[sflag:s17] =	ssyncset.done $0x0  }
0x74: {  	s23 =	sadd.s32 $0x800, s22;
	[sflag:s17] =	ssyncadd.s32 $0xFFFFC000  }
0x75: {  	[hbm4b:s23+s6] =	stream.linear.scatter [tilespmem:s10], [sflag:$0x6], $0x4000, $0x38;
	[tilespmem:$0x12000] =	vst v63  }
0x76: {  	s22 =	sadd.s32 $0x1000, s22;
	s23 =	sadd.s32 $0x800, s21;
	s21 =	sadd.s32 $0x1000, s21  }
0x77: {  	[hbm4b:s23+s6] =	stream.linear.scatter [tilespmem:s11], [sflag:$0x8], $0x4000, $0x38;
	[tilespmem:$0x12000] =	vst v63  }
0x78: {  	s15 =	simm.s32 $0x6  }
0x79: {  	_ =	swait.ge [sflag:s15], $0x4000  }
0x7a: {  	[sflag:s15] =	ssyncset.done $0x0  }
0x7b: {  	s7 =	simm.s32 $0x8;
	[sflag:s15] =	ssyncadd.s32 $0xFFFFC000  }
0x7c: {  	_ =	swait.ge [sflag:s7], $0x4000  }
0x7d: {  	s8 =	simm.s32 $0x80;
	[sflag:s7] =	ssyncset.done $0x0  }
0x7e: {  	s9 =	simm.s32 $0xF80;
	s10 =	simm.s32 $0x6000;
	[sflag:s7] =	ssyncadd.s32 $0xFFFFC000  }
0x7f: {  	[tilespmem:s10], [sflag:$0x2] =	stream.indirect.gather [hbm4b:s5+s8], $0x80, s9, s8, $0xb8;
	[tilespmem:$0x12000] =	vst v63  }
0x80: {  	s16 =	simm.s32 $0x1F80;
	s17 =	simm.s32 $0xE000;
	s18 =	simm.s32 $0x1  }
0x81: {  	[tilespmem:s17], [sflag:$0x4] =	stream.indirect.gather [hbm4b:s5+s8], $0x80, s16, s8, $0xb8;
	[tilespmem:$0x12000] =	vst v63  }
0x82: {  	_ =	swait.ge [sflag:s18], $0x4000  }
0x83: {  	[sflag:s18] =	ssyncset.done $0x0  }
0x84: {  	s19 =	simm.s32 $0x3;
	[sflag:s18] =	ssyncadd.s32 $0xFFFFC000  }
0x85: {  	_ =	swait.ge [sflag:s19], $0x4000  }
0x86: {  	s20 =	sor.u32 $0xF000, s4;
	s22 =	simm.s32 $0x0;
	[sflag:s19] =	ssyncset.done $0x0  }
0x87: {  	s12 =	simm.s32 $0x2000;
	s21 =	sadd.s32 s2, s20;
	[sflag:s19] =	ssyncadd.s32 $0xFFFFC000  }
0x88: {  	[hbm4b:s21+s22] =	stream.linear.scatter [tilespmem:s12], [sflag:$0x5], $0x4000, $0x38;
	[tilespmem:$0x12000] =	vst v63  }
0x89: {  	s23 =	simm.s32 $0xA000;
	s24 =	simm.s32 $0x2;
	s5 =	sadd.s32 s3, s20  }
0x8a: {  	[hbm4b:s5+s22] =	stream.linear.scatter [tilespmem:s23], [sflag:$0x7], $0x4000, $0x38;
	[tilespmem:$0x12000] =	vst v63  }
0x8b: {  	_ =	swait.ge [sflag:s24], $0x4000  }
0x8c: {  	[sflag:s24] =	ssyncset.done $0x0  }
0x8d: {  	s25 =	simm.s32 $0x4;
	[sflag:s24] =	ssyncadd.s32 $0xFFFFC000  }
0x8e: {  	_ =	swait.ge [sflag:s25], $0x4000  }
0x8f: {  	s26 =	sor.u32 $0xF800, s4;
	[sflag:s25] =	ssyncset.done $0x0  }
0x90: {  	s28 =	sadd.s32 s2, s26;
	[sflag:s25] =	ssyncadd.s32 $0xFFFFC000  }
0x91: {  	[hbm4b:s28+s22] =	stream.linear.scatter [tilespmem:s10], [sflag:$0x6], $0x4000, $0x38;
	[tilespmem:$0x12000] =	vst v63  }
0x92: {  	s30 =	simm.s32 $0x5;
	s29 =	sadd.s32 s3, s26  }
0x93: {  	[hbm4b:s29+s22] =	stream.linear.scatter [tilespmem:s17], [sflag:$0x8], $0x4000, $0x38;
	[tilespmem:$0x12000] =	vst v63  }
0x94: {  	_ =	swait.ge [sflag:s30], $0x4000  }
0x95: {  	[sflag:s30] =	ssyncset.done $0x0  }
0x96: {  	s31 =	simm.s32 $0x7;
	[sflag:s30] =	ssyncadd.s32 $0xFFFFC000  }
0x97: {  	_ =	swait.ge [sflag:s31], $0x4000  }
0x98: {  	[sflag:s31] =	ssyncset.done $0x0  }
0x99: {  	[sflag:s31] =	ssyncadd.s32 $0xFFFFC000  }
0x9a: {  	_ =	swait.ge [sflag:s15], $0x4000  }
0x9b: {  	[sflag:s15] =	ssyncset.done $0x0  }
0x9c: {  	[sflag:s15] =	ssyncadd.s32 $0xFFFFC000  }
0x9d: {  	_ =	swait.ge [sflag:s7], $0x4000  }
0x9e: {  	[sflag:s7] =	ssyncset.done $0x0  }
0x9f: {  	[sflag:s7] =	ssyncadd.s32 $0xFFFFC000  }
0xa0: {  	_ =	sfence.sel $0x180000  }
0xa1: {  	[bflag:$0x0] =	sbarrier.arrive $0xFFFF  }
0xa2: {  	p0 =	sne.s32 s1, $0x0;
	_ =	strace $0x90000053  }
0xa3: {  	s0 =	sadd.s32 @!p0 $0x100000, s0;
	[bflag:$0x2] =	sbarrier.arrive $0xFFFF  }
0xa4: {  	[sflag:s0] =	ssyncadd.tile.s32 @!p0 $0x1;
	_ =	shalt  }
.Lfunc_end2:
_tile_overlayer_lowered:
.L_overlay_start_2:
0xa5: {  	(tag) =	ssettag $0x2  }
0xa6: {  	s0 =	rddreg [dreg:$0x0];
	s2 =	stileid.u32  }
0xa7: {  	s1 =	rddreg [dreg:$0x1];
	p0 =	sne.s32 s2, $0x0  }
0xa8: {  	s3 =	rddreg [dreg:$0x2];
	[bflag:$0x3] =	sbarrier.arrive $0xFFFF;
	s2 =	simm.s32 @!p0 $0x1C09  }
0xa9: {  	[timem:s3], [sflag:s2] =	dma.local @!p0 [hbm:s0], s1  }
0xaa: {  	s0 =	simm.s32 @!p0 $0x9  }
0xab: {  	_ =	swait.ge @!p0 [sflag:s0], s1  }
0xac: {  	s1 =	ssub.s32 @!p0 $0x0, s1;
	[sflag:s0] =	ssyncset.done @!p0 $0x0  }
0xad: {  	[sflag:s0] =	ssyncadd.s32 @!p0 s1  }
0xae: {  	[bflag:$0x3] =	sbarrier.arrive $0xFFFF  }
0xaf: {  	_ =	shalt  }

// kernel: kernel.32.cloned.1.call-start
scs
__scs_entry_jumppad:
0x0: {  	(pc) =	sbr.rel $0x88, $3  }
0x1: {  	(tag) =	ssettag $0x0;
	lr =	simm.s32 $0x1  }
0x2: {  	[smem:$0x3F8F] =	sst lr;
	_ =	strace $0xD0000000  }
0x3: {  	_ = 	snop  }
0x4: {  	_ = 	snop  }
0x5: {  	_ = 	snop  }
0x6: {  	_ = 	snop  }
0x7: {  	_ = 	snop  }
__scs_overlays_trampoline_lowered:
0x8: {  	[smem:$0x3F9E] =	sst s0  }
0x9: {  	[smem:$0x3F9F] =	sst s1  }
0xa: {  	[smem:$0x3FA0] =	sst s2  }
0xb: {  	[smem:$0x3FA1] =	sst s3  }
0xc: {  	[smem:$0x3FA2] =	sst s4  }
0xd: {  	[smem:$0x3FA3] =	sst s5  }
0xe: {  	[smem:$0x3FA4] =	sst s6  }
0xf: {  	[smem:$0x3FA5] =	sst s7  }
0x10: {  	[smem:$0x3FA6] =	sst s8  }
0x11: {  	[smem:$0x3FA7] =	sst s9;
	s0 =	simm.s32 @!p0 $0x0  }
0x12: {  	s1 =	sld [smem:$0x3F8D];
	s0 =	simm.s32 @p0 $0x1  }
0x13: {  	[smem:$0x3FA8] =	sst s0;
	s0 =	simm.s32 @!p1 $0x0  }
0x14: {  	s2 =	sld [smem:$0x3F8C];
	s0 =	simm.s32 @p1 $0x1  }
0x15: {  	[smem:$0x3FA9] =	sst s0;
	s0 =	simm.s32 @!p2 $0x0  }
0x16: {  	s3 =	sld [smem:$0x3FDB];
	s0 =	simm.s32 @p2 $0x1  }
0x17: {  	s4 =	simm.s32 $0x1BF5;
	[smem:$0x3FAB] =	sst s0  }
0x18: {  	s0 =	sld [smem:$0x3F8E];
	_ =	swait.ge [sflag:s4], $0x0  }
0x19: {  	s7 =	sld [smem:$0x3F8F]  }
0x1a: {  	s8 =	sadd.s32 $0xFFFFE003, lr  }
0x1b: {  	s9 =	sadd.s32 $0xFFFFFEF7, lr;
	s5 =	simm.s32 $0xFFFFFFFF;
	p2 =	slt.u32 s8, $0xFFFFF086  }
0x1c: {  	p1 =	slt.u32 s9, $0xF7A;
	s5 =	simm.s32 @!p2 $0x0  }
0x1d: {  	s5 =	simm.s32 @p1 $0x1;
	p0 =	seq.s32 s7, s2  }
0x1e: {  	s7 =	smul.u32 @!p0 $0xF7A, s2;
	p2 =	seq.s32 @!p0 s5, $0x0  }
0x1f: {  	s9 =	smul.u32 $0xF7A, s1;
	s8 =	simm.s32 @!p0 $0x1BF5;
	p2 =	por !p2, p0  }
0x20: {  	[sflag:s8] =	ssyncset.s32 @!p0 $0xFFFFF086;
	s6 =	sadd.s32 @!p0 s3, s7;
	s7 =	simm.s32 @!p0 $0x108  }
0x21: {  	s3 =	sadd.s32 s3, s9;
	s6 =	sadd.s32 @!p0 $0x88, s6;
	s7 =	simm.s32 @p2 $0x1082  }
0x22: {  	[simem:s7], [sflag:s8] =	dma.local @!p0 [hbm:s6], $0xF7A  }
0x23: {  	s9 =	sor.u32 $0xD0000000, s2;
	s6 =	simm.s32 $0x108;
	_ =	swait.ge @!p0 [sflag:s8], $0x0  }
0x24: {  	s3 =	sadd.s32 $0x88, s3;
	s6 =	simm.s32 @!p1 $0x1082;
	[sflag:s4] =	ssyncset.s32 $0xFFFFF086  }
0x25: {  	[simem:s6], [sflag:s4] =	dma.local [hbm:s3], $0xF7A  }
0x26: {  	[smem:$0x3F8F] =	sst s1;
	(tag) =	ssettag s2;
	_ =	strace s9  }
0x27: {  	s1 =	sld [smem:$0x3F9F]  }
0x28: {  	s2 =	sld [smem:$0x3FA0]  }
0x29: {  	s4 =	sld [smem:$0x3FA2]  }
0x2a: {  	p0 =	seq.s32 s5, $0x0;
	s5 =	sld [smem:$0x3FA3]  }
0x2b: {  	s6 =	sld [smem:$0x3FA4]  }
0x2c: {  	s7 =	sld [smem:$0x3FA5]  }
0x2d: {  	s3 =	simm.s32 $0x108;
	s8 =	sld [smem:$0x3FA6]  }
0x2e: {  	s3 =	simm.s32 @!p0 $0x1082;
	s9 =	sld [smem:$0x3FA7]  }
0x2f: {  	lr =	sadd.s32 s0, s3;
	s0 =	sld [smem:$0x3F9E]  }
0x30: {  	s3 =	sld [smem:$0x3FA1]  }
0x31: {  	[smem:$0x3FAA] =	sst s10  }
0x32: {  	s10 =	sld [smem:$0x3FA8];
	_ =	sdelay $0x3  }
0x33: {  	p0 =	seq.s32 s10, $0x1;
	s10 =	sld [smem:$0x3FAA];
	_ =	sdelay $0x3  }
0x34: {  	[smem:$0x3FAA] =	sst s10  }
0x35: {  	s10 =	sld [smem:$0x3FA9];
	_ =	sdelay $0x3  }
0x36: {  	p1 =	seq.s32 s10, $0x1;
	s10 =	sld [smem:$0x3FAA];
	_ =	sdelay $0x3  }
0x37: {  	[smem:$0x3FAA] =	sst s10  }
0x38: {  	s10 =	sld [smem:$0x3FAB]  }
0x39: {  	_ = 	snop;
	(pc) =	sbr.ind lr, $3  }
0x3a: {  	_ = 	snop  }
0x3b: {  	_ = 	snop  }
0x3c: {  	p2 =	seq.s32 s10, $0x1;
	s10 =	sld [smem:$0x3FAA]  }
0x3d: {  	_ =	shalt  }
0x3e: {  	_ =	shalt  }
0x3f: {  	_ =	shalt  }
0x40: {  	_ =	shalt  }
0x41: {  	_ =	shalt  }
0x42: {  	_ =	shalt  }
0x43: {  	_ =	shalt  }
0x44: {  	_ =	shalt  }
0x45: {  	_ =	shalt  }
0x46: {  	_ =	shalt  }
0x47: {  	_ =	shalt  }
0x48: {  	_ =	shalt  }
0x49: {  	_ =	shalt  }
0x4a: {  	_ =	shalt  }
0x4b: {  	_ =	shalt  }
0x4c: {  	_ =	shalt  }
0x4d: {  	_ =	shalt  }
0x4e: {  	_ =	shalt  }
0x4f: {  	_ =	shalt  }
0x50: {  	_ =	shalt  }
0x51: {  	_ =	shalt  }
0x52: {  	_ =	shalt  }
0x53: {  	_ =	shalt  }
0x54: {  	_ =	shalt  }
0x55: {  	_ =	shalt  }
0x56: {  	_ =	shalt  }
0x57: {  	_ =	shalt  }
0x58: {  	_ =	shalt  }
0x59: {  	_ =	shalt  }
0x5a: {  	_ =	shalt  }
0x5b: {  	_ =	shalt  }
0x5c: {  	_ =	shalt  }
0x5d: {  	_ =	shalt  }
0x5e: {  	_ =	shalt  }
0x5f: {  	_ =	shalt  }
0x60: {  	_ =	shalt  }
0x61: {  	_ =	shalt  }
0x62: {  	_ =	shalt  }
0x63: {  	_ =	shalt  }
0x64: {  	_ =	shalt  }
0x65: {  	_ =	shalt  }
0x66: {  	_ =	shalt  }
0x67: {  	_ =	shalt  }
0x68: {  	_ =	shalt  }
0x69: {  	_ =	shalt  }
0x6a: {  	_ =	shalt  }
0x6b: {  	_ =	shalt  }
0x6c: {  	_ =	shalt  }
0x6d: {  	_ =	shalt  }
0x6e: {  	_ =	shalt  }
0x6f: {  	_ =	shalt  }
0x70: {  	_ =	shalt  }
0x71: {  	_ =	shalt  }
0x72: {  	_ =	shalt  }
0x73: {  	_ =	shalt  }
0x74: {  	_ =	shalt  }
0x75: {  	_ =	shalt  }
0x76: {  	_ =	shalt  }
0x77: {  	_ =	shalt  }
0x78: {  	_ =	shalt  }
0x79: {  	_ =	shalt  }
0x7a: {  	_ =	shalt  }
0x7b: {  	_ =	shalt  }
0x7c: {  	_ =	shalt  }
0x7d: {  	_ =	shalt  }
0x7e: {  	_ =	shalt  }
0x7f: {  	_ =	shalt  }
0x80: {  	_ =	shalt  }
0x81: {  	_ =	shalt  }
0x82: {  	_ =	shalt  }
0x83: {  	_ =	shalt  }
0x84: {  	_ =	shalt  }
0x85: {  	_ =	shalt  }
0x86: {  	_ =	shalt  }
0x87: {  	_ =	shalt  }
.Lfunc_end0:
.L_simem_size_0:
called_computation.5_lowered:
.L_overlay_start_0:
0x88: {  	s0 =	sld [smem:$0x3FD9]  }
0x89: {  	s1 =	sld [smem:$0x3FFE];
	_ =	sdelay $0x3  }
0x8a: {  	s0 =	sadd.s32 s1, s0  }
0x8b: {  	[smem:$0x3FB6] =	sst s0  }
0x8c: {  	_ = 	snop  }
0x8d: {  	(tm) =	ssettm $0x1  }
0x8e: {  	s15 =	sld [smem:$0x3FFB];
	_ =	sdelay $0x3  }
0x8f: {  	_ =	strace s15  }
0x90: {  	s0 =	sld [smem:$0x3FFC];
	_ =	sdelay $0x3  }
0x91: {  	_ =	strace s0  }
0x92: {  	s0 =	sld [smem:$0x3FFD];
	_ =	sdelay $0x3  }
0x93: {  	_ =	strace s0  }
0x94: {  	_ =	strace $0x8FFFFFFF  }
0x95: {  	s16 =	sld [smem:$0x3FDB];
	_ =	sdelay $0x1  }
0x96: {  	s17 =	simm.s32 $_scs_section_size  }
0x97: {  	s2 =	simm.s32 $_size__tile_overlayer_lowered;
	s3 =	simm.s32 $_tile_overlayer_lowered  }
0x98: {  	s20 =	simm.s32 $0x1BFF;
	s19 =	sshll.u32 s3, $0x1;
	s0 =	sadd.s32 s17, s16  }
0x99: {  	s4 =	simm.s32 $0x0;
	s18 =	sshll.u32 s2, $0x1;
	s2 =	sadd.s32 s19, s0  }
0x9a: {  	[timem:s4], [sflag:s20] =	dma.local [hbm:s2], s18  }
0x9b: {  	_ =	swait.ge [sflag:s20], s18  }
0x9c: {  	s1 =	ssub.s32 $0x0, s18;
	[sflag:s20] =	ssyncset.done $0x0  }
0x9d: {  	[sflag:s20] =	ssyncadd.s32 s1;
	_ =	sdelay $0x1  }
0x9e: {  	s21 =	simm.s32 $0x1B8B  }
0x9f: {  	_ =	swait.ge [sflag:s21], $0x1  }
0xa0: {  	[sflag:s21] =	ssyncset.done $0x0  }
0xa1: {  	s23 =	simm.s32 $0x1B8E;
	s22 =	sld [smem:$0x3FFE];
	[sflag:s21] =	ssyncadd.s32 $0xFFFFFFFF  }
0xa2: {  	s24 =	simm.s32 $execute0_lowered;
	[smem:$0x3FD2] =	sst s23  }
0xa3: {  	s2 =	sshll.u32 s24, $0x1;
	_ =	strace $0x80000055;
	[dreg:$0x1] =	wrdreg $0xFFFFFFFF  }
0xa4: {  	s25 =	simm.s32 $_size_execute0_lowered;
	s0 =	sadd.s32 s0, s2;
	[dreg:$0x0] =	wrdreg $0x0  }
0xa5: {  	s2 =	sshll.u32 s25, $0x1;
	[dreg:$0x2] =	wrdreg s0  }
0xa6: {  	[dreg:$0x3] =	wrdreg s2  }
0xa7: {  	[dreg:$0x4] =	wrdreg $0xC0  }
0xa8: {  	_ =	task [dreg:s4], $0x5FFFF  }
0xa9: {  	[dreg:$0x1] =	wrdreg $0xFFFFFFFF  }
0xaa: {  	[dreg:$0x0] =	wrdreg $0x60  }
0xab: {  	[dreg:$0x2] =	wrdreg s22  }
0xac: {  	[dreg:$0x3] =	wrdreg $0xC  }
0xad: {  	_ =	task.clear_ibuf [dreg:s4], $0x4FFFF;
	_ =	strace $0x90000055  }
0xae: {  	s26 =	simm.s32 $0xC;
	_ =	strace $0x80000057  }
0xaf: {  	_ =	swait.ge [sflag:s26], $0x1  }
0xb0: {  	[sflag:s26] =	ssyncadd.s32 $0xFFFFFFFF  }
0xb1: {  	_ =	strace $0x90000057  }
0xb2: {  	_ =	sfence  }
0xb3: {  	s28 =	sld [smem:$0x0];
	_ =	sdelay $0x1  }
0xb4: {  	s29 =	srdreg.scid  }
0xb5: {  	s30 =	sshll.u32 s29, $0xD;
	s31 =	sshrl.u32 s29, $0x2  }
0xb6: {  	s1 =	sand.u32 $0x1, s29;
	s2 =	sand.u32 $0x4000, s30;
	s0 =	sadd.s32 s31, s28  }
0xb7: {  	s1 =	sor.u32 s2, s1;
	s0 =	sshll.u32 s0, $0x11  }
0xb8: {  	s0 =	sor.u32 s0, s1  }
0xb9: {  	s0 =	sadd.s32 $0x8F2B, s0  }
0xba: {  	[sflag:s0] =	ssyncadd.remote.s32 $0x1  }
0xbb: {  	_ =	sfence.sel $0xFFFF  }
0xbc: {  	[dreg:$0x0] =	wrdreg $0xFFFFFFFF;
	(pc) =	sbr.abs _section_cstart, $3  }
0xbd: {  	[dreg:$0x1] =	wrdreg $0xFFFFFFFF  }
0xbe: {  	_ =	task.clear_ibuf [dreg:s4], $0x2FFFF;
	_ =	strace $0x9FFFFFFF  }
0xbf: {  	(tm) =	ssettm $0x7FFFFFFF  }
tec
execute0_lowered:
.L_overlay_start_1:
0x0: {  	(tag) =	ssettag $0x1  }
0x1: {  	s0 =	stileid.u32  }
0x2: {  	s3 =	rddreg [dreg:$0x0];
	s2 =	smul.u32 $0x300, s0  }
0x3: {  	s1 =	rddreg [dreg:$0x1];
	s6 =	simm.s32 $0x0  }
0x4: {  	[smem:$0x7FF] =	sst s6;
	s2 =	sadd.s32 s2, s3  }
0x5: {  	s23 =	simm.s32 $0x9;
	_ =	strace $0x80000056;
	s4 =	sadd.s32 $0x77000, s2  }
0x6: {  	[tilespmem:s6], [sflag:$0x9] =	stream.linear.gather [hbm4b:s4+s6], $0x1800, $0x38;
	[tilespmem:$0x13000] =	vst v63  }
0x7: {  	_ =	swait.ge [sflag:s23], $0x1800  }
0x8: {  	[sflag:s23] =	ssyncset.done $0x0  }
0x9: {  	s10 =	simm.s32 $0x1800;
	s2 =	sadd.s32 $0x74000, s2;
	[sflag:s23] =	ssyncadd.s32 $0xFFFFE800  }
0xa: {  	[tilespmem:s10], [sflag:$0x9] =	stream.linear.gather [hbm4b:s2+s6], $0x1800, $0x38;
	[tilespmem:$0x13000] =	vst v63  }
0xb: {  	_ =	swait.ge [sflag:s23], $0x1800  }
0xc: {  	s7 =	simm.s32 $0x80;
	[sflag:s23] =	ssyncset.done $0x0  }
0xd: {  	s8 =	simm.s32 $0x3000;
	s5 =	sadd.s32 $0x6000, s3;
	[sflag:s23] =	ssyncadd.s32 $0xFFFFE800  }
0xe: {  	[tilespmem:s8], [sflag:$0x1] =	stream.indirect.gather [hbm4b:s5+s7], $0x80, s6, s7, $0xb8;
	[tilespmem:$0x13000] =	vst v63  }
0xf: {  	s9 =	simm.s32 $0xB000  }
0x10: {  	[tilespmem:s9], [sflag:$0x3] =	stream.indirect.gather [hbm4b:s5+s7], $0x80, s10, s7, $0xb8;
	[tilespmem:$0x13000] =	vst v63  }
0x11: {  	s10 =	simm.s32 $0x7000  }
0x12: {  	[tilespmem:s10], [sflag:$0x2] =	stream.indirect.gather [hbm4b:s5+s7], $0x80, s7, s7, $0xb8;
	[tilespmem:$0x13000] =	vst v63  }
0x13: {  	s24 =	simm.s32 $0x1880;
	s11 =	simm.s32 $0xF000;
	s12 =	simm.s32 $0x1  }
0x14: {  	[tilespmem:s11], [sflag:$0x4] =	stream.indirect.gather [hbm4b:s5+s7], $0x80, s24, s7, $0xb8;
	[tilespmem:$0x13000] =	vst v63  }
0x15: {  	_ =	swait.ge [sflag:s12], $0x4000  }
0x16: {  	[sflag:s12] =	ssyncset.done $0x0  }
0x17: {  	s13 =	simm.s32 $0x3;
	[sflag:s12] =	ssyncadd.s32 $0xFFFFC000  }
0x18: {  	s4 =	smul.u32 $0x18000, s0;
	_ =	swait.ge [sflag:s13], $0x4000  }
0x19: {  	s2 =	sadd.s32 $0x3D3000, s3;
	[sflag:s13] =	ssyncset.done $0x0  }
0x1a: {  	s3 =	sadd.s32 $0x553000, s3;
	s20 =	sadd.s32 s2, s4;
	[sflag:s13] =	ssyncadd.s32 $0xFFFFC000  }
0x1b: {  	[hbm4b:s20+s6] =	stream.linear.scatter [tilespmem:s8], [sflag:$0x5], $0x4000, $0x38;
	[tilespmem:$0x13000] =	vst v63  }
0x1c: {  	s14 =	simm.s32 $0x5;
	s21 =	sadd.s32 s3, s4  }
0x1d: {  	[hbm4b:s21+s6] =	stream.linear.scatter [tilespmem:s9], [sflag:$0x7], $0x4000, $0x38;
	[tilespmem:$0x13000] =	vst v63  }
0x1e: {  	_ =	swait.ge [sflag:s14], $0x4000  }
0x1f: {  	[sflag:s14] =	ssyncset.done $0x0  }
0x20: {  	s15 =	simm.s32 $0x7;
	[sflag:s14] =	ssyncadd.s32 $0xFFFFC000  }
0x21: {  	_ =	swait.ge [sflag:s15], $0x4000  }
0x22: {  	[sflag:s15] =	ssyncset.done $0x0  }
0x23: {  	s16 =	simm.s32 $0x100;
	[sflag:s15] =	ssyncadd.s32 $0xFFFFC000  }
0x24: {  	[tilespmem:s8], [sflag:$0x1] =	stream.indirect.gather [hbm4b:s5+s7], $0x80, s16, s7, $0xb8;
	[tilespmem:$0x13000] =	vst v63  }
0x25: {  	s25 =	simm.s32 $0x1900;
	s16 =	simm.s32 $0x2  }
0x26: {  	[tilespmem:s9], [sflag:$0x3] =	stream.indirect.gather [hbm4b:s5+s7], $0x80, s25, s7, $0xb8;
	[tilespmem:$0x13000] =	vst v63  }
0x27: {  	_ =	swait.ge [sflag:s16], $0x4000  }
0x28: {  	[sflag:s16] =	ssyncset.done $0x0  }
0x29: {  	s17 =	simm.s32 $0x4;
	[sflag:s16] =	ssyncadd.s32 $0xFFFFC000  }
0x2a: {  	_ =	swait.ge [sflag:s17], $0x4000  }
0x2b: {  	s18 =	sor.u32 $0x800, s4;
	[sflag:s17] =	ssyncset.done $0x0  }
0x2c: {  	s19 =	sadd.s32 s2, s18;
	[sflag:s17] =	ssyncadd.s32 $0xFFFFC000  }
0x2d: {  	[hbm4b:s19+s6] =	stream.linear.scatter [tilespmem:s10], [sflag:$0x6], $0x4000, $0x38;
	[tilespmem:$0x13000] =	vst v63  }
0x2e: {  	s18 =	sadd.s32 s3, s18  }
0x2f: {  	[hbm4b:s18+s6] =	stream.linear.scatter [tilespmem:s11], [sflag:$0x8], $0x4000, $0x38;
	[tilespmem:$0x13000] =	vst v63  }
0x30: {  	s18 =	simm.s32 $0x6  }
0x31: {  	_ =	swait.ge [sflag:s18], $0x4000  }
0x32: {  	[sflag:s18] =	ssyncset.done $0x0  }
0x33: {  	s19 =	simm.s32 $0x8;
	[sflag:s18] =	ssyncadd.s32 $0xFFFFC000  }
0x34: {  	_ =	swait.ge [sflag:s19], $0x4000  }
0x35: {  	[sflag:s19] =	ssyncset.done $0x0  }
0x36: {  	s22 =	simm.s32 $0x180;
	[sflag:s19] =	ssyncadd.s32 $0xFFFFC000  }
0x37: {  	[tilespmem:s10], [sflag:$0x2] =	stream.indirect.gather [hbm4b:s5+s7], $0x80, s22, s7, $0xb8;
	[tilespmem:$0x13000] =	vst v63  }
0x38: {  	s26 =	simm.s32 $0x1980  }
0x39: {  	[tilespmem:s11], [sflag:$0x4] =	stream.indirect.gather [hbm4b:s5+s7], $0x80, s26, s7, $0xb8;
	[tilespmem:$0x13000] =	vst v63  }
0x3a: {  	_ =	swait.ge [sflag:s12], $0x4000  }
0x3b: {  	[sflag:s12] =	ssyncset.done $0x0  }
0x3c: {  	[sflag:s12] =	ssyncadd.s32 $0xFFFFC000  }
0x3d: {  	_ =	swait.ge [sflag:s13], $0x4000  }
0x3e: {  	s23 =	sadd.s32 $0x1800, s20;
	[sflag:s13] =	ssyncset.done $0x0  }
0x3f: {  	s28 =	sadd.s32 $0xFFFFF800, s23;
	s20 =	sadd.s32 $0x1800, s21;
	[sflag:s13] =	ssyncadd.s32 $0xFFFFC000  }
0x40: {  	[hbm4b:s28+s6] =	stream.linear.scatter [tilespmem:s8], [sflag:$0x5], $0x4000, $0x38;
	[tilespmem:$0x13000] =	vst v63  }
0x41: {  	s29 =	sadd.s32 $0xFFFFF800, s20  }
0x42: {  	[hbm4b:s29+s6] =	stream.linear.scatter [tilespmem:s9], [sflag:$0x7], $0x4000, $0x38;
	[tilespmem:$0x13000] =	vst v63  }
0x43: {  	_ =	swait.ge [sflag:s14], $0x4000  }
0x44: {  	[sflag:s14] =	ssyncset.done $0x0  }
0x45: {  	[sflag:s14] =	ssyncadd.s32 $0xFFFFC000  }
0x46: {  	_ =	swait.ge [sflag:s15], $0x4000  }
0x47: {  	[sflag:s15] =	ssyncset.done $0x0  }
0x48: {  	s30 =	simm.s32 $0x200;
	[sflag:s15] =	ssyncadd.s32 $0xFFFFC000  }
0x49: {  	[tilespmem:s8], [sflag:$0x1] =	stream.indirect.gather [hbm4b:s5+s7], $0x80, s30, s7, $0xb8;
	[tilespmem:$0x13000] =	vst v63  }
0x4a: {  	s31 =	simm.s32 $0x1A00  }
0x4b: {  	[tilespmem:s9], [sflag:$0x3] =	stream.indirect.gather [hbm4b:s5+s7], $0x80, s31, s7, $0xb8;
	[tilespmem:$0x13000] =	vst v63  }
0x4c: {  	_ =	swait.ge [sflag:s16], $0x4000  }
0x4d: {  	[sflag:s16] =	ssyncset.done $0x0  }
0x4e: {  	[sflag:s16] =	ssyncadd.s32 $0xFFFFC000  }
0x4f: {  	_ =	swait.ge [sflag:s17], $0x4000  }
0x50: {  	[sflag:s17] =	ssyncset.done $0x0  }
0x51: {  	[sflag:s17] =	ssyncadd.s32 $0xFFFFC000  }
0x52: {  	[hbm4b:s23+s6] =	stream.linear.scatter [tilespmem:s10], [sflag:$0x6], $0x4000, $0x38;
	[tilespmem:$0x13000] =	vst v63  }
0x53: {  	s21 =	simm.s32 $0x400;
	s22 =	sadd.s32 $0x1000, s20;
	s23 =	sadd.s32 $0x1000, s23  }
.LBB2_1:
0x54: {  	[hbm4b:s20+s6] =	stream.linear.scatter [tilespmem:s11], [sflag:$0x8], $0x4000, $0x38;
	[tilespmem:$0x13000] =	vst v63  }
0x55: {  	s24 =	smov.u32 s21;
	s20 =	smov.u32 s22  }
0x56: {  	p0 =	sne.s32 s21, $0x5400;
	s21 =	sadd.s32 $0x400, s21;
	_ =	swait.ge [sflag:s18], $0x4000  }
0x57: {  	[sflag:s18] =	ssyncset.done $0x0  }
0x58: {  	[sflag:s18] =	ssyncadd.s32 $0xFFFFC000  }
0x59: {  	_ =	swait.ge [sflag:s19], $0x4000  }
0x5a: {  	s24 =	sshra.s32 s24, $0x2;
	[sflag:s19] =	ssyncset.done $0x0  }
0x5b: {  	s25 =	sadd.s32 $0x180, s24;
	[sflag:s19] =	ssyncadd.s32 $0xFFFFC000  }
0x5c: {  	[tilespmem:s10], [sflag:$0x2] =	stream.indirect.gather [hbm4b:s5+s7], $0x80, s25, s7, $0xb8;
	[tilespmem:$0x13000] =	vst v63  }
0x5d: {  	s25 =	sadd.s32 $0x1980, s24  }
0x5e: {  	[tilespmem:s11], [sflag:$0x4] =	stream.indirect.gather [hbm4b:s5+s7], $0x80, s25, s7, $0xb8;
	[tilespmem:$0x13000] =	vst v63  }
0x5f: {  	_ =	swait.ge [sflag:s12], $0x4000  }
0x60: {  	[sflag:s12] =	ssyncset.done $0x0  }
0x61: {  	[sflag:s12] =	ssyncadd.s32 $0xFFFFC000  }
0x62: {  	_ =	swait.ge [sflag:s13], $0x4000  }
0x63: {  	[sflag:s13] =	ssyncset.done $0x0  }
0x64: {  	s25 =	sadd.s32 $0xFFFFF800, s23;
	[sflag:s13] =	ssyncadd.s32 $0xFFFFC000  }
0x65: {  	[hbm4b:s25+s6] =	stream.linear.scatter [tilespmem:s8], [sflag:$0x5], $0x4000, $0x38;
	[tilespmem:$0x13000] =	vst v63  }
0x66: {  	s25 =	sadd.s32 $0xFFFFF800, s22  }
0x67: {  	[hbm4b:s25+s6] =	stream.linear.scatter [tilespmem:s9], [sflag:$0x7], $0x4000, $0x38;
	[tilespmem:$0x13000] =	vst v63  }
0x68: {  	_ =	swait.ge [sflag:s14], $0x4000  }
0x69: {  	[sflag:s14] =	ssyncset.done $0x0  }
0x6a: {  	[sflag:s14] =	ssyncadd.s32 $0xFFFFC000  }
0x6b: {  	_ =	swait.ge [sflag:s15], $0x4000  }
0x6c: {  	[sflag:s15] =	ssyncset.done $0x0  }
0x6d: {  	s25 =	sadd.s32 $0x200, s24;
	[sflag:s15] =	ssyncadd.s32 $0xFFFFC000  }
0x6e: {  	[tilespmem:s8], [sflag:$0x1] =	stream.indirect.gather [hbm4b:s5+s7], $0x80, s25, s7, $0xb8;
	[tilespmem:$0x13000] =	vst v63  }
0x6f: {  	s24 =	sadd.s32 $0x1A00, s24  }
0x70: {  	[tilespmem:s9], [sflag:$0x3] =	stream.indirect.gather [hbm4b:s5+s7], $0x80, s24, s7, $0xb8;
	[tilespmem:$0x13000] =	vst v63  }
0x71: {  	_ =	swait.ge [sflag:s16], $0x4000  }
0x72: {  	[sflag:s16] =	ssyncset.done $0x0  }
0x73: {  	[sflag:s16] =	ssyncadd.s32 $0xFFFFC000  }
.Ltmp0:
0x74: {  	_ =	swait.ge [sflag:s17], $0x4000;
	(pc) =	sbr.rel @p0 .LBB2_1-.Ltmp0, $4  }
0x75: {  	[sflag:s17] =	ssyncset.done $0x0  }
0x76: {  	[sflag:s17] =	ssyncadd.s32 $0xFFFFC000  }
0x77: {  	[hbm4b:s23+s6] =	stream.linear.scatter [tilespmem:s10], [sflag:$0x6], $0x4000, $0x38;
	[tilespmem:$0x13000] =	vst v63  }
0x78: {  	s22 =	sadd.s32 $0x1000, s22;
	s23 =	sadd.s32 $0x1000, s23  }
0x79: {  	[hbm4b:s20+s6] =	stream.linear.scatter [tilespmem:s11], [sflag:$0x8], $0x4000, $0x38;
	[tilespmem:$0x13000] =	vst v63  }
0x7a: {  	s15 =	simm.s32 $0x6  }
0x7b: {  	_ =	swait.ge [sflag:s15], $0x4000  }
0x7c: {  	[sflag:s15] =	ssyncset.done $0x0  }
0x7d: {  	s7 =	simm.s32 $0x8;
	[sflag:s15] =	ssyncadd.s32 $0xFFFFC000  }
0x7e: {  	_ =	swait.ge [sflag:s7], $0x4000  }
0x7f: {  	s8 =	simm.s32 $0x80;
	[sflag:s7] =	ssyncset.done $0x0  }
0x80: {  	s9 =	simm.s32 $0x1780;
	s10 =	simm.s32 $0x7000;
	[sflag:s7] =	ssyncadd.s32 $0xFFFFC000  }
0x81: {  	[tilespmem:s10], [sflag:$0x2] =	stream.indirect.gather [hbm4b:s5+s8], $0x80, s9, s8, $0xb8;
	[tilespmem:$0x13000] =	vst v63  }
0x82: {  	s16 =	simm.s32 $0x2F80;
	s17 =	simm.s32 $0xF000;
	s18 =	simm.s32 $0x1  }
0x83: {  	[tilespmem:s17], [sflag:$0x4] =	stream.indirect.gather [hbm4b:s5+s8], $0x80, s16, s8, $0xb8;
	[tilespmem:$0x13000] =	vst v63  }
0x84: {  	_ =	swait.ge [sflag:s18], $0x4000  }
0x85: {  	[sflag:s18] =	ssyncset.done $0x0  }
0x86: {  	s19 =	simm.s32 $0x3;
	[sflag:s18] =	ssyncadd.s32 $0xFFFFC000  }
0x87: {  	_ =	swait.ge [sflag:s19], $0x4000  }
0x88: {  	s20 =	sadd.s32 $0x17000, s4;
	s22 =	simm.s32 $0x0;
	[sflag:s19] =	ssyncset.done $0x0  }
0x89: {  	s12 =	simm.s32 $0x3000;
	s21 =	sadd.s32 s2, s20;
	[sflag:s19] =	ssyncadd.s32 $0xFFFFC000  }
0x8a: {  	[hbm4b:s21+s22] =	stream.linear.scatter [tilespmem:s12], [sflag:$0x5], $0x4000, $0x38;
	[tilespmem:$0x13000] =	vst v63  }
0x8b: {  	s23 =	simm.s32 $0xB000;
	s24 =	simm.s32 $0x2;
	s5 =	sadd.s32 s3, s20  }
0x8c: {  	[hbm4b:s5+s22] =	stream.linear.scatter [tilespmem:s23], [sflag:$0x7], $0x4000, $0x38;
	[tilespmem:$0x13000] =	vst v63  }
0x8d: {  	_ =	swait.ge [sflag:s24], $0x4000  }
0x8e: {  	[sflag:s24] =	ssyncset.done $0x0  }
0x8f: {  	s25 =	simm.s32 $0x4;
	[sflag:s24] =	ssyncadd.s32 $0xFFFFC000  }
0x90: {  	_ =	swait.ge [sflag:s25], $0x4000  }
0x91: {  	s26 =	sadd.s32 $0x17800, s4;
	[sflag:s25] =	ssyncset.done $0x0  }
0x92: {  	s28 =	sadd.s32 s2, s26;
	[sflag:s25] =	ssyncadd.s32 $0xFFFFC000  }
0x93: {  	[hbm4b:s28+s22] =	stream.linear.scatter [tilespmem:s10], [sflag:$0x6], $0x4000, $0x38;
	[tilespmem:$0x13000] =	vst v63  }
0x94: {  	s30 =	simm.s32 $0x5;
	s29 =	sadd.s32 s3, s26  }
0x95: {  	[hbm4b:s29+s22] =	stream.linear.scatter [tilespmem:s17], [sflag:$0x8], $0x4000, $0x38;
	[tilespmem:$0x13000] =	vst v63  }
0x96: {  	_ =	swait.ge [sflag:s30], $0x4000  }
0x97: {  	[sflag:s30] =	ssyncset.done $0x0  }
0x98: {  	s31 =	simm.s32 $0x7;
	[sflag:s30] =	ssyncadd.s32 $0xFFFFC000  }
0x99: {  	_ =	swait.ge [sflag:s31], $0x4000  }
0x9a: {  	[sflag:s31] =	ssyncset.done $0x0  }
0x9b: {  	[sflag:s31] =	ssyncadd.s32 $0xFFFFC000  }
0x9c: {  	_ =	swait.ge [sflag:s15], $0x4000  }
0x9d: {  	[sflag:s15] =	ssyncset.done $0x0  }
0x9e: {  	[sflag:s15] =	ssyncadd.s32 $0xFFFFC000  }
0x9f: {  	_ =	swait.ge [sflag:s7], $0x4000  }
0xa0: {  	[sflag:s7] =	ssyncset.done $0x0  }
0xa1: {  	[sflag:s7] =	ssyncadd.s32 $0xFFFFC000  }
0xa2: {  	_ =	sfence.sel $0x180000  }
0xa3: {  	[bflag:$0x0] =	sbarrier.arrive $0xFFFF  }
0xa4: {  	p0 =	sne.s32 s0, $0x0;
	_ =	strace $0x90000056  }
0xa5: {  	s0 =	sadd.s32 @!p0 $0x100000, s1;
	[bflag:$0x2] =	sbarrier.arrive $0xFFFF  }
0xa6: {  	[sflag:s0] =	ssyncadd.tile.s32 @!p0 $0x1;
	_ =	shalt  }
.Lfunc_end2:
_tile_overlayer_lowered:
.L_overlay_start_2:
0xa7: {  	(tag) =	ssettag $0x2  }
0xa8: {  	s0 =	rddreg [dreg:$0x0];
	s2 =	stileid.u32  }
0xa9: {  	s1 =	rddreg [dreg:$0x1];
	p0 =	sne.s32 s2, $0x0  }
0xaa: {  	s3 =	rddreg [dreg:$0x2];
	[bflag:$0x3] =	sbarrier.arrive $0xFFFF;
	s2 =	simm.s32 @!p0 $0x1C09  }
0xab: {  	[timem:s3], [sflag:s2] =	dma.local @!p0 [hbm:s0], s1  }
0xac: {  	s0 =	simm.s32 @!p0 $0x9  }
0xad: {  	_ =	swait.ge @!p0 [sflag:s0], s1  }
0xae: {  	s1 =	ssub.s32 @!p0 $0x0, s1;
	[sflag:s0] =	ssyncset.done @!p0 $0x0  }
0xaf: {  	[sflag:s0] =	ssyncadd.s32 @!p0 s1  }
0xb0: {  	[bflag:$0x3] =	sbarrier.arrive $0xFFFF  }
0xb1: {  	_ =	shalt  }

// kernel: kernel.35.cloned.1.call-start
scs
__scs_entry_jumppad:
0x0: {  	(pc) =	sbr.rel $0x88, $3  }
0x1: {  	(tag) =	ssettag $0x0;
	lr =	simm.s32 $0x1  }
0x2: {  	[smem:$0x3F8F] =	sst lr;
	_ =	strace $0xD0000000  }
0x3: {  	_ = 	snop  }
0x4: {  	_ = 	snop  }
0x5: {  	_ = 	snop  }
0x6: {  	_ = 	snop  }
0x7: {  	_ = 	snop  }
__scs_overlays_trampoline_lowered:
0x8: {  	[smem:$0x3F9E] =	sst s0  }
0x9: {  	[smem:$0x3F9F] =	sst s1  }
0xa: {  	[smem:$0x3FA0] =	sst s2  }
0xb: {  	[smem:$0x3FA1] =	sst s3  }
0xc: {  	[smem:$0x3FA2] =	sst s4  }
0xd: {  	[smem:$0x3FA3] =	sst s5  }
0xe: {  	[smem:$0x3FA4] =	sst s6  }
0xf: {  	[smem:$0x3FA5] =	sst s7  }
0x10: {  	[smem:$0x3FA6] =	sst s8  }
0x11: {  	[smem:$0x3FA7] =	sst s9;
	s0 =	simm.s32 @!p0 $0x0  }
0x12: {  	s1 =	sld [smem:$0x3F8D];
	s0 =	simm.s32 @p0 $0x1  }
0x13: {  	[smem:$0x3FA8] =	sst s0;
	s0 =	simm.s32 @!p1 $0x0  }
0x14: {  	s2 =	sld [smem:$0x3F8C];
	s0 =	simm.s32 @p1 $0x1  }
0x15: {  	[smem:$0x3FA9] =	sst s0;
	s0 =	simm.s32 @!p2 $0x0  }
0x16: {  	s3 =	sld [smem:$0x3FDB];
	s0 =	simm.s32 @p2 $0x1  }
0x17: {  	s4 =	simm.s32 $0x1BF5;
	[smem:$0x3FAB] =	sst s0  }
0x18: {  	s0 =	sld [smem:$0x3F8E];
	_ =	swait.ge [sflag:s4], $0x0  }
0x19: {  	s7 =	sld [smem:$0x3F8F]  }
0x1a: {  	s8 =	sadd.s32 $0xFFFFE003, lr  }
0x1b: {  	s9 =	sadd.s32 $0xFFFFFEF7, lr;
	s5 =	simm.s32 $0xFFFFFFFF;
	p2 =	slt.u32 s8, $0xFFFFF086  }
0x1c: {  	p1 =	slt.u32 s9, $0xF7A;
	s5 =	simm.s32 @!p2 $0x0  }
0x1d: {  	s5 =	simm.s32 @p1 $0x1;
	p0 =	seq.s32 s7, s2  }
0x1e: {  	s7 =	smul.u32 @!p0 $0xF7A, s2;
	p2 =	seq.s32 @!p0 s5, $0x0  }
0x1f: {  	s9 =	smul.u32 $0xF7A, s1;
	s8 =	simm.s32 @!p0 $0x1BF5;
	p2 =	por !p2, p0  }
0x20: {  	[sflag:s8] =	ssyncset.s32 @!p0 $0xFFFFF086;
	s6 =	sadd.s32 @!p0 s3, s7;
	s7 =	simm.s32 @!p0 $0x108  }
0x21: {  	s3 =	sadd.s32 s3, s9;
	s6 =	sadd.s32 @!p0 $0x88, s6;
	s7 =	simm.s32 @p2 $0x1082  }
0x22: {  	[simem:s7], [sflag:s8] =	dma.local @!p0 [hbm:s6], $0xF7A  }
0x23: {  	s9 =	sor.u32 $0xD0000000, s2;
	s6 =	simm.s32 $0x108;
	_ =	swait.ge @!p0 [sflag:s8], $0x0  }
0x24: {  	s3 =	sadd.s32 $0x88, s3;
	s6 =	simm.s32 @!p1 $0x1082;
	[sflag:s4] =	ssyncset.s32 $0xFFFFF086  }
0x25: {  	[simem:s6], [sflag:s4] =	dma.local [hbm:s3], $0xF7A  }
0x26: {  	[smem:$0x3F8F] =	sst s1;
	(tag) =	ssettag s2;
	_ =	strace s9  }
0x27: {  	s1 =	sld [smem:$0x3F9F]  }
0x28: {  	s2 =	sld [smem:$0x3FA0]  }
0x29: {  	s4 =	sld [smem:$0x3FA2]  }
0x2a: {  	p0 =	seq.s32 s5, $0x0;
	s5 =	sld [smem:$0x3FA3]  }
0x2b: {  	s6 =	sld [smem:$0x3FA4]  }
0x2c: {  	s7 =	sld [smem:$0x3FA5]  }
0x2d: {  	s3 =	simm.s32 $0x108;
	s8 =	sld [smem:$0x3FA6]  }
0x2e: {  	s3 =	simm.s32 @!p0 $0x1082;
	s9 =	sld [smem:$0x3FA7]  }
0x2f: {  	lr =	sadd.s32 s0, s3;
	s0 =	sld [smem:$0x3F9E]  }
0x30: {  	s3 =	sld [smem:$0x3FA1]  }
0x31: {  	[smem:$0x3FAA] =	sst s10  }
0x32: {  	s10 =	sld [smem:$0x3FA8];
	_ =	sdelay $0x3  }
0x33: {  	p0 =	seq.s32 s10, $0x1;
	s10 =	sld [smem:$0x3FAA];
	_ =	sdelay $0x3  }
0x34: {  	[smem:$0x3FAA] =	sst s10  }
0x35: {  	s10 =	sld [smem:$0x3FA9];
	_ =	sdelay $0x3  }
0x36: {  	p1 =	seq.s32 s10, $0x1;
	s10 =	sld [smem:$0x3FAA];
	_ =	sdelay $0x3  }
0x37: {  	[smem:$0x3FAA] =	sst s10  }
0x38: {  	s10 =	sld [smem:$0x3FAB]  }
0x39: {  	_ = 	snop;
	(pc) =	sbr.ind lr, $3  }
0x3a: {  	_ = 	snop  }
0x3b: {  	_ = 	snop  }
0x3c: {  	p2 =	seq.s32 s10, $0x1;
	s10 =	sld [smem:$0x3FAA]  }
0x3d: {  	_ =	shalt  }
0x3e: {  	_ =	shalt  }
0x3f: {  	_ =	shalt  }
0x40: {  	_ =	shalt  }
0x41: {  	_ =	shalt  }
0x42: {  	_ =	shalt  }
0x43: {  	_ =	shalt  }
0x44: {  	_ =	shalt  }
0x45: {  	_ =	shalt  }
0x46: {  	_ =	shalt  }
0x47: {  	_ =	shalt  }
0x48: {  	_ =	shalt  }
0x49: {  	_ =	shalt  }
0x4a: {  	_ =	shalt  }
0x4b: {  	_ =	shalt  }
0x4c: {  	_ =	shalt  }
0x4d: {  	_ =	shalt  }
0x4e: {  	_ =	shalt  }
0x4f: {  	_ =	shalt  }
0x50: {  	_ =	shalt  }
0x51: {  	_ =	shalt  }
0x52: {  	_ =	shalt  }
0x53: {  	_ =	shalt  }
0x54: {  	_ =	shalt  }
0x55: {  	_ =	shalt  }
0x56: {  	_ =	shalt  }
0x57: {  	_ =	shalt  }
0x58: {  	_ =	shalt  }
0x59: {  	_ =	shalt  }
0x5a: {  	_ =	shalt  }
0x5b: {  	_ =	shalt  }
0x5c: {  	_ =	shalt  }
0x5d: {  	_ =	shalt  }
0x5e: {  	_ =	shalt  }
0x5f: {  	_ =	shalt  }
0x60: {  	_ =	shalt  }
0x61: {  	_ =	shalt  }
0x62: {  	_ =	shalt  }
0x63: {  	_ =	shalt  }
0x64: {  	_ =	shalt  }
0x65: {  	_ =	shalt  }
0x66: {  	_ =	shalt  }
0x67: {  	_ =	shalt  }
0x68: {  	_ =	shalt  }
0x69: {  	_ =	shalt  }
0x6a: {  	_ =	shalt  }
0x6b: {  	_ =	shalt  }
0x6c: {  	_ =	shalt  }
0x6d: {  	_ =	shalt  }
0x6e: {  	_ =	shalt  }
0x6f: {  	_ =	shalt  }
0x70: {  	_ =	shalt  }
0x71: {  	_ =	shalt  }
0x72: {  	_ =	shalt  }
0x73: {  	_ =	shalt  }
0x74: {  	_ =	shalt  }
0x75: {  	_ =	shalt  }
0x76: {  	_ =	shalt  }
0x77: {  	_ =	shalt  }
0x78: {  	_ =	shalt  }
0x79: {  	_ =	shalt  }
0x7a: {  	_ =	shalt  }
0x7b: {  	_ =	shalt  }
0x7c: {  	_ =	shalt  }
0x7d: {  	_ =	shalt  }
0x7e: {  	_ =	shalt  }
0x7f: {  	_ =	shalt  }
0x80: {  	_ =	shalt  }
0x81: {  	_ =	shalt  }
0x82: {  	_ =	shalt  }
0x83: {  	_ =	shalt  }
0x84: {  	_ =	shalt  }
0x85: {  	_ =	shalt  }
0x86: {  	_ =	shalt  }
0x87: {  	_ =	shalt  }
.Lfunc_end0:
.L_simem_size_0:
called_computation.6_lowered:
.L_overlay_start_0:
0x88: {  	s0 =	sld [smem:$0x3FD9]  }
0x89: {  	s1 =	sld [smem:$0x3FFE];
	_ =	sdelay $0x3  }
0x8a: {  	s0 =	sadd.s32 s1, s0  }
0x8b: {  	[smem:$0x3FB6] =	sst s0  }
0x8c: {  	_ = 	snop  }
0x8d: {  	s0 =	sld [smem:$0x3FD0];
	(tm) =	ssettm $0x1  }
0x8e: {  	s16 =	sld [smem:$0x3FFB];
	_ =	sdelay $0x3  }
0x8f: {  	_ =	strace s16  }
0x90: {  	s1 =	sld [smem:$0x3FFC];
	_ =	sdelay $0x3  }
0x91: {  	_ =	strace s1  }
0x92: {  	s1 =	sld [smem:$0x3FFD];
	_ =	sdelay $0x3  }
0x93: {  	_ =	strace s1  }
0x94: {  	_ =	strace $0x8FFFFFFF  }
0x95: {  	s17 =	sld [smem:$0x3FDB];
	_ =	sdelay $0x1  }
0x96: {  	s2 =	simm.s32 $_scs_section_size  }
0x97: {  	s3 =	simm.s32 $_size__tile_overlayer_lowered;
	s4 =	simm.s32 $_tile_overlayer_lowered  }
0x98: {  	s20 =	simm.s32 $0x1BFF;
	s19 =	sshll.u32 s4, $0x1;
	s1 =	sadd.s32 s2, s17  }
0x99: {  	s5 =	simm.s32 $0x0;
	s18 =	sshll.u32 s3, $0x1;
	s3 =	sadd.s32 s19, s1  }
0x9a: {  	[timem:s5], [sflag:s20] =	dma.local [hbm:s3], s18  }
0x9b: {  	_ =	swait.ge [sflag:s20], s18  }
0x9c: {  	s2 =	ssub.s32 $0x0, s18;
	[sflag:s20] =	ssyncset.done $0x0  }
0x9d: {  	[sflag:s20] =	ssyncadd.s32 s2;
	_ =	sdelay $0x1  }
0x9e: {  	s21 =	simm.s32 $0x1B8B  }
0x9f: {  	_ =	swait.ge [sflag:s21], $0x1  }
0xa0: {  	[sflag:s21] =	ssyncset.done $0x0  }
0xa1: {  	s23 =	simm.s32 $0x1B8E;
	s22 =	sld [smem:$0x3FFE];
	[sflag:s21] =	ssyncadd.s32 $0xFFFFFFFF  }
0xa2: {  	s24 =	simm.s32 $execute0_lowered;
	[smem:$0x3FD2] =	sst s23  }
0xa3: {  	s3 =	sshll.u32 s24, $0x1;
	_ =	strace $0x80000058;
	[dreg:$0x1] =	wrdreg $0xFFFFFFFF  }
0xa4: {  	s25 =	simm.s32 $_size_execute0_lowered;
	s1 =	sadd.s32 s1, s3;
	[dreg:$0x0] =	wrdreg $0x0  }
0xa5: {  	s3 =	sshll.u32 s25, $0x1;
	[dreg:$0x2] =	wrdreg s1  }
0xa6: {  	[dreg:$0x3] =	wrdreg s3  }
0xa7: {  	[dreg:$0x4] =	wrdreg $0xC0  }
0xa8: {  	_ =	task [dreg:s5], $0x5FFFF  }
0xa9: {  	[dreg:$0x1] =	wrdreg $0xFFFFFFFF  }
0xaa: {  	[dreg:$0x0] =	wrdreg $0x60  }
0xab: {  	[dreg:$0x2] =	wrdreg s22  }
0xac: {  	[dreg:$0x3] =	wrdreg s0  }
0xad: {  	[dreg:$0x4] =	wrdreg $0xD  }
0xae: {  	_ =	task.clear_ibuf [dreg:s5], $0x5FFFF;
	_ =	strace $0x90000058  }
0xaf: {  	s26 =	simm.s32 $0xD;
	_ =	strace $0x8000005A  }
0xb0: {  	_ =	swait.ge [sflag:s26], $0x1  }
0xb1: {  	[sflag:s26] =	ssyncadd.s32 $0xFFFFFFFF  }
0xb2: {  	_ =	strace $0x9000005A  }
0xb3: {  	_ =	sfence  }
0xb4: {  	s28 =	sld [smem:$0x0];
	_ =	sdelay $0x1  }
0xb5: {  	s29 =	srdreg.scid  }
0xb6: {  	s30 =	sshll.u32 s29, $0xD;
	s31 =	sshrl.u32 s29, $0x2  }
0xb7: {  	s2 =	sand.u32 $0x4000, s30;
	s1 =	sand.u32 $0x1, s29;
	s0 =	sadd.s32 s31, s28  }
0xb8: {  	s1 =	sor.u32 s2, s1;
	s0 =	sshll.u32 s0, $0x11  }
0xb9: {  	s0 =	sor.u32 s0, s1  }
0xba: {  	s0 =	sadd.s32 $0x8F2B, s0  }
0xbb: {  	[sflag:s0] =	ssyncadd.remote.s32 $0x1  }
0xbc: {  	_ =	sfence.sel $0xFFFF  }
0xbd: {  	[dreg:$0x0] =	wrdreg $0xFFFFFFFF;
	(pc) =	sbr.abs _section_cstart, $3  }
0xbe: {  	[dreg:$0x1] =	wrdreg $0xFFFFFFFF  }
0xbf: {  	_ =	task.clear_ibuf [dreg:s5], $0x2FFFF;
	_ =	strace $0x9FFFFFFF  }
0xc0: {  	(tm) =	ssettm $0x7FFFFFFF  }
0xc1: {  	_ =	shalt  }
tec
execute0_lowered:
.L_overlay_start_1:
0x0: {  	(tag) =	ssettag $0x1  }
0x1: {  	s3 =	rddreg [dreg:$0x0];
	s0 =	stileid.u32  }
0x2: {  	s2 =	rddreg [dreg:$0x1];
	s4 =	smul.u32 $0x380, s0  }
0x3: {  	s1 =	rddreg [dreg:$0x2];
	s6 =	simm.s32 $0x0  }
0x4: {  	[smem:$0x7FF] =	sst s6;
	s5 =	sadd.s32 s4, s3  }
0x5: {  	s7 =	simm.s32 $0x9;
	_ =	strace $0x80000059;
	s5 =	sadd.s32 $0x7A000, s5  }
0x6: {  	[tilespmem:s6], [sflag:$0x9] =	stream.linear.gather [hbm4b:s5+s6], $0x1C00, $0x38;
	[tilespmem:$0x13800] =	vst v63  }
0x7: {  	_ =	swait.ge [sflag:s7], $0x1C00  }
0x8: {  	[sflag:s7] =	ssyncset.done $0x0  }
0x9: {  	s23 =	simm.s32 $0x1C00;
	s2 =	sadd.s32 s2, s4;
	[sflag:s7] =	ssyncadd.s32 $0xFFFFE400  }
0xa: {  	[tilespmem:s23], [sflag:$0x9] =	stream.linear.gather [hbm4b:s2+s6], $0x1C00, $0x38;
	[tilespmem:$0x13800] =	vst v63  }
0xb: {  	_ =	swait.ge [sflag:s7], $0x1C00  }
0xc: {  	s8 =	simm.s32 $0x3800;
	[sflag:s7] =	ssyncset.done $0x0  }
0xd: {  	s5 =	sadd.s32 $0x6000, s3;
	[sflag:s7] =	ssyncadd.s32 $0xFFFFE400;
	s7 =	simm.s32 $0x80  }
0xe: {  	[tilespmem:s8], [sflag:$0x1] =	stream.indirect.gather [hbm4b:s5+s7], $0x80, s6, s7, $0xb8;
	[tilespmem:$0x13800] =	vst v63  }
0xf: {  	s9 =	simm.s32 $0xB800  }
0x10: {  	[tilespmem:s9], [sflag:$0x3] =	stream.indirect.gather [hbm4b:s5+s7], $0x80, s23, s7, $0xb8;
	[tilespmem:$0x13800] =	vst v63  }
0x11: {  	s10 =	simm.s32 $0x7800  }
0x12: {  	[tilespmem:s10], [sflag:$0x2] =	stream.indirect.gather [hbm4b:s5+s7], $0x80, s7, s7, $0xb8;
	[tilespmem:$0x13800] =	vst v63  }
0x13: {  	s24 =	simm.s32 $0x1C80;
	s11 =	simm.s32 $0xF800;
	s12 =	simm.s32 $0x1  }
0x14: {  	[tilespmem:s11], [sflag:$0x4] =	stream.indirect.gather [hbm4b:s5+s7], $0x80, s24, s7, $0xb8;
	[tilespmem:$0x13800] =	vst v63  }
0x15: {  	_ =	swait.ge [sflag:s12], $0x4000  }
0x16: {  	[sflag:s12] =	ssyncset.done $0x0  }
0x17: {  	s13 =	simm.s32 $0x3;
	[sflag:s12] =	ssyncadd.s32 $0xFFFFC000  }
0x18: {  	s4 =	smul.u32 $0x1C000, s0;
	_ =	swait.ge [sflag:s13], $0x4000  }
0x19: {  	s2 =	sadd.s32 $0x6D3000, s3;
	[sflag:s13] =	ssyncset.done $0x0  }
0x1a: {  	s3 =	sadd.s32 $0x893000, s3;
	s20 =	sadd.s32 s2, s4;
	[sflag:s13] =	ssyncadd.s32 $0xFFFFC000  }
0x1b: {  	[hbm4b:s20+s6] =	stream.linear.scatter [tilespmem:s8], [sflag:$0x5], $0x4000, $0x38;
	[tilespmem:$0x13800] =	vst v63  }
0x1c: {  	s14 =	simm.s32 $0x5;
	s21 =	sadd.s32 s3, s4  }
0x1d: {  	[hbm4b:s21+s6] =	stream.linear.scatter [tilespmem:s9], [sflag:$0x7], $0x4000, $0x38;
	[tilespmem:$0x13800] =	vst v63  }
0x1e: {  	_ =	swait.ge [sflag:s14], $0x4000  }
0x1f: {  	[sflag:s14] =	ssyncset.done $0x0  }
0x20: {  	s15 =	simm.s32 $0x7;
	[sflag:s14] =	ssyncadd.s32 $0xFFFFC000  }
0x21: {  	_ =	swait.ge [sflag:s15], $0x4000  }
0x22: {  	[sflag:s15] =	ssyncset.done $0x0  }
0x23: {  	s16 =	simm.s32 $0x100;
	[sflag:s15] =	ssyncadd.s32 $0xFFFFC000  }
0x24: {  	[tilespmem:s8], [sflag:$0x1] =	stream.indirect.gather [hbm4b:s5+s7], $0x80, s16, s7, $0xb8;
	[tilespmem:$0x13800] =	vst v63  }
0x25: {  	s25 =	simm.s32 $0x1D00;
	s16 =	simm.s32 $0x2  }
0x26: {  	[tilespmem:s9], [sflag:$0x3] =	stream.indirect.gather [hbm4b:s5+s7], $0x80, s25, s7, $0xb8;
	[tilespmem:$0x13800] =	vst v63  }
0x27: {  	_ =	swait.ge [sflag:s16], $0x4000  }
0x28: {  	[sflag:s16] =	ssyncset.done $0x0  }
0x29: {  	s17 =	simm.s32 $0x4;
	[sflag:s16] =	ssyncadd.s32 $0xFFFFC000  }
0x2a: {  	_ =	swait.ge [sflag:s17], $0x4000  }
0x2b: {  	s18 =	sor.u32 $0x800, s4;
	[sflag:s17] =	ssyncset.done $0x0  }
0x2c: {  	s19 =	sadd.s32 s2, s18;
	[sflag:s17] =	ssyncadd.s32 $0xFFFFC000  }
0x2d: {  	[hbm4b:s19+s6] =	stream.linear.scatter [tilespmem:s10], [sflag:$0x6], $0x4000, $0x38;
	[tilespmem:$0x13800] =	vst v63  }
0x2e: {  	s18 =	sadd.s32 s3, s18  }
0x2f: {  	[hbm4b:s18+s6] =	stream.linear.scatter [tilespmem:s11], [sflag:$0x8], $0x4000, $0x38;
	[tilespmem:$0x13800] =	vst v63  }
0x30: {  	s18 =	simm.s32 $0x6  }
0x31: {  	_ =	swait.ge [sflag:s18], $0x4000  }
0x32: {  	[sflag:s18] =	ssyncset.done $0x0  }
0x33: {  	s19 =	simm.s32 $0x8;
	[sflag:s18] =	ssyncadd.s32 $0xFFFFC000  }
0x34: {  	_ =	swait.ge [sflag:s19], $0x4000  }
0x35: {  	[sflag:s19] =	ssyncset.done $0x0  }
0x36: {  	s22 =	simm.s32 $0x180;
	[sflag:s19] =	ssyncadd.s32 $0xFFFFC000  }
0x37: {  	[tilespmem:s10], [sflag:$0x2] =	stream.indirect.gather [hbm4b:s5+s7], $0x80, s22, s7, $0xb8;
	[tilespmem:$0x13800] =	vst v63  }
0x38: {  	s26 =	simm.s32 $0x1D80  }
0x39: {  	[tilespmem:s11], [sflag:$0x4] =	stream.indirect.gather [hbm4b:s5+s7], $0x80, s26, s7, $0xb8;
	[tilespmem:$0x13800] =	vst v63  }
0x3a: {  	_ =	swait.ge [sflag:s12], $0x4000  }
0x3b: {  	[sflag:s12] =	ssyncset.done $0x0  }
0x3c: {  	[sflag:s12] =	ssyncadd.s32 $0xFFFFC000  }
0x3d: {  	_ =	swait.ge [sflag:s13], $0x4000  }
0x3e: {  	s23 =	sadd.s32 $0x1800, s20;
	[sflag:s13] =	ssyncset.done $0x0  }
0x3f: {  	s28 =	sadd.s32 $0xFFFFF800, s23;
	s20 =	sadd.s32 $0x1800, s21;
	[sflag:s13] =	ssyncadd.s32 $0xFFFFC000  }
0x40: {  	[hbm4b:s28+s6] =	stream.linear.scatter [tilespmem:s8], [sflag:$0x5], $0x4000, $0x38;
	[tilespmem:$0x13800] =	vst v63  }
0x41: {  	s29 =	sadd.s32 $0xFFFFF800, s20  }
0x42: {  	[hbm4b:s29+s6] =	stream.linear.scatter [tilespmem:s9], [sflag:$0x7], $0x4000, $0x38;
	[tilespmem:$0x13800] =	vst v63  }
0x43: {  	_ =	swait.ge [sflag:s14], $0x4000  }
0x44: {  	[sflag:s14] =	ssyncset.done $0x0  }
0x45: {  	[sflag:s14] =	ssyncadd.s32 $0xFFFFC000  }
0x46: {  	_ =	swait.ge [sflag:s15], $0x4000  }
0x47: {  	[sflag:s15] =	ssyncset.done $0x0  }
0x48: {  	s30 =	simm.s32 $0x200;
	[sflag:s15] =	ssyncadd.s32 $0xFFFFC000  }
0x49: {  	[tilespmem:s8], [sflag:$0x1] =	stream.indirect.gather [hbm4b:s5+s7], $0x80, s30, s7, $0xb8;
	[tilespmem:$0x13800] =	vst v63  }
0x4a: {  	s31 =	simm.s32 $0x1E00  }
0x4b: {  	[tilespmem:s9], [sflag:$0x3] =	stream.indirect.gather [hbm4b:s5+s7], $0x80, s31, s7, $0xb8;
	[tilespmem:$0x13800] =	vst v63  }
0x4c: {  	_ =	swait.ge [sflag:s16], $0x4000  }
0x4d: {  	[sflag:s16] =	ssyncset.done $0x0  }
0x4e: {  	[sflag:s16] =	ssyncadd.s32 $0xFFFFC000  }
0x4f: {  	_ =	swait.ge [sflag:s17], $0x4000  }
0x50: {  	[sflag:s17] =	ssyncset.done $0x0  }
0x51: {  	[sflag:s17] =	ssyncadd.s32 $0xFFFFC000  }
0x52: {  	[hbm4b:s23+s6] =	stream.linear.scatter [tilespmem:s10], [sflag:$0x6], $0x4000, $0x38;
	[tilespmem:$0x13800] =	vst v63  }
0x53: {  	s21 =	simm.s32 $0x400;
	s22 =	sadd.s32 $0x1000, s20;
	s23 =	sadd.s32 $0x1000, s23  }
.LBB2_1:
0x54: {  	[hbm4b:s20+s6] =	stream.linear.scatter [tilespmem:s11], [sflag:$0x8], $0x4000, $0x38;
	[tilespmem:$0x13800] =	vst v63  }
0x55: {  	s24 =	smov.u32 s21;
	s20 =	smov.u32 s22  }
0x56: {  	p0 =	sne.s32 s21, $0x6400;
	s21 =	sadd.s32 $0x400, s21;
	_ =	swait.ge [sflag:s18], $0x4000  }
0x57: {  	[sflag:s18] =	ssyncset.done $0x0  }
0x58: {  	[sflag:s18] =	ssyncadd.s32 $0xFFFFC000  }
0x59: {  	_ =	swait.ge [sflag:s19], $0x4000  }
0x5a: {  	s24 =	sshra.s32 s24, $0x2;
	[sflag:s19] =	ssyncset.done $0x0  }
0x5b: {  	s25 =	sadd.s32 $0x180, s24;
	[sflag:s19] =	ssyncadd.s32 $0xFFFFC000  }
0x5c: {  	[tilespmem:s10], [sflag:$0x2] =	stream.indirect.gather [hbm4b:s5+s7], $0x80, s25, s7, $0xb8;
	[tilespmem:$0x13800] =	vst v63  }
0x5d: {  	s25 =	sadd.s32 $0x1D80, s24  }
0x5e: {  	[tilespmem:s11], [sflag:$0x4] =	stream.indirect.gather [hbm4b:s5+s7], $0x80, s25, s7, $0xb8;
	[tilespmem:$0x13800] =	vst v63  }
0x5f: {  	_ =	swait.ge [sflag:s12], $0x4000  }
0x60: {  	[sflag:s12] =	ssyncset.done $0x0  }
0x61: {  	[sflag:s12] =	ssyncadd.s32 $0xFFFFC000  }
0x62: {  	_ =	swait.ge [sflag:s13], $0x4000  }
0x63: {  	[sflag:s13] =	ssyncset.done $0x0  }
0x64: {  	s25 =	sadd.s32 $0xFFFFF800, s23;
	[sflag:s13] =	ssyncadd.s32 $0xFFFFC000  }
0x65: {  	[hbm4b:s25+s6] =	stream.linear.scatter [tilespmem:s8], [sflag:$0x5], $0x4000, $0x38;
	[tilespmem:$0x13800] =	vst v63  }
0x66: {  	s25 =	sadd.s32 $0xFFFFF800, s22  }
0x67: {  	[hbm4b:s25+s6] =	stream.linear.scatter [tilespmem:s9], [sflag:$0x7], $0x4000, $0x38;
	[tilespmem:$0x13800] =	vst v63  }
0x68: {  	_ =	swait.ge [sflag:s14], $0x4000  }
0x69: {  	[sflag:s14] =	ssyncset.done $0x0  }
0x6a: {  	[sflag:s14] =	ssyncadd.s32 $0xFFFFC000  }
0x6b: {  	_ =	swait.ge [sflag:s15], $0x4000  }
0x6c: {  	[sflag:s15] =	ssyncset.done $0x0  }
0x6d: {  	s25 =	sadd.s32 $0x200, s24;
	[sflag:s15] =	ssyncadd.s32 $0xFFFFC000  }
0x6e: {  	[tilespmem:s8], [sflag:$0x1] =	stream.indirect.gather [hbm4b:s5+s7], $0x80, s25, s7, $0xb8;
	[tilespmem:$0x13800] =	vst v63  }
0x6f: {  	s24 =	sadd.s32 $0x1E00, s24  }
0x70: {  	[tilespmem:s9], [sflag:$0x3] =	stream.indirect.gather [hbm4b:s5+s7], $0x80, s24, s7, $0xb8;
	[tilespmem:$0x13800] =	vst v63  }
0x71: {  	_ =	swait.ge [sflag:s16], $0x4000  }
0x72: {  	[sflag:s16] =	ssyncset.done $0x0  }
0x73: {  	[sflag:s16] =	ssyncadd.s32 $0xFFFFC000  }
.Ltmp0:
0x74: {  	_ =	swait.ge [sflag:s17], $0x4000;
	(pc) =	sbr.rel @p0 .LBB2_1-.Ltmp0, $4  }
0x75: {  	[sflag:s17] =	ssyncset.done $0x0  }
0x76: {  	[sflag:s17] =	ssyncadd.s32 $0xFFFFC000  }
0x77: {  	[hbm4b:s23+s6] =	stream.linear.scatter [tilespmem:s10], [sflag:$0x6], $0x4000, $0x38;
	[tilespmem:$0x13800] =	vst v63  }
0x78: {  	s22 =	sadd.s32 $0x1000, s22;
	s23 =	sadd.s32 $0x1000, s23  }
0x79: {  	[hbm4b:s20+s6] =	stream.linear.scatter [tilespmem:s11], [sflag:$0x8], $0x4000, $0x38;
	[tilespmem:$0x13800] =	vst v63  }
0x7a: {  	s15 =	simm.s32 $0x6  }
0x7b: {  	_ =	swait.ge [sflag:s15], $0x4000  }
0x7c: {  	[sflag:s15] =	ssyncset.done $0x0  }
0x7d: {  	s7 =	simm.s32 $0x8;
	[sflag:s15] =	ssyncadd.s32 $0xFFFFC000  }
0x7e: {  	_ =	swait.ge [sflag:s7], $0x4000  }
0x7f: {  	s8 =	simm.s32 $0x80;
	[sflag:s7] =	ssyncset.done $0x0  }
0x80: {  	s9 =	simm.s32 $0x1B80;
	s10 =	simm.s32 $0x7800;
	[sflag:s7] =	ssyncadd.s32 $0xFFFFC000  }
0x81: {  	[tilespmem:s10], [sflag:$0x2] =	stream.indirect.gather [hbm4b:s5+s8], $0x80, s9, s8, $0xb8;
	[tilespmem:$0x13800] =	vst v63  }
0x82: {  	s16 =	simm.s32 $0x3780;
	s17 =	simm.s32 $0xF800;
	s18 =	simm.s32 $0x1  }
0x83: {  	[tilespmem:s17], [sflag:$0x4] =	stream.indirect.gather [hbm4b:s5+s8], $0x80, s16, s8, $0xb8;
	[tilespmem:$0x13800] =	vst v63  }
0x84: {  	_ =	swait.ge [sflag:s18], $0x4000  }
0x85: {  	[sflag:s18] =	ssyncset.done $0x0  }
0x86: {  	s19 =	simm.s32 $0x3;
	[sflag:s18] =	ssyncadd.s32 $0xFFFFC000  }
0x87: {  	_ =	swait.ge [sflag:s19], $0x4000  }
0x88: {  	s20 =	sadd.s32 $0x1B000, s4;
	s22 =	simm.s32 $0x0;
	[sflag:s19] =	ssyncset.done $0x0  }
0x89: {  	s12 =	simm.s32 $0x3800;
	s21 =	sadd.s32 s2, s20;
	[sflag:s19] =	ssyncadd.s32 $0xFFFFC000  }
0x8a: {  	[hbm4b:s21+s22] =	stream.linear.scatter [tilespmem:s12], [sflag:$0x5], $0x4000, $0x38;
	[tilespmem:$0x13800] =	vst v63  }
0x8b: {  	s23 =	simm.s32 $0xB800;
	s24 =	simm.s32 $0x2;
	s5 =	sadd.s32 s3, s20  }
0x8c: {  	[hbm4b:s5+s22] =	stream.linear.scatter [tilespmem:s23], [sflag:$0x7], $0x4000, $0x38;
	[tilespmem:$0x13800] =	vst v63  }
0x8d: {  	_ =	swait.ge [sflag:s24], $0x4000  }
0x8e: {  	[sflag:s24] =	ssyncset.done $0x0  }
0x8f: {  	s25 =	simm.s32 $0x4;
	[sflag:s24] =	ssyncadd.s32 $0xFFFFC000  }
0x90: {  	_ =	swait.ge [sflag:s25], $0x4000  }
0x91: {  	s26 =	sadd.s32 $0x1B800, s4;
	[sflag:s25] =	ssyncset.done $0x0  }
0x92: {  	s28 =	sadd.s32 s2, s26;
	[sflag:s25] =	ssyncadd.s32 $0xFFFFC000  }
0x93: {  	[hbm4b:s28+s22] =	stream.linear.scatter [tilespmem:s10], [sflag:$0x6], $0x4000, $0x38;
	[tilespmem:$0x13800] =	vst v63  }
0x94: {  	s30 =	simm.s32 $0x5;
	s29 =	sadd.s32 s3, s26  }
0x95: {  	[hbm4b:s29+s22] =	stream.linear.scatter [tilespmem:s17], [sflag:$0x8], $0x4000, $0x38;
	[tilespmem:$0x13800] =	vst v63  }
0x96: {  	_ =	swait.ge [sflag:s30], $0x4000  }
0x97: {  	[sflag:s30] =	ssyncset.done $0x0  }
0x98: {  	s31 =	simm.s32 $0x7;
	[sflag:s30] =	ssyncadd.s32 $0xFFFFC000  }
0x99: {  	_ =	swait.ge [sflag:s31], $0x4000  }
0x9a: {  	[sflag:s31] =	ssyncset.done $0x0  }
0x9b: {  	[sflag:s31] =	ssyncadd.s32 $0xFFFFC000  }
0x9c: {  	_ =	swait.ge [sflag:s15], $0x4000  }
0x9d: {  	[sflag:s15] =	ssyncset.done $0x0  }
0x9e: {  	[sflag:s15] =	ssyncadd.s32 $0xFFFFC000  }
0x9f: {  	_ =	swait.ge [sflag:s7], $0x4000  }
0xa0: {  	[sflag:s7] =	ssyncset.done $0x0  }
0xa1: {  	[sflag:s7] =	ssyncadd.s32 $0xFFFFC000  }
0xa2: {  	_ =	sfence.sel $0x180000  }
0xa3: {  	[bflag:$0x0] =	sbarrier.arrive $0xFFFF  }
0xa4: {  	p0 =	sne.s32 s0, $0x0;
	_ =	strace $0x90000059  }
0xa5: {  	s0 =	sadd.s32 @!p0 $0x100000, s1;
	[bflag:$0x2] =	sbarrier.arrive $0xFFFF  }
0xa6: {  	[sflag:s0] =	ssyncadd.tile.s32 @!p0 $0x1;
	_ =	shalt  }
.Lfunc_end2:
_tile_overlayer_lowered:
.L_overlay_start_2:
0xa7: {  	(tag) =	ssettag $0x2  }
0xa8: {  	s0 =	rddreg [dreg:$0x0];
	s2 =	stileid.u32  }
0xa9: {  	s1 =	rddreg [dreg:$0x1];
	p0 =	sne.s32 s2, $0x0  }
0xaa: {  	s3 =	rddreg [dreg:$0x2];
	[bflag:$0x3] =	sbarrier.arrive $0xFFFF;
	s2 =	simm.s32 @!p0 $0x1C09  }
0xab: {  	[timem:s3], [sflag:s2] =	dma.local @!p0 [hbm:s0], s1  }
0xac: {  	s0 =	simm.s32 @!p0 $0x9  }
0xad: {  	_ =	swait.ge @!p0 [sflag:s0], s1  }
0xae: {  	s1 =	ssub.s32 @!p0 $0x0, s1;
	[sflag:s0] =	ssyncset.done @!p0 $0x0  }
0xaf: {  	[sflag:s0] =	ssyncadd.s32 @!p0 s1  }
0xb0: {  	[bflag:$0x3] =	sbarrier.arrive $0xFFFF  }
0xb1: {  	_ =	shalt  }

</sc_bundles>
